<compile_context>
chip_gen: v7x
topology: tpu7x:2x2x1
jax: 0.10.2.dev20260603
libtpu: 0.0.44.dev20260713+nightly
codegen_flags: <defaults>
</compile_context>

<pallas_src>
import functools

import jax
import jax.numpy as jnp
from jax import lax
from jax.experimental import pallas as pl
from jax.experimental.pallas import tpu as pltpu
from jax.experimental.pallas import tpu_sc as plsc

N = 10000
D = 128
E = 320000
NP = 10240
NC, NS = 2, 16
NW = NC * NS
EPT = E // NW
K = 80
CH = EPT // K
NB = 5
RPT = NP // NS
DW = 8

_MESH = plsc.VectorSubcoreMesh(
    core_axis_name="c", subcore_axis_name="s", num_cores=NC, num_subcores=NS)


@functools.partial(
    pl.kernel,
    out_type=jax.ShapeDtypeStruct((NC, NP, DW), jnp.float32),
    mesh=_MESH,
    compiler_params=pltpu.CompilerParams(use_tc_tiling_on_sc=False),
    scratch_types=[
        pltpu.VMEM((CH, K), jnp.int32),
        pltpu.VMEM((K, DW), jnp.float32),
        pltpu.VMEM_SHARED((NP, DW), jnp.float32),
    ],
)
def _sc_degree(ei_hbm, ones_hbm, zeros_hbm, out_hbm, idx_v, ones_v, deg_sh):
    c = lax.axis_index("c")
    s = lax.axis_index("s")
    wid = c * NS + s
    pltpu.sync_copy(zeros_hbm.at[pl.ds(s * RPT, RPT)],
                    deg_sh.at[pl.ds(s * RPT, RPT)])
    pltpu.sync_copy(ei_hbm.at[1, wid], idx_v)
    pltpu.sync_copy(ones_hbm, ones_v)
    plsc.subcore_barrier()

    @pl.loop(0, CH)
    def _chunk(j):
        pltpu.sync_copy(ones_v, deg_sh.at[idx_v.at[j]], add=True)

    plsc.subcore_barrier()
    pltpu.sync_copy(deg_sh.at[pl.ds(s * RPT, RPT)],
                    out_hbm.at[c, pl.ds(s * RPT, RPT)])


DH = D // 2


@functools.partial(
    pl.kernel,
    out_type=jax.ShapeDtypeStruct((NC, NP, D), jnp.float32),
    mesh=_MESH,
    compiler_params=pltpu.CompilerParams(use_tc_tiling_on_sc=False),
    scratch_types=(
        [
            pltpu.VMEM((CH, K), jnp.int32),
            pltpu.VMEM((CH, K), jnp.int32),
            pltpu.VMEM_SHARED((NP, DH), jnp.float32),
        ]
        + [pltpu.VMEM((K, DH), jnp.float32) for _ in range(NB)]
        + [pltpu.SemaphoreType.DMA for _ in range(2 * NB)]
    ),
)
def _sc_aggregate(y_hbm, ei_hbm, zeros_hbm, out_hbm,
                  src_v, dst_v, acc_sh, *bufs_and_sems):
    bufs = bufs_and_sems[:NB]
    gsem = bufs_and_sems[NB:2 * NB]
    ssem = bufs_and_sems[2 * NB:]
    c = lax.axis_index("c")
    s = lax.axis_index("s")
    wid = c * NS + s
    pltpu.sync_copy(ei_hbm.at[0, wid], src_v)
    pltpu.sync_copy(ei_hbm.at[1, wid], dst_v)

    @pl.loop(0, CH)
    def _dbl(r):
        for q in range(K // 16):
            src_v[r, pl.ds(q * 16, 16)] = src_v[r, pl.ds(q * 16, 16)] * 2

    for half in (0, 1):
        if half == 1:
            @pl.loop(0, CH)
            def _bump(r):
                for q in range(K // 16):
                    src_v[r, pl.ds(q * 16, 16)] = (
                        src_v[r, pl.ds(q * 16, 16)] + 1)

        pltpu.sync_copy(zeros_hbm.at[pl.ds(s * RPT, RPT)],
                        acc_sh.at[pl.ds(s * RPT, RPT)])
        plsc.subcore_barrier()

        for b in range(NB):
            pltpu.async_copy(y_hbm.at[src_v.at[b]], bufs[b], gsem[b])

        @pl.loop(0, CH, step=NB)
        def _round(j):
            for b in range(NB):
                pltpu.make_async_copy(y_hbm.at[src_v.at[j + b]], bufs[b],
                                      gsem[b]).wait()
                pltpu.async_copy(bufs[b], acc_sh.at[dst_v.at[j + b]],
                                 ssem[b], add=True)
            for b in range(NB):
                @pl.when(j + b + NB < CH)
                def _refill():
                    pltpu.make_async_copy(bufs[b],
                                          acc_sh.at[dst_v.at[j + b]],
                                          ssem[b]).wait()
                    pltpu.async_copy(y_hbm.at[src_v.at[j + b + NB]],
                                     bufs[b], gsem[b])

        for b in range(NB):
            pltpu.make_async_copy(bufs[b], acc_sh.at[dst_v.at[CH - NB + b]],
                                  ssem[b]).wait()

        plsc.subcore_barrier()
        pltpu.sync_copy(acc_sh.at[pl.ds(s * RPT, RPT)],
                        out_hbm.at[c, pl.ds(s * RPT, RPT),
                                   pl.ds(half * DH, DH)])


_BLK = 2000


def _dot(a, b):
    return jnp.dot(a, b, preferred_element_type=jnp.float32,
                   precision=lax.Precision.HIGHEST)


def _tc_mm_body(x_ref, w1_ref, xw1_ref):
    xw1_ref[...] = _dot(x_ref[...], w1_ref[...])


def _tc1_body(degp_ref0, degp_ref1, xw_ref, y_ref, dinv_ref):
    deg = degp_ref0[0, :, 0:1] + degp_ref1[0, :, 0:1] + 1.0
    dinv = lax.rsqrt(deg)
    y_ref[...] = xw_ref[...] * dinv
    dinv_ref[...] = dinv


def _agg_h(a0_ref, a1_ref, xw_ref, dinv, b_ref):
    h = dinv * (a0_ref[0] + a1_ref[0]) + (dinv * dinv) * xw_ref[...]
    return jnp.maximum(h + b_ref[...], 0.0)


def _tc_mid_body(a0_ref, a1_ref, xw_ref, dinv_ref, b_ref, w_ref,
                 y_ref, xwn_ref):
    dinv = dinv_ref[...]
    h = _agg_h(a0_ref, a1_ref, xw_ref, dinv, b_ref)
    xwn = _dot(h, w_ref[...])
    xwn_ref[...] = xwn
    y_ref[...] = xwn * dinv


def _tc_out_body(a0_ref, a1_ref, xw_ref, dinv_ref, b_ref, wfc_ref, bfc_ref,
                 out_ref):
    dinv = dinv_ref[...]
    h = _agg_h(a0_ref, a1_ref, xw_ref, dinv, b_ref)
    out_ref[...] = _dot(h, wfc_ref[...]) + bfc_ref[...]


def _rows(i):
    return (i, 0)


def _fixed(i):
    return (0, 0)


def _degp_spec(core):
    return pl.BlockSpec((1, _BLK, DW), lambda i, c=core: (c, i, 0))


def _acc_spec(core):
    return pl.BlockSpec((1, _BLK, D), lambda i, c=core: (c, i, 0))


_tc_mm = pl.pallas_call(
    _tc_mm_body,
    grid=(N // _BLK,),
    in_specs=[
        pl.BlockSpec((_BLK, D), _rows),
        pl.BlockSpec((D, D), _fixed),
    ],
    out_specs=pl.BlockSpec((_BLK, D), _rows),
    out_shape=jax.ShapeDtypeStruct((N, D), jnp.float32),
)

_tc1 = pl.pallas_call(
    _tc1_body,
    grid=(N // _BLK,),
    in_specs=[
        _degp_spec(0),
        _degp_spec(1),
        pl.BlockSpec((_BLK, D), _rows),
    ],
    out_specs=[
        pl.BlockSpec((_BLK, D), _rows),
        pl.BlockSpec((_BLK, 1), _rows),
    ],
    out_shape=[
        jax.ShapeDtypeStruct((N, D), jnp.float32),
        jax.ShapeDtypeStruct((N, 1), jnp.float32),
    ],
)

_tc_mid = pl.pallas_call(
    _tc_mid_body,
    grid=(N // _BLK,),
    in_specs=[
        _acc_spec(0),
        _acc_spec(1),
        pl.BlockSpec((_BLK, D), _rows),
        pl.BlockSpec((_BLK, 1), _rows),
        pl.BlockSpec((1, D), _fixed),
        pl.BlockSpec((D, D), _fixed),
    ],
    out_specs=[
        pl.BlockSpec((_BLK, D), _rows),
        pl.BlockSpec((_BLK, D), _rows),
    ],
    out_shape=[
        jax.ShapeDtypeStruct((N, D), jnp.float32),
        jax.ShapeDtypeStruct((N, D), jnp.float32),
    ],
)

_OUT = 40

_tc_out = pl.pallas_call(
    _tc_out_body,
    grid=(N // _BLK,),
    in_specs=[
        _acc_spec(0),
        _acc_spec(1),
        pl.BlockSpec((_BLK, D), _rows),
        pl.BlockSpec((_BLK, 1), _rows),
        pl.BlockSpec((1, D), _fixed),
        pl.BlockSpec((D, _OUT), _fixed),
        pl.BlockSpec((1, _OUT), _fixed),
    ],
    out_specs=pl.BlockSpec((_BLK, _OUT), _rows),
    out_shape=jax.ShapeDtypeStruct((N, _OUT), jnp.float32),
)


def kernel(x, edge_index, W1, b1, W2, b2, Wfc, bfc):
    ei = edge_index.astype(jnp.int32).reshape(2, NW, CH, K)
    ones8 = jnp.ones((K, DW), jnp.float32)
    zeros_deg = jnp.zeros((NP, DW), jnp.float32)
    zeros_acc = jnp.zeros((NP, DH), jnp.float32)

    deg_p = _sc_degree(ei, ones8, zeros_deg)
    xw1 = _tc_mm(x, W1)

    y1, dinv = _tc1(deg_p, deg_p, xw1)

    acc1 = _sc_aggregate(y1.reshape(2 * N, DH), ei, zeros_acc)
    y2, xw2 = _tc_mid(acc1, acc1, xw1, dinv, b1.reshape(1, D), W2)

    acc2 = _sc_aggregate(y2.reshape(2 * N, DH), ei, zeros_acc)
    return _tc_out(acc2, acc2, xw2, dinv,
                   b2.reshape(1, D), Wfc, bfc.reshape(1, _OUT))

# --- scband reference (transcript-rebuilt; emitter-appended) ---
"""Pipeline reference for scband-node-classifier-84945863180374 (READ-ONLY COPY).

The authoritative reference and input builder live on the scoring server;
editing this copy changes nothing except your own understanding.
"""

import jax, jax.numpy as jnp
import numpy as np

N_NODES = 10000
IN_DIM = 128
HID_DIM = 128
OUT_DIM = 40
N_EDGES = 320000


def setup_inputs(seed: int = 0) -> dict:
    key = jax.random.key(seed)
    ks = jax.random.split(key, 8)
    x = jax.random.normal(ks[0], (N_NODES, IN_DIM), dtype=jnp.float32)
    edge_index = jax.random.randint(ks[1], (2, N_EDGES), 0, N_NODES, dtype=jnp.int64 if jax.config.jax_enable_x64 else jnp.int32)
    s1 = 1.0 / np.sqrt(IN_DIM)
    s2 = 1.0 / np.sqrt(HID_DIM)
    W1 = jax.random.uniform(ks[2], (IN_DIM, HID_DIM), jnp.float32, -s1, s1)
    b1 = jnp.zeros((HID_DIM,), jnp.float32)
    W2 = jax.random.uniform(ks[3], (HID_DIM, HID_DIM), jnp.float32, -s2, s2)
    b2 = jnp.zeros((HID_DIM,), jnp.float32)
    Wfc = jax.random.uniform(ks[4], (HID_DIM, OUT_DIM), jnp.float32, -s2, s2)
    bfc = jax.random.uniform(ks[5], (OUT_DIM,), jnp.float32, -s2, s2)
    return {"x": x, "edge_index": edge_index, "W1": W1, "b1": b1, "W2": W2, "b2": b2, "Wfc": Wfc, "bfc": bfc}


def _gcn_conv(x, edge_index, W, b):
    # PyG GCNConv semantics: linear transform, add self-loops,
    # symmetric normalization D^-1/2 (A+I) D^-1/2, scatter-add aggregation, + bias
    x = x @ W
    n = x.shape[0]
    loop = jnp.arange(n, dtype=edge_index.dtype)
    src = jnp.concatenate([edge_index[0], loop])
    dst = jnp.concatenate([edge_index[1], loop])
    deg = jnp.zeros((n,), jnp.float32).at[dst].add(1.0)
    dinv = jnp.where(deg > 0, deg ** -0.5, 0.0)
    norm = dinv[src] * dinv[dst]
    msg = x[src] * norm[:, None]
    out = jax.ops.segment_sum(msg, dst, num_segments=n)
    return out + b


def reference(x, edge_index, W1, b1, W2, b2, Wfc, bfc):
    h = jax.nn.relu(_gcn_conv(x, edge_index, W1, b1))
    h = jax.nn.relu(_gcn_conv(h, edge_index, W2, b2))
    return h @ Wfc + bfc

if __name__ == "__main__":
    import jax
    _d = setup_inputs()
    print(jax.jit(kernel)(*tuple(_d.values())))

</pallas_src>

<mosaic_0001>
#map = affine_map<(d0, d1) -> (0, 0)>
#map1 = affine_map<(d0, d1) -> (0, 0, 0, 0)>
#map2 = affine_map<(d0, d1) -> (0, 0, 0)>
module attributes {stable_mosaic.version = 14 : i64} {
  func.func @_sc_aggregate(%arg0: i32, %arg1: i32, %arg2: memref<20000x64xf32, #tpu.memory_space<hbm>>, %arg3: memref<2x32x125x80xi32, #tpu.memory_space<hbm>>, %arg4: memref<10240x64xf32, #tpu.memory_space<hbm>>, %arg5: memref<2x10240x128xf32, #tpu.memory_space<hbm>>, %arg6: memref<125x80xi32, #tpu.memory_space<vmem>>, %arg7: memref<125x80xi32, #tpu.memory_space<vmem>>, %arg8: memref<10240x64xf32, #tpu.memory_space<vmem_shared>>, %arg9: memref<80x64xf32, #tpu.memory_space<vmem>>, %arg10: memref<80x64xf32, #tpu.memory_space<vmem>>, %arg11: memref<80x64xf32, #tpu.memory_space<vmem>>, %arg12: memref<80x64xf32, #tpu.memory_space<vmem>>, %arg13: memref<80x64xf32, #tpu.memory_space<vmem>>, %arg14: memref<!tpu.dma_semaphore, #tpu.memory_space<semaphore_mem>>, %arg15: memref<!tpu.dma_semaphore, #tpu.memory_space<semaphore_mem>>, %arg16: memref<!tpu.dma_semaphore, #tpu.memory_space<semaphore_mem>>, %arg17: memref<!tpu.dma_semaphore, #tpu.memory_space<semaphore_mem>>, %arg18: memref<!tpu.dma_semaphore, #tpu.memory_space<semaphore_mem>>, %arg19: memref<!tpu.dma_semaphore, #tpu.memory_space<semaphore_mem>>, %arg20: memref<!tpu.dma_semaphore, #tpu.memory_space<semaphore_mem>>, %arg21: memref<!tpu.dma_semaphore, #tpu.memory_space<semaphore_mem>>, %arg22: memref<!tpu.dma_semaphore, #tpu.memory_space<semaphore_mem>>, %arg23: memref<!tpu.dma_semaphore, #tpu.memory_space<semaphore_mem>>) attributes {dimension_semantics = [#tpu.dimension_semantics<core_parallel>, #tpu.dimension_semantics<subcore_parallel>], iteration_bounds = array<i64: 2, 16>, scalar_prefetch = 0 : i64, scratch_operands = 18 : i64, tpu.core_type = #tpu.core_type<sc_vector_subcore>, window_params = [{transform_indices = #map}, {transform_indices = #map1}, {transform_indices = #map}, {transform_indices = #map2}]} {
    %mul3A = arith.constant 16 : i32
    %mul3A_0 = arith.muli %arg0, %mul3A : i32
    %add3A = arith.addi %mul3A_0, %arg1 : i32
    %run_scoped3A = arith.constant 0 : i32
    "tpu.region"() ({
      %run_scoped3A_178 = tpu.sem_alloc : memref<!tpu.dma_semaphore, #tpu.memory_space<semaphore_mem>>
      %dma_start3A_179 = arith.constant 0 : i32
      %dma_start3A_180 = arith.constant 0 : i32
      %dma_start3A_181 = tpu.memref_slice %arg3[%run_scoped3A, %add3A, %dma_start3A_179, %dma_start3A_180] : memref<2x32x125x80xi32, #tpu.memory_space<hbm>> -> memref<1x1x125x80xi32, #tpu.memory_space<hbm>>
      %dma_start3A_182 = tpu.memref_squeeze %dma_start3A_181 : memref<1x1x125x80xi32, #tpu.memory_space<hbm>> -> memref<125x80xi32, #tpu.memory_space<hbm>>
      %dma_start3A_183 = arith.constant 0 : i32
      %dma_start3A_184 = arith.constant 0 : i32
      %dma_start3A_185 = tpu.memref_slice %arg3[%run_scoped3A, %add3A, %dma_start3A_183, %dma_start3A_184] : memref<2x32x125x80xi32, #tpu.memory_space<hbm>> -> memref<1x1x125x80xi32, #tpu.memory_space<hbm>>
      %dma_start3A_186 = tpu.memref_squeeze %dma_start3A_185 : memref<1x1x125x80xi32, #tpu.memory_space<hbm>> -> memref<125x80xi32, #tpu.memory_space<hbm>>
      tpu.enqueue_dma source(%dma_start3A_186 : memref<125x80xi32, #tpu.memory_space<hbm>>) target(%arg6 : memref<125x80xi32, #tpu.memory_space<vmem>>) target_semaphore(%run_scoped3A_178 : memref<!tpu.dma_semaphore, #tpu.memory_space<semaphore_mem>>)
      %dma_wait3A_187 = arith.constant 0 : i32
      %dma_wait3A_188 = arith.constant 0 : i32
      %dma_wait3A_189 = tpu.memref_slice %arg3[%run_scoped3A, %add3A, %dma_wait3A_187, %dma_wait3A_188] : memref<2x32x125x80xi32, #tpu.memory_space<hbm>> -> memref<1x1x125x80xi32, #tpu.memory_space<hbm>>
      %dma_wait3A_190 = tpu.memref_squeeze %dma_wait3A_189 : memref<1x1x125x80xi32, #tpu.memory_space<hbm>> -> memref<125x80xi32, #tpu.memory_space<hbm>>
      %dma_wait3A_191 = arith.constant 0 : i32
      %dma_wait3A_192 = arith.constant 0 : i32
      %dma_wait3A_193 = tpu.memref_slice %arg3[%run_scoped3A, %add3A, %dma_wait3A_191, %dma_wait3A_192] : memref<2x32x125x80xi32, #tpu.memory_space<hbm>> -> memref<1x1x125x80xi32, #tpu.memory_space<hbm>>
      %dma_wait3A_194 = tpu.memref_squeeze %dma_wait3A_193 : memref<1x1x125x80xi32, #tpu.memory_space<hbm>> -> memref<125x80xi32, #tpu.memory_space<hbm>>
      tpu.wait_dma2 semaphore(%run_scoped3A_178 : memref<!tpu.dma_semaphore, #tpu.memory_space<semaphore_mem>>) src(%dma_wait3A_194 : memref<125x80xi32, #tpu.memory_space<hbm>>) dst(%arg6 : memref<125x80xi32, #tpu.memory_space<vmem>>)
      tpu.yield
    }) : () -> ()
    %run_scoped3A_1 = arith.constant 1 : i32
    "tpu.region"() ({
      %run_scoped3A_178 = tpu.sem_alloc : memref<!tpu.dma_semaphore, #tpu.memory_space<semaphore_mem>>
      %dma_start3A_179 = arith.constant 0 : i32
      %dma_start3A_180 = arith.constant 0 : i32
      %dma_start3A_181 = tpu.memref_slice %arg3[%run_scoped3A_1, %add3A, %dma_start3A_179, %dma_start3A_180] : memref<2x32x125x80xi32, #tpu.memory_space<hbm>> -> memref<1x1x125x80xi32, #tpu.memory_space<hbm>>
      %dma_start3A_182 = tpu.memref_squeeze %dma_start3A_181 : memref<1x1x125x80xi32, #tpu.memory_space<hbm>> -> memref<125x80xi32, #tpu.memory_space<hbm>>
      %dma_start3A_183 = arith.constant 0 : i32
      %dma_start3A_184 = arith.constant 0 : i32
      %dma_start3A_185 = tpu.memref_slice %arg3[%run_scoped3A_1, %add3A, %dma_start3A_183, %dma_start3A_184] : memref<2x32x125x80xi32, #tpu.memory_space<hbm>> -> memref<1x1x125x80xi32, #tpu.memory_space<hbm>>
      %dma_start3A_186 = tpu.memref_squeeze %dma_start3A_185 : memref<1x1x125x80xi32, #tpu.memory_space<hbm>> -> memref<125x80xi32, #tpu.memory_space<hbm>>
      tpu.enqueue_dma source(%dma_start3A_186 : memref<125x80xi32, #tpu.memory_space<hbm>>) target(%arg7 : memref<125x80xi32, #tpu.memory_space<vmem>>) target_semaphore(%run_scoped3A_178 : memref<!tpu.dma_semaphore, #tpu.memory_space<semaphore_mem>>)
      %dma_wait3A_187 = arith.constant 0 : i32
      %dma_wait3A_188 = arith.constant 0 : i32
      %dma_wait3A_189 = tpu.memref_slice %arg3[%run_scoped3A_1, %add3A, %dma_wait3A_187, %dma_wait3A_188] : memref<2x32x125x80xi32, #tpu.memory_space<hbm>> -> memref<1x1x125x80xi32, #tpu.memory_space<hbm>>
      %dma_wait3A_190 = tpu.memref_squeeze %dma_wait3A_189 : memref<1x1x125x80xi32, #tpu.memory_space<hbm>> -> memref<125x80xi32, #tpu.memory_space<hbm>>
      %dma_wait3A_191 = arith.constant 0 : i32
      %dma_wait3A_192 = arith.constant 0 : i32
      %dma_wait3A_193 = tpu.memref_slice %arg3[%run_scoped3A_1, %add3A, %dma_wait3A_191, %dma_wait3A_192] : memref<2x32x125x80xi32, #tpu.memory_space<hbm>> -> memref<1x1x125x80xi32, #tpu.memory_space<hbm>>
      %dma_wait3A_194 = tpu.memref_squeeze %dma_wait3A_193 : memref<1x1x125x80xi32, #tpu.memory_space<hbm>> -> memref<125x80xi32, #tpu.memory_space<hbm>>
      tpu.wait_dma2 semaphore(%run_scoped3A_178 : memref<!tpu.dma_semaphore, #tpu.memory_space<semaphore_mem>>) src(%dma_wait3A_194 : memref<125x80xi32, #tpu.memory_space<hbm>>) dst(%arg7 : memref<125x80xi32, #tpu.memory_space<vmem>>)
      tpu.yield
    }) : () -> ()
    %scan3A = arith.constant 0 : i32
    %scan3A_2 = arith.constant 125 : i32
    %scan3A_3 = arith.addi %scan3A, %scan3A_2 : i32
    %scan3A_4 = arith.constant 1 : i32
    scf.for %scan3A_178 = %scan3A to %scan3A_3 step %scan3A_4  : i32 {
      %mul3A_179 = arith.constant 1 : i32
      %mul3A_180 = arith.muli %scan3A_178, %mul3A_179 : i32
      %add3A_181 = arith.constant 0 : i32
      %add3A_182 = arith.addi %add3A_181, %mul3A_180 : i32
      %get3A = arith.index_cast %add3A_182 : i32 to index
      %get3A_183 = arith.constant 0 : index
      %get3A_184 = tpu.vector_load %arg6[%get3A, %get3A_183] {strides = array<i32>} : memref<125x80xi32, #tpu.memory_space<vmem>>, vector<1x16xi32>,
      %get3A_185 = vector.shape_cast %get3A_184 : vector<1x16xi32> to vector<16xi32>
      %mul3A_186 = arith.constant 2 : i32
      %mul3A_187 = vector.broadcast %mul3A_186 : i32 to vector<16xi32>
      %mul3A_188 = arith.muli %get3A_185, %mul3A_187 : vector<16xi32>
      %swap3A = arith.index_cast %add3A_182 : i32 to index
      %swap3A_189 = arith.constant 0 : index
      %swap3A_190 = tpu.vector_load %arg6[%swap3A, %swap3A_189] {strides = array<i32>} : memref<125x80xi32, #tpu.memory_space<vmem>>, vector<1x16xi32>,
      %swap3A_191 = vector.shape_cast %swap3A_190 : vector<1x16xi32> to vector<16xi32>
      %swap3A_192 = vector.shape_cast %mul3A_188 : vector<16xi32> to vector<1x16xi32>
      tpu.vector_store %arg6[%swap3A, %swap3A_189], %swap3A_192 {strides = array<i32>} : memref<125x80xi32, #tpu.memory_space<vmem>>, vector<1x16xi32>,
      %get3A_193 = arith.index_cast %add3A_182 : i32 to index
      %get3A_194 = arith.constant 16 : index
      %get3A_195 = tpu.vector_load %arg6[%get3A_193, %get3A_194] {strides = array<i32>} : memref<125x80xi32, #tpu.memory_space<vmem>>, vector<1x16xi32>,
      %get3A_196 = vector.shape_cast %get3A_195 : vector<1x16xi32> to vector<16xi32>
      %mul3A_197 = arith.constant 2 : i32
      %mul3A_198 = vector.broadcast %mul3A_197 : i32 to vector<16xi32>
      %mul3A_199 = arith.muli %get3A_196, %mul3A_198 : vector<16xi32>
      %swap3A_200 = arith.index_cast %add3A_182 : i32 to index
      %swap3A_201 = arith.constant 16 : index
      %swap3A_202 = tpu.vector_load %arg6[%swap3A_200, %swap3A_201] {strides = array<i32>} : memref<125x80xi32, #tpu.memory_space<vmem>>, vector<1x16xi32>,
      %swap3A_203 = vector.shape_cast %swap3A_202 : vector<1x16xi32> to vector<16xi32>
      %swap3A_204 = vector.shape_cast %mul3A_199 : vector<16xi32> to vector<1x16xi32>
      tpu.vector_store %arg6[%swap3A_200, %swap3A_201], %swap3A_204 {strides = array<i32>} : memref<125x80xi32, #tpu.memory_space<vmem>>, vector<1x16xi32>,
      %get3A_205 = arith.index_cast %add3A_182 : i32 to index
      %get3A_206 = arith.constant 32 : index
      %get3A_207 = tpu.vector_load %arg6[%get3A_205, %get3A_206] {strides = array<i32>} : memref<125x80xi32, #tpu.memory_space<vmem>>, vector<1x16xi32>,
      %get3A_208 = vector.shape_cast %get3A_207 : vector<1x16xi32> to vector<16xi32>
      %mul3A_209 = arith.constant 2 : i32
      %mul3A_210 = vector.broadcast %mul3A_209 : i32 to vector<16xi32>
      %mul3A_211 = arith.muli %get3A_208, %mul3A_210 : vector<16xi32>
      %swap3A_212 = arith.index_cast %add3A_182 : i32 to index
      %swap3A_213 = arith.constant 32 : index
      %swap3A_214 = tpu.vector_load %arg6[%swap3A_212, %swap3A_213] {strides = array<i32>} : memref<125x80xi32, #tpu.memory_space<vmem>>, vector<1x16xi32>,
      %swap3A_215 = vector.shape_cast %swap3A_214 : vector<1x16xi32> to vector<16xi32>
      %swap3A_216 = vector.shape_cast %mul3A_211 : vector<16xi32> to vector<1x16xi32>
      tpu.vector_store %arg6[%swap3A_212, %swap3A_213], %swap3A_216 {strides = array<i32>} : memref<125x80xi32, #tpu.memory_space<vmem>>, vector<1x16xi32>,
      %get3A_217 = arith.index_cast %add3A_182 : i32 to index
      %get3A_218 = arith.constant 48 : index
      %get3A_219 = tpu.vector_load %arg6[%get3A_217, %get3A_218] {strides = array<i32>} : memref<125x80xi32, #tpu.memory_space<vmem>>, vector<1x16xi32>,
      %get3A_220 = vector.shape_cast %get3A_219 : vector<1x16xi32> to vector<16xi32>
      %mul3A_221 = arith.constant 2 : i32
      %mul3A_222 = vector.broadcast %mul3A_221 : i32 to vector<16xi32>
      %mul3A_223 = arith.muli %get3A_220, %mul3A_222 : vector<16xi32>
      %swap3A_224 = arith.index_cast %add3A_182 : i32 to index
      %swap3A_225 = arith.constant 48 : index
      %swap3A_226 = tpu.vector_load %arg6[%swap3A_224, %swap3A_225] {strides = array<i32>} : memref<125x80xi32, #tpu.memory_space<vmem>>, vector<1x16xi32>,
      %swap3A_227 = vector.shape_cast %swap3A_226 : vector<1x16xi32> to vector<16xi32>
      %swap3A_228 = vector.shape_cast %mul3A_223 : vector<16xi32> to vector<1x16xi32>
      tpu.vector_store %arg6[%swap3A_224, %swap3A_225], %swap3A_228 {strides = array<i32>} : memref<125x80xi32, #tpu.memory_space<vmem>>, vector<1x16xi32>,
      %get3A_229 = arith.index_cast %add3A_182 : i32 to index
      %get3A_230 = arith.constant 64 : index
      %get3A_231 = tpu.vector_load %arg6[%get3A_229, %get3A_230] {strides = array<i32>} : memref<125x80xi32, #tpu.memory_space<vmem>>, vector<1x16xi32>,
      %get3A_232 = vector.shape_cast %get3A_231 : vector<1x16xi32> to vector<16xi32>
      %mul3A_233 = arith.constant 2 : i32
      %mul3A_234 = vector.broadcast %mul3A_233 : i32 to vector<16xi32>
      %mul3A_235 = arith.muli %get3A_232, %mul3A_234 : vector<16xi32>
      %swap3A_236 = arith.index_cast %add3A_182 : i32 to index
      %swap3A_237 = arith.constant 64 : index
      %swap3A_238 = tpu.vector_load %arg6[%swap3A_236, %swap3A_237] {strides = array<i32>} : memref<125x80xi32, #tpu.memory_space<vmem>>, vector<1x16xi32>,
      %swap3A_239 = vector.shape_cast %swap3A_238 : vector<1x16xi32> to vector<16xi32>
      %swap3A_240 = vector.shape_cast %mul3A_235 : vector<16xi32> to vector<1x16xi32>
      tpu.vector_store %arg6[%swap3A_236, %swap3A_237], %swap3A_240 {strides = array<i32>} : memref<125x80xi32, #tpu.memory_space<vmem>>, vector<1x16xi32>,
    }
    %scan3A_5 = arith.constant 125 : i32
    %mul3A_6 = arith.constant 640 : i32
    %mul3A_7 = arith.muli %arg1, %mul3A_6 : i32
    %mul3A_8 = arith.constant 640 : i32
    %mul3A_9 = arith.muli %arg1, %mul3A_8 : i32
    "tpu.region"() ({
      %run_scoped3A_178 = tpu.sem_alloc : memref<!tpu.dma_semaphore, #tpu.memory_space<semaphore_mem>>
      %dma_start3A_179 = arith.constant 0 : i32
      %dma_start3A_180 = tpu.memref_slice %arg8[%mul3A_9, %dma_start3A_179] : memref<10240x64xf32, #tpu.memory_space<vmem_shared>> -> memref<640x64xf32, #tpu.memory_space<vmem_shared>>
      %dma_start3A_181 = arith.constant 0 : i32
      %dma_start3A_182 = tpu.memref_slice %arg4[%mul3A_7, %dma_start3A_181] : memref<10240x64xf32, #tpu.memory_space<hbm>> -> memref<640x64xf32, #tpu.memory_space<hbm>>
      tpu.enqueue_dma source(%dma_start3A_182 : memref<640x64xf32, #tpu.memory_space<hbm>>) target(%dma_start3A_180 : memref<640x64xf32, #tpu.memory_space<vmem_shared>>) target_semaphore(%run_scoped3A_178 : memref<!tpu.dma_semaphore, #tpu.memory_space<semaphore_mem>>)
      %dma_wait3A_183 = arith.constant 0 : i32
      %dma_wait3A_184 = tpu.memref_slice %arg8[%mul3A_9, %dma_wait3A_183] : memref<10240x64xf32, #tpu.memory_space<vmem_shared>> -> memref<640x64xf32, #tpu.memory_space<vmem_shared>>
      %dma_wait3A_185 = arith.constant 0 : i32
      %dma_wait3A_186 = tpu.memref_slice %arg4[%mul3A_7, %dma_wait3A_185] : memref<10240x64xf32, #tpu.memory_space<hbm>> -> memref<640x64xf32, #tpu.memory_space<hbm>>
      tpu.wait_dma2 semaphore(%run_scoped3A_178 : memref<!tpu.dma_semaphore, #tpu.memory_space<semaphore_mem>>) src(%dma_wait3A_186 : memref<640x64xf32, #tpu.memory_space<hbm>>) dst(%dma_wait3A_184 : memref<640x64xf32, #tpu.memory_space<vmem_shared>>)
      tpu.yield
    }) : () -> ()
    %barrier3A = arith.constant 0 : index
    tpu.barrier barrier_id(%barrier3A)
    %dma_start3A = arith.constant 0 : i32
    %dma_start3A_10 = arith.constant 0 : i32
    %dma_start3A_11 = tpu.memref_slice %arg6[%dma_start3A, %dma_start3A_10] : memref<125x80xi32, #tpu.memory_space<vmem>> -> memref<1x80xi32, #tpu.memory_space<vmem>>
    %dma_start3A_12 = tpu.memref_squeeze %dma_start3A_11 : memref<1x80xi32, #tpu.memory_space<vmem>> -> memref<80xi32, #tpu.memory_space<vmem>>
    %dma_start3A_13 = arith.constant 0 : i32
    %dma_start3A_14 = arith.constant 0 : i32
    %dma_start3A_15 = tpu.memref_slice %arg2[%dma_start3A_13, %dma_start3A_14] : memref<20000x64xf32, #tpu.memory_space<hbm>> -> memref<20000x64xf32, #tpu.memory_space<hbm>>
    tpu.enqueue_indirect_dma source(%dma_start3A_15 : memref<20000x64xf32, #tpu.memory_space<hbm>>) target(%arg9 : memref<80x64xf32, #tpu.memory_space<vmem>>) offsets(%dma_start3A_12 : memref<80xi32, #tpu.memory_space<vmem>>) semaphore(%arg14 : memref<!tpu.dma_semaphore, #tpu.memory_space<semaphore_mem>>)
    %dma_start3A_16 = arith.constant 1 : i32
    %dma_start3A_17 = arith.constant 0 : i32
    %dma_start3A_18 = tpu.memref_slice %arg6[%dma_start3A_16, %dma_start3A_17] : memref<125x80xi32, #tpu.memory_space<vmem>> -> memref<1x80xi32, #tpu.memory_space<vmem>>
    %dma_start3A_19 = tpu.memref_squeeze %dma_start3A_18 : memref<1x80xi32, #tpu.memory_space<vmem>> -> memref<80xi32, #tpu.memory_space<vmem>>
    %dma_start3A_20 = arith.constant 0 : i32
    %dma_start3A_21 = arith.constant 0 : i32
    %dma_start3A_22 = tpu.memref_slice %arg2[%dma_start3A_20, %dma_start3A_21] : memref<20000x64xf32, #tpu.memory_space<hbm>> -> memref<20000x64xf32, #tpu.memory_space<hbm>>
    tpu.enqueue_indirect_dma source(%dma_start3A_22 : memref<20000x64xf32, #tpu.memory_space<hbm>>) target(%arg10 : memref<80x64xf32, #tpu.memory_space<vmem>>) offsets(%dma_start3A_19 : memref<80xi32, #tpu.memory_space<vmem>>) semaphore(%arg15 : memref<!tpu.dma_semaphore, #tpu.memory_space<semaphore_mem>>)
    %dma_start3A_23 = arith.constant 2 : i32
    %dma_start3A_24 = arith.constant 0 : i32
    %dma_start3A_25 = tpu.memref_slice %arg6[%dma_start3A_23, %dma_start3A_24] : memref<125x80xi32, #tpu.memory_space<vmem>> -> memref<1x80xi32, #tpu.memory_space<vmem>>
    %dma_start3A_26 = tpu.memref_squeeze %dma_start3A_25 : memref<1x80xi32, #tpu.memory_space<vmem>> -> memref<80xi32, #tpu.memory_space<vmem>>
    %dma_start3A_27 = arith.constant 0 : i32
    %dma_start3A_28 = arith.constant 0 : i32
    %dma_start3A_29 = tpu.memref_slice %arg2[%dma_start3A_27, %dma_start3A_28] : memref<20000x64xf32, #tpu.memory_space<hbm>> -> memref<20000x64xf32, #tpu.memory_space<hbm>>
    tpu.enqueue_indirect_dma source(%dma_start3A_29 : memref<20000x64xf32, #tpu.memory_space<hbm>>) target(%arg11 : memref<80x64xf32, #tpu.memory_space<vmem>>) offsets(%dma_start3A_26 : memref<80xi32, #tpu.memory_space<vmem>>) semaphore(%arg16 : memref<!tpu.dma_semaphore, #tpu.memory_space<semaphore_mem>>)
    %dma_start3A_30 = arith.constant 3 : i32
    %dma_start3A_31 = arith.constant 0 : i32
    %dma_start3A_32 = tpu.memref_slice %arg6[%dma_start3A_30, %dma_start3A_31] : memref<125x80xi32, #tpu.memory_space<vmem>> -> memref<1x80xi32, #tpu.memory_space<vmem>>
    %dma_start3A_33 = tpu.memref_squeeze %dma_start3A_32 : memref<1x80xi32, #tpu.memory_space<vmem>> -> memref<80xi32, #tpu.memory_space<vmem>>
    %dma_start3A_34 = arith.constant 0 : i32
    %dma_start3A_35 = arith.constant 0 : i32
    %dma_start3A_36 = tpu.memref_slice %arg2[%dma_start3A_34, %dma_start3A_35] : memref<20000x64xf32, #tpu.memory_space<hbm>> -> memref<20000x64xf32, #tpu.memory_space<hbm>>
    tpu.enqueue_indirect_dma source(%dma_start3A_36 : memref<20000x64xf32, #tpu.memory_space<hbm>>) target(%arg12 : memref<80x64xf32, #tpu.memory_space<vmem>>) offsets(%dma_start3A_33 : memref<80xi32, #tpu.memory_space<vmem>>) semaphore(%arg17 : memref<!tpu.dma_semaphore, #tpu.memory_space<semaphore_mem>>)
    %dma_start3A_37 = arith.constant 4 : i32
    %dma_start3A_38 = arith.constant 0 : i32
    %dma_start3A_39 = tpu.memref_slice %arg6[%dma_start3A_37, %dma_start3A_38] : memref<125x80xi32, #tpu.memory_space<vmem>> -> memref<1x80xi32, #tpu.memory_space<vmem>>
    %dma_start3A_40 = tpu.memref_squeeze %dma_start3A_39 : memref<1x80xi32, #tpu.memory_space<vmem>> -> memref<80xi32, #tpu.memory_space<vmem>>
    %dma_start3A_41 = arith.constant 0 : i32
    %dma_start3A_42 = arith.constant 0 : i32
    %dma_start3A_43 = tpu.memref_slice %arg2[%dma_start3A_41, %dma_start3A_42] : memref<20000x64xf32, #tpu.memory_space<hbm>> -> memref<20000x64xf32, #tpu.memory_space<hbm>>
    tpu.enqueue_indirect_dma source(%dma_start3A_43 : memref<20000x64xf32, #tpu.memory_space<hbm>>) target(%arg13 : memref<80x64xf32, #tpu.memory_space<vmem>>) offsets(%dma_start3A_40 : memref<80xi32, #tpu.memory_space<vmem>>) semaphore(%arg18 : memref<!tpu.dma_semaphore, #tpu.memory_space<semaphore_mem>>)
    %scan3A_44 = arith.constant 0 : i32
    %scan3A_45 = arith.constant 25 : i32
    %scan3A_46 = arith.addi %scan3A_44, %scan3A_45 : i32
    %scan3A_47 = arith.constant 1 : i32
    scf.for %scan3A_178 = %scan3A_44 to %scan3A_46 step %scan3A_47  : i32 {
      %mul3A_179 = arith.constant 5 : i32
      %mul3A_180 = arith.muli %scan3A_178, %mul3A_179 : i32
      %add3A_181 = arith.constant 0 : i32
      %add3A_182 = arith.addi %add3A_181, %mul3A_180 : i32
      %add3A_183 = arith.constant 0 : i32
      %add3A_184 = arith.addi %add3A_182, %add3A_183 : i32
      %dma_wait3A_185 = arith.constant 0 : i32
      %dma_wait3A_186 = tpu.memref_slice %arg6[%add3A_184, %dma_wait3A_185] : memref<125x80xi32, #tpu.memory_space<vmem>> -> memref<1x80xi32, #tpu.memory_space<vmem>>
      %dma_wait3A_187 = tpu.memref_squeeze %dma_wait3A_186 : memref<1x80xi32, #tpu.memory_space<vmem>> -> memref<80xi32, #tpu.memory_space<vmem>>
      %dma_wait3A_188 = arith.constant 0 : i32
      %dma_wait3A_189 = arith.constant 0 : i32
      %dma_wait3A_190 = tpu.memref_slice %arg2[%dma_wait3A_188, %dma_wait3A_189] : memref<20000x64xf32, #tpu.memory_space<hbm>> -> memref<20000x64xf32, #tpu.memory_space<hbm>>
      tpu.wait_indirect_dma semaphore(%arg14 : memref<!tpu.dma_semaphore, #tpu.memory_space<semaphore_mem>>) src(%dma_wait3A_190 : memref<20000x64xf32, #tpu.memory_space<hbm>>) dst(%arg9 : memref<80x64xf32, #tpu.memory_space<vmem>>)
      %add3A_191 = arith.constant 0 : i32
      %add3A_192 = arith.addi %add3A_182, %add3A_191 : i32
      %dma_start3A_193 = arith.constant 0 : i32
      %dma_start3A_194 = tpu.memref_slice %arg7[%add3A_192, %dma_start3A_193] : memref<125x80xi32, #tpu.memory_space<vmem>> -> memref<1x80xi32, #tpu.memory_space<vmem>>
      %dma_start3A_195 = tpu.memref_squeeze %dma_start3A_194 : memref<1x80xi32, #tpu.memory_space<vmem>> -> memref<80xi32, #tpu.memory_space<vmem>>
      %dma_start3A_196 = arith.constant 0 : i32
      %dma_start3A_197 = arith.constant 0 : i32
      %dma_start3A_198 = tpu.memref_slice %arg8[%dma_start3A_196, %dma_start3A_197] : memref<10240x64xf32, #tpu.memory_space<vmem_shared>> -> memref<10240x64xf32, #tpu.memory_space<vmem_shared>>
      tpu.enqueue_indirect_dma source(%arg9 : memref<80x64xf32, #tpu.memory_space<vmem>>) target(%dma_start3A_198 : memref<10240x64xf32, #tpu.memory_space<vmem_shared>>) offsets(%dma_start3A_195 : memref<80xi32, #tpu.memory_space<vmem>>) semaphore(%arg19 : memref<!tpu.dma_semaphore, #tpu.memory_space<semaphore_mem>>) {add = true}
      %add3A_199 = arith.constant 1 : i32
      %add3A_200 = arith.addi %add3A_182, %add3A_199 : i32
      %dma_wait3A_201 = arith.constant 0 : i32
      %dma_wait3A_202 = tpu.memref_slice %arg6[%add3A_200, %dma_wait3A_201] : memref<125x80xi32, #tpu.memory_space<vmem>> -> memref<1x80xi32, #tpu.memory_space<vmem>>
      %dma_wait3A_203 = tpu.memref_squeeze %dma_wait3A_202 : memref<1x80xi32, #tpu.memory_space<vmem>> -> memref<80xi32, #tpu.memory_space<vmem>>
      %dma_wait3A_204 = arith.constant 0 : i32
      %dma_wait3A_205 = arith.constant 0 : i32
      %dma_wait3A_206 = tpu.memref_slice %arg2[%dma_wait3A_204, %dma_wait3A_205] : memref<20000x64xf32, #tpu.memory_space<hbm>> -> memref<20000x64xf32, #tpu.memory_space<hbm>>
      tpu.wait_indirect_dma semaphore(%arg15 : memref<!tpu.dma_semaphore, #tpu.memory_space<semaphore_mem>>) src(%dma_wait3A_206 : memref<20000x64xf32, #tpu.memory_space<hbm>>) dst(%arg10 : memref<80x64xf32, #tpu.memory_space<vmem>>)
      %add3A_207 = arith.constant 1 : i32
      %add3A_208 = arith.addi %add3A_182, %add3A_207 : i32
      %dma_start3A_209 = arith.constant 0 : i32
      %dma_start3A_210 = tpu.memref_slice %arg7[%add3A_208, %dma_start3A_209] : memref<125x80xi32, #tpu.memory_space<vmem>> -> memref<1x80xi32, #tpu.memory_space<vmem>>
      %dma_start3A_211 = tpu.memref_squeeze %dma_start3A_210 : memref<1x80xi32, #tpu.memory_space<vmem>> -> memref<80xi32, #tpu.memory_space<vmem>>
      %dma_start3A_212 = arith.constant 0 : i32
      %dma_start3A_213 = arith.constant 0 : i32
      %dma_start3A_214 = tpu.memref_slice %arg8[%dma_start3A_212, %dma_start3A_213] : memref<10240x64xf32, #tpu.memory_space<vmem_shared>> -> memref<10240x64xf32, #tpu.memory_space<vmem_shared>>
      tpu.enqueue_indirect_dma source(%arg10 : memref<80x64xf32, #tpu.memory_space<vmem>>) target(%dma_start3A_214 : memref<10240x64xf32, #tpu.memory_space<vmem_shared>>) offsets(%dma_start3A_211 : memref<80xi32, #tpu.memory_space<vmem>>) semaphore(%arg20 : memref<!tpu.dma_semaphore, #tpu.memory_space<semaphore_mem>>) {add = true}
      %add3A_215 = arith.constant 2 : i32
      %add3A_216 = arith.addi %add3A_182, %add3A_215 : i32
      %dma_wait3A_217 = arith.constant 0 : i32
      %dma_wait3A_218 = tpu.memref_slice %arg6[%add3A_216, %dma_wait3A_217] : memref<125x80xi32, #tpu.memory_space<vmem>> -> memref<1x80xi32, #tpu.memory_space<vmem>>
      %dma_wait3A_219 = tpu.memref_squeeze %dma_wait3A_218 : memref<1x80xi32, #tpu.memory_space<vmem>> -> memref<80xi32, #tpu.memory_space<vmem>>
      %dma_wait3A_220 = arith.constant 0 : i32
      %dma_wait3A_221 = arith.constant 0 : i32
      %dma_wait3A_222 = tpu.memref_slice %arg2[%dma_wait3A_220, %dma_wait3A_221] : memref<20000x64xf32, #tpu.memory_space<hbm>> -> memref<20000x64xf32, #tpu.memory_space<hbm>>
      tpu.wait_indirect_dma semaphore(%arg16 : memref<!tpu.dma_semaphore, #tpu.memory_space<semaphore_mem>>) src(%dma_wait3A_222 : memref<20000x64xf32, #tpu.memory_space<hbm>>) dst(%arg11 : memref<80x64xf32, #tpu.memory_space<vmem>>)
      %add3A_223 = arith.constant 2 : i32
      %add3A_224 = arith.addi %add3A_182, %add3A_223 : i32
      %dma_start3A_225 = arith.constant 0 : i32
      %dma_start3A_226 = tpu.memref_slice %arg7[%add3A_224, %dma_start3A_225] : memref<125x80xi32, #tpu.memory_space<vmem>> -> memref<1x80xi32, #tpu.memory_space<vmem>>
      %dma_start3A_227 = tpu.memref_squeeze %dma_start3A_226 : memref<1x80xi32, #tpu.memory_space<vmem>> -> memref<80xi32, #tpu.memory_space<vmem>>
      %dma_start3A_228 = arith.constant 0 : i32
      %dma_start3A_229 = arith.constant 0 : i32
      %dma_start3A_230 = tpu.memref_slice %arg8[%dma_start3A_228, %dma_start3A_229] : memref<10240x64xf32, #tpu.memory_space<vmem_shared>> -> memref<10240x64xf32, #tpu.memory_space<vmem_shared>>
      tpu.enqueue_indirect_dma source(%arg11 : memref<80x64xf32, #tpu.memory_space<vmem>>) target(%dma_start3A_230 : memref<10240x64xf32, #tpu.memory_space<vmem_shared>>) offsets(%dma_start3A_227 : memref<80xi32, #tpu.memory_space<vmem>>) semaphore(%arg21 : memref<!tpu.dma_semaphore, #tpu.memory_space<semaphore_mem>>) {add = true}
      %add3A_231 = arith.constant 3 : i32
      %add3A_232 = arith.addi %add3A_182, %add3A_231 : i32
      %dma_wait3A_233 = arith.constant 0 : i32
      %dma_wait3A_234 = tpu.memref_slice %arg6[%add3A_232, %dma_wait3A_233] : memref<125x80xi32, #tpu.memory_space<vmem>> -> memref<1x80xi32, #tpu.memory_space<vmem>>
      %dma_wait3A_235 = tpu.memref_squeeze %dma_wait3A_234 : memref<1x80xi32, #tpu.memory_space<vmem>> -> memref<80xi32, #tpu.memory_space<vmem>>
      %dma_wait3A_236 = arith.constant 0 : i32
      %dma_wait3A_237 = arith.constant 0 : i32
      %dma_wait3A_238 = tpu.memref_slice %arg2[%dma_wait3A_236, %dma_wait3A_237] : memref<20000x64xf32, #tpu.memory_space<hbm>> -> memref<20000x64xf32, #tpu.memory_space<hbm>>
      tpu.wait_indirect_dma semaphore(%arg17 : memref<!tpu.dma_semaphore, #tpu.memory_space<semaphore_mem>>) src(%dma_wait3A_238 : memref<20000x64xf32, #tpu.memory_space<hbm>>) dst(%arg12 : memref<80x64xf32, #tpu.memory_space<vmem>>)
      %add3A_239 = arith.constant 3 : i32
      %add3A_240 = arith.addi %add3A_182, %add3A_239 : i32
      %dma_start3A_241 = arith.constant 0 : i32
      %dma_start3A_242 = tpu.memref_slice %arg7[%add3A_240, %dma_start3A_241] : memref<125x80xi32, #tpu.memory_space<vmem>> -> memref<1x80xi32, #tpu.memory_space<vmem>>
      %dma_start3A_243 = tpu.memref_squeeze %dma_start3A_242 : memref<1x80xi32, #tpu.memory_space<vmem>> -> memref<80xi32, #tpu.memory_space<vmem>>
      %dma_start3A_244 = arith.constant 0 : i32
      %dma_start3A_245 = arith.constant 0 : i32
      %dma_start3A_246 = tpu.memref_slice %arg8[%dma_start3A_244, %dma_start3A_245] : memref<10240x64xf32, #tpu.memory_space<vmem_shared>> -> memref<10240x64xf32, #tpu.memory_space<vmem_shared>>
      tpu.enqueue_indirect_dma source(%arg12 : memref<80x64xf32, #tpu.memory_space<vmem>>) target(%dma_start3A_246 : memref<10240x64xf32, #tpu.memory_space<vmem_shared>>) offsets(%dma_start3A_243 : memref<80xi32, #tpu.memory_space<vmem>>) semaphore(%arg22 : memref<!tpu.dma_semaphore, #tpu.memory_space<semaphore_mem>>) {add = true}
      %add3A_247 = arith.constant 4 : i32
      %add3A_248 = arith.addi %add3A_182, %add3A_247 : i32
      %dma_wait3A_249 = arith.constant 0 : i32
      %dma_wait3A_250 = tpu.memref_slice %arg6[%add3A_248, %dma_wait3A_249] : memref<125x80xi32, #tpu.memory_space<vmem>> -> memref<1x80xi32, #tpu.memory_space<vmem>>
      %dma_wait3A_251 = tpu.memref_squeeze %dma_wait3A_250 : memref<1x80xi32, #tpu.memory_space<vmem>> -> memref<80xi32, #tpu.memory_space<vmem>>
      %dma_wait3A_252 = arith.constant 0 : i32
      %dma_wait3A_253 = arith.constant 0 : i32
      %dma_wait3A_254 = tpu.memref_slice %arg2[%dma_wait3A_252, %dma_wait3A_253] : memref<20000x64xf32, #tpu.memory_space<hbm>> -> memref<20000x64xf32, #tpu.memory_space<hbm>>
      tpu.wait_indirect_dma semaphore(%arg18 : memref<!tpu.dma_semaphore, #tpu.memory_space<semaphore_mem>>) src(%dma_wait3A_254 : memref<20000x64xf32, #tpu.memory_space<hbm>>) dst(%arg13 : memref<80x64xf32, #tpu.memory_space<vmem>>)
      %add3A_255 = arith.constant 4 : i32
      %add3A_256 = arith.addi %add3A_182, %add3A_255 : i32
      %dma_start3A_257 = arith.constant 0 : i32
      %dma_start3A_258 = tpu.memref_slice %arg7[%add3A_256, %dma_start3A_257] : memref<125x80xi32, #tpu.memory_space<vmem>> -> memref<1x80xi32, #tpu.memory_space<vmem>>
      %dma_start3A_259 = tpu.memref_squeeze %dma_start3A_258 : memref<1x80xi32, #tpu.memory_space<vmem>> -> memref<80xi32, #tpu.memory_space<vmem>>
      %dma_start3A_260 = arith.constant 0 : i32
      %dma_start3A_261 = arith.constant 0 : i32
      %dma_start3A_262 = tpu.memref_slice %arg8[%dma_start3A_260, %dma_start3A_261] : memref<10240x64xf32, #tpu.memory_space<vmem_shared>> -> memref<10240x64xf32, #tpu.memory_space<vmem_shared>>
      tpu.enqueue_indirect_dma source(%arg13 : memref<80x64xf32, #tpu.memory_space<vmem>>) target(%dma_start3A_262 : memref<10240x64xf32, #tpu.memory_space<vmem_shared>>) offsets(%dma_start3A_259 : memref<80xi32, #tpu.memory_space<vmem>>) semaphore(%arg23 : memref<!tpu.dma_semaphore, #tpu.memory_space<semaphore_mem>>) {add = true}
      %add3A_263 = arith.constant 0 : i32
      %add3A_264 = arith.addi %add3A_182, %add3A_263 : i32
      %add3A_265 = arith.constant 5 : i32
      %add3A_266 = arith.addi %add3A_264, %add3A_265 : i32
      %lt3A = arith.constant 125 : i32
      %lt3A_267 = arith.cmpi slt, %add3A_266, %lt3A : i32
      %convert_element_type3A = arith.extui %lt3A_267 : i1 to i32
      %cond3A = arith.constant 0 : i32
      %cond3A_268 = arith.cmpi ne, %convert_element_type3A, %cond3A : i32
      scf.if %cond3A_268 {
        %add3A_305 = arith.constant 0 : i32
        %add3A_306 = arith.addi %add3A_182, %add3A_305 : i32
        %dma_wait3A_307 = arith.constant 0 : i32
        %dma_wait3A_308 = tpu.memref_slice %arg7[%add3A_306, %dma_wait3A_307] : memref<125x80xi32, #tpu.memory_space<vmem>> -> memref<1x80xi32, #tpu.memory_space<vmem>>
        %dma_wait3A_309 = tpu.memref_squeeze %dma_wait3A_308 : memref<1x80xi32, #tpu.memory_space<vmem>> -> memref<80xi32, #tpu.memory_space<vmem>>
        %dma_wait3A_310 = arith.constant 0 : i32
        %dma_wait3A_311 = arith.constant 0 : i32
        %dma_wait3A_312 = tpu.memref_slice %arg8[%dma_wait3A_310, %dma_wait3A_311] : memref<10240x64xf32, #tpu.memory_space<vmem_shared>> -> memref<10240x64xf32, #tpu.memory_space<vmem_shared>>
        tpu.wait_indirect_dma semaphore(%arg19 : memref<!tpu.dma_semaphore, #tpu.memory_space<semaphore_mem>>) src(%arg9 : memref<80x64xf32, #tpu.memory_space<vmem>>) dst(%dma_wait3A_312 : memref<10240x64xf32, #tpu.memory_space<vmem_shared>>)
        %add3A_313 = arith.constant 0 : i32
        %add3A_314 = arith.addi %add3A_182, %add3A_313 : i32
        %add3A_315 = arith.constant 5 : i32
        %add3A_316 = arith.addi %add3A_314, %add3A_315 : i32
        %dma_start3A_317 = arith.constant 0 : i32
        %dma_start3A_318 = tpu.memref_slice %arg6[%add3A_316, %dma_start3A_317] : memref<125x80xi32, #tpu.memory_space<vmem>> -> memref<1x80xi32, #tpu.memory_space<vmem>>
        %dma_start3A_319 = tpu.memref_squeeze %dma_start3A_318 : memref<1x80xi32, #tpu.memory_space<vmem>> -> memref<80xi32, #tpu.memory_space<vmem>>
        %dma_start3A_320 = arith.constant 0 : i32
        %dma_start3A_321 = arith.constant 0 : i32
        %dma_start3A_322 = tpu.memref_slice %arg2[%dma_start3A_320, %dma_start3A_321] : memref<20000x64xf32, #tpu.memory_space<hbm>> -> memref<20000x64xf32, #tpu.memory_space<hbm>>
        tpu.enqueue_indirect_dma source(%dma_start3A_322 : memref<20000x64xf32, #tpu.memory_space<hbm>>) target(%arg9 : memref<80x64xf32, #tpu.memory_space<vmem>>) offsets(%dma_start3A_319 : memref<80xi32, #tpu.memory_space<vmem>>) semaphore(%arg14 : memref<!tpu.dma_semaphore, #tpu.memory_space<semaphore_mem>>)
      } else {
      }
      %add3A_269 = arith.constant 1 : i32
      %add3A_270 = arith.addi %add3A_182, %add3A_269 : i32
      %add3A_271 = arith.constant 5 : i32
      %add3A_272 = arith.addi %add3A_270, %add3A_271 : i32
      %lt3A_273 = arith.constant 125 : i32
      %lt3A_274 = arith.cmpi slt, %add3A_272, %lt3A_273 : i32
      %convert_element_type3A_275 = arith.extui %lt3A_274 : i1 to i32
      %cond3A_276 = arith.constant 0 : i32
      %cond3A_277 = arith.cmpi ne, %convert_element_type3A_275, %cond3A_276 : i32
      scf.if %cond3A_277 {
        %add3A_305 = arith.constant 1 : i32
        %add3A_306 = arith.addi %add3A_182, %add3A_305 : i32
        %dma_wait3A_307 = arith.constant 0 : i32
        %dma_wait3A_308 = tpu.memref_slice %arg7[%add3A_306, %dma_wait3A_307] : memref<125x80xi32, #tpu.memory_space<vmem>> -> memref<1x80xi32, #tpu.memory_space<vmem>>
        %dma_wait3A_309 = tpu.memref_squeeze %dma_wait3A_308 : memref<1x80xi32, #tpu.memory_space<vmem>> -> memref<80xi32, #tpu.memory_space<vmem>>
        %dma_wait3A_310 = arith.constant 0 : i32
        %dma_wait3A_311 = arith.constant 0 : i32
        %dma_wait3A_312 = tpu.memref_slice %arg8[%dma_wait3A_310, %dma_wait3A_311] : memref<10240x64xf32, #tpu.memory_space<vmem_shared>> -> memref<10240x64xf32, #tpu.memory_space<vmem_shared>>
        tpu.wait_indirect_dma semaphore(%arg20 : memref<!tpu.dma_semaphore, #tpu.memory_space<semaphore_mem>>) src(%arg10 : memref<80x64xf32, #tpu.memory_space<vmem>>) dst(%dma_wait3A_312 : memref<10240x64xf32, #tpu.memory_space<vmem_shared>>)
        %add3A_313 = arith.constant 1 : i32
        %add3A_314 = arith.addi %add3A_182, %add3A_313 : i32
        %add3A_315 = arith.constant 5 : i32
        %add3A_316 = arith.addi %add3A_314, %add3A_315 : i32
        %dma_start3A_317 = arith.constant 0 : i32
        %dma_start3A_318 = tpu.memref_slice %arg6[%add3A_316, %dma_start3A_317] : memref<125x80xi32, #tpu.memory_space<vmem>> -> memref<1x80xi32, #tpu.memory_space<vmem>>
        %dma_start3A_319 = tpu.memref_squeeze %dma_start3A_318 : memref<1x80xi32, #tpu.memory_space<vmem>> -> memref<80xi32, #tpu.memory_space<vmem>>
        %dma_start3A_320 = arith.constant 0 : i32
        %dma_start3A_321 = arith.constant 0 : i32
        %dma_start3A_322 = tpu.memref_slice %arg2[%dma_start3A_320, %dma_start3A_321] : memref<20000x64xf32, #tpu.memory_space<hbm>> -> memref<20000x64xf32, #tpu.memory_space<hbm>>
        tpu.enqueue_indirect_dma source(%dma_start3A_322 : memref<20000x64xf32, #tpu.memory_space<hbm>>) target(%arg10 : memref<80x64xf32, #tpu.memory_space<vmem>>) offsets(%dma_start3A_319 : memref<80xi32, #tpu.memory_space<vmem>>) semaphore(%arg15 : memref<!tpu.dma_semaphore, #tpu.memory_space<semaphore_mem>>)
      } else {
      }
      %add3A_278 = arith.constant 2 : i32
      %add3A_279 = arith.addi %add3A_182, %add3A_278 : i32
      %add3A_280 = arith.constant 5 : i32
      %add3A_281 = arith.addi %add3A_279, %add3A_280 : i32
      %lt3A_282 = arith.constant 125 : i32
      %lt3A_283 = arith.cmpi slt, %add3A_281, %lt3A_282 : i32
      %convert_element_type3A_284 = arith.extui %lt3A_283 : i1 to i32
      %cond3A_285 = arith.constant 0 : i32
      %cond3A_286 = arith.cmpi ne, %convert_element_type3A_284, %cond3A_285 : i32
      scf.if %cond3A_286 {
        %add3A_305 = arith.constant 2 : i32
        %add3A_306 = arith.addi %add3A_182, %add3A_305 : i32
        %dma_wait3A_307 = arith.constant 0 : i32
        %dma_wait3A_308 = tpu.memref_slice %arg7[%add3A_306, %dma_wait3A_307] : memref<125x80xi32, #tpu.memory_space<vmem>> -> memref<1x80xi32, #tpu.memory_space<vmem>>
        %dma_wait3A_309 = tpu.memref_squeeze %dma_wait3A_308 : memref<1x80xi32, #tpu.memory_space<vmem>> -> memref<80xi32, #tpu.memory_space<vmem>>
        %dma_wait3A_310 = arith.constant 0 : i32
        %dma_wait3A_311 = arith.constant 0 : i32
        %dma_wait3A_312 = tpu.memref_slice %arg8[%dma_wait3A_310, %dma_wait3A_311] : memref<10240x64xf32, #tpu.memory_space<vmem_shared>> -> memref<10240x64xf32, #tpu.memory_space<vmem_shared>>
        tpu.wait_indirect_dma semaphore(%arg21 : memref<!tpu.dma_semaphore, #tpu.memory_space<semaphore_mem>>) src(%arg11 : memref<80x64xf32, #tpu.memory_space<vmem>>) dst(%dma_wait3A_312 : memref<10240x64xf32, #tpu.memory_space<vmem_shared>>)
        %add3A_313 = arith.constant 2 : i32
        %add3A_314 = arith.addi %add3A_182, %add3A_313 : i32
        %add3A_315 = arith.constant 5 : i32
        %add3A_316 = arith.addi %add3A_314, %add3A_315 : i32
        %dma_start3A_317 = arith.constant 0 : i32
        %dma_start3A_318 = tpu.memref_slice %arg6[%add3A_316, %dma_start3A_317] : memref<125x80xi32, #tpu.memory_space<vmem>> -> memref<1x80xi32, #tpu.memory_space<vmem>>
        %dma_start3A_319 = tpu.memref_squeeze %dma_start3A_318 : memref<1x80xi32, #tpu.memory_space<vmem>> -> memref<80xi32, #tpu.memory_space<vmem>>
        %dma_start3A_320 = arith.constant 0 : i32
        %dma_start3A_321 = arith.constant 0 : i32
        %dma_start3A_322 = tpu.memref_slice %arg2[%dma_start3A_320, %dma_start3A_321] : memref<20000x64xf32, #tpu.memory_space<hbm>> -> memref<20000x64xf32, #tpu.memory_space<hbm>>
        tpu.enqueue_indirect_dma source(%dma_start3A_322 : memref<20000x64xf32, #tpu.memory_space<hbm>>) target(%arg11 : memref<80x64xf32, #tpu.memory_space<vmem>>) offsets(%dma_start3A_319 : memref<80xi32, #tpu.memory_space<vmem>>) semaphore(%arg16 : memref<!tpu.dma_semaphore, #tpu.memory_space<semaphore_mem>>)
      } else {
      }
      %add3A_287 = arith.constant 3 : i32
      %add3A_288 = arith.addi %add3A_182, %add3A_287 : i32
      %add3A_289 = arith.constant 5 : i32
      %add3A_290 = arith.addi %add3A_288, %add3A_289 : i32
      %lt3A_291 = arith.constant 125 : i32
      %lt3A_292 = arith.cmpi slt, %add3A_290, %lt3A_291 : i32
      %convert_element_type3A_293 = arith.extui %lt3A_292 : i1 to i32
      %cond3A_294 = arith.constant 0 : i32
      %cond3A_295 = arith.cmpi ne, %convert_element_type3A_293, %cond3A_294 : i32
      scf.if %cond3A_295 {
        %add3A_305 = arith.constant 3 : i32
        %add3A_306 = arith.addi %add3A_182, %add3A_305 : i32
        %dma_wait3A_307 = arith.constant 0 : i32
        %dma_wait3A_308 = tpu.memref_slice %arg7[%add3A_306, %dma_wait3A_307] : memref<125x80xi32, #tpu.memory_space<vmem>> -> memref<1x80xi32, #tpu.memory_space<vmem>>
        %dma_wait3A_309 = tpu.memref_squeeze %dma_wait3A_308 : memref<1x80xi32, #tpu.memory_space<vmem>> -> memref<80xi32, #tpu.memory_space<vmem>>
        %dma_wait3A_310 = arith.constant 0 : i32
        %dma_wait3A_311 = arith.constant 0 : i32
        %dma_wait3A_312 = tpu.memref_slice %arg8[%dma_wait3A_310, %dma_wait3A_311] : memref<10240x64xf32, #tpu.memory_space<vmem_shared>> -> memref<10240x64xf32, #tpu.memory_space<vmem_shared>>
        tpu.wait_indirect_dma semaphore(%arg22 : memref<!tpu.dma_semaphore, #tpu.memory_space<semaphore_mem>>) src(%arg12 : memref<80x64xf32, #tpu.memory_space<vmem>>) dst(%dma_wait3A_312 : memref<10240x64xf32, #tpu.memory_space<vmem_shared>>)
        %add3A_313 = arith.constant 3 : i32
        %add3A_314 = arith.addi %add3A_182, %add3A_313 : i32
        %add3A_315 = arith.constant 5 : i32
        %add3A_316 = arith.addi %add3A_314, %add3A_315 : i32
        %dma_start3A_317 = arith.constant 0 : i32
        %dma_start3A_318 = tpu.memref_slice %arg6[%add3A_316, %dma_start3A_317] : memref<125x80xi32, #tpu.memory_space<vmem>> -> memref<1x80xi32, #tpu.memory_space<vmem>>
        %dma_start3A_319 = tpu.memref_squeeze %dma_start3A_318 : memref<1x80xi32, #tpu.memory_space<vmem>> -> memref<80xi32, #tpu.memory_space<vmem>>
        %dma_start3A_320 = arith.constant 0 : i32
        %dma_start3A_321 = arith.constant 0 : i32
        %dma_start3A_322 = tpu.memref_slice %arg2[%dma_start3A_320, %dma_start3A_321] : memref<20000x64xf32, #tpu.memory_space<hbm>> -> memref<20000x64xf32, #tpu.memory_space<hbm>>
        tpu.enqueue_indirect_dma source(%dma_start3A_322 : memref<20000x64xf32, #tpu.memory_space<hbm>>) target(%arg12 : memref<80x64xf32, #tpu.memory_space<vmem>>) offsets(%dma_start3A_319 : memref<80xi32, #tpu.memory_space<vmem>>) semaphore(%arg17 : memref<!tpu.dma_semaphore, #tpu.memory_space<semaphore_mem>>)
      } else {
      }
      %add3A_296 = arith.constant 4 : i32
      %add3A_297 = arith.addi %add3A_182, %add3A_296 : i32
      %add3A_298 = arith.constant 5 : i32
      %add3A_299 = arith.addi %add3A_297, %add3A_298 : i32
      %lt3A_300 = arith.constant 125 : i32
      %lt3A_301 = arith.cmpi slt, %add3A_299, %lt3A_300 : i32
      %convert_element_type3A_302 = arith.extui %lt3A_301 : i1 to i32
      %cond3A_303 = arith.constant 0 : i32
      %cond3A_304 = arith.cmpi ne, %convert_element_type3A_302, %cond3A_303 : i32
      scf.if %cond3A_304 {
        %add3A_305 = arith.constant 4 : i32
        %add3A_306 = arith.addi %add3A_182, %add3A_305 : i32
        %dma_wait3A_307 = arith.constant 0 : i32
        %dma_wait3A_308 = tpu.memref_slice %arg7[%add3A_306, %dma_wait3A_307] : memref<125x80xi32, #tpu.memory_space<vmem>> -> memref<1x80xi32, #tpu.memory_space<vmem>>
        %dma_wait3A_309 = tpu.memref_squeeze %dma_wait3A_308 : memref<1x80xi32, #tpu.memory_space<vmem>> -> memref<80xi32, #tpu.memory_space<vmem>>
        %dma_wait3A_310 = arith.constant 0 : i32
        %dma_wait3A_311 = arith.constant 0 : i32
        %dma_wait3A_312 = tpu.memref_slice %arg8[%dma_wait3A_310, %dma_wait3A_311] : memref<10240x64xf32, #tpu.memory_space<vmem_shared>> -> memref<10240x64xf32, #tpu.memory_space<vmem_shared>>
        tpu.wait_indirect_dma semaphore(%arg23 : memref<!tpu.dma_semaphore, #tpu.memory_space<semaphore_mem>>) src(%arg13 : memref<80x64xf32, #tpu.memory_space<vmem>>) dst(%dma_wait3A_312 : memref<10240x64xf32, #tpu.memory_space<vmem_shared>>)
        %add3A_313 = arith.constant 4 : i32
        %add3A_314 = arith.addi %add3A_182, %add3A_313 : i32
        %add3A_315 = arith.constant 5 : i32
        %add3A_316 = arith.addi %add3A_314, %add3A_315 : i32
        %dma_start3A_317 = arith.constant 0 : i32
        %dma_start3A_318 = tpu.memref_slice %arg6[%add3A_316, %dma_start3A_317] : memref<125x80xi32, #tpu.memory_space<vmem>> -> memref<1x80xi32, #tpu.memory_space<vmem>>
        %dma_start3A_319 = tpu.memref_squeeze %dma_start3A_318 : memref<1x80xi32, #tpu.memory_space<vmem>> -> memref<80xi32, #tpu.memory_space<vmem>>
        %dma_start3A_320 = arith.constant 0 : i32
        %dma_start3A_321 = arith.constant 0 : i32
        %dma_start3A_322 = tpu.memref_slice %arg2[%dma_start3A_320, %dma_start3A_321] : memref<20000x64xf32, #tpu.memory_space<hbm>> -> memref<20000x64xf32, #tpu.memory_space<hbm>>
        tpu.enqueue_indirect_dma source(%dma_start3A_322 : memref<20000x64xf32, #tpu.memory_space<hbm>>) target(%arg13 : memref<80x64xf32, #tpu.memory_space<vmem>>) offsets(%dma_start3A_319 : memref<80xi32, #tpu.memory_space<vmem>>) semaphore(%arg18 : memref<!tpu.dma_semaphore, #tpu.memory_space<semaphore_mem>>)
      } else {
      }
    }
    %scan3A_48 = arith.constant 25 : i32
    %dma_wait3A = arith.constant 120 : i32
    %dma_wait3A_49 = arith.constant 0 : i32
    %dma_wait3A_50 = tpu.memref_slice %arg7[%dma_wait3A, %dma_wait3A_49] : memref<125x80xi32, #tpu.memory_space<vmem>> -> memref<1x80xi32, #tpu.memory_space<vmem>>
    %dma_wait3A_51 = tpu.memref_squeeze %dma_wait3A_50 : memref<1x80xi32, #tpu.memory_space<vmem>> -> memref<80xi32, #tpu.memory_space<vmem>>
    %dma_wait3A_52 = arith.constant 0 : i32
    %dma_wait3A_53 = arith.constant 0 : i32
    %dma_wait3A_54 = tpu.memref_slice %arg8[%dma_wait3A_52, %dma_wait3A_53] : memref<10240x64xf32, #tpu.memory_space<vmem_shared>> -> memref<10240x64xf32, #tpu.memory_space<vmem_shared>>
    tpu.wait_indirect_dma semaphore(%arg19 : memref<!tpu.dma_semaphore, #tpu.memory_space<semaphore_mem>>) src(%arg9 : memref<80x64xf32, #tpu.memory_space<vmem>>) dst(%dma_wait3A_54 : memref<10240x64xf32, #tpu.memory_space<vmem_shared>>)
    %dma_wait3A_55 = arith.constant 121 : i32
    %dma_wait3A_56 = arith.constant 0 : i32
    %dma_wait3A_57 = tpu.memref_slice %arg7[%dma_wait3A_55, %dma_wait3A_56] : memref<125x80xi32, #tpu.memory_space<vmem>> -> memref<1x80xi32, #tpu.memory_space<vmem>>
    %dma_wait3A_58 = tpu.memref_squeeze %dma_wait3A_57 : memref<1x80xi32, #tpu.memory_space<vmem>> -> memref<80xi32, #tpu.memory_space<vmem>>
    %dma_wait3A_59 = arith.constant 0 : i32
    %dma_wait3A_60 = arith.constant 0 : i32
    %dma_wait3A_61 = tpu.memref_slice %arg8[%dma_wait3A_59, %dma_wait3A_60] : memref<10240x64xf32, #tpu.memory_space<vmem_shared>> -> memref<10240x64xf32, #tpu.memory_space<vmem_shared>>
    tpu.wait_indirect_dma semaphore(%arg20 : memref<!tpu.dma_semaphore, #tpu.memory_space<semaphore_mem>>) src(%arg10 : memref<80x64xf32, #tpu.memory_space<vmem>>) dst(%dma_wait3A_61 : memref<10240x64xf32, #tpu.memory_space<vmem_shared>>)
    %dma_wait3A_62 = arith.constant 122 : i32
    %dma_wait3A_63 = arith.constant 0 : i32
    %dma_wait3A_64 = tpu.memref_slice %arg7[%dma_wait3A_62, %dma_wait3A_63] : memref<125x80xi32, #tpu.memory_space<vmem>> -> memref<1x80xi32, #tpu.memory_space<vmem>>
    %dma_wait3A_65 = tpu.memref_squeeze %dma_wait3A_64 : memref<1x80xi32, #tpu.memory_space<vmem>> -> memref<80xi32, #tpu.memory_space<vmem>>
    %dma_wait3A_66 = arith.constant 0 : i32
    %dma_wait3A_67 = arith.constant 0 : i32
    %dma_wait3A_68 = tpu.memref_slice %arg8[%dma_wait3A_66, %dma_wait3A_67] : memref<10240x64xf32, #tpu.memory_space<vmem_shared>> -> memref<10240x64xf32, #tpu.memory_space<vmem_shared>>
    tpu.wait_indirect_dma semaphore(%arg21 : memref<!tpu.dma_semaphore, #tpu.memory_space<semaphore_mem>>) src(%arg11 : memref<80x64xf32, #tpu.memory_space<vmem>>) dst(%dma_wait3A_68 : memref<10240x64xf32, #tpu.memory_space<vmem_shared>>)
    %dma_wait3A_69 = arith.constant 123 : i32
    %dma_wait3A_70 = arith.constant 0 : i32
    %dma_wait3A_71 = tpu.memref_slice %arg7[%dma_wait3A_69, %dma_wait3A_70] : memref<125x80xi32, #tpu.memory_space<vmem>> -> memref<1x80xi32, #tpu.memory_space<vmem>>
    %dma_wait3A_72 = tpu.memref_squeeze %dma_wait3A_71 : memref<1x80xi32, #tpu.memory_space<vmem>> -> memref<80xi32, #tpu.memory_space<vmem>>
    %dma_wait3A_73 = arith.constant 0 : i32
    %dma_wait3A_74 = arith.constant 0 : i32
    %dma_wait3A_75 = tpu.memref_slice %arg8[%dma_wait3A_73, %dma_wait3A_74] : memref<10240x64xf32, #tpu.memory_space<vmem_shared>> -> memref<10240x64xf32, #tpu.memory_space<vmem_shared>>
    tpu.wait_indirect_dma semaphore(%arg22 : memref<!tpu.dma_semaphore, #tpu.memory_space<semaphore_mem>>) src(%arg12 : memref<80x64xf32, #tpu.memory_space<vmem>>) dst(%dma_wait3A_75 : memref<10240x64xf32, #tpu.memory_space<vmem_shared>>)
    %dma_wait3A_76 = arith.constant 124 : i32
    %dma_wait3A_77 = arith.constant 0 : i32
    %dma_wait3A_78 = tpu.memref_slice %arg7[%dma_wait3A_76, %dma_wait3A_77] : memref<125x80xi32, #tpu.memory_space<vmem>> -> memref<1x80xi32, #tpu.memory_space<vmem>>
    %dma_wait3A_79 = tpu.memref_squeeze %dma_wait3A_78 : memref<1x80xi32, #tpu.memory_space<vmem>> -> memref<80xi32, #tpu.memory_space<vmem>>
    %dma_wait3A_80 = arith.constant 0 : i32
    %dma_wait3A_81 = arith.constant 0 : i32
    %dma_wait3A_82 = tpu.memref_slice %arg8[%dma_wait3A_80, %dma_wait3A_81] : memref<10240x64xf32, #tpu.memory_space<vmem_shared>> -> memref<10240x64xf32, #tpu.memory_space<vmem_shared>>
    tpu.wait_indirect_dma semaphore(%arg23 : memref<!tpu.dma_semaphore, #tpu.memory_space<semaphore_mem>>) src(%arg13 : memref<80x64xf32, #tpu.memory_space<vmem>>) dst(%dma_wait3A_82 : memref<10240x64xf32, #tpu.memory_space<vmem_shared>>)
    %barrier3A_83 = arith.constant 0 : index
    tpu.barrier barrier_id(%barrier3A_83)
    %mul3A_84 = arith.constant 640 : i32
    %mul3A_85 = arith.muli %arg1, %mul3A_84 : i32
    %mul3A_86 = arith.constant 640 : i32
    %mul3A_87 = arith.muli %arg1, %mul3A_86 : i32
    "tpu.region"() ({
      %run_scoped3A_178 = tpu.sem_alloc : memref<!tpu.dma_semaphore, #tpu.memory_space<semaphore_mem>>
      %dma_start3A_179 = arith.constant 0 : i32
      %dma_start3A_180 = tpu.memref_slice %arg5[%arg0, %mul3A_87, %dma_start3A_179] : memref<2x10240x128xf32, #tpu.memory_space<hbm>> -> memref<1x640x64xf32, #tpu.memory_space<hbm>>
      %dma_start3A_181 = tpu.memref_squeeze %dma_start3A_180 : memref<1x640x64xf32, #tpu.memory_space<hbm>> -> memref<640x64xf32, #tpu.memory_space<hbm>>
      %dma_start3A_182 = arith.constant 0 : i32
      %dma_start3A_183 = tpu.memref_slice %arg8[%mul3A_85, %dma_start3A_182] : memref<10240x64xf32, #tpu.memory_space<vmem_shared>> -> memref<640x64xf32, #tpu.memory_space<vmem_shared>>
      tpu.enqueue_dma source(%dma_start3A_183 : memref<640x64xf32, #tpu.memory_space<vmem_shared>>) target(%dma_start3A_181 : memref<640x64xf32, #tpu.memory_space<hbm>>) target_semaphore(%run_scoped3A_178 : memref<!tpu.dma_semaphore, #tpu.memory_space<semaphore_mem>>)
      %dma_wait3A_184 = arith.constant 0 : i32
      %dma_wait3A_185 = tpu.memref_slice %arg5[%arg0, %mul3A_87, %dma_wait3A_184] : memref<2x10240x128xf32, #tpu.memory_space<hbm>> -> memref<1x640x64xf32, #tpu.memory_space<hbm>>
      %dma_wait3A_186 = tpu.memref_squeeze %dma_wait3A_185 : memref<1x640x64xf32, #tpu.memory_space<hbm>> -> memref<640x64xf32, #tpu.memory_space<hbm>>
      %dma_wait3A_187 = arith.constant 0 : i32
      %dma_wait3A_188 = tpu.memref_slice %arg8[%mul3A_85, %dma_wait3A_187] : memref<10240x64xf32, #tpu.memory_space<vmem_shared>> -> memref<640x64xf32, #tpu.memory_space<vmem_shared>>
      tpu.wait_dma2 semaphore(%run_scoped3A_178 : memref<!tpu.dma_semaphore, #tpu.memory_space<semaphore_mem>>) src(%dma_wait3A_188 : memref<640x64xf32, #tpu.memory_space<vmem_shared>>) dst(%dma_wait3A_186 : memref<640x64xf32, #tpu.memory_space<hbm>>)
      tpu.yield
    }) : () -> ()
    %scan3A_88 = arith.constant 0 : i32
    %scan3A_89 = arith.constant 125 : i32
    %scan3A_90 = arith.addi %scan3A_88, %scan3A_89 : i32
    %scan3A_91 = arith.constant 1 : i32
    scf.for %scan3A_178 = %scan3A_88 to %scan3A_90 step %scan3A_91  : i32 {
      %mul3A_179 = arith.constant 1 : i32
      %mul3A_180 = arith.muli %scan3A_178, %mul3A_179 : i32
      %add3A_181 = arith.constant 0 : i32
      %add3A_182 = arith.addi %add3A_181, %mul3A_180 : i32
      %get3A = arith.index_cast %add3A_182 : i32 to index
      %get3A_183 = arith.constant 0 : index
      %get3A_184 = tpu.vector_load %arg6[%get3A, %get3A_183] {strides = array<i32>} : memref<125x80xi32, #tpu.memory_space<vmem>>, vector<1x16xi32>,
      %get3A_185 = vector.shape_cast %get3A_184 : vector<1x16xi32> to vector<16xi32>
      %add3A_186 = arith.constant 1 : i32
      %add3A_187 = vector.broadcast %add3A_186 : i32 to vector<16xi32>
      %add3A_188 = arith.addi %get3A_185, %add3A_187 : vector<16xi32>
      %swap3A = arith.index_cast %add3A_182 : i32 to index
      %swap3A_189 = arith.constant 0 : index
      %swap3A_190 = tpu.vector_load %arg6[%swap3A, %swap3A_189] {strides = array<i32>} : memref<125x80xi32, #tpu.memory_space<vmem>>, vector<1x16xi32>,
      %swap3A_191 = vector.shape_cast %swap3A_190 : vector<1x16xi32> to vector<16xi32>
      %swap3A_192 = vector.shape_cast %add3A_188 : vector<16xi32> to vector<1x16xi32>
      tpu.vector_store %arg6[%swap3A, %swap3A_189], %swap3A_192 {strides = array<i32>} : memref<125x80xi32, #tpu.memory_space<vmem>>, vector<1x16xi32>,
      %get3A_193 = arith.index_cast %add3A_182 : i32 to index
      %get3A_194 = arith.constant 16 : index
      %get3A_195 = tpu.vector_load %arg6[%get3A_193, %get3A_194] {strides = array<i32>} : memref<125x80xi32, #tpu.memory_space<vmem>>, vector<1x16xi32>,
      %get3A_196 = vector.shape_cast %get3A_195 : vector<1x16xi32> to vector<16xi32>
      %add3A_197 = arith.constant 1 : i32
      %add3A_198 = vector.broadcast %add3A_197 : i32 to vector<16xi32>
      %add3A_199 = arith.addi %get3A_196, %add3A_198 : vector<16xi32>
      %swap3A_200 = arith.index_cast %add3A_182 : i32 to index
      %swap3A_201 = arith.constant 16 : index
      %swap3A_202 = tpu.vector_load %arg6[%swap3A_200, %swap3A_201] {strides = array<i32>} : memref<125x80xi32, #tpu.memory_space<vmem>>, vector<1x16xi32>,
      %swap3A_203 = vector.shape_cast %swap3A_202 : vector<1x16xi32> to vector<16xi32>
      %swap3A_204 = vector.shape_cast %add3A_199 : vector<16xi32> to vector<1x16xi32>
      tpu.vector_store %arg6[%swap3A_200, %swap3A_201], %swap3A_204 {strides = array<i32>} : memref<125x80xi32, #tpu.memory_space<vmem>>, vector<1x16xi32>,
      %get3A_205 = arith.index_cast %add3A_182 : i32 to index
      %get3A_206 = arith.constant 32 : index
      %get3A_207 = tpu.vector_load %arg6[%get3A_205, %get3A_206] {strides = array<i32>} : memref<125x80xi32, #tpu.memory_space<vmem>>, vector<1x16xi32>,
      %get3A_208 = vector.shape_cast %get3A_207 : vector<1x16xi32> to vector<16xi32>
      %add3A_209 = arith.constant 1 : i32
      %add3A_210 = vector.broadcast %add3A_209 : i32 to vector<16xi32>
      %add3A_211 = arith.addi %get3A_208, %add3A_210 : vector<16xi32>
      %swap3A_212 = arith.index_cast %add3A_182 : i32 to index
      %swap3A_213 = arith.constant 32 : index
      %swap3A_214 = tpu.vector_load %arg6[%swap3A_212, %swap3A_213] {strides = array<i32>} : memref<125x80xi32, #tpu.memory_space<vmem>>, vector<1x16xi32>,
      %swap3A_215 = vector.shape_cast %swap3A_214 : vector<1x16xi32> to vector<16xi32>
      %swap3A_216 = vector.shape_cast %add3A_211 : vector<16xi32> to vector<1x16xi32>
      tpu.vector_store %arg6[%swap3A_212, %swap3A_213], %swap3A_216 {strides = array<i32>} : memref<125x80xi32, #tpu.memory_space<vmem>>, vector<1x16xi32>,
      %get3A_217 = arith.index_cast %add3A_182 : i32 to index
      %get3A_218 = arith.constant 48 : index
      %get3A_219 = tpu.vector_load %arg6[%get3A_217, %get3A_218] {strides = array<i32>} : memref<125x80xi32, #tpu.memory_space<vmem>>, vector<1x16xi32>,
      %get3A_220 = vector.shape_cast %get3A_219 : vector<1x16xi32> to vector<16xi32>
      %add3A_221 = arith.constant 1 : i32
      %add3A_222 = vector.broadcast %add3A_221 : i32 to vector<16xi32>
      %add3A_223 = arith.addi %get3A_220, %add3A_222 : vector<16xi32>
      %swap3A_224 = arith.index_cast %add3A_182 : i32 to index
      %swap3A_225 = arith.constant 48 : index
      %swap3A_226 = tpu.vector_load %arg6[%swap3A_224, %swap3A_225] {strides = array<i32>} : memref<125x80xi32, #tpu.memory_space<vmem>>, vector<1x16xi32>,
      %swap3A_227 = vector.shape_cast %swap3A_226 : vector<1x16xi32> to vector<16xi32>
      %swap3A_228 = vector.shape_cast %add3A_223 : vector<16xi32> to vector<1x16xi32>
      tpu.vector_store %arg6[%swap3A_224, %swap3A_225], %swap3A_228 {strides = array<i32>} : memref<125x80xi32, #tpu.memory_space<vmem>>, vector<1x16xi32>,
      %get3A_229 = arith.index_cast %add3A_182 : i32 to index
      %get3A_230 = arith.constant 64 : index
      %get3A_231 = tpu.vector_load %arg6[%get3A_229, %get3A_230] {strides = array<i32>} : memref<125x80xi32, #tpu.memory_space<vmem>>, vector<1x16xi32>,
      %get3A_232 = vector.shape_cast %get3A_231 : vector<1x16xi32> to vector<16xi32>
      %add3A_233 = arith.constant 1 : i32
      %add3A_234 = vector.broadcast %add3A_233 : i32 to vector<16xi32>
      %add3A_235 = arith.addi %get3A_232, %add3A_234 : vector<16xi32>
      %swap3A_236 = arith.index_cast %add3A_182 : i32 to index
      %swap3A_237 = arith.constant 64 : index
      %swap3A_238 = tpu.vector_load %arg6[%swap3A_236, %swap3A_237] {strides = array<i32>} : memref<125x80xi32, #tpu.memory_space<vmem>>, vector<1x16xi32>,
      %swap3A_239 = vector.shape_cast %swap3A_238 : vector<1x16xi32> to vector<16xi32>
      %swap3A_240 = vector.shape_cast %add3A_235 : vector<16xi32> to vector<1x16xi32>
      tpu.vector_store %arg6[%swap3A_236, %swap3A_237], %swap3A_240 {strides = array<i32>} : memref<125x80xi32, #tpu.memory_space<vmem>>, vector<1x16xi32>,
    }
    %scan3A_92 = arith.constant 125 : i32
    %mul3A_93 = arith.constant 640 : i32
    %mul3A_94 = arith.muli %arg1, %mul3A_93 : i32
    %mul3A_95 = arith.constant 640 : i32
    %mul3A_96 = arith.muli %arg1, %mul3A_95 : i32
    "tpu.region"() ({
      %run_scoped3A_178 = tpu.sem_alloc : memref<!tpu.dma_semaphore, #tpu.memory_space<semaphore_mem>>
      %dma_start3A_179 = arith.constant 0 : i32
      %dma_start3A_180 = tpu.memref_slice %arg8[%mul3A_96, %dma_start3A_179] : memref<10240x64xf32, #tpu.memory_space<vmem_shared>> -> memref<640x64xf32, #tpu.memory_space<vmem_shared>>
      %dma_start3A_181 = arith.constant 0 : i32
      %dma_start3A_182 = tpu.memref_slice %arg4[%mul3A_94, %dma_start3A_181] : memref<10240x64xf32, #tpu.memory_space<hbm>> -> memref<640x64xf32, #tpu.memory_space<hbm>>
      tpu.enqueue_dma source(%dma_start3A_182 : memref<640x64xf32, #tpu.memory_space<hbm>>) target(%dma_start3A_180 : memref<640x64xf32, #tpu.memory_space<vmem_shared>>) target_semaphore(%run_scoped3A_178 : memref<!tpu.dma_semaphore, #tpu.memory_space<semaphore_mem>>)
      %dma_wait3A_183 = arith.constant 0 : i32
      %dma_wait3A_184 = tpu.memref_slice %arg8[%mul3A_96, %dma_wait3A_183] : memref<10240x64xf32, #tpu.memory_space<vmem_shared>> -> memref<640x64xf32, #tpu.memory_space<vmem_shared>>
      %dma_wait3A_185 = arith.constant 0 : i32
      %dma_wait3A_186 = tpu.memref_slice %arg4[%mul3A_94, %dma_wait3A_185] : memref<10240x64xf32, #tpu.memory_space<hbm>> -> memref<640x64xf32, #tpu.memory_space<hbm>>
      tpu.wait_dma2 semaphore(%run_scoped3A_178 : memref<!tpu.dma_semaphore, #tpu.memory_space<semaphore_mem>>) src(%dma_wait3A_186 : memref<640x64xf32, #tpu.memory_space<hbm>>) dst(%dma_wait3A_184 : memref<640x64xf32, #tpu.memory_space<vmem_shared>>)
      tpu.yield
    }) : () -> ()
    %barrier3A_97 = arith.constant 0 : index
    tpu.barrier barrier_id(%barrier3A_97)
    %dma_start3A_98 = arith.constant 0 : i32
    %dma_start3A_99 = arith.constant 0 : i32
    %dma_start3A_100 = tpu.memref_slice %arg6[%dma_start3A_98, %dma_start3A_99] : memref<125x80xi32, #tpu.memory_space<vmem>> -> memref<1x80xi32, #tpu.memory_space<vmem>>
    %dma_start3A_101 = tpu.memref_squeeze %dma_start3A_100 : memref<1x80xi32, #tpu.memory_space<vmem>> -> memref<80xi32, #tpu.memory_space<vmem>>
    %dma_start3A_102 = arith.constant 0 : i32
    %dma_start3A_103 = arith.constant 0 : i32
    %dma_start3A_104 = tpu.memref_slice %arg2[%dma_start3A_102, %dma_start3A_103] : memref<20000x64xf32, #tpu.memory_space<hbm>> -> memref<20000x64xf32, #tpu.memory_space<hbm>>
    tpu.enqueue_indirect_dma source(%dma_start3A_104 : memref<20000x64xf32, #tpu.memory_space<hbm>>) target(%arg9 : memref<80x64xf32, #tpu.memory_space<vmem>>) offsets(%dma_start3A_101 : memref<80xi32, #tpu.memory_space<vmem>>) semaphore(%arg14 : memref<!tpu.dma_semaphore, #tpu.memory_space<semaphore_mem>>)
    %dma_start3A_105 = arith.constant 1 : i32
    %dma_start3A_106 = arith.constant 0 : i32
    %dma_start3A_107 = tpu.memref_slice %arg6[%dma_start3A_105, %dma_start3A_106] : memref<125x80xi32, #tpu.memory_space<vmem>> -> memref<1x80xi32, #tpu.memory_space<vmem>>
    %dma_start3A_108 = tpu.memref_squeeze %dma_start3A_107 : memref<1x80xi32, #tpu.memory_space<vmem>> -> memref<80xi32, #tpu.memory_space<vmem>>
    %dma_start3A_109 = arith.constant 0 : i32
    %dma_start3A_110 = arith.constant 0 : i32
    %dma_start3A_111 = tpu.memref_slice %arg2[%dma_start3A_109, %dma_start3A_110] : memref<20000x64xf32, #tpu.memory_space<hbm>> -> memref<20000x64xf32, #tpu.memory_space<hbm>>
    tpu.enqueue_indirect_dma source(%dma_start3A_111 : memref<20000x64xf32, #tpu.memory_space<hbm>>) target(%arg10 : memref<80x64xf32, #tpu.memory_space<vmem>>) offsets(%dma_start3A_108 : memref<80xi32, #tpu.memory_space<vmem>>) semaphore(%arg15 : memref<!tpu.dma_semaphore, #tpu.memory_space<semaphore_mem>>)
    %dma_start3A_112 = arith.constant 2 : i32
    %dma_start3A_113 = arith.constant 0 : i32
    %dma_start3A_114 = tpu.memref_slice %arg6[%dma_start3A_112, %dma_start3A_113] : memref<125x80xi32, #tpu.memory_space<vmem>> -> memref<1x80xi32, #tpu.memory_space<vmem>>
    %dma_start3A_115 = tpu.memref_squeeze %dma_start3A_114 : memref<1x80xi32, #tpu.memory_space<vmem>> -> memref<80xi32, #tpu.memory_space<vmem>>
    %dma_start3A_116 = arith.constant 0 : i32
    %dma_start3A_117 = arith.constant 0 : i32
    %dma_start3A_118 = tpu.memref_slice %arg2[%dma_start3A_116, %dma_start3A_117] : memref<20000x64xf32, #tpu.memory_space<hbm>> -> memref<20000x64xf32, #tpu.memory_space<hbm>>
    tpu.enqueue_indirect_dma source(%dma_start3A_118 : memref<20000x64xf32, #tpu.memory_space<hbm>>) target(%arg11 : memref<80x64xf32, #tpu.memory_space<vmem>>) offsets(%dma_start3A_115 : memref<80xi32, #tpu.memory_space<vmem>>) semaphore(%arg16 : memref<!tpu.dma_semaphore, #tpu.memory_space<semaphore_mem>>)
    %dma_start3A_119 = arith.constant 3 : i32
    %dma_start3A_120 = arith.constant 0 : i32
    %dma_start3A_121 = tpu.memref_slice %arg6[%dma_start3A_119, %dma_start3A_120] : memref<125x80xi32, #tpu.memory_space<vmem>> -> memref<1x80xi32, #tpu.memory_space<vmem>>
    %dma_start3A_122 = tpu.memref_squeeze %dma_start3A_121 : memref<1x80xi32, #tpu.memory_space<vmem>> -> memref<80xi32, #tpu.memory_space<vmem>>
    %dma_start3A_123 = arith.constant 0 : i32
    %dma_start3A_124 = arith.constant 0 : i32
    %dma_start3A_125 = tpu.memref_slice %arg2[%dma_start3A_123, %dma_start3A_124] : memref<20000x64xf32, #tpu.memory_space<hbm>> -> memref<20000x64xf32, #tpu.memory_space<hbm>>
    tpu.enqueue_indirect_dma source(%dma_start3A_125 : memref<20000x64xf32, #tpu.memory_space<hbm>>) target(%arg12 : memref<80x64xf32, #tpu.memory_space<vmem>>) offsets(%dma_start3A_122 : memref<80xi32, #tpu.memory_space<vmem>>) semaphore(%arg17 : memref<!tpu.dma_semaphore, #tpu.memory_space<semaphore_mem>>)
    %dma_start3A_126 = arith.constant 4 : i32
    %dma_start3A_127 = arith.constant 0 : i32
    %dma_start3A_128 = tpu.memref_slice %arg6[%dma_start3A_126, %dma_start3A_127] : memref<125x80xi32, #tpu.memory_space<vmem>> -> memref<1x80xi32, #tpu.memory_space<vmem>>
    %dma_start3A_129 = tpu.memref_squeeze %dma_start3A_128 : memref<1x80xi32, #tpu.memory_space<vmem>> -> memref<80xi32, #tpu.memory_space<vmem>>
    %dma_start3A_130 = arith.constant 0 : i32
    %dma_start3A_131 = arith.constant 0 : i32
    %dma_start3A_132 = tpu.memref_slice %arg2[%dma_start3A_130, %dma_start3A_131] : memref<20000x64xf32, #tpu.memory_space<hbm>> -> memref<20000x64xf32, #tpu.memory_space<hbm>>
    tpu.enqueue_indirect_dma source(%dma_start3A_132 : memref<20000x64xf32, #tpu.memory_space<hbm>>) target(%arg13 : memref<80x64xf32, #tpu.memory_space<vmem>>) offsets(%dma_start3A_129 : memref<80xi32, #tpu.memory_space<vmem>>) semaphore(%arg18 : memref<!tpu.dma_semaphore, #tpu.memory_space<semaphore_mem>>)
    %scan3A_133 = arith.constant 0 : i32
    %scan3A_134 = arith.constant 25 : i32
    %scan3A_135 = arith.addi %scan3A_133, %scan3A_134 : i32
    %scan3A_136 = arith.constant 1 : i32
    scf.for %scan3A_178 = %scan3A_133 to %scan3A_135 step %scan3A_136  : i32 {
      %mul3A_179 = arith.constant 5 : i32
      %mul3A_180 = arith.muli %scan3A_178, %mul3A_179 : i32
      %add3A_181 = arith.constant 0 : i32
      %add3A_182 = arith.addi %add3A_181, %mul3A_180 : i32
      %add3A_183 = arith.constant 0 : i32
      %add3A_184 = arith.addi %add3A_182, %add3A_183 : i32
      %dma_wait3A_185 = arith.constant 0 : i32
      %dma_wait3A_186 = tpu.memref_slice %arg6[%add3A_184, %dma_wait3A_185] : memref<125x80xi32, #tpu.memory_space<vmem>> -> memref<1x80xi32, #tpu.memory_space<vmem>>
      %dma_wait3A_187 = tpu.memref_squeeze %dma_wait3A_186 : memref<1x80xi32, #tpu.memory_space<vmem>> -> memref<80xi32, #tpu.memory_space<vmem>>
      %dma_wait3A_188 = arith.constant 0 : i32
      %dma_wait3A_189 = arith.constant 0 : i32
      %dma_wait3A_190 = tpu.memref_slice %arg2[%dma_wait3A_188, %dma_wait3A_189] : memref<20000x64xf32, #tpu.memory_space<hbm>> -> memref<20000x64xf32, #tpu.memory_space<hbm>>
      tpu.wait_indirect_dma semaphore(%arg14 : memref<!tpu.dma_semaphore, #tpu.memory_space<semaphore_mem>>) src(%dma_wait3A_190 : memref<20000x64xf32, #tpu.memory_space<hbm>>) dst(%arg9 : memref<80x64xf32, #tpu.memory_space<vmem>>)
      %add3A_191 = arith.constant 0 : i32
      %add3A_192 = arith.addi %add3A_182, %add3A_191 : i32
      %dma_start3A_193 = arith.constant 0 : i32
      %dma_start3A_194 = tpu.memref_slice %arg7[%add3A_192, %dma_start3A_193] : memref<125x80xi32, #tpu.memory_space<vmem>> -> memref<1x80xi32, #tpu.memory_space<vmem>>
      %dma_start3A_195 = tpu.memref_squeeze %dma_start3A_194 : memref<1x80xi32, #tpu.memory_space<vmem>> -> memref<80xi32, #tpu.memory_space<vmem>>
      %dma_start3A_196 = arith.constant 0 : i32
      %dma_start3A_197 = arith.constant 0 : i32
      %dma_start3A_198 = tpu.memref_slice %arg8[%dma_start3A_196, %dma_start3A_197] : memref<10240x64xf32, #tpu.memory_space<vmem_shared>> -> memref<10240x64xf32, #tpu.memory_space<vmem_shared>>
      tpu.enqueue_indirect_dma source(%arg9 : memref<80x64xf32, #tpu.memory_space<vmem>>) target(%dma_start3A_198 : memref<10240x64xf32, #tpu.memory_space<vmem_shared>>) offsets(%dma_start3A_195 : memref<80xi32, #tpu.memory_space<vmem>>) semaphore(%arg19 : memref<!tpu.dma_semaphore, #tpu.memory_space<semaphore_mem>>) {add = true}
      %add3A_199 = arith.constant 1 : i32
      %add3A_200 = arith.addi %add3A_182, %add3A_199 : i32
      %dma_wait3A_201 = arith.constant 0 : i32
      %dma_wait3A_202 = tpu.memref_slice %arg6[%add3A_200, %dma_wait3A_201] : memref<125x80xi32, #tpu.memory_space<vmem>> -> memref<1x80xi32, #tpu.memory_space<vmem>>
      %dma_wait3A_203 = tpu.memref_squeeze %dma_wait3A_202 : memref<1x80xi32, #tpu.memory_space<vmem>> -> memref<80xi32, #tpu.memory_space<vmem>>
      %dma_wait3A_204 = arith.constant 0 : i32
      %dma_wait3A_205 = arith.constant 0 : i32
      %dma_wait3A_206 = tpu.memref_slice %arg2[%dma_wait3A_204, %dma_wait3A_205] : memref<20000x64xf32, #tpu.memory_space<hbm>> -> memref<20000x64xf32, #tpu.memory_space<hbm>>
      tpu.wait_indirect_dma semaphore(%arg15 : memref<!tpu.dma_semaphore, #tpu.memory_space<semaphore_mem>>) src(%dma_wait3A_206 : memref<20000x64xf32, #tpu.memory_space<hbm>>) dst(%arg10 : memref<80x64xf32, #tpu.memory_space<vmem>>)
      %add3A_207 = arith.constant 1 : i32
      %add3A_208 = arith.addi %add3A_182, %add3A_207 : i32
      %dma_start3A_209 = arith.constant 0 : i32
      %dma_start3A_210 = tpu.memref_slice %arg7[%add3A_208, %dma_start3A_209] : memref<125x80xi32, #tpu.memory_space<vmem>> -> memref<1x80xi32, #tpu.memory_space<vmem>>
      %dma_start3A_211 = tpu.memref_squeeze %dma_start3A_210 : memref<1x80xi32, #tpu.memory_space<vmem>> -> memref<80xi32, #tpu.memory_space<vmem>>
      %dma_start3A_212 = arith.constant 0 : i32
      %dma_start3A_213 = arith.constant 0 : i32
      %dma_start3A_214 = tpu.memref_slice %arg8[%dma_start3A_212, %dma_start3A_213] : memref<10240x64xf32, #tpu.memory_space<vmem_shared>> -> memref<10240x64xf32, #tpu.memory_space<vmem_shared>>
      tpu.enqueue_indirect_dma source(%arg10 : memref<80x64xf32, #tpu.memory_space<vmem>>) target(%dma_start3A_214 : memref<10240x64xf32, #tpu.memory_space<vmem_shared>>) offsets(%dma_start3A_211 : memref<80xi32, #tpu.memory_space<vmem>>) semaphore(%arg20 : memref<!tpu.dma_semaphore, #tpu.memory_space<semaphore_mem>>) {add = true}
      %add3A_215 = arith.constant 2 : i32
      %add3A_216 = arith.addi %add3A_182, %add3A_215 : i32
      %dma_wait3A_217 = arith.constant 0 : i32
      %dma_wait3A_218 = tpu.memref_slice %arg6[%add3A_216, %dma_wait3A_217] : memref<125x80xi32, #tpu.memory_space<vmem>> -> memref<1x80xi32, #tpu.memory_space<vmem>>
      %dma_wait3A_219 = tpu.memref_squeeze %dma_wait3A_218 : memref<1x80xi32, #tpu.memory_space<vmem>> -> memref<80xi32, #tpu.memory_space<vmem>>
      %dma_wait3A_220 = arith.constant 0 : i32
      %dma_wait3A_221 = arith.constant 0 : i32
      %dma_wait3A_222 = tpu.memref_slice %arg2[%dma_wait3A_220, %dma_wait3A_221] : memref<20000x64xf32, #tpu.memory_space<hbm>> -> memref<20000x64xf32, #tpu.memory_space<hbm>>
      tpu.wait_indirect_dma semaphore(%arg16 : memref<!tpu.dma_semaphore, #tpu.memory_space<semaphore_mem>>) src(%dma_wait3A_222 : memref<20000x64xf32, #tpu.memory_space<hbm>>) dst(%arg11 : memref<80x64xf32, #tpu.memory_space<vmem>>)
      %add3A_223 = arith.constant 2 : i32
      %add3A_224 = arith.addi %add3A_182, %add3A_223 : i32
      %dma_start3A_225 = arith.constant 0 : i32
      %dma_start3A_226 = tpu.memref_slice %arg7[%add3A_224, %dma_start3A_225] : memref<125x80xi32, #tpu.memory_space<vmem>> -> memref<1x80xi32, #tpu.memory_space<vmem>>
      %dma_start3A_227 = tpu.memref_squeeze %dma_start3A_226 : memref<1x80xi32, #tpu.memory_space<vmem>> -> memref<80xi32, #tpu.memory_space<vmem>>
      %dma_start3A_228 = arith.constant 0 : i32
      %dma_start3A_229 = arith.constant 0 : i32
      %dma_start3A_230 = tpu.memref_slice %arg8[%dma_start3A_228, %dma_start3A_229] : memref<10240x64xf32, #tpu.memory_space<vmem_shared>> -> memref<10240x64xf32, #tpu.memory_space<vmem_shared>>
      tpu.enqueue_indirect_dma source(%arg11 : memref<80x64xf32, #tpu.memory_space<vmem>>) target(%dma_start3A_230 : memref<10240x64xf32, #tpu.memory_space<vmem_shared>>) offsets(%dma_start3A_227 : memref<80xi32, #tpu.memory_space<vmem>>) semaphore(%arg21 : memref<!tpu.dma_semaphore, #tpu.memory_space<semaphore_mem>>) {add = true}
      %add3A_231 = arith.constant 3 : i32
      %add3A_232 = arith.addi %add3A_182, %add3A_231 : i32
      %dma_wait3A_233 = arith.constant 0 : i32
      %dma_wait3A_234 = tpu.memref_slice %arg6[%add3A_232, %dma_wait3A_233] : memref<125x80xi32, #tpu.memory_space<vmem>> -> memref<1x80xi32, #tpu.memory_space<vmem>>
      %dma_wait3A_235 = tpu.memref_squeeze %dma_wait3A_234 : memref<1x80xi32, #tpu.memory_space<vmem>> -> memref<80xi32, #tpu.memory_space<vmem>>
      %dma_wait3A_236 = arith.constant 0 : i32
      %dma_wait3A_237 = arith.constant 0 : i32
      %dma_wait3A_238 = tpu.memref_slice %arg2[%dma_wait3A_236, %dma_wait3A_237] : memref<20000x64xf32, #tpu.memory_space<hbm>> -> memref<20000x64xf32, #tpu.memory_space<hbm>>
      tpu.wait_indirect_dma semaphore(%arg17 : memref<!tpu.dma_semaphore, #tpu.memory_space<semaphore_mem>>) src(%dma_wait3A_238 : memref<20000x64xf32, #tpu.memory_space<hbm>>) dst(%arg12 : memref<80x64xf32, #tpu.memory_space<vmem>>)
      %add3A_239 = arith.constant 3 : i32
      %add3A_240 = arith.addi %add3A_182, %add3A_239 : i32
      %dma_start3A_241 = arith.constant 0 : i32
      %dma_start3A_242 = tpu.memref_slice %arg7[%add3A_240, %dma_start3A_241] : memref<125x80xi32, #tpu.memory_space<vmem>> -> memref<1x80xi32, #tpu.memory_space<vmem>>
      %dma_start3A_243 = tpu.memref_squeeze %dma_start3A_242 : memref<1x80xi32, #tpu.memory_space<vmem>> -> memref<80xi32, #tpu.memory_space<vmem>>
      %dma_start3A_244 = arith.constant 0 : i32
      %dma_start3A_245 = arith.constant 0 : i32
      %dma_start3A_246 = tpu.memref_slice %arg8[%dma_start3A_244, %dma_start3A_245] : memref<10240x64xf32, #tpu.memory_space<vmem_shared>> -> memref<10240x64xf32, #tpu.memory_space<vmem_shared>>
      tpu.enqueue_indirect_dma source(%arg12 : memref<80x64xf32, #tpu.memory_space<vmem>>) target(%dma_start3A_246 : memref<10240x64xf32, #tpu.memory_space<vmem_shared>>) offsets(%dma_start3A_243 : memref<80xi32, #tpu.memory_space<vmem>>) semaphore(%arg22 : memref<!tpu.dma_semaphore, #tpu.memory_space<semaphore_mem>>) {add = true}
      %add3A_247 = arith.constant 4 : i32
      %add3A_248 = arith.addi %add3A_182, %add3A_247 : i32
      %dma_wait3A_249 = arith.constant 0 : i32
      %dma_wait3A_250 = tpu.memref_slice %arg6[%add3A_248, %dma_wait3A_249] : memref<125x80xi32, #tpu.memory_space<vmem>> -> memref<1x80xi32, #tpu.memory_space<vmem>>
      %dma_wait3A_251 = tpu.memref_squeeze %dma_wait3A_250 : memref<1x80xi32, #tpu.memory_space<vmem>> -> memref<80xi32, #tpu.memory_space<vmem>>
      %dma_wait3A_252 = arith.constant 0 : i32
      %dma_wait3A_253 = arith.constant 0 : i32
      %dma_wait3A_254 = tpu.memref_slice %arg2[%dma_wait3A_252, %dma_wait3A_253] : memref<20000x64xf32, #tpu.memory_space<hbm>> -> memref<20000x64xf32, #tpu.memory_space<hbm>>
      tpu.wait_indirect_dma semaphore(%arg18 : memref<!tpu.dma_semaphore, #tpu.memory_space<semaphore_mem>>) src(%dma_wait3A_254 : memref<20000x64xf32, #tpu.memory_space<hbm>>) dst(%arg13 : memref<80x64xf32, #tpu.memory_space<vmem>>)
      %add3A_255 = arith.constant 4 : i32
      %add3A_256 = arith.addi %add3A_182, %add3A_255 : i32
      %dma_start3A_257 = arith.constant 0 : i32
      %dma_start3A_258 = tpu.memref_slice %arg7[%add3A_256, %dma_start3A_257] : memref<125x80xi32, #tpu.memory_space<vmem>> -> memref<1x80xi32, #tpu.memory_space<vmem>>
      %dma_start3A_259 = tpu.memref_squeeze %dma_start3A_258 : memref<1x80xi32, #tpu.memory_space<vmem>> -> memref<80xi32, #tpu.memory_space<vmem>>
      %dma_start3A_260 = arith.constant 0 : i32
      %dma_start3A_261 = arith.constant 0 : i32
      %dma_start3A_262 = tpu.memref_slice %arg8[%dma_start3A_260, %dma_start3A_261] : memref<10240x64xf32, #tpu.memory_space<vmem_shared>> -> memref<10240x64xf32, #tpu.memory_space<vmem_shared>>
      tpu.enqueue_indirect_dma source(%arg13 : memref<80x64xf32, #tpu.memory_space<vmem>>) target(%dma_start3A_262 : memref<10240x64xf32, #tpu.memory_space<vmem_shared>>) offsets(%dma_start3A_259 : memref<80xi32, #tpu.memory_space<vmem>>) semaphore(%arg23 : memref<!tpu.dma_semaphore, #tpu.memory_space<semaphore_mem>>) {add = true}
      %add3A_263 = arith.constant 0 : i32
      %add3A_264 = arith.addi %add3A_182, %add3A_263 : i32
      %add3A_265 = arith.constant 5 : i32
      %add3A_266 = arith.addi %add3A_264, %add3A_265 : i32
      %lt3A = arith.constant 125 : i32
      %lt3A_267 = arith.cmpi slt, %add3A_266, %lt3A : i32
      %convert_element_type3A = arith.extui %lt3A_267 : i1 to i32
      %cond3A = arith.constant 0 : i32
      %cond3A_268 = arith.cmpi ne, %convert_element_type3A, %cond3A : i32
      scf.if %cond3A_268 {
        %add3A_305 = arith.constant 0 : i32
        %add3A_306 = arith.addi %add3A_182, %add3A_305 : i32
        %dma_wait3A_307 = arith.constant 0 : i32
        %dma_wait3A_308 = tpu.memref_slice %arg7[%add3A_306, %dma_wait3A_307] : memref<125x80xi32, #tpu.memory_space<vmem>> -> memref<1x80xi32, #tpu.memory_space<vmem>>
        %dma_wait3A_309 = tpu.memref_squeeze %dma_wait3A_308 : memref<1x80xi32, #tpu.memory_space<vmem>> -> memref<80xi32, #tpu.memory_space<vmem>>
        %dma_wait3A_310 = arith.constant 0 : i32
        %dma_wait3A_311 = arith.constant 0 : i32
        %dma_wait3A_312 = tpu.memref_slice %arg8[%dma_wait3A_310, %dma_wait3A_311] : memref<10240x64xf32, #tpu.memory_space<vmem_shared>> -> memref<10240x64xf32, #tpu.memory_space<vmem_shared>>
        tpu.wait_indirect_dma semaphore(%arg19 : memref<!tpu.dma_semaphore, #tpu.memory_space<semaphore_mem>>) src(%arg9 : memref<80x64xf32, #tpu.memory_space<vmem>>) dst(%dma_wait3A_312 : memref<10240x64xf32, #tpu.memory_space<vmem_shared>>)
        %add3A_313 = arith.constant 0 : i32
        %add3A_314 = arith.addi %add3A_182, %add3A_313 : i32
        %add3A_315 = arith.constant 5 : i32
        %add3A_316 = arith.addi %add3A_314, %add3A_315 : i32
        %dma_start3A_317 = arith.constant 0 : i32
        %dma_start3A_318 = tpu.memref_slice %arg6[%add3A_316, %dma_start3A_317] : memref<125x80xi32, #tpu.memory_space<vmem>> -> memref<1x80xi32, #tpu.memory_space<vmem>>
        %dma_start3A_319 = tpu.memref_squeeze %dma_start3A_318 : memref<1x80xi32, #tpu.memory_space<vmem>> -> memref<80xi32, #tpu.memory_space<vmem>>
        %dma_start3A_320 = arith.constant 0 : i32
        %dma_start3A_321 = arith.constant 0 : i32
        %dma_start3A_322 = tpu.memref_slice %arg2[%dma_start3A_320, %dma_start3A_321] : memref<20000x64xf32, #tpu.memory_space<hbm>> -> memref<20000x64xf32, #tpu.memory_space<hbm>>
        tpu.enqueue_indirect_dma source(%dma_start3A_322 : memref<20000x64xf32, #tpu.memory_space<hbm>>) target(%arg9 : memref<80x64xf32, #tpu.memory_space<vmem>>) offsets(%dma_start3A_319 : memref<80xi32, #tpu.memory_space<vmem>>) semaphore(%arg14 : memref<!tpu.dma_semaphore, #tpu.memory_space<semaphore_mem>>)
      } else {
      }
      %add3A_269 = arith.constant 1 : i32
      %add3A_270 = arith.addi %add3A_182, %add3A_269 : i32
      %add3A_271 = arith.constant 5 : i32
      %add3A_272 = arith.addi %add3A_270, %add3A_271 : i32
      %lt3A_273 = arith.constant 125 : i32
      %lt3A_274 = arith.cmpi slt, %add3A_272, %lt3A_273 : i32
      %convert_element_type3A_275 = arith.extui %lt3A_274 : i1 to i32
      %cond3A_276 = arith.constant 0 : i32
      %cond3A_277 = arith.cmpi ne, %convert_element_type3A_275, %cond3A_276 : i32
      scf.if %cond3A_277 {
        %add3A_305 = arith.constant 1 : i32
        %add3A_306 = arith.addi %add3A_182, %add3A_305 : i32
        %dma_wait3A_307 = arith.constant 0 : i32
        %dma_wait3A_308 = tpu.memref_slice %arg7[%add3A_306, %dma_wait3A_307] : memref<125x80xi32, #tpu.memory_space<vmem>> -> memref<1x80xi32, #tpu.memory_space<vmem>>
        %dma_wait3A_309 = tpu.memref_squeeze %dma_wait3A_308 : memref<1x80xi32, #tpu.memory_space<vmem>> -> memref<80xi32, #tpu.memory_space<vmem>>
        %dma_wait3A_310 = arith.constant 0 : i32
        %dma_wait3A_311 = arith.constant 0 : i32
        %dma_wait3A_312 = tpu.memref_slice %arg8[%dma_wait3A_310, %dma_wait3A_311] : memref<10240x64xf32, #tpu.memory_space<vmem_shared>> -> memref<10240x64xf32, #tpu.memory_space<vmem_shared>>
        tpu.wait_indirect_dma semaphore(%arg20 : memref<!tpu.dma_semaphore, #tpu.memory_space<semaphore_mem>>) src(%arg10 : memref<80x64xf32, #tpu.memory_space<vmem>>) dst(%dma_wait3A_312 : memref<10240x64xf32, #tpu.memory_space<vmem_shared>>)
        %add3A_313 = arith.constant 1 : i32
        %add3A_314 = arith.addi %add3A_182, %add3A_313 : i32
        %add3A_315 = arith.constant 5 : i32
        %add3A_316 = arith.addi %add3A_314, %add3A_315 : i32
        %dma_start3A_317 = arith.constant 0 : i32
        %dma_start3A_318 = tpu.memref_slice %arg6[%add3A_316, %dma_start3A_317] : memref<125x80xi32, #tpu.memory_space<vmem>> -> memref<1x80xi32, #tpu.memory_space<vmem>>
        %dma_start3A_319 = tpu.memref_squeeze %dma_start3A_318 : memref<1x80xi32, #tpu.memory_space<vmem>> -> memref<80xi32, #tpu.memory_space<vmem>>
        %dma_start3A_320 = arith.constant 0 : i32
        %dma_start3A_321 = arith.constant 0 : i32
        %dma_start3A_322 = tpu.memref_slice %arg2[%dma_start3A_320, %dma_start3A_321] : memref<20000x64xf32, #tpu.memory_space<hbm>> -> memref<20000x64xf32, #tpu.memory_space<hbm>>
        tpu.enqueue_indirect_dma source(%dma_start3A_322 : memref<20000x64xf32, #tpu.memory_space<hbm>>) target(%arg10 : memref<80x64xf32, #tpu.memory_space<vmem>>) offsets(%dma_start3A_319 : memref<80xi32, #tpu.memory_space<vmem>>) semaphore(%arg15 : memref<!tpu.dma_semaphore, #tpu.memory_space<semaphore_mem>>)
      } else {
      }
      %add3A_278 = arith.constant 2 : i32
      %add3A_279 = arith.addi %add3A_182, %add3A_278 : i32
      %add3A_280 = arith.constant 5 : i32
      %add3A_281 = arith.addi %add3A_279, %add3A_280 : i32
      %lt3A_282 = arith.constant 125 : i32
      %lt3A_283 = arith.cmpi slt, %add3A_281, %lt3A_282 : i32
      %convert_element_type3A_284 = arith.extui %lt3A_283 : i1 to i32
      %cond3A_285 = arith.constant 0 : i32
      %cond3A_286 = arith.cmpi ne, %convert_element_type3A_284, %cond3A_285 : i32
      scf.if %cond3A_286 {
        %add3A_305 = arith.constant 2 : i32
        %add3A_306 = arith.addi %add3A_182, %add3A_305 : i32
        %dma_wait3A_307 = arith.constant 0 : i32
        %dma_wait3A_308 = tpu.memref_slice %arg7[%add3A_306, %dma_wait3A_307] : memref<125x80xi32, #tpu.memory_space<vmem>> -> memref<1x80xi32, #tpu.memory_space<vmem>>
        %dma_wait3A_309 = tpu.memref_squeeze %dma_wait3A_308 : memref<1x80xi32, #tpu.memory_space<vmem>> -> memref<80xi32, #tpu.memory_space<vmem>>
        %dma_wait3A_310 = arith.constant 0 : i32
        %dma_wait3A_311 = arith.constant 0 : i32
        %dma_wait3A_312 = tpu.memref_slice %arg8[%dma_wait3A_310, %dma_wait3A_311] : memref<10240x64xf32, #tpu.memory_space<vmem_shared>> -> memref<10240x64xf32, #tpu.memory_space<vmem_shared>>
        tpu.wait_indirect_dma semaphore(%arg21 : memref<!tpu.dma_semaphore, #tpu.memory_space<semaphore_mem>>) src(%arg11 : memref<80x64xf32, #tpu.memory_space<vmem>>) dst(%dma_wait3A_312 : memref<10240x64xf32, #tpu.memory_space<vmem_shared>>)
        %add3A_313 = arith.constant 2 : i32
        %add3A_314 = arith.addi %add3A_182, %add3A_313 : i32
        %add3A_315 = arith.constant 5 : i32
        %add3A_316 = arith.addi %add3A_314, %add3A_315 : i32
        %dma_start3A_317 = arith.constant 0 : i32
        %dma_start3A_318 = tpu.memref_slice %arg6[%add3A_316, %dma_start3A_317] : memref<125x80xi32, #tpu.memory_space<vmem>> -> memref<1x80xi32, #tpu.memory_space<vmem>>
        %dma_start3A_319 = tpu.memref_squeeze %dma_start3A_318 : memref<1x80xi32, #tpu.memory_space<vmem>> -> memref<80xi32, #tpu.memory_space<vmem>>
        %dma_start3A_320 = arith.constant 0 : i32
        %dma_start3A_321 = arith.constant 0 : i32
        %dma_start3A_322 = tpu.memref_slice %arg2[%dma_start3A_320, %dma_start3A_321] : memref<20000x64xf32, #tpu.memory_space<hbm>> -> memref<20000x64xf32, #tpu.memory_space<hbm>>
        tpu.enqueue_indirect_dma source(%dma_start3A_322 : memref<20000x64xf32, #tpu.memory_space<hbm>>) target(%arg11 : memref<80x64xf32, #tpu.memory_space<vmem>>) offsets(%dma_start3A_319 : memref<80xi32, #tpu.memory_space<vmem>>) semaphore(%arg16 : memref<!tpu.dma_semaphore, #tpu.memory_space<semaphore_mem>>)
      } else {
      }
      %add3A_287 = arith.constant 3 : i32
      %add3A_288 = arith.addi %add3A_182, %add3A_287 : i32
      %add3A_289 = arith.constant 5 : i32
      %add3A_290 = arith.addi %add3A_288, %add3A_289 : i32
      %lt3A_291 = arith.constant 125 : i32
      %lt3A_292 = arith.cmpi slt, %add3A_290, %lt3A_291 : i32
      %convert_element_type3A_293 = arith.extui %lt3A_292 : i1 to i32
      %cond3A_294 = arith.constant 0 : i32
      %cond3A_295 = arith.cmpi ne, %convert_element_type3A_293, %cond3A_294 : i32
      scf.if %cond3A_295 {
        %add3A_305 = arith.constant 3 : i32
        %add3A_306 = arith.addi %add3A_182, %add3A_305 : i32
        %dma_wait3A_307 = arith.constant 0 : i32
        %dma_wait3A_308 = tpu.memref_slice %arg7[%add3A_306, %dma_wait3A_307] : memref<125x80xi32, #tpu.memory_space<vmem>> -> memref<1x80xi32, #tpu.memory_space<vmem>>
        %dma_wait3A_309 = tpu.memref_squeeze %dma_wait3A_308 : memref<1x80xi32, #tpu.memory_space<vmem>> -> memref<80xi32, #tpu.memory_space<vmem>>
        %dma_wait3A_310 = arith.constant 0 : i32
        %dma_wait3A_311 = arith.constant 0 : i32
        %dma_wait3A_312 = tpu.memref_slice %arg8[%dma_wait3A_310, %dma_wait3A_311] : memref<10240x64xf32, #tpu.memory_space<vmem_shared>> -> memref<10240x64xf32, #tpu.memory_space<vmem_shared>>
        tpu.wait_indirect_dma semaphore(%arg22 : memref<!tpu.dma_semaphore, #tpu.memory_space<semaphore_mem>>) src(%arg12 : memref<80x64xf32, #tpu.memory_space<vmem>>) dst(%dma_wait3A_312 : memref<10240x64xf32, #tpu.memory_space<vmem_shared>>)
        %add3A_313 = arith.constant 3 : i32
        %add3A_314 = arith.addi %add3A_182, %add3A_313 : i32
        %add3A_315 = arith.constant 5 : i32
        %add3A_316 = arith.addi %add3A_314, %add3A_315 : i32
        %dma_start3A_317 = arith.constant 0 : i32
        %dma_start3A_318 = tpu.memref_slice %arg6[%add3A_316, %dma_start3A_317] : memref<125x80xi32, #tpu.memory_space<vmem>> -> memref<1x80xi32, #tpu.memory_space<vmem>>
        %dma_start3A_319 = tpu.memref_squeeze %dma_start3A_318 : memref<1x80xi32, #tpu.memory_space<vmem>> -> memref<80xi32, #tpu.memory_space<vmem>>
        %dma_start3A_320 = arith.constant 0 : i32
        %dma_start3A_321 = arith.constant 0 : i32
        %dma_start3A_322 = tpu.memref_slice %arg2[%dma_start3A_320, %dma_start3A_321] : memref<20000x64xf32, #tpu.memory_space<hbm>> -> memref<20000x64xf32, #tpu.memory_space<hbm>>
        tpu.enqueue_indirect_dma source(%dma_start3A_322 : memref<20000x64xf32, #tpu.memory_space<hbm>>) target(%arg12 : memref<80x64xf32, #tpu.memory_space<vmem>>) offsets(%dma_start3A_319 : memref<80xi32, #tpu.memory_space<vmem>>) semaphore(%arg17 : memref<!tpu.dma_semaphore, #tpu.memory_space<semaphore_mem>>)
      } else {
      }
      %add3A_296 = arith.constant 4 : i32
      %add3A_297 = arith.addi %add3A_182, %add3A_296 : i32
      %add3A_298 = arith.constant 5 : i32
      %add3A_299 = arith.addi %add3A_297, %add3A_298 : i32
      %lt3A_300 = arith.constant 125 : i32
      %lt3A_301 = arith.cmpi slt, %add3A_299, %lt3A_300 : i32
      %convert_element_type3A_302 = arith.extui %lt3A_301 : i1 to i32
      %cond3A_303 = arith.constant 0 : i32
      %cond3A_304 = arith.cmpi ne, %convert_element_type3A_302, %cond3A_303 : i32
      scf.if %cond3A_304 {
        %add3A_305 = arith.constant 4 : i32
        %add3A_306 = arith.addi %add3A_182, %add3A_305 : i32
        %dma_wait3A_307 = arith.constant 0 : i32
        %dma_wait3A_308 = tpu.memref_slice %arg7[%add3A_306, %dma_wait3A_307] : memref<125x80xi32, #tpu.memory_space<vmem>> -> memref<1x80xi32, #tpu.memory_space<vmem>>
        %dma_wait3A_309 = tpu.memref_squeeze %dma_wait3A_308 : memref<1x80xi32, #tpu.memory_space<vmem>> -> memref<80xi32, #tpu.memory_space<vmem>>
        %dma_wait3A_310 = arith.constant 0 : i32
        %dma_wait3A_311 = arith.constant 0 : i32
        %dma_wait3A_312 = tpu.memref_slice %arg8[%dma_wait3A_310, %dma_wait3A_311] : memref<10240x64xf32, #tpu.memory_space<vmem_shared>> -> memref<10240x64xf32, #tpu.memory_space<vmem_shared>>
        tpu.wait_indirect_dma semaphore(%arg23 : memref<!tpu.dma_semaphore, #tpu.memory_space<semaphore_mem>>) src(%arg13 : memref<80x64xf32, #tpu.memory_space<vmem>>) dst(%dma_wait3A_312 : memref<10240x64xf32, #tpu.memory_space<vmem_shared>>)
        %add3A_313 = arith.constant 4 : i32
        %add3A_314 = arith.addi %add3A_182, %add3A_313 : i32
        %add3A_315 = arith.constant 5 : i32
        %add3A_316 = arith.addi %add3A_314, %add3A_315 : i32
        %dma_start3A_317 = arith.constant 0 : i32
        %dma_start3A_318 = tpu.memref_slice %arg6[%add3A_316, %dma_start3A_317] : memref<125x80xi32, #tpu.memory_space<vmem>> -> memref<1x80xi32, #tpu.memory_space<vmem>>
        %dma_start3A_319 = tpu.memref_squeeze %dma_start3A_318 : memref<1x80xi32, #tpu.memory_space<vmem>> -> memref<80xi32, #tpu.memory_space<vmem>>
        %dma_start3A_320 = arith.constant 0 : i32
        %dma_start3A_321 = arith.constant 0 : i32
        %dma_start3A_322 = tpu.memref_slice %arg2[%dma_start3A_320, %dma_start3A_321] : memref<20000x64xf32, #tpu.memory_space<hbm>> -> memref<20000x64xf32, #tpu.memory_space<hbm>>
        tpu.enqueue_indirect_dma source(%dma_start3A_322 : memref<20000x64xf32, #tpu.memory_space<hbm>>) target(%arg13 : memref<80x64xf32, #tpu.memory_space<vmem>>) offsets(%dma_start3A_319 : memref<80xi32, #tpu.memory_space<vmem>>) semaphore(%arg18 : memref<!tpu.dma_semaphore, #tpu.memory_space<semaphore_mem>>)
      } else {
      }
    }
    %scan3A_137 = arith.constant 25 : i32
    %dma_wait3A_138 = arith.constant 120 : i32
    %dma_wait3A_139 = arith.constant 0 : i32
    %dma_wait3A_140 = tpu.memref_slice %arg7[%dma_wait3A_138, %dma_wait3A_139] : memref<125x80xi32, #tpu.memory_space<vmem>> -> memref<1x80xi32, #tpu.memory_space<vmem>>
    %dma_wait3A_141 = tpu.memref_squeeze %dma_wait3A_140 : memref<1x80xi32, #tpu.memory_space<vmem>> -> memref<80xi32, #tpu.memory_space<vmem>>
    %dma_wait3A_142 = arith.constant 0 : i32
    %dma_wait3A_143 = arith.constant 0 : i32
    %dma_wait3A_144 = tpu.memref_slice %arg8[%dma_wait3A_142, %dma_wait3A_143] : memref<10240x64xf32, #tpu.memory_space<vmem_shared>> -> memref<10240x64xf32, #tpu.memory_space<vmem_shared>>
    tpu.wait_indirect_dma semaphore(%arg19 : memref<!tpu.dma_semaphore, #tpu.memory_space<semaphore_mem>>) src(%arg9 : memref<80x64xf32, #tpu.memory_space<vmem>>) dst(%dma_wait3A_144 : memref<10240x64xf32, #tpu.memory_space<vmem_shared>>)
    %dma_wait3A_145 = arith.constant 121 : i32
    %dma_wait3A_146 = arith.constant 0 : i32
    %dma_wait3A_147 = tpu.memref_slice %arg7[%dma_wait3A_145, %dma_wait3A_146] : memref<125x80xi32, #tpu.memory_space<vmem>> -> memref<1x80xi32, #tpu.memory_space<vmem>>
    %dma_wait3A_148 = tpu.memref_squeeze %dma_wait3A_147 : memref<1x80xi32, #tpu.memory_space<vmem>> -> memref<80xi32, #tpu.memory_space<vmem>>
    %dma_wait3A_149 = arith.constant 0 : i32
    %dma_wait3A_150 = arith.constant 0 : i32
    %dma_wait3A_151 = tpu.memref_slice %arg8[%dma_wait3A_149, %dma_wait3A_150] : memref<10240x64xf32, #tpu.memory_space<vmem_shared>> -> memref<10240x64xf32, #tpu.memory_space<vmem_shared>>
    tpu.wait_indirect_dma semaphore(%arg20 : memref<!tpu.dma_semaphore, #tpu.memory_space<semaphore_mem>>) src(%arg10 : memref<80x64xf32, #tpu.memory_space<vmem>>) dst(%dma_wait3A_151 : memref<10240x64xf32, #tpu.memory_space<vmem_shared>>)
    %dma_wait3A_152 = arith.constant 122 : i32
    %dma_wait3A_153 = arith.constant 0 : i32
    %dma_wait3A_154 = tpu.memref_slice %arg7[%dma_wait3A_152, %dma_wait3A_153] : memref<125x80xi32, #tpu.memory_space<vmem>> -> memref<1x80xi32, #tpu.memory_space<vmem>>
    %dma_wait3A_155 = tpu.memref_squeeze %dma_wait3A_154 : memref<1x80xi32, #tpu.memory_space<vmem>> -> memref<80xi32, #tpu.memory_space<vmem>>
    %dma_wait3A_156 = arith.constant 0 : i32
    %dma_wait3A_157 = arith.constant 0 : i32
    %dma_wait3A_158 = tpu.memref_slice %arg8[%dma_wait3A_156, %dma_wait3A_157] : memref<10240x64xf32, #tpu.memory_space<vmem_shared>> -> memref<10240x64xf32, #tpu.memory_space<vmem_shared>>
    tpu.wait_indirect_dma semaphore(%arg21 : memref<!tpu.dma_semaphore, #tpu.memory_space<semaphore_mem>>) src(%arg11 : memref<80x64xf32, #tpu.memory_space<vmem>>) dst(%dma_wait3A_158 : memref<10240x64xf32, #tpu.memory_space<vmem_shared>>)
    %dma_wait3A_159 = arith.constant 123 : i32
    %dma_wait3A_160 = arith.constant 0 : i32
    %dma_wait3A_161 = tpu.memref_slice %arg7[%dma_wait3A_159, %dma_wait3A_160] : memref<125x80xi32, #tpu.memory_space<vmem>> -> memref<1x80xi32, #tpu.memory_space<vmem>>
    %dma_wait3A_162 = tpu.memref_squeeze %dma_wait3A_161 : memref<1x80xi32, #tpu.memory_space<vmem>> -> memref<80xi32, #tpu.memory_space<vmem>>
    %dma_wait3A_163 = arith.constant 0 : i32
    %dma_wait3A_164 = arith.constant 0 : i32
    %dma_wait3A_165 = tpu.memref_slice %arg8[%dma_wait3A_163, %dma_wait3A_164] : memref<10240x64xf32, #tpu.memory_space<vmem_shared>> -> memref<10240x64xf32, #tpu.memory_space<vmem_shared>>
    tpu.wait_indirect_dma semaphore(%arg22 : memref<!tpu.dma_semaphore, #tpu.memory_space<semaphore_mem>>) src(%arg12 : memref<80x64xf32, #tpu.memory_space<vmem>>) dst(%dma_wait3A_165 : memref<10240x64xf32, #tpu.memory_space<vmem_shared>>)
    %dma_wait3A_166 = arith.constant 124 : i32
    %dma_wait3A_167 = arith.constant 0 : i32
    %dma_wait3A_168 = tpu.memref_slice %arg7[%dma_wait3A_166, %dma_wait3A_167] : memref<125x80xi32, #tpu.memory_space<vmem>> -> memref<1x80xi32, #tpu.memory_space<vmem>>
    %dma_wait3A_169 = tpu.memref_squeeze %dma_wait3A_168 : memref<1x80xi32, #tpu.memory_space<vmem>> -> memref<80xi32, #tpu.memory_space<vmem>>
    %dma_wait3A_170 = arith.constant 0 : i32
    %dma_wait3A_171 = arith.constant 0 : i32
    %dma_wait3A_172 = tpu.memref_slice %arg8[%dma_wait3A_170, %dma_wait3A_171] : memref<10240x64xf32, #tpu.memory_space<vmem_shared>> -> memref<10240x64xf32, #tpu.memory_space<vmem_shared>>
    tpu.wait_indirect_dma semaphore(%arg23 : memref<!tpu.dma_semaphore, #tpu.memory_space<semaphore_mem>>) src(%arg13 : memref<80x64xf32, #tpu.memory_space<vmem>>) dst(%dma_wait3A_172 : memref<10240x64xf32, #tpu.memory_space<vmem_shared>>)
    %barrier3A_173 = arith.constant 0 : index
    tpu.barrier barrier_id(%barrier3A_173)
    %mul3A_174 = arith.constant 640 : i32
    %mul3A_175 = arith.muli %arg1, %mul3A_174 : i32
    %mul3A_176 = arith.constant 640 : i32
    %mul3A_177 = arith.muli %arg1, %mul3A_176 : i32
    "tpu.region"() ({
      %run_scoped3A_178 = tpu.sem_alloc : memref<!tpu.dma_semaphore, #tpu.memory_space<semaphore_mem>>
      %dma_start3A_179 = arith.constant 64 : i32
      %dma_start3A_180 = tpu.memref_slice %arg5[%arg0, %mul3A_177, %dma_start3A_179] : memref<2x10240x128xf32, #tpu.memory_space<hbm>> -> memref<1x640x64xf32, #tpu.memory_space<hbm>>
      %dma_start3A_181 = tpu.memref_squeeze %dma_start3A_180 : memref<1x640x64xf32, #tpu.memory_space<hbm>> -> memref<640x64xf32, #tpu.memory_space<hbm>>
      %dma_start3A_182 = arith.constant 0 : i32
      %dma_start3A_183 = tpu.memref_slice %arg8[%mul3A_175, %dma_start3A_182] : memref<10240x64xf32, #tpu.memory_space<vmem_shared>> -> memref<640x64xf32, #tpu.memory_space<vmem_shared>>
      tpu.enqueue_dma source(%dma_start3A_183 : memref<640x64xf32, #tpu.memory_space<vmem_shared>>) target(%dma_start3A_181 : memref<640x64xf32, #tpu.memory_space<hbm>>) target_semaphore(%run_scoped3A_178 : memref<!tpu.dma_semaphore, #tpu.memory_space<semaphore_mem>>)
      %dma_wait3A_184 = arith.constant 64 : i32
      %dma_wait3A_185 = tpu.memref_slice %arg5[%arg0, %mul3A_177, %dma_wait3A_184] : memref<2x10240x128xf32, #tpu.memory_space<hbm>> -> memref<1x640x64xf32, #tpu.memory_space<hbm>>
      %dma_wait3A_186 = tpu.memref_squeeze %dma_wait3A_185 : memref<1x640x64xf32, #tpu.memory_space<hbm>> -> memref<640x64xf32, #tpu.memory_space<hbm>>
      %dma_wait3A_187 = arith.constant 0 : i32
      %dma_wait3A_188 = tpu.memref_slice %arg8[%mul3A_175, %dma_wait3A_187] : memref<10240x64xf32, #tpu.memory_space<vmem_shared>> -> memref<640x64xf32, #tpu.memory_space<vmem_shared>>
      tpu.wait_dma2 semaphore(%run_scoped3A_178 : memref<!tpu.dma_semaphore, #tpu.memory_space<semaphore_mem>>) src(%dma_wait3A_188 : memref<640x64xf32, #tpu.memory_space<vmem_shared>>) dst(%dma_wait3A_186 : memref<640x64xf32, #tpu.memory_space<hbm>>)
      tpu.yield
    }) : () -> ()
    return
  }
}

#map = affine_map<(d0, d1) -> (0, 0, 0, 0)>
#map1 = affine_map<(d0, d1) -> (0, 0)>
#map2 = affine_map<(d0, d1) -> (0, 0, 0)>
module attributes {stable_mosaic.version = 14 : i64} {
  func.func @_sc_degree(%arg0: i32, %arg1: i32, %arg2: memref<2x32x125x80xi32, #tpu.memory_space<hbm>>, %arg3: memref<80x8xf32, #tpu.memory_space<hbm>>, %arg4: memref<10240x8xf32, #tpu.memory_space<hbm>>, %arg5: memref<2x10240x8xf32, #tpu.memory_space<hbm>>, %arg6: memref<125x80xi32, #tpu.memory_space<vmem>>, %arg7: memref<80x8xf32, #tpu.memory_space<vmem>>, %arg8: memref<10240x8xf32, #tpu.memory_space<vmem_shared>>) attributes {dimension_semantics = [#tpu.dimension_semantics<core_parallel>, #tpu.dimension_semantics<subcore_parallel>], iteration_bounds = array<i64: 2, 16>, scalar_prefetch = 0 : i64, scratch_operands = 3 : i64, tpu.core_type = #tpu.core_type<sc_vector_subcore>, window_params = [{transform_indices = #map}, {transform_indices = #map1}, {transform_indices = #map1}, {transform_indices = #map2}]} {
    %mul3A = arith.constant 16 : i32
    %mul3A_0 = arith.muli %arg0, %mul3A : i32
    %add3A = arith.addi %mul3A_0, %arg1 : i32
    %mul3A_1 = arith.constant 640 : i32
    %mul3A_2 = arith.muli %arg1, %mul3A_1 : i32
    %mul3A_3 = arith.constant 640 : i32
    %mul3A_4 = arith.muli %arg1, %mul3A_3 : i32
    "tpu.region"() ({
      %run_scoped3A_14 = tpu.sem_alloc : memref<!tpu.dma_semaphore, #tpu.memory_space<semaphore_mem>>
      %dma_start3A = arith.constant 0 : i32
      %dma_start3A_15 = tpu.memref_slice %arg8[%mul3A_4, %dma_start3A] : memref<10240x8xf32, #tpu.memory_space<vmem_shared>> -> memref<640x8xf32, #tpu.memory_space<vmem_shared>>
      %dma_start3A_16 = arith.constant 0 : i32
      %dma_start3A_17 = tpu.memref_slice %arg4[%mul3A_2, %dma_start3A_16] : memref<10240x8xf32, #tpu.memory_space<hbm>> -> memref<640x8xf32, #tpu.memory_space<hbm>>
      tpu.enqueue_dma source(%dma_start3A_17 : memref<640x8xf32, #tpu.memory_space<hbm>>) target(%dma_start3A_15 : memref<640x8xf32, #tpu.memory_space<vmem_shared>>) target_semaphore(%run_scoped3A_14 : memref<!tpu.dma_semaphore, #tpu.memory_space<semaphore_mem>>)
      %dma_wait3A = arith.constant 0 : i32
      %dma_wait3A_18 = tpu.memref_slice %arg8[%mul3A_4, %dma_wait3A] : memref<10240x8xf32, #tpu.memory_space<vmem_shared>> -> memref<640x8xf32, #tpu.memory_space<vmem_shared>>
      %dma_wait3A_19 = arith.constant 0 : i32
      %dma_wait3A_20 = tpu.memref_slice %arg4[%mul3A_2, %dma_wait3A_19] : memref<10240x8xf32, #tpu.memory_space<hbm>> -> memref<640x8xf32, #tpu.memory_space<hbm>>
      tpu.wait_dma2 semaphore(%run_scoped3A_14 : memref<!tpu.dma_semaphore, #tpu.memory_space<semaphore_mem>>) src(%dma_wait3A_20 : memref<640x8xf32, #tpu.memory_space<hbm>>) dst(%dma_wait3A_18 : memref<640x8xf32, #tpu.memory_space<vmem_shared>>)
      tpu.yield
    }) : () -> ()
    %run_scoped3A = arith.constant 1 : i32
    "tpu.region"() ({
      %run_scoped3A_14 = tpu.sem_alloc : memref<!tpu.dma_semaphore, #tpu.memory_space<semaphore_mem>>
      %dma_start3A = arith.constant 0 : i32
      %dma_start3A_15 = arith.constant 0 : i32
      %dma_start3A_16 = tpu.memref_slice %arg2[%run_scoped3A, %add3A, %dma_start3A, %dma_start3A_15] : memref<2x32x125x80xi32, #tpu.memory_space<hbm>> -> memref<1x1x125x80xi32, #tpu.memory_space<hbm>>
      %dma_start3A_17 = tpu.memref_squeeze %dma_start3A_16 : memref<1x1x125x80xi32, #tpu.memory_space<hbm>> -> memref<125x80xi32, #tpu.memory_space<hbm>>
      %dma_start3A_18 = arith.constant 0 : i32
      %dma_start3A_19 = arith.constant 0 : i32
      %dma_start3A_20 = tpu.memref_slice %arg2[%run_scoped3A, %add3A, %dma_start3A_18, %dma_start3A_19] : memref<2x32x125x80xi32, #tpu.memory_space<hbm>> -> memref<1x1x125x80xi32, #tpu.memory_space<hbm>>
      %dma_start3A_21 = tpu.memref_squeeze %dma_start3A_20 : memref<1x1x125x80xi32, #tpu.memory_space<hbm>> -> memref<125x80xi32, #tpu.memory_space<hbm>>
      tpu.enqueue_dma source(%dma_start3A_21 : memref<125x80xi32, #tpu.memory_space<hbm>>) target(%arg6 : memref<125x80xi32, #tpu.memory_space<vmem>>) target_semaphore(%run_scoped3A_14 : memref<!tpu.dma_semaphore, #tpu.memory_space<semaphore_mem>>)
      %dma_wait3A = arith.constant 0 : i32
      %dma_wait3A_22 = arith.constant 0 : i32
      %dma_wait3A_23 = tpu.memref_slice %arg2[%run_scoped3A, %add3A, %dma_wait3A, %dma_wait3A_22] : memref<2x32x125x80xi32, #tpu.memory_space<hbm>> -> memref<1x1x125x80xi32, #tpu.memory_space<hbm>>
      %dma_wait3A_24 = tpu.memref_squeeze %dma_wait3A_23 : memref<1x1x125x80xi32, #tpu.memory_space<hbm>> -> memref<125x80xi32, #tpu.memory_space<hbm>>
      %dma_wait3A_25 = arith.constant 0 : i32
      %dma_wait3A_26 = arith.constant 0 : i32
      %dma_wait3A_27 = tpu.memref_slice %arg2[%run_scoped3A, %add3A, %dma_wait3A_25, %dma_wait3A_26] : memref<2x32x125x80xi32, #tpu.memory_space<hbm>> -> memref<1x1x125x80xi32, #tpu.memory_space<hbm>>
      %dma_wait3A_28 = tpu.memref_squeeze %dma_wait3A_27 : memref<1x1x125x80xi32, #tpu.memory_space<hbm>> -> memref<125x80xi32, #tpu.memory_space<hbm>>
      tpu.wait_dma2 semaphore(%run_scoped3A_14 : memref<!tpu.dma_semaphore, #tpu.memory_space<semaphore_mem>>) src(%dma_wait3A_28 : memref<125x80xi32, #tpu.memory_space<hbm>>) dst(%arg6 : memref<125x80xi32, #tpu.memory_space<vmem>>)
      tpu.yield
    }) : () -> ()
    "tpu.region"() ({
      %run_scoped3A_14 = tpu.sem_alloc : memref<!tpu.dma_semaphore, #tpu.memory_space<semaphore_mem>>
      tpu.enqueue_dma source(%arg3 : memref<80x8xf32, #tpu.memory_space<hbm>>) target(%arg7 : memref<80x8xf32, #tpu.memory_space<vmem>>) target_semaphore(%run_scoped3A_14 : memref<!tpu.dma_semaphore, #tpu.memory_space<semaphore_mem>>)
      tpu.wait_dma2 semaphore(%run_scoped3A_14 : memref<!tpu.dma_semaphore, #tpu.memory_space<semaphore_mem>>) src(%arg3 : memref<80x8xf32, #tpu.memory_space<hbm>>) dst(%arg7 : memref<80x8xf32, #tpu.memory_space<vmem>>)
      tpu.yield
    }) : () -> ()
    %barrier3A = arith.constant 0 : index
    tpu.barrier barrier_id(%barrier3A)
    %scan3A = arith.constant 0 : i32
    %scan3A_5 = arith.constant 125 : i32
    %scan3A_6 = arith.addi %scan3A, %scan3A_5 : i32
    %scan3A_7 = arith.constant 1 : i32
    scf.for %scan3A_14 = %scan3A to %scan3A_6 step %scan3A_7  : i32 {
      %mul3A_15 = arith.constant 1 : i32
      %mul3A_16 = arith.muli %scan3A_14, %mul3A_15 : i32
      %add3A_17 = arith.constant 0 : i32
      %add3A_18 = arith.addi %add3A_17, %mul3A_16 : i32
      "tpu.region"() ({
        %run_scoped3A_19 = tpu.sem_alloc : memref<!tpu.dma_semaphore, #tpu.memory_space<semaphore_mem>>
        %dma_start3A = arith.constant 0 : i32
        %dma_start3A_20 = tpu.memref_slice %arg6[%add3A_18, %dma_start3A] : memref<125x80xi32, #tpu.memory_space<vmem>> -> memref<1x80xi32, #tpu.memory_space<vmem>>
        %dma_start3A_21 = tpu.memref_squeeze %dma_start3A_20 : memref<1x80xi32, #tpu.memory_space<vmem>> -> memref<80xi32, #tpu.memory_space<vmem>>
        %dma_start3A_22 = arith.constant 0 : i32
        %dma_start3A_23 = arith.constant 0 : i32
        %dma_start3A_24 = tpu.memref_slice %arg8[%dma_start3A_22, %dma_start3A_23] : memref<10240x8xf32, #tpu.memory_space<vmem_shared>> -> memref<10240x8xf32, #tpu.memory_space<vmem_shared>>
        tpu.enqueue_indirect_dma source(%arg7 : memref<80x8xf32, #tpu.memory_space<vmem>>) target(%dma_start3A_24 : memref<10240x8xf32, #tpu.memory_space<vmem_shared>>) offsets(%dma_start3A_21 : memref<80xi32, #tpu.memory_space<vmem>>) semaphore(%run_scoped3A_19 : memref<!tpu.dma_semaphore, #tpu.memory_space<semaphore_mem>>) {add = true}
        %dma_wait3A = arith.constant 0 : i32
        %dma_wait3A_25 = tpu.memref_slice %arg6[%add3A_18, %dma_wait3A] : memref<125x80xi32, #tpu.memory_space<vmem>> -> memref<1x80xi32, #tpu.memory_space<vmem>>
        %dma_wait3A_26 = tpu.memref_squeeze %dma_wait3A_25 : memref<1x80xi32, #tpu.memory_space<vmem>> -> memref<80xi32, #tpu.memory_space<vmem>>
        %dma_wait3A_27 = arith.constant 0 : i32
        %dma_wait3A_28 = arith.constant 0 : i32
        %dma_wait3A_29 = tpu.memref_slice %arg8[%dma_wait3A_27, %dma_wait3A_28] : memref<10240x8xf32, #tpu.memory_space<vmem_shared>> -> memref<10240x8xf32, #tpu.memory_space<vmem_shared>>
        tpu.wait_indirect_dma semaphore(%run_scoped3A_19 : memref<!tpu.dma_semaphore, #tpu.memory_space<semaphore_mem>>) src(%arg7 : memref<80x8xf32, #tpu.memory_space<vmem>>) dst(%dma_wait3A_29 : memref<10240x8xf32, #tpu.memory_space<vmem_shared>>)
        tpu.yield
      }) : () -> ()
    }
    %scan3A_8 = arith.constant 125 : i32
    %barrier3A_9 = arith.constant 0 : index
    tpu.barrier barrier_id(%barrier3A_9)
    %mul3A_10 = arith.constant 640 : i32
    %mul3A_11 = arith.muli %arg1, %mul3A_10 : i32
    %mul3A_12 = arith.constant 640 : i32
    %mul3A_13 = arith.muli %arg1, %mul3A_12 : i32
    "tpu.region"() ({
      %run_scoped3A_14 = tpu.sem_alloc : memref<!tpu.dma_semaphore, #tpu.memory_space<semaphore_mem>>
      %dma_start3A = arith.constant 0 : i32
      %dma_start3A_15 = tpu.memref_slice %arg5[%arg0, %mul3A_13, %dma_start3A] : memref<2x10240x8xf32, #tpu.memory_space<hbm>> -> memref<1x640x8xf32, #tpu.memory_space<hbm>>
      %dma_start3A_16 = tpu.memref_squeeze %dma_start3A_15 : memref<1x640x8xf32, #tpu.memory_space<hbm>> -> memref<640x8xf32, #tpu.memory_space<hbm>>
      %dma_start3A_17 = arith.constant 0 : i32
      %dma_start3A_18 = tpu.memref_slice %arg8[%mul3A_11, %dma_start3A_17] : memref<10240x8xf32, #tpu.memory_space<vmem_shared>> -> memref<640x8xf32, #tpu.memory_space<vmem_shared>>
      tpu.enqueue_dma source(%dma_start3A_18 : memref<640x8xf32, #tpu.memory_space<vmem_shared>>) target(%dma_start3A_16 : memref<640x8xf32, #tpu.memory_space<hbm>>) target_semaphore(%run_scoped3A_14 : memref<!tpu.dma_semaphore, #tpu.memory_space<semaphore_mem>>)
      %dma_wait3A = arith.constant 0 : i32
      %dma_wait3A_19 = tpu.memref_slice %arg5[%arg0, %mul3A_13, %dma_wait3A] : memref<2x10240x8xf32, #tpu.memory_space<hbm>> -> memref<1x640x8xf32, #tpu.memory_space<hbm>>
      %dma_wait3A_20 = tpu.memref_squeeze %dma_wait3A_19 : memref<1x640x8xf32, #tpu.memory_space<hbm>> -> memref<640x8xf32, #tpu.memory_space<hbm>>
      %dma_wait3A_21 = arith.constant 0 : i32
      %dma_wait3A_22 = tpu.memref_slice %arg8[%mul3A_11, %dma_wait3A_21] : memref<10240x8xf32, #tpu.memory_space<vmem_shared>> -> memref<640x8xf32, #tpu.memory_space<vmem_shared>>
      tpu.wait_dma2 semaphore(%run_scoped3A_14 : memref<!tpu.dma_semaphore, #tpu.memory_space<semaphore_mem>>) src(%dma_wait3A_22 : memref<640x8xf32, #tpu.memory_space<vmem_shared>>) dst(%dma_wait3A_20 : memref<640x8xf32, #tpu.memory_space<hbm>>)
      tpu.yield
    }) : () -> ()
    return
  }
}

#map = affine_map<(d0, d1) -> (0, 0)>
#map1 = affine_map<(d0, d1) -> (0, 0, 0, 0)>
#map2 = affine_map<(d0, d1) -> (0, 0, 0)>
module attributes {stable_mosaic.version = 14 : i64} {
  func.func @_sc_aggregate(%arg0: i32, %arg1: i32, %arg2: memref<20000x64xf32, #tpu.memory_space<hbm>>, %arg3: memref<2x32x125x80xi32, #tpu.memory_space<hbm>>, %arg4: memref<10240x64xf32, #tpu.memory_space<hbm>>, %arg5: memref<2x10240x128xf32, #tpu.memory_space<hbm>>, %arg6: memref<125x80xi32, #tpu.memory_space<vmem>>, %arg7: memref<125x80xi32, #tpu.memory_space<vmem>>, %arg8: memref<10240x64xf32, #tpu.memory_space<vmem_shared>>, %arg9: memref<80x64xf32, #tpu.memory_space<vmem>>, %arg10: memref<80x64xf32, #tpu.memory_space<vmem>>, %arg11: memref<80x64xf32, #tpu.memory_space<vmem>>, %arg12: memref<80x64xf32, #tpu.memory_space<vmem>>, %arg13: memref<80x64xf32, #tpu.memory_space<vmem>>, %arg14: memref<!tpu.dma_semaphore, #tpu.memory_space<semaphore_mem>>, %arg15: memref<!tpu.dma_semaphore, #tpu.memory_space<semaphore_mem>>, %arg16: memref<!tpu.dma_semaphore, #tpu.memory_space<semaphore_mem>>, %arg17: memref<!tpu.dma_semaphore, #tpu.memory_space<semaphore_mem>>, %arg18: memref<!tpu.dma_semaphore, #tpu.memory_space<semaphore_mem>>, %arg19: memref<!tpu.dma_semaphore, #tpu.memory_space<semaphore_mem>>, %arg20: memref<!tpu.dma_semaphore, #tpu.memory_space<semaphore_mem>>, %arg21: memref<!tpu.dma_semaphore, #tpu.memory_space<semaphore_mem>>, %arg22: memref<!tpu.dma_semaphore, #tpu.memory_space<semaphore_mem>>, %arg23: memref<!tpu.dma_semaphore, #tpu.memory_space<semaphore_mem>>) attributes {dimension_semantics = [#tpu.dimension_semantics<core_parallel>, #tpu.dimension_semantics<subcore_parallel>], iteration_bounds = array<i64: 2, 16>, scalar_prefetch = 0 : i64, scratch_operands = 18 : i64, tpu.core_type = #tpu.core_type<sc_vector_subcore>, window_params = [{transform_indices = #map}, {transform_indices = #map1}, {transform_indices = #map}, {transform_indices = #map2}]} {
    %mul3A = arith.constant 16 : i32
    %mul3A_0 = arith.muli %arg0, %mul3A : i32
    %add3A = arith.addi %mul3A_0, %arg1 : i32
    %run_scoped3A = arith.constant 0 : i32
    "tpu.region"() ({
      %run_scoped3A_178 = tpu.sem_alloc : memref<!tpu.dma_semaphore, #tpu.memory_space<semaphore_mem>>
      %dma_start3A_179 = arith.constant 0 : i32
      %dma_start3A_180 = arith.constant 0 : i32
      %dma_start3A_181 = tpu.memref_slice %arg3[%run_scoped3A, %add3A, %dma_start3A_179, %dma_start3A_180] : memref<2x32x125x80xi32, #tpu.memory_space<hbm>> -> memref<1x1x125x80xi32, #tpu.memory_space<hbm>>
      %dma_start3A_182 = tpu.memref_squeeze %dma_start3A_181 : memref<1x1x125x80xi32, #tpu.memory_space<hbm>> -> memref<125x80xi32, #tpu.memory_space<hbm>>
      %dma_start3A_183 = arith.constant 0 : i32
      %dma_start3A_184 = arith.constant 0 : i32
      %dma_start3A_185 = tpu.memref_slice %arg3[%run_scoped3A, %add3A, %dma_start3A_183, %dma_start3A_184] : memref<2x32x125x80xi32, #tpu.memory_space<hbm>> -> memref<1x1x125x80xi32, #tpu.memory_space<hbm>>
      %dma_start3A_186 = tpu.memref_squeeze %dma_start3A_185 : memref<1x1x125x80xi32, #tpu.memory_space<hbm>> -> memref<125x80xi32, #tpu.memory_space<hbm>>
      tpu.enqueue_dma source(%dma_start3A_186 : memref<125x80xi32, #tpu.memory_space<hbm>>) target(%arg6 : memref<125x80xi32, #tpu.memory_space<vmem>>) target_semaphore(%run_scoped3A_178 : memref<!tpu.dma_semaphore, #tpu.memory_space<semaphore_mem>>)
      %dma_wait3A_187 = arith.constant 0 : i32
      %dma_wait3A_188 = arith.constant 0 : i32
      %dma_wait3A_189 = tpu.memref_slice %arg3[%run_scoped3A, %add3A, %dma_wait3A_187, %dma_wait3A_188] : memref<2x32x125x80xi32, #tpu.memory_space<hbm>> -> memref<1x1x125x80xi32, #tpu.memory_space<hbm>>
      %dma_wait3A_190 = tpu.memref_squeeze %dma_wait3A_189 : memref<1x1x125x80xi32, #tpu.memory_space<hbm>> -> memref<125x80xi32, #tpu.memory_space<hbm>>
      %dma_wait3A_191 = arith.constant 0 : i32
      %dma_wait3A_192 = arith.constant 0 : i32
      %dma_wait3A_193 = tpu.memref_slice %arg3[%run_scoped3A, %add3A, %dma_wait3A_191, %dma_wait3A_192] : memref<2x32x125x80xi32, #tpu.memory_space<hbm>> -> memref<1x1x125x80xi32, #tpu.memory_space<hbm>>
      %dma_wait3A_194 = tpu.memref_squeeze %dma_wait3A_193 : memref<1x1x125x80xi32, #tpu.memory_space<hbm>> -> memref<125x80xi32, #tpu.memory_space<hbm>>
      tpu.wait_dma2 semaphore(%run_scoped3A_178 : memref<!tpu.dma_semaphore, #tpu.memory_space<semaphore_mem>>) src(%dma_wait3A_194 : memref<125x80xi32, #tpu.memory_space<hbm>>) dst(%arg6 : memref<125x80xi32, #tpu.memory_space<vmem>>)
      tpu.yield
    }) : () -> ()
    %run_scoped3A_1 = arith.constant 1 : i32
    "tpu.region"() ({
      %run_scoped3A_178 = tpu.sem_alloc : memref<!tpu.dma_semaphore, #tpu.memory_space<semaphore_mem>>
      %dma_start3A_179 = arith.constant 0 : i32
      %dma_start3A_180 = arith.constant 0 : i32
      %dma_start3A_181 = tpu.memref_slice %arg3[%run_scoped3A_1, %add3A, %dma_start3A_179, %dma_start3A_180] : memref<2x32x125x80xi32, #tpu.memory_space<hbm>> -> memref<1x1x125x80xi32, #tpu.memory_space<hbm>>
      %dma_start3A_182 = tpu.memref_squeeze %dma_start3A_181 : memref<1x1x125x80xi32, #tpu.memory_space<hbm>> -> memref<125x80xi32, #tpu.memory_space<hbm>>
      %dma_start3A_183 = arith.constant 0 : i32
      %dma_start3A_184 = arith.constant 0 : i32
      %dma_start3A_185 = tpu.memref_slice %arg3[%run_scoped3A_1, %add3A, %dma_start3A_183, %dma_start3A_184] : memref<2x32x125x80xi32, #tpu.memory_space<hbm>> -> memref<1x1x125x80xi32, #tpu.memory_space<hbm>>
      %dma_start3A_186 = tpu.memref_squeeze %dma_start3A_185 : memref<1x1x125x80xi32, #tpu.memory_space<hbm>> -> memref<125x80xi32, #tpu.memory_space<hbm>>
      tpu.enqueue_dma source(%dma_start3A_186 : memref<125x80xi32, #tpu.memory_space<hbm>>) target(%arg7 : memref<125x80xi32, #tpu.memory_space<vmem>>) target_semaphore(%run_scoped3A_178 : memref<!tpu.dma_semaphore, #tpu.memory_space<semaphore_mem>>)
      %dma_wait3A_187 = arith.constant 0 : i32
      %dma_wait3A_188 = arith.constant 0 : i32
      %dma_wait3A_189 = tpu.memref_slice %arg3[%run_scoped3A_1, %add3A, %dma_wait3A_187, %dma_wait3A_188] : memref<2x32x125x80xi32, #tpu.memory_space<hbm>> -> memref<1x1x125x80xi32, #tpu.memory_space<hbm>>
      %dma_wait3A_190 = tpu.memref_squeeze %dma_wait3A_189 : memref<1x1x125x80xi32, #tpu.memory_space<hbm>> -> memref<125x80xi32, #tpu.memory_space<hbm>>
      %dma_wait3A_191 = arith.constant 0 : i32
      %dma_wait3A_192 = arith.constant 0 : i32
      %dma_wait3A_193 = tpu.memref_slice %arg3[%run_scoped3A_1, %add3A, %dma_wait3A_191, %dma_wait3A_192] : memref<2x32x125x80xi32, #tpu.memory_space<hbm>> -> memref<1x1x125x80xi32, #tpu.memory_space<hbm>>
      %dma_wait3A_194 = tpu.memref_squeeze %dma_wait3A_193 : memref<1x1x125x80xi32, #tpu.memory_space<hbm>> -> memref<125x80xi32, #tpu.memory_space<hbm>>
      tpu.wait_dma2 semaphore(%run_scoped3A_178 : memref<!tpu.dma_semaphore, #tpu.memory_space<semaphore_mem>>) src(%dma_wait3A_194 : memref<125x80xi32, #tpu.memory_space<hbm>>) dst(%arg7 : memref<125x80xi32, #tpu.memory_space<vmem>>)
      tpu.yield
    }) : () -> ()
    %scan3A = arith.constant 0 : i32
    %scan3A_2 = arith.constant 125 : i32
    %scan3A_3 = arith.addi %scan3A, %scan3A_2 : i32
    %scan3A_4 = arith.constant 1 : i32
    scf.for %scan3A_178 = %scan3A to %scan3A_3 step %scan3A_4  : i32 {
      %mul3A_179 = arith.constant 1 : i32
      %mul3A_180 = arith.muli %scan3A_178, %mul3A_179 : i32
      %add3A_181 = arith.constant 0 : i32
      %add3A_182 = arith.addi %add3A_181, %mul3A_180 : i32
      %get3A = arith.index_cast %add3A_182 : i32 to index
      %get3A_183 = arith.constant 0 : index
      %get3A_184 = tpu.vector_load %arg6[%get3A, %get3A_183] {strides = array<i32>} : memref<125x80xi32, #tpu.memory_space<vmem>>, vector<1x16xi32>,
      %get3A_185 = vector.shape_cast %get3A_184 : vector<1x16xi32> to vector<16xi32>
      %mul3A_186 = arith.constant 2 : i32
      %mul3A_187 = vector.broadcast %mul3A_186 : i32 to vector<16xi32>
      %mul3A_188 = arith.muli %get3A_185, %mul3A_187 : vector<16xi32>
      %swap3A = arith.index_cast %add3A_182 : i32 to index
      %swap3A_189 = arith.constant 0 : index
      %swap3A_190 = tpu.vector_load %arg6[%swap3A, %swap3A_189] {strides = array<i32>} : memref<125x80xi32, #tpu.memory_space<vmem>>, vector<1x16xi32>,
      %swap3A_191 = vector.shape_cast %swap3A_190 : vector<1x16xi32> to vector<16xi32>
      %swap3A_192 = vector.shape_cast %mul3A_188 : vector<16xi32> to vector<1x16xi32>
      tpu.vector_store %arg6[%swap3A, %swap3A_189], %swap3A_192 {strides = array<i32>} : memref<125x80xi32, #tpu.memory_space<vmem>>, vector<1x16xi32>,
      %get3A_193 = arith.index_cast %add3A_182 : i32 to index
      %get3A_194 = arith.constant 16 : index
      %get3A_195 = tpu.vector_load %arg6[%get3A_193, %get3A_194] {strides = array<i32>} : memref<125x80xi32, #tpu.memory_space<vmem>>, vector<1x16xi32>,
      %get3A_196 = vector.shape_cast %get3A_195 : vector<1x16xi32> to vector<16xi32>
      %mul3A_197 = arith.constant 2 : i32
      %mul3A_198 = vector.broadcast %mul3A_197 : i32 to vector<16xi32>
      %mul3A_199 = arith.muli %get3A_196, %mul3A_198 : vector<16xi32>
      %swap3A_200 = arith.index_cast %add3A_182 : i32 to index
      %swap3A_201 = arith.constant 16 : index
      %swap3A_202 = tpu.vector_load %arg6[%swap3A_200, %swap3A_201] {strides = array<i32>} : memref<125x80xi32, #tpu.memory_space<vmem>>, vector<1x16xi32>,
      %swap3A_203 = vector.shape_cast %swap3A_202 : vector<1x16xi32> to vector<16xi32>
      %swap3A_204 = vector.shape_cast %mul3A_199 : vector<16xi32> to vector<1x16xi32>
      tpu.vector_store %arg6[%swap3A_200, %swap3A_201], %swap3A_204 {strides = array<i32>} : memref<125x80xi32, #tpu.memory_space<vmem>>, vector<1x16xi32>,
      %get3A_205 = arith.index_cast %add3A_182 : i32 to index
      %get3A_206 = arith.constant 32 : index
      %get3A_207 = tpu.vector_load %arg6[%get3A_205, %get3A_206] {strides = array<i32>} : memref<125x80xi32, #tpu.memory_space<vmem>>, vector<1x16xi32>,
      %get3A_208 = vector.shape_cast %get3A_207 : vector<1x16xi32> to vector<16xi32>
      %mul3A_209 = arith.constant 2 : i32
      %mul3A_210 = vector.broadcast %mul3A_209 : i32 to vector<16xi32>
      %mul3A_211 = arith.muli %get3A_208, %mul3A_210 : vector<16xi32>
      %swap3A_212 = arith.index_cast %add3A_182 : i32 to index
      %swap3A_213 = arith.constant 32 : index
      %swap3A_214 = tpu.vector_load %arg6[%swap3A_212, %swap3A_213] {strides = array<i32>} : memref<125x80xi32, #tpu.memory_space<vmem>>, vector<1x16xi32>,
      %swap3A_215 = vector.shape_cast %swap3A_214 : vector<1x16xi32> to vector<16xi32>
      %swap3A_216 = vector.shape_cast %mul3A_211 : vector<16xi32> to vector<1x16xi32>
      tpu.vector_store %arg6[%swap3A_212, %swap3A_213], %swap3A_216 {strides = array<i32>} : memref<125x80xi32, #tpu.memory_space<vmem>>, vector<1x16xi32>,
      %get3A_217 = arith.index_cast %add3A_182 : i32 to index
      %get3A_218 = arith.constant 48 : index
      %get3A_219 = tpu.vector_load %arg6[%get3A_217, %get3A_218] {strides = array<i32>} : memref<125x80xi32, #tpu.memory_space<vmem>>, vector<1x16xi32>,
      %get3A_220 = vector.shape_cast %get3A_219 : vector<1x16xi32> to vector<16xi32>
      %mul3A_221 = arith.constant 2 : i32
      %mul3A_222 = vector.broadcast %mul3A_221 : i32 to vector<16xi32>
      %mul3A_223 = arith.muli %get3A_220, %mul3A_222 : vector<16xi32>
      %swap3A_224 = arith.index_cast %add3A_182 : i32 to index
      %swap3A_225 = arith.constant 48 : index
      %swap3A_226 = tpu.vector_load %arg6[%swap3A_224, %swap3A_225] {strides = array<i32>} : memref<125x80xi32, #tpu.memory_space<vmem>>, vector<1x16xi32>,
      %swap3A_227 = vector.shape_cast %swap3A_226 : vector<1x16xi32> to vector<16xi32>
      %swap3A_228 = vector.shape_cast %mul3A_223 : vector<16xi32> to vector<1x16xi32>
      tpu.vector_store %arg6[%swap3A_224, %swap3A_225], %swap3A_228 {strides = array<i32>} : memref<125x80xi32, #tpu.memory_space<vmem>>, vector<1x16xi32>,
      %get3A_229 = arith.index_cast %add3A_182 : i32 to index
      %get3A_230 = arith.constant 64 : index
      %get3A_231 = tpu.vector_load %arg6[%get3A_229, %get3A_230] {strides = array<i32>} : memref<125x80xi32, #tpu.memory_space<vmem>>, vector<1x16xi32>,
      %get3A_232 = vector.shape_cast %get3A_231 : vector<1x16xi32> to vector<16xi32>
      %mul3A_233 = arith.constant 2 : i32
      %mul3A_234 = vector.broadcast %mul3A_233 : i32 to vector<16xi32>
      %mul3A_235 = arith.muli %get3A_232, %mul3A_234 : vector<16xi32>
      %swap3A_236 = arith.index_cast %add3A_182 : i32 to index
      %swap3A_237 = arith.constant 64 : index
      %swap3A_238 = tpu.vector_load %arg6[%swap3A_236, %swap3A_237] {strides = array<i32>} : memref<125x80xi32, #tpu.memory_space<vmem>>, vector<1x16xi32>,
      %swap3A_239 = vector.shape_cast %swap3A_238 : vector<1x16xi32> to vector<16xi32>
      %swap3A_240 = vector.shape_cast %mul3A_235 : vector<16xi32> to vector<1x16xi32>
      tpu.vector_store %arg6[%swap3A_236, %swap3A_237], %swap3A_240 {strides = array<i32>} : memref<125x80xi32, #tpu.memory_space<vmem>>, vector<1x16xi32>,
    }
    %scan3A_5 = arith.constant 125 : i32
    %mul3A_6 = arith.constant 640 : i32
    %mul3A_7 = arith.muli %arg1, %mul3A_6 : i32
    %mul3A_8 = arith.constant 640 : i32
    %mul3A_9 = arith.muli %arg1, %mul3A_8 : i32
    "tpu.region"() ({
      %run_scoped3A_178 = tpu.sem_alloc : memref<!tpu.dma_semaphore, #tpu.memory_space<semaphore_mem>>
      %dma_start3A_179 = arith.constant 0 : i32
      %dma_start3A_180 = tpu.memref_slice %arg8[%mul3A_9, %dma_start3A_179] : memref<10240x64xf32, #tpu.memory_space<vmem_shared>> -> memref<640x64xf32, #tpu.memory_space<vmem_shared>>
      %dma_start3A_181 = arith.constant 0 : i32
      %dma_start3A_182 = tpu.memref_slice %arg4[%mul3A_7, %dma_start3A_181] : memref<10240x64xf32, #tpu.memory_space<hbm>> -> memref<640x64xf32, #tpu.memory_space<hbm>>
      tpu.enqueue_dma source(%dma_start3A_182 : memref<640x64xf32, #tpu.memory_space<hbm>>) target(%dma_start3A_180 : memref<640x64xf32, #tpu.memory_space<vmem_shared>>) target_semaphore(%run_scoped3A_178 : memref<!tpu.dma_semaphore, #tpu.memory_space<semaphore_mem>>)
      %dma_wait3A_183 = arith.constant 0 : i32
      %dma_wait3A_184 = tpu.memref_slice %arg8[%mul3A_9, %dma_wait3A_183] : memref<10240x64xf32, #tpu.memory_space<vmem_shared>> -> memref<640x64xf32, #tpu.memory_space<vmem_shared>>
      %dma_wait3A_185 = arith.constant 0 : i32
      %dma_wait3A_186 = tpu.memref_slice %arg4[%mul3A_7, %dma_wait3A_185] : memref<10240x64xf32, #tpu.memory_space<hbm>> -> memref<640x64xf32, #tpu.memory_space<hbm>>
      tpu.wait_dma2 semaphore(%run_scoped3A_178 : memref<!tpu.dma_semaphore, #tpu.memory_space<semaphore_mem>>) src(%dma_wait3A_186 : memref<640x64xf32, #tpu.memory_space<hbm>>) dst(%dma_wait3A_184 : memref<640x64xf32, #tpu.memory_space<vmem_shared>>)
      tpu.yield
    }) : () -> ()
    %barrier3A = arith.constant 0 : index
    tpu.barrier barrier_id(%barrier3A)
    %dma_start3A = arith.constant 0 : i32
    %dma_start3A_10 = arith.constant 0 : i32
    %dma_start3A_11 = tpu.memref_slice %arg6[%dma_start3A, %dma_start3A_10] : memref<125x80xi32, #tpu.memory_space<vmem>> -> memref<1x80xi32, #tpu.memory_space<vmem>>
    %dma_start3A_12 = tpu.memref_squeeze %dma_start3A_11 : memref<1x80xi32, #tpu.memory_space<vmem>> -> memref<80xi32, #tpu.memory_space<vmem>>
    %dma_start3A_13 = arith.constant 0 : i32
    %dma_start3A_14 = arith.constant 0 : i32
    %dma_start3A_15 = tpu.memref_slice %arg2[%dma_start3A_13, %dma_start3A_14] : memref<20000x64xf32, #tpu.memory_space<hbm>> -> memref<20000x64xf32, #tpu.memory_space<hbm>>
    tpu.enqueue_indirect_dma source(%dma_start3A_15 : memref<20000x64xf32, #tpu.memory_space<hbm>>) target(%arg9 : memref<80x64xf32, #tpu.memory_space<vmem>>) offsets(%dma_start3A_12 : memref<80xi32, #tpu.memory_space<vmem>>) semaphore(%arg14 : memref<!tpu.dma_semaphore, #tpu.memory_space<semaphore_mem>>)
    %dma_start3A_16 = arith.constant 1 : i32
    %dma_start3A_17 = arith.constant 0 : i32
    %dma_start3A_18 = tpu.memref_slice %arg6[%dma_start3A_16, %dma_start3A_17] : memref<125x80xi32, #tpu.memory_space<vmem>> -> memref<1x80xi32, #tpu.memory_space<vmem>>
    %dma_start3A_19 = tpu.memref_squeeze %dma_start3A_18 : memref<1x80xi32, #tpu.memory_space<vmem>> -> memref<80xi32, #tpu.memory_space<vmem>>
    %dma_start3A_20 = arith.constant 0 : i32
    %dma_start3A_21 = arith.constant 0 : i32
    %dma_start3A_22 = tpu.memref_slice %arg2[%dma_start3A_20, %dma_start3A_21] : memref<20000x64xf32, #tpu.memory_space<hbm>> -> memref<20000x64xf32, #tpu.memory_space<hbm>>
    tpu.enqueue_indirect_dma source(%dma_start3A_22 : memref<20000x64xf32, #tpu.memory_space<hbm>>) target(%arg10 : memref<80x64xf32, #tpu.memory_space<vmem>>) offsets(%dma_start3A_19 : memref<80xi32, #tpu.memory_space<vmem>>) semaphore(%arg15 : memref<!tpu.dma_semaphore, #tpu.memory_space<semaphore_mem>>)
    %dma_start3A_23 = arith.constant 2 : i32
    %dma_start3A_24 = arith.constant 0 : i32
    %dma_start3A_25 = tpu.memref_slice %arg6[%dma_start3A_23, %dma_start3A_24] : memref<125x80xi32, #tpu.memory_space<vmem>> -> memref<1x80xi32, #tpu.memory_space<vmem>>
    %dma_start3A_26 = tpu.memref_squeeze %dma_start3A_25 : memref<1x80xi32, #tpu.memory_space<vmem>> -> memref<80xi32, #tpu.memory_space<vmem>>
    %dma_start3A_27 = arith.constant 0 : i32
    %dma_start3A_28 = arith.constant 0 : i32
    %dma_start3A_29 = tpu.memref_slice %arg2[%dma_start3A_27, %dma_start3A_28] : memref<20000x64xf32, #tpu.memory_space<hbm>> -> memref<20000x64xf32, #tpu.memory_space<hbm>>
    tpu.enqueue_indirect_dma source(%dma_start3A_29 : memref<20000x64xf32, #tpu.memory_space<hbm>>) target(%arg11 : memref<80x64xf32, #tpu.memory_space<vmem>>) offsets(%dma_start3A_26 : memref<80xi32, #tpu.memory_space<vmem>>) semaphore(%arg16 : memref<!tpu.dma_semaphore, #tpu.memory_space<semaphore_mem>>)
    %dma_start3A_30 = arith.constant 3 : i32
    %dma_start3A_31 = arith.constant 0 : i32
    %dma_start3A_32 = tpu.memref_slice %arg6[%dma_start3A_30, %dma_start3A_31] : memref<125x80xi32, #tpu.memory_space<vmem>> -> memref<1x80xi32, #tpu.memory_space<vmem>>
    %dma_start3A_33 = tpu.memref_squeeze %dma_start3A_32 : memref<1x80xi32, #tpu.memory_space<vmem>> -> memref<80xi32, #tpu.memory_space<vmem>>
    %dma_start3A_34 = arith.constant 0 : i32
    %dma_start3A_35 = arith.constant 0 : i32
    %dma_start3A_36 = tpu.memref_slice %arg2[%dma_start3A_34, %dma_start3A_35] : memref<20000x64xf32, #tpu.memory_space<hbm>> -> memref<20000x64xf32, #tpu.memory_space<hbm>>
    tpu.enqueue_indirect_dma source(%dma_start3A_36 : memref<20000x64xf32, #tpu.memory_space<hbm>>) target(%arg12 : memref<80x64xf32, #tpu.memory_space<vmem>>) offsets(%dma_start3A_33 : memref<80xi32, #tpu.memory_space<vmem>>) semaphore(%arg17 : memref<!tpu.dma_semaphore, #tpu.memory_space<semaphore_mem>>)
    %dma_start3A_37 = arith.constant 4 : i32
    %dma_start3A_38 = arith.constant 0 : i32
    %dma_start3A_39 = tpu.memref_slice %arg6[%dma_start3A_37, %dma_start3A_38] : memref<125x80xi32, #tpu.memory_space<vmem>> -> memref<1x80xi32, #tpu.memory_space<vmem>>
    %dma_start3A_40 = tpu.memref_squeeze %dma_start3A_39 : memref<1x80xi32, #tpu.memory_space<vmem>> -> memref<80xi32, #tpu.memory_space<vmem>>
    %dma_start3A_41 = arith.constant 0 : i32
    %dma_start3A_42 = arith.constant 0 : i32
    %dma_start3A_43 = tpu.memref_slice %arg2[%dma_start3A_41, %dma_start3A_42] : memref<20000x64xf32, #tpu.memory_space<hbm>> -> memref<20000x64xf32, #tpu.memory_space<hbm>>
    tpu.enqueue_indirect_dma source(%dma_start3A_43 : memref<20000x64xf32, #tpu.memory_space<hbm>>) target(%arg13 : memref<80x64xf32, #tpu.memory_space<vmem>>) offsets(%dma_start3A_40 : memref<80xi32, #tpu.memory_space<vmem>>) semaphore(%arg18 : memref<!tpu.dma_semaphore, #tpu.memory_space<semaphore_mem>>)
    %scan3A_44 = arith.constant 0 : i32
    %scan3A_45 = arith.constant 25 : i32
    %scan3A_46 = arith.addi %scan3A_44, %scan3A_45 : i32
    %scan3A_47 = arith.constant 1 : i32
    scf.for %scan3A_178 = %scan3A_44 to %scan3A_46 step %scan3A_47  : i32 {
      %mul3A_179 = arith.constant 5 : i32
      %mul3A_180 = arith.muli %scan3A_178, %mul3A_179 : i32
      %add3A_181 = arith.constant 0 : i32
      %add3A_182 = arith.addi %add3A_181, %mul3A_180 : i32
      %add3A_183 = arith.constant 0 : i32
      %add3A_184 = arith.addi %add3A_182, %add3A_183 : i32
      %dma_wait3A_185 = arith.constant 0 : i32
      %dma_wait3A_186 = tpu.memref_slice %arg6[%add3A_184, %dma_wait3A_185] : memref<125x80xi32, #tpu.memory_space<vmem>> -> memref<1x80xi32, #tpu.memory_space<vmem>>
      %dma_wait3A_187 = tpu.memref_squeeze %dma_wait3A_186 : memref<1x80xi32, #tpu.memory_space<vmem>> -> memref<80xi32, #tpu.memory_space<vmem>>
      %dma_wait3A_188 = arith.constant 0 : i32
      %dma_wait3A_189 = arith.constant 0 : i32
      %dma_wait3A_190 = tpu.memref_slice %arg2[%dma_wait3A_188, %dma_wait3A_189] : memref<20000x64xf32, #tpu.memory_space<hbm>> -> memref<20000x64xf32, #tpu.memory_space<hbm>>
      tpu.wait_indirect_dma semaphore(%arg14 : memref<!tpu.dma_semaphore, #tpu.memory_space<semaphore_mem>>) src(%dma_wait3A_190 : memref<20000x64xf32, #tpu.memory_space<hbm>>) dst(%arg9 : memref<80x64xf32, #tpu.memory_space<vmem>>)
      %add3A_191 = arith.constant 0 : i32
      %add3A_192 = arith.addi %add3A_182, %add3A_191 : i32
      %dma_start3A_193 = arith.constant 0 : i32
      %dma_start3A_194 = tpu.memref_slice %arg7[%add3A_192, %dma_start3A_193] : memref<125x80xi32, #tpu.memory_space<vmem>> -> memref<1x80xi32, #tpu.memory_space<vmem>>
      %dma_start3A_195 = tpu.memref_squeeze %dma_start3A_194 : memref<1x80xi32, #tpu.memory_space<vmem>> -> memref<80xi32, #tpu.memory_space<vmem>>
      %dma_start3A_196 = arith.constant 0 : i32
      %dma_start3A_197 = arith.constant 0 : i32
      %dma_start3A_198 = tpu.memref_slice %arg8[%dma_start3A_196, %dma_start3A_197] : memref<10240x64xf32, #tpu.memory_space<vmem_shared>> -> memref<10240x64xf32, #tpu.memory_space<vmem_shared>>
      tpu.enqueue_indirect_dma source(%arg9 : memref<80x64xf32, #tpu.memory_space<vmem>>) target(%dma_start3A_198 : memref<10240x64xf32, #tpu.memory_space<vmem_shared>>) offsets(%dma_start3A_195 : memref<80xi32, #tpu.memory_space<vmem>>) semaphore(%arg19 : memref<!tpu.dma_semaphore, #tpu.memory_space<semaphore_mem>>) {add = true}
      %add3A_199 = arith.constant 1 : i32
      %add3A_200 = arith.addi %add3A_182, %add3A_199 : i32
      %dma_wait3A_201 = arith.constant 0 : i32
      %dma_wait3A_202 = tpu.memref_slice %arg6[%add3A_200, %dma_wait3A_201] : memref<125x80xi32, #tpu.memory_space<vmem>> -> memref<1x80xi32, #tpu.memory_space<vmem>>
      %dma_wait3A_203 = tpu.memref_squeeze %dma_wait3A_202 : memref<1x80xi32, #tpu.memory_space<vmem>> -> memref<80xi32, #tpu.memory_space<vmem>>
      %dma_wait3A_204 = arith.constant 0 : i32
      %dma_wait3A_205 = arith.constant 0 : i32
      %dma_wait3A_206 = tpu.memref_slice %arg2[%dma_wait3A_204, %dma_wait3A_205] : memref<20000x64xf32, #tpu.memory_space<hbm>> -> memref<20000x64xf32, #tpu.memory_space<hbm>>
      tpu.wait_indirect_dma semaphore(%arg15 : memref<!tpu.dma_semaphore, #tpu.memory_space<semaphore_mem>>) src(%dma_wait3A_206 : memref<20000x64xf32, #tpu.memory_space<hbm>>) dst(%arg10 : memref<80x64xf32, #tpu.memory_space<vmem>>)
      %add3A_207 = arith.constant 1 : i32
      %add3A_208 = arith.addi %add3A_182, %add3A_207 : i32
      %dma_start3A_209 = arith.constant 0 : i32
      %dma_start3A_210 = tpu.memref_slice %arg7[%add3A_208, %dma_start3A_209] : memref<125x80xi32, #tpu.memory_space<vmem>> -> memref<1x80xi32, #tpu.memory_space<vmem>>
      %dma_start3A_211 = tpu.memref_squeeze %dma_start3A_210 : memref<1x80xi32, #tpu.memory_space<vmem>> -> memref<80xi32, #tpu.memory_space<vmem>>
      %dma_start3A_212 = arith.constant 0 : i32
      %dma_start3A_213 = arith.constant 0 : i32
      %dma_start3A_214 = tpu.memref_slice %arg8[%dma_start3A_212, %dma_start3A_213] : memref<10240x64xf32, #tpu.memory_space<vmem_shared>> -> memref<10240x64xf32, #tpu.memory_space<vmem_shared>>
      tpu.enqueue_indirect_dma source(%arg10 : memref<80x64xf32, #tpu.memory_space<vmem>>) target(%dma_start3A_214 : memref<10240x64xf32, #tpu.memory_space<vmem_shared>>) offsets(%dma_start3A_211 : memref<80xi32, #tpu.memory_space<vmem>>) semaphore(%arg20 : memref<!tpu.dma_semaphore, #tpu.memory_space<semaphore_mem>>) {add = true}
      %add3A_215 = arith.constant 2 : i32
      %add3A_216 = arith.addi %add3A_182, %add3A_215 : i32
      %dma_wait3A_217 = arith.constant 0 : i32
      %dma_wait3A_218 = tpu.memref_slice %arg6[%add3A_216, %dma_wait3A_217] : memref<125x80xi32, #tpu.memory_space<vmem>> -> memref<1x80xi32, #tpu.memory_space<vmem>>
      %dma_wait3A_219 = tpu.memref_squeeze %dma_wait3A_218 : memref<1x80xi32, #tpu.memory_space<vmem>> -> memref<80xi32, #tpu.memory_space<vmem>>
      %dma_wait3A_220 = arith.constant 0 : i32
      %dma_wait3A_221 = arith.constant 0 : i32
      %dma_wait3A_222 = tpu.memref_slice %arg2[%dma_wait3A_220, %dma_wait3A_221] : memref<20000x64xf32, #tpu.memory_space<hbm>> -> memref<20000x64xf32, #tpu.memory_space<hbm>>
      tpu.wait_indirect_dma semaphore(%arg16 : memref<!tpu.dma_semaphore, #tpu.memory_space<semaphore_mem>>) src(%dma_wait3A_222 : memref<20000x64xf32, #tpu.memory_space<hbm>>) dst(%arg11 : memref<80x64xf32, #tpu.memory_space<vmem>>)
      %add3A_223 = arith.constant 2 : i32
      %add3A_224 = arith.addi %add3A_182, %add3A_223 : i32
      %dma_start3A_225 = arith.constant 0 : i32
      %dma_start3A_226 = tpu.memref_slice %arg7[%add3A_224, %dma_start3A_225] : memref<125x80xi32, #tpu.memory_space<vmem>> -> memref<1x80xi32, #tpu.memory_space<vmem>>
      %dma_start3A_227 = tpu.memref_squeeze %dma_start3A_226 : memref<1x80xi32, #tpu.memory_space<vmem>> -> memref<80xi32, #tpu.memory_space<vmem>>
      %dma_start3A_228 = arith.constant 0 : i32
      %dma_start3A_229 = arith.constant 0 : i32
      %dma_start3A_230 = tpu.memref_slice %arg8[%dma_start3A_228, %dma_start3A_229] : memref<10240x64xf32, #tpu.memory_space<vmem_shared>> -> memref<10240x64xf32, #tpu.memory_space<vmem_shared>>
      tpu.enqueue_indirect_dma source(%arg11 : memref<80x64xf32, #tpu.memory_space<vmem>>) target(%dma_start3A_230 : memref<10240x64xf32, #tpu.memory_space<vmem_shared>>) offsets(%dma_start3A_227 : memref<80xi32, #tpu.memory_space<vmem>>) semaphore(%arg21 : memref<!tpu.dma_semaphore, #tpu.memory_space<semaphore_mem>>) {add = true}
      %add3A_231 = arith.constant 3 : i32
      %add3A_232 = arith.addi %add3A_182, %add3A_231 : i32
      %dma_wait3A_233 = arith.constant 0 : i32
      %dma_wait3A_234 = tpu.memref_slice %arg6[%add3A_232, %dma_wait3A_233] : memref<125x80xi32, #tpu.memory_space<vmem>> -> memref<1x80xi32, #tpu.memory_space<vmem>>
      %dma_wait3A_235 = tpu.memref_squeeze %dma_wait3A_234 : memref<1x80xi32, #tpu.memory_space<vmem>> -> memref<80xi32, #tpu.memory_space<vmem>>
      %dma_wait3A_236 = arith.constant 0 : i32
      %dma_wait3A_237 = arith.constant 0 : i32
      %dma_wait3A_238 = tpu.memref_slice %arg2[%dma_wait3A_236, %dma_wait3A_237] : memref<20000x64xf32, #tpu.memory_space<hbm>> -> memref<20000x64xf32, #tpu.memory_space<hbm>>
      tpu.wait_indirect_dma semaphore(%arg17 : memref<!tpu.dma_semaphore, #tpu.memory_space<semaphore_mem>>) src(%dma_wait3A_238 : memref<20000x64xf32, #tpu.memory_space<hbm>>) dst(%arg12 : memref<80x64xf32, #tpu.memory_space<vmem>>)
      %add3A_239 = arith.constant 3 : i32
      %add3A_240 = arith.addi %add3A_182, %add3A_239 : i32
      %dma_start3A_241 = arith.constant 0 : i32
      %dma_start3A_242 = tpu.memref_slice %arg7[%add3A_240, %dma_start3A_241] : memref<125x80xi32, #tpu.memory_space<vmem>> -> memref<1x80xi32, #tpu.memory_space<vmem>>
      %dma_start3A_243 = tpu.memref_squeeze %dma_start3A_242 : memref<1x80xi32, #tpu.memory_space<vmem>> -> memref<80xi32, #tpu.memory_space<vmem>>
      %dma_start3A_244 = arith.constant 0 : i32
      %dma_start3A_245 = arith.constant 0 : i32
      %dma_start3A_246 = tpu.memref_slice %arg8[%dma_start3A_244, %dma_start3A_245] : memref<10240x64xf32, #tpu.memory_space<vmem_shared>> -> memref<10240x64xf32, #tpu.memory_space<vmem_shared>>
      tpu.enqueue_indirect_dma source(%arg12 : memref<80x64xf32, #tpu.memory_space<vmem>>) target(%dma_start3A_246 : memref<10240x64xf32, #tpu.memory_space<vmem_shared>>) offsets(%dma_start3A_243 : memref<80xi32, #tpu.memory_space<vmem>>) semaphore(%arg22 : memref<!tpu.dma_semaphore, #tpu.memory_space<semaphore_mem>>) {add = true}
      %add3A_247 = arith.constant 4 : i32
      %add3A_248 = arith.addi %add3A_182, %add3A_247 : i32
      %dma_wait3A_249 = arith.constant 0 : i32
      %dma_wait3A_250 = tpu.memref_slice %arg6[%add3A_248, %dma_wait3A_249] : memref<125x80xi32, #tpu.memory_space<vmem>> -> memref<1x80xi32, #tpu.memory_space<vmem>>
      %dma_wait3A_251 = tpu.memref_squeeze %dma_wait3A_250 : memref<1x80xi32, #tpu.memory_space<vmem>> -> memref<80xi32, #tpu.memory_space<vmem>>
      %dma_wait3A_252 = arith.constant 0 : i32
      %dma_wait3A_253 = arith.constant 0 : i32
      %dma_wait3A_254 = tpu.memref_slice %arg2[%dma_wait3A_252, %dma_wait3A_253] : memref<20000x64xf32, #tpu.memory_space<hbm>> -> memref<20000x64xf32, #tpu.memory_space<hbm>>
      tpu.wait_indirect_dma semaphore(%arg18 : memref<!tpu.dma_semaphore, #tpu.memory_space<semaphore_mem>>) src(%dma_wait3A_254 : memref<20000x64xf32, #tpu.memory_space<hbm>>) dst(%arg13 : memref<80x64xf32, #tpu.memory_space<vmem>>)
      %add3A_255 = arith.constant 4 : i32
      %add3A_256 = arith.addi %add3A_182, %add3A_255 : i32
      %dma_start3A_257 = arith.constant 0 : i32
      %dma_start3A_258 = tpu.memref_slice %arg7[%add3A_256, %dma_start3A_257] : memref<125x80xi32, #tpu.memory_space<vmem>> -> memref<1x80xi32, #tpu.memory_space<vmem>>
      %dma_start3A_259 = tpu.memref_squeeze %dma_start3A_258 : memref<1x80xi32, #tpu.memory_space<vmem>> -> memref<80xi32, #tpu.memory_space<vmem>>
      %dma_start3A_260 = arith.constant 0 : i32
      %dma_start3A_261 = arith.constant 0 : i32
      %dma_start3A_262 = tpu.memref_slice %arg8[%dma_start3A_260, %dma_start3A_261] : memref<10240x64xf32, #tpu.memory_space<vmem_shared>> -> memref<10240x64xf32, #tpu.memory_space<vmem_shared>>
      tpu.enqueue_indirect_dma source(%arg13 : memref<80x64xf32, #tpu.memory_space<vmem>>) target(%dma_start3A_262 : memref<10240x64xf32, #tpu.memory_space<vmem_shared>>) offsets(%dma_start3A_259 : memref<80xi32, #tpu.memory_space<vmem>>) semaphore(%arg23 : memref<!tpu.dma_semaphore, #tpu.memory_space<semaphore_mem>>) {add = true}
      %add3A_263 = arith.constant 0 : i32
      %add3A_264 = arith.addi %add3A_182, %add3A_263 : i32
      %add3A_265 = arith.constant 5 : i32
      %add3A_266 = arith.addi %add3A_264, %add3A_265 : i32
      %lt3A = arith.constant 125 : i32
      %lt3A_267 = arith.cmpi slt, %add3A_266, %lt3A : i32
      %convert_element_type3A = arith.extui %lt3A_267 : i1 to i32
      %cond3A = arith.constant 0 : i32
      %cond3A_268 = arith.cmpi ne, %convert_element_type3A, %cond3A : i32
      scf.if %cond3A_268 {
        %add3A_305 = arith.constant 0 : i32
        %add3A_306 = arith.addi %add3A_182, %add3A_305 : i32
        %dma_wait3A_307 = arith.constant 0 : i32
        %dma_wait3A_308 = tpu.memref_slice %arg7[%add3A_306, %dma_wait3A_307] : memref<125x80xi32, #tpu.memory_space<vmem>> -> memref<1x80xi32, #tpu.memory_space<vmem>>
        %dma_wait3A_309 = tpu.memref_squeeze %dma_wait3A_308 : memref<1x80xi32, #tpu.memory_space<vmem>> -> memref<80xi32, #tpu.memory_space<vmem>>
        %dma_wait3A_310 = arith.constant 0 : i32
        %dma_wait3A_311 = arith.constant 0 : i32
        %dma_wait3A_312 = tpu.memref_slice %arg8[%dma_wait3A_310, %dma_wait3A_311] : memref<10240x64xf32, #tpu.memory_space<vmem_shared>> -> memref<10240x64xf32, #tpu.memory_space<vmem_shared>>
        tpu.wait_indirect_dma semaphore(%arg19 : memref<!tpu.dma_semaphore, #tpu.memory_space<semaphore_mem>>) src(%arg9 : memref<80x64xf32, #tpu.memory_space<vmem>>) dst(%dma_wait3A_312 : memref<10240x64xf32, #tpu.memory_space<vmem_shared>>)
        %add3A_313 = arith.constant 0 : i32
        %add3A_314 = arith.addi %add3A_182, %add3A_313 : i32
        %add3A_315 = arith.constant 5 : i32
        %add3A_316 = arith.addi %add3A_314, %add3A_315 : i32
        %dma_start3A_317 = arith.constant 0 : i32
        %dma_start3A_318 = tpu.memref_slice %arg6[%add3A_316, %dma_start3A_317] : memref<125x80xi32, #tpu.memory_space<vmem>> -> memref<1x80xi32, #tpu.memory_space<vmem>>
        %dma_start3A_319 = tpu.memref_squeeze %dma_start3A_318 : memref<1x80xi32, #tpu.memory_space<vmem>> -> memref<80xi32, #tpu.memory_space<vmem>>
        %dma_start3A_320 = arith.constant 0 : i32
        %dma_start3A_321 = arith.constant 0 : i32
        %dma_start3A_322 = tpu.memref_slice %arg2[%dma_start3A_320, %dma_start3A_321] : memref<20000x64xf32, #tpu.memory_space<hbm>> -> memref<20000x64xf32, #tpu.memory_space<hbm>>
        tpu.enqueue_indirect_dma source(%dma_start3A_322 : memref<20000x64xf32, #tpu.memory_space<hbm>>) target(%arg9 : memref<80x64xf32, #tpu.memory_space<vmem>>) offsets(%dma_start3A_319 : memref<80xi32, #tpu.memory_space<vmem>>) semaphore(%arg14 : memref<!tpu.dma_semaphore, #tpu.memory_space<semaphore_mem>>)
      } else {
      }
      %add3A_269 = arith.constant 1 : i32
      %add3A_270 = arith.addi %add3A_182, %add3A_269 : i32
      %add3A_271 = arith.constant 5 : i32
      %add3A_272 = arith.addi %add3A_270, %add3A_271 : i32
      %lt3A_273 = arith.constant 125 : i32
      %lt3A_274 = arith.cmpi slt, %add3A_272, %lt3A_273 : i32
      %convert_element_type3A_275 = arith.extui %lt3A_274 : i1 to i32
      %cond3A_276 = arith.constant 0 : i32
      %cond3A_277 = arith.cmpi ne, %convert_element_type3A_275, %cond3A_276 : i32
      scf.if %cond3A_277 {
        %add3A_305 = arith.constant 1 : i32
        %add3A_306 = arith.addi %add3A_182, %add3A_305 : i32
        %dma_wait3A_307 = arith.constant 0 : i32
        %dma_wait3A_308 = tpu.memref_slice %arg7[%add3A_306, %dma_wait3A_307] : memref<125x80xi32, #tpu.memory_space<vmem>> -> memref<1x80xi32, #tpu.memory_space<vmem>>
        %dma_wait3A_309 = tpu.memref_squeeze %dma_wait3A_308 : memref<1x80xi32, #tpu.memory_space<vmem>> -> memref<80xi32, #tpu.memory_space<vmem>>
        %dma_wait3A_310 = arith.constant 0 : i32
        %dma_wait3A_311 = arith.constant 0 : i32
        %dma_wait3A_312 = tpu.memref_slice %arg8[%dma_wait3A_310, %dma_wait3A_311] : memref<10240x64xf32, #tpu.memory_space<vmem_shared>> -> memref<10240x64xf32, #tpu.memory_space<vmem_shared>>
        tpu.wait_indirect_dma semaphore(%arg20 : memref<!tpu.dma_semaphore, #tpu.memory_space<semaphore_mem>>) src(%arg10 : memref<80x64xf32, #tpu.memory_space<vmem>>) dst(%dma_wait3A_312 : memref<10240x64xf32, #tpu.memory_space<vmem_shared>>)
        %add3A_313 = arith.constant 1 : i32
        %add3A_314 = arith.addi %add3A_182, %add3A_313 : i32
        %add3A_315 = arith.constant 5 : i32
        %add3A_316 = arith.addi %add3A_314, %add3A_315 : i32
        %dma_start3A_317 = arith.constant 0 : i32
        %dma_start3A_318 = tpu.memref_slice %arg6[%add3A_316, %dma_start3A_317] : memref<125x80xi32, #tpu.memory_space<vmem>> -> memref<1x80xi32, #tpu.memory_space<vmem>>
        %dma_start3A_319 = tpu.memref_squeeze %dma_start3A_318 : memref<1x80xi32, #tpu.memory_space<vmem>> -> memref<80xi32, #tpu.memory_space<vmem>>
        %dma_start3A_320 = arith.constant 0 : i32
        %dma_start3A_321 = arith.constant 0 : i32
        %dma_start3A_322 = tpu.memref_slice %arg2[%dma_start3A_320, %dma_start3A_321] : memref<20000x64xf32, #tpu.memory_space<hbm>> -> memref<20000x64xf32, #tpu.memory_space<hbm>>
        tpu.enqueue_indirect_dma source(%dma_start3A_322 : memref<20000x64xf32, #tpu.memory_space<hbm>>) target(%arg10 : memref<80x64xf32, #tpu.memory_space<vmem>>) offsets(%dma_start3A_319 : memref<80xi32, #tpu.memory_space<vmem>>) semaphore(%arg15 : memref<!tpu.dma_semaphore, #tpu.memory_space<semaphore_mem>>)
      } else {
      }
      %add3A_278 = arith.constant 2 : i32
      %add3A_279 = arith.addi %add3A_182, %add3A_278 : i32
      %add3A_280 = arith.constant 5 : i32
      %add3A_281 = arith.addi %add3A_279, %add3A_280 : i32
      %lt3A_282 = arith.constant 125 : i32
      %lt3A_283 = arith.cmpi slt, %add3A_281, %lt3A_282 : i32
      %convert_element_type3A_284 = arith.extui %lt3A_283 : i1 to i32
      %cond3A_285 = arith.constant 0 : i32
      %cond3A_286 = arith.cmpi ne, %convert_element_type3A_284, %cond3A_285 : i32
      scf.if %cond3A_286 {
        %add3A_305 = arith.constant 2 : i32
        %add3A_306 = arith.addi %add3A_182, %add3A_305 : i32
        %dma_wait3A_307 = arith.constant 0 : i32
        %dma_wait3A_308 = tpu.memref_slice %arg7[%add3A_306, %dma_wait3A_307] : memref<125x80xi32, #tpu.memory_space<vmem>> -> memref<1x80xi32, #tpu.memory_space<vmem>>
        %dma_wait3A_309 = tpu.memref_squeeze %dma_wait3A_308 : memref<1x80xi32, #tpu.memory_space<vmem>> -> memref<80xi32, #tpu.memory_space<vmem>>
        %dma_wait3A_310 = arith.constant 0 : i32
        %dma_wait3A_311 = arith.constant 0 : i32
        %dma_wait3A_312 = tpu.memref_slice %arg8[%dma_wait3A_310, %dma_wait3A_311] : memref<10240x64xf32, #tpu.memory_space<vmem_shared>> -> memref<10240x64xf32, #tpu.memory_space<vmem_shared>>
        tpu.wait_indirect_dma semaphore(%arg21 : memref<!tpu.dma_semaphore, #tpu.memory_space<semaphore_mem>>) src(%arg11 : memref<80x64xf32, #tpu.memory_space<vmem>>) dst(%dma_wait3A_312 : memref<10240x64xf32, #tpu.memory_space<vmem_shared>>)
        %add3A_313 = arith.constant 2 : i32
        %add3A_314 = arith.addi %add3A_182, %add3A_313 : i32
        %add3A_315 = arith.constant 5 : i32
        %add3A_316 = arith.addi %add3A_314, %add3A_315 : i32
        %dma_start3A_317 = arith.constant 0 : i32
        %dma_start3A_318 = tpu.memref_slice %arg6[%add3A_316, %dma_start3A_317] : memref<125x80xi32, #tpu.memory_space<vmem>> -> memref<1x80xi32, #tpu.memory_space<vmem>>
        %dma_start3A_319 = tpu.memref_squeeze %dma_start3A_318 : memref<1x80xi32, #tpu.memory_space<vmem>> -> memref<80xi32, #tpu.memory_space<vmem>>
        %dma_start3A_320 = arith.constant 0 : i32
        %dma_start3A_321 = arith.constant 0 : i32
        %dma_start3A_322 = tpu.memref_slice %arg2[%dma_start3A_320, %dma_start3A_321] : memref<20000x64xf32, #tpu.memory_space<hbm>> -> memref<20000x64xf32, #tpu.memory_space<hbm>>
        tpu.enqueue_indirect_dma source(%dma_start3A_322 : memref<20000x64xf32, #tpu.memory_space<hbm>>) target(%arg11 : memref<80x64xf32, #tpu.memory_space<vmem>>) offsets(%dma_start3A_319 : memref<80xi32, #tpu.memory_space<vmem>>) semaphore(%arg16 : memref<!tpu.dma_semaphore, #tpu.memory_space<semaphore_mem>>)
      } else {
      }
      %add3A_287 = arith.constant 3 : i32
      %add3A_288 = arith.addi %add3A_182, %add3A_287 : i32
      %add3A_289 = arith.constant 5 : i32
      %add3A_290 = arith.addi %add3A_288, %add3A_289 : i32
      %lt3A_291 = arith.constant 125 : i32
      %lt3A_292 = arith.cmpi slt, %add3A_290, %lt3A_291 : i32
      %convert_element_type3A_293 = arith.extui %lt3A_292 : i1 to i32
      %cond3A_294 = arith.constant 0 : i32
      %cond3A_295 = arith.cmpi ne, %convert_element_type3A_293, %cond3A_294 : i32
      scf.if %cond3A_295 {
        %add3A_305 = arith.constant 3 : i32
        %add3A_306 = arith.addi %add3A_182, %add3A_305 : i32
        %dma_wait3A_307 = arith.constant 0 : i32
        %dma_wait3A_308 = tpu.memref_slice %arg7[%add3A_306, %dma_wait3A_307] : memref<125x80xi32, #tpu.memory_space<vmem>> -> memref<1x80xi32, #tpu.memory_space<vmem>>
        %dma_wait3A_309 = tpu.memref_squeeze %dma_wait3A_308 : memref<1x80xi32, #tpu.memory_space<vmem>> -> memref<80xi32, #tpu.memory_space<vmem>>
        %dma_wait3A_310 = arith.constant 0 : i32
        %dma_wait3A_311 = arith.constant 0 : i32
        %dma_wait3A_312 = tpu.memref_slice %arg8[%dma_wait3A_310, %dma_wait3A_311] : memref<10240x64xf32, #tpu.memory_space<vmem_shared>> -> memref<10240x64xf32, #tpu.memory_space<vmem_shared>>
        tpu.wait_indirect_dma semaphore(%arg22 : memref<!tpu.dma_semaphore, #tpu.memory_space<semaphore_mem>>) src(%arg12 : memref<80x64xf32, #tpu.memory_space<vmem>>) dst(%dma_wait3A_312 : memref<10240x64xf32, #tpu.memory_space<vmem_shared>>)
        %add3A_313 = arith.constant 3 : i32
        %add3A_314 = arith.addi %add3A_182, %add3A_313 : i32
        %add3A_315 = arith.constant 5 : i32
        %add3A_316 = arith.addi %add3A_314, %add3A_315 : i32
        %dma_start3A_317 = arith.constant 0 : i32
        %dma_start3A_318 = tpu.memref_slice %arg6[%add3A_316, %dma_start3A_317] : memref<125x80xi32, #tpu.memory_space<vmem>> -> memref<1x80xi32, #tpu.memory_space<vmem>>
        %dma_start3A_319 = tpu.memref_squeeze %dma_start3A_318 : memref<1x80xi32, #tpu.memory_space<vmem>> -> memref<80xi32, #tpu.memory_space<vmem>>
        %dma_start3A_320 = arith.constant 0 : i32
        %dma_start3A_321 = arith.constant 0 : i32
        %dma_start3A_322 = tpu.memref_slice %arg2[%dma_start3A_320, %dma_start3A_321] : memref<20000x64xf32, #tpu.memory_space<hbm>> -> memref<20000x64xf32, #tpu.memory_space<hbm>>
        tpu.enqueue_indirect_dma source(%dma_start3A_322 : memref<20000x64xf32, #tpu.memory_space<hbm>>) target(%arg12 : memref<80x64xf32, #tpu.memory_space<vmem>>) offsets(%dma_start3A_319 : memref<80xi32, #tpu.memory_space<vmem>>) semaphore(%arg17 : memref<!tpu.dma_semaphore, #tpu.memory_space<semaphore_mem>>)
      } else {
      }
      %add3A_296 = arith.constant 4 : i32
      %add3A_297 = arith.addi %add3A_182, %add3A_296 : i32
      %add3A_298 = arith.constant 5 : i32
      %add3A_299 = arith.addi %add3A_297, %add3A_298 : i32
      %lt3A_300 = arith.constant 125 : i32
      %lt3A_301 = arith.cmpi slt, %add3A_299, %lt3A_300 : i32
      %convert_element_type3A_302 = arith.extui %lt3A_301 : i1 to i32
      %cond3A_303 = arith.constant 0 : i32
      %cond3A_304 = arith.cmpi ne, %convert_element_type3A_302, %cond3A_303 : i32
      scf.if %cond3A_304 {
        %add3A_305 = arith.constant 4 : i32
        %add3A_306 = arith.addi %add3A_182, %add3A_305 : i32
        %dma_wait3A_307 = arith.constant 0 : i32
        %dma_wait3A_308 = tpu.memref_slice %arg7[%add3A_306, %dma_wait3A_307] : memref<125x80xi32, #tpu.memory_space<vmem>> -> memref<1x80xi32, #tpu.memory_space<vmem>>
        %dma_wait3A_309 = tpu.memref_squeeze %dma_wait3A_308 : memref<1x80xi32, #tpu.memory_space<vmem>> -> memref<80xi32, #tpu.memory_space<vmem>>
        %dma_wait3A_310 = arith.constant 0 : i32
        %dma_wait3A_311 = arith.constant 0 : i32
        %dma_wait3A_312 = tpu.memref_slice %arg8[%dma_wait3A_310, %dma_wait3A_311] : memref<10240x64xf32, #tpu.memory_space<vmem_shared>> -> memref<10240x64xf32, #tpu.memory_space<vmem_shared>>
        tpu.wait_indirect_dma semaphore(%arg23 : memref<!tpu.dma_semaphore, #tpu.memory_space<semaphore_mem>>) src(%arg13 : memref<80x64xf32, #tpu.memory_space<vmem>>) dst(%dma_wait3A_312 : memref<10240x64xf32, #tpu.memory_space<vmem_shared>>)
        %add3A_313 = arith.constant 4 : i32
        %add3A_314 = arith.addi %add3A_182, %add3A_313 : i32
        %add3A_315 = arith.constant 5 : i32
        %add3A_316 = arith.addi %add3A_314, %add3A_315 : i32
        %dma_start3A_317 = arith.constant 0 : i32
        %dma_start3A_318 = tpu.memref_slice %arg6[%add3A_316, %dma_start3A_317] : memref<125x80xi32, #tpu.memory_space<vmem>> -> memref<1x80xi32, #tpu.memory_space<vmem>>
        %dma_start3A_319 = tpu.memref_squeeze %dma_start3A_318 : memref<1x80xi32, #tpu.memory_space<vmem>> -> memref<80xi32, #tpu.memory_space<vmem>>
        %dma_start3A_320 = arith.constant 0 : i32
        %dma_start3A_321 = arith.constant 0 : i32
        %dma_start3A_322 = tpu.memref_slice %arg2[%dma_start3A_320, %dma_start3A_321] : memref<20000x64xf32, #tpu.memory_space<hbm>> -> memref<20000x64xf32, #tpu.memory_space<hbm>>
        tpu.enqueue_indirect_dma source(%dma_start3A_322 : memref<20000x64xf32, #tpu.memory_space<hbm>>) target(%arg13 : memref<80x64xf32, #tpu.memory_space<vmem>>) offsets(%dma_start3A_319 : memref<80xi32, #tpu.memory_space<vmem>>) semaphore(%arg18 : memref<!tpu.dma_semaphore, #tpu.memory_space<semaphore_mem>>)
      } else {
      }
    }
    %scan3A_48 = arith.constant 25 : i32
    %dma_wait3A = arith.constant 120 : i32
    %dma_wait3A_49 = arith.constant 0 : i32
    %dma_wait3A_50 = tpu.memref_slice %arg7[%dma_wait3A, %dma_wait3A_49] : memref<125x80xi32, #tpu.memory_space<vmem>> -> memref<1x80xi32, #tpu.memory_space<vmem>>
    %dma_wait3A_51 = tpu.memref_squeeze %dma_wait3A_50 : memref<1x80xi32, #tpu.memory_space<vmem>> -> memref<80xi32, #tpu.memory_space<vmem>>
    %dma_wait3A_52 = arith.constant 0 : i32
    %dma_wait3A_53 = arith.constant 0 : i32
    %dma_wait3A_54 = tpu.memref_slice %arg8[%dma_wait3A_52, %dma_wait3A_53] : memref<10240x64xf32, #tpu.memory_space<vmem_shared>> -> memref<10240x64xf32, #tpu.memory_space<vmem_shared>>
    tpu.wait_indirect_dma semaphore(%arg19 : memref<!tpu.dma_semaphore, #tpu.memory_space<semaphore_mem>>) src(%arg9 : memref<80x64xf32, #tpu.memory_space<vmem>>) dst(%dma_wait3A_54 : memref<10240x64xf32, #tpu.memory_space<vmem_shared>>)
    %dma_wait3A_55 = arith.constant 121 : i32
    %dma_wait3A_56 = arith.constant 0 : i32
    %dma_wait3A_57 = tpu.memref_slice %arg7[%dma_wait3A_55, %dma_wait3A_56] : memref<125x80xi32, #tpu.memory_space<vmem>> -> memref<1x80xi32, #tpu.memory_space<vmem>>
    %dma_wait3A_58 = tpu.memref_squeeze %dma_wait3A_57 : memref<1x80xi32, #tpu.memory_space<vmem>> -> memref<80xi32, #tpu.memory_space<vmem>>
    %dma_wait3A_59 = arith.constant 0 : i32
    %dma_wait3A_60 = arith.constant 0 : i32
    %dma_wait3A_61 = tpu.memref_slice %arg8[%dma_wait3A_59, %dma_wait3A_60] : memref<10240x64xf32, #tpu.memory_space<vmem_shared>> -> memref<10240x64xf32, #tpu.memory_space<vmem_shared>>
    tpu.wait_indirect_dma semaphore(%arg20 : memref<!tpu.dma_semaphore, #tpu.memory_space<semaphore_mem>>) src(%arg10 : memref<80x64xf32, #tpu.memory_space<vmem>>) dst(%dma_wait3A_61 : memref<10240x64xf32, #tpu.memory_space<vmem_shared>>)
    %dma_wait3A_62 = arith.constant 122 : i32
    %dma_wait3A_63 = arith.constant 0 : i32
    %dma_wait3A_64 = tpu.memref_slice %arg7[%dma_wait3A_62, %dma_wait3A_63] : memref<125x80xi32, #tpu.memory_space<vmem>> -> memref<1x80xi32, #tpu.memory_space<vmem>>
    %dma_wait3A_65 = tpu.memref_squeeze %dma_wait3A_64 : memref<1x80xi32, #tpu.memory_space<vmem>> -> memref<80xi32, #tpu.memory_space<vmem>>
    %dma_wait3A_66 = arith.constant 0 : i32
    %dma_wait3A_67 = arith.constant 0 : i32
    %dma_wait3A_68 = tpu.memref_slice %arg8[%dma_wait3A_66, %dma_wait3A_67] : memref<10240x64xf32, #tpu.memory_space<vmem_shared>> -> memref<10240x64xf32, #tpu.memory_space<vmem_shared>>
    tpu.wait_indirect_dma semaphore(%arg21 : memref<!tpu.dma_semaphore, #tpu.memory_space<semaphore_mem>>) src(%arg11 : memref<80x64xf32, #tpu.memory_space<vmem>>) dst(%dma_wait3A_68 : memref<10240x64xf32, #tpu.memory_space<vmem_shared>>)
    %dma_wait3A_69 = arith.constant 123 : i32
    %dma_wait3A_70 = arith.constant 0 : i32
    %dma_wait3A_71 = tpu.memref_slice %arg7[%dma_wait3A_69, %dma_wait3A_70] : memref<125x80xi32, #tpu.memory_space<vmem>> -> memref<1x80xi32, #tpu.memory_space<vmem>>
    %dma_wait3A_72 = tpu.memref_squeeze %dma_wait3A_71 : memref<1x80xi32, #tpu.memory_space<vmem>> -> memref<80xi32, #tpu.memory_space<vmem>>
    %dma_wait3A_73 = arith.constant 0 : i32
    %dma_wait3A_74 = arith.constant 0 : i32
    %dma_wait3A_75 = tpu.memref_slice %arg8[%dma_wait3A_73, %dma_wait3A_74] : memref<10240x64xf32, #tpu.memory_space<vmem_shared>> -> memref<10240x64xf32, #tpu.memory_space<vmem_shared>>
    tpu.wait_indirect_dma semaphore(%arg22 : memref<!tpu.dma_semaphore, #tpu.memory_space<semaphore_mem>>) src(%arg12 : memref<80x64xf32, #tpu.memory_space<vmem>>) dst(%dma_wait3A_75 : memref<10240x64xf32, #tpu.memory_space<vmem_shared>>)
    %dma_wait3A_76 = arith.constant 124 : i32
    %dma_wait3A_77 = arith.constant 0 : i32
    %dma_wait3A_78 = tpu.memref_slice %arg7[%dma_wait3A_76, %dma_wait3A_77] : memref<125x80xi32, #tpu.memory_space<vmem>> -> memref<1x80xi32, #tpu.memory_space<vmem>>
    %dma_wait3A_79 = tpu.memref_squeeze %dma_wait3A_78 : memref<1x80xi32, #tpu.memory_space<vmem>> -> memref<80xi32, #tpu.memory_space<vmem>>
    %dma_wait3A_80 = arith.constant 0 : i32
    %dma_wait3A_81 = arith.constant 0 : i32
    %dma_wait3A_82 = tpu.memref_slice %arg8[%dma_wait3A_80, %dma_wait3A_81] : memref<10240x64xf32, #tpu.memory_space<vmem_shared>> -> memref<10240x64xf32, #tpu.memory_space<vmem_shared>>
    tpu.wait_indirect_dma semaphore(%arg23 : memref<!tpu.dma_semaphore, #tpu.memory_space<semaphore_mem>>) src(%arg13 : memref<80x64xf32, #tpu.memory_space<vmem>>) dst(%dma_wait3A_82 : memref<10240x64xf32, #tpu.memory_space<vmem_shared>>)
    %barrier3A_83 = arith.constant 0 : index
    tpu.barrier barrier_id(%barrier3A_83)
    %mul3A_84 = arith.constant 640 : i32
    %mul3A_85 = arith.muli %arg1, %mul3A_84 : i32
    %mul3A_86 = arith.constant 640 : i32
    %mul3A_87 = arith.muli %arg1, %mul3A_86 : i32
    "tpu.region"() ({
      %run_scoped3A_178 = tpu.sem_alloc : memref<!tpu.dma_semaphore, #tpu.memory_space<semaphore_mem>>
      %dma_start3A_179 = arith.constant 0 : i32
      %dma_start3A_180 = tpu.memref_slice %arg5[%arg0, %mul3A_87, %dma_start3A_179] : memref<2x10240x128xf32, #tpu.memory_space<hbm>> -> memref<1x640x64xf32, #tpu.memory_space<hbm>>
      %dma_start3A_181 = tpu.memref_squeeze %dma_start3A_180 : memref<1x640x64xf32, #tpu.memory_space<hbm>> -> memref<640x64xf32, #tpu.memory_space<hbm>>
      %dma_start3A_182 = arith.constant 0 : i32
      %dma_start3A_183 = tpu.memref_slice %arg8[%mul3A_85, %dma_start3A_182] : memref<10240x64xf32, #tpu.memory_space<vmem_shared>> -> memref<640x64xf32, #tpu.memory_space<vmem_shared>>
      tpu.enqueue_dma source(%dma_start3A_183 : memref<640x64xf32, #tpu.memory_space<vmem_shared>>) target(%dma_start3A_181 : memref<640x64xf32, #tpu.memory_space<hbm>>) target_semaphore(%run_scoped3A_178 : memref<!tpu.dma_semaphore, #tpu.memory_space<semaphore_mem>>)
      %dma_wait3A_184 = arith.constant 0 : i32
      %dma_wait3A_185 = tpu.memref_slice %arg5[%arg0, %mul3A_87, %dma_wait3A_184] : memref<2x10240x128xf32, #tpu.memory_space<hbm>> -> memref<1x640x64xf32, #tpu.memory_space<hbm>>
      %dma_wait3A_186 = tpu.memref_squeeze %dma_wait3A_185 : memref<1x640x64xf32, #tpu.memory_space<hbm>> -> memref<640x64xf32, #tpu.memory_space<hbm>>
      %dma_wait3A_187 = arith.constant 0 : i32
      %dma_wait3A_188 = tpu.memref_slice %arg8[%mul3A_85, %dma_wait3A_187] : memref<10240x64xf32, #tpu.memory_space<vmem_shared>> -> memref<640x64xf32, #tpu.memory_space<vmem_shared>>
      tpu.wait_dma2 semaphore(%run_scoped3A_178 : memref<!tpu.dma_semaphore, #tpu.memory_space<semaphore_mem>>) src(%dma_wait3A_188 : memref<640x64xf32, #tpu.memory_space<vmem_shared>>) dst(%dma_wait3A_186 : memref<640x64xf32, #tpu.memory_space<hbm>>)
      tpu.yield
    }) : () -> ()
    %scan3A_88 = arith.constant 0 : i32
    %scan3A_89 = arith.constant 125 : i32
    %scan3A_90 = arith.addi %scan3A_88, %scan3A_89 : i32
    %scan3A_91 = arith.constant 1 : i32
    scf.for %scan3A_178 = %scan3A_88 to %scan3A_90 step %scan3A_91  : i32 {
      %mul3A_179 = arith.constant 1 : i32
      %mul3A_180 = arith.muli %scan3A_178, %mul3A_179 : i32
      %add3A_181 = arith.constant 0 : i32
      %add3A_182 = arith.addi %add3A_181, %mul3A_180 : i32
      %get3A = arith.index_cast %add3A_182 : i32 to index
      %get3A_183 = arith.constant 0 : index
      %get3A_184 = tpu.vector_load %arg6[%get3A, %get3A_183] {strides = array<i32>} : memref<125x80xi32, #tpu.memory_space<vmem>>, vector<1x16xi32>,
      %get3A_185 = vector.shape_cast %get3A_184 : vector<1x16xi32> to vector<16xi32>
      %add3A_186 = arith.constant 1 : i32
      %add3A_187 = vector.broadcast %add3A_186 : i32 to vector<16xi32>
      %add3A_188 = arith.addi %get3A_185, %add3A_187 : vector<16xi32>
      %swap3A = arith.index_cast %add3A_182 : i32 to index
      %swap3A_189 = arith.constant 0 : index
      %swap3A_190 = tpu.vector_load %arg6[%swap3A, %swap3A_189] {strides = array<i32>} : memref<125x80xi32, #tpu.memory_space<vmem>>, vector<1x16xi32>,
      %swap3A_191 = vector.shape_cast %swap3A_190 : vector<1x16xi32> to vector<16xi32>
      %swap3A_192 = vector.shape_cast %add3A_188 : vector<16xi32> to vector<1x16xi32>
      tpu.vector_store %arg6[%swap3A, %swap3A_189], %swap3A_192 {strides = array<i32>} : memref<125x80xi32, #tpu.memory_space<vmem>>, vector<1x16xi32>,
      %get3A_193 = arith.index_cast %add3A_182 : i32 to index
      %get3A_194 = arith.constant 16 : index
      %get3A_195 = tpu.vector_load %arg6[%get3A_193, %get3A_194] {strides = array<i32>} : memref<125x80xi32, #tpu.memory_space<vmem>>, vector<1x16xi32>,
      %get3A_196 = vector.shape_cast %get3A_195 : vector<1x16xi32> to vector<16xi32>
      %add3A_197 = arith.constant 1 : i32
      %add3A_198 = vector.broadcast %add3A_197 : i32 to vector<16xi32>
      %add3A_199 = arith.addi %get3A_196, %add3A_198 : vector<16xi32>
      %swap3A_200 = arith.index_cast %add3A_182 : i32 to index
      %swap3A_201 = arith.constant 16 : index
      %swap3A_202 = tpu.vector_load %arg6[%swap3A_200, %swap3A_201] {strides = array<i32>} : memref<125x80xi32, #tpu.memory_space<vmem>>, vector<1x16xi32>,
      %swap3A_203 = vector.shape_cast %swap3A_202 : vector<1x16xi32> to vector<16xi32>
      %swap3A_204 = vector.shape_cast %add3A_199 : vector<16xi32> to vector<1x16xi32>
      tpu.vector_store %arg6[%swap3A_200, %swap3A_201], %swap3A_204 {strides = array<i32>} : memref<125x80xi32, #tpu.memory_space<vmem>>, vector<1x16xi32>,
      %get3A_205 = arith.index_cast %add3A_182 : i32 to index
      %get3A_206 = arith.constant 32 : index
      %get3A_207 = tpu.vector_load %arg6[%get3A_205, %get3A_206] {strides = array<i32>} : memref<125x80xi32, #tpu.memory_space<vmem>>, vector<1x16xi32>,
      %get3A_208 = vector.shape_cast %get3A_207 : vector<1x16xi32> to vector<16xi32>
      %add3A_209 = arith.constant 1 : i32
      %add3A_210 = vector.broadcast %add3A_209 : i32 to vector<16xi32>
      %add3A_211 = arith.addi %get3A_208, %add3A_210 : vector<16xi32>
      %swap3A_212 = arith.index_cast %add3A_182 : i32 to index
      %swap3A_213 = arith.constant 32 : index
      %swap3A_214 = tpu.vector_load %arg6[%swap3A_212, %swap3A_213] {strides = array<i32>} : memref<125x80xi32, #tpu.memory_space<vmem>>, vector<1x16xi32>,
      %swap3A_215 = vector.shape_cast %swap3A_214 : vector<1x16xi32> to vector<16xi32>
      %swap3A_216 = vector.shape_cast %add3A_211 : vector<16xi32> to vector<1x16xi32>
      tpu.vector_store %arg6[%swap3A_212, %swap3A_213], %swap3A_216 {strides = array<i32>} : memref<125x80xi32, #tpu.memory_space<vmem>>, vector<1x16xi32>,
      %get3A_217 = arith.index_cast %add3A_182 : i32 to index
      %get3A_218 = arith.constant 48 : index
      %get3A_219 = tpu.vector_load %arg6[%get3A_217, %get3A_218] {strides = array<i32>} : memref<125x80xi32, #tpu.memory_space<vmem>>, vector<1x16xi32>,
      %get3A_220 = vector.shape_cast %get3A_219 : vector<1x16xi32> to vector<16xi32>
      %add3A_221 = arith.constant 1 : i32
      %add3A_222 = vector.broadcast %add3A_221 : i32 to vector<16xi32>
      %add3A_223 = arith.addi %get3A_220, %add3A_222 : vector<16xi32>
      %swap3A_224 = arith.index_cast %add3A_182 : i32 to index
      %swap3A_225 = arith.constant 48 : index
      %swap3A_226 = tpu.vector_load %arg6[%swap3A_224, %swap3A_225] {strides = array<i32>} : memref<125x80xi32, #tpu.memory_space<vmem>>, vector<1x16xi32>,
      %swap3A_227 = vector.shape_cast %swap3A_226 : vector<1x16xi32> to vector<16xi32>
      %swap3A_228 = vector.shape_cast %add3A_223 : vector<16xi32> to vector<1x16xi32>
      tpu.vector_store %arg6[%swap3A_224, %swap3A_225], %swap3A_228 {strides = array<i32>} : memref<125x80xi32, #tpu.memory_space<vmem>>, vector<1x16xi32>,
      %get3A_229 = arith.index_cast %add3A_182 : i32 to index
      %get3A_230 = arith.constant 64 : index
      %get3A_231 = tpu.vector_load %arg6[%get3A_229, %get3A_230] {strides = array<i32>} : memref<125x80xi32, #tpu.memory_space<vmem>>, vector<1x16xi32>,
      %get3A_232 = vector.shape_cast %get3A_231 : vector<1x16xi32> to vector<16xi32>
      %add3A_233 = arith.constant 1 : i32
      %add3A_234 = vector.broadcast %add3A_233 : i32 to vector<16xi32>
      %add3A_235 = arith.addi %get3A_232, %add3A_234 : vector<16xi32>
      %swap3A_236 = arith.index_cast %add3A_182 : i32 to index
      %swap3A_237 = arith.constant 64 : index
      %swap3A_238 = tpu.vector_load %arg6[%swap3A_236, %swap3A_237] {strides = array<i32>} : memref<125x80xi32, #tpu.memory_space<vmem>>, vector<1x16xi32>,
      %swap3A_239 = vector.shape_cast %swap3A_238 : vector<1x16xi32> to vector<16xi32>
      %swap3A_240 = vector.shape_cast %add3A_235 : vector<16xi32> to vector<1x16xi32>
      tpu.vector_store %arg6[%swap3A_236, %swap3A_237], %swap3A_240 {strides = array<i32>} : memref<125x80xi32, #tpu.memory_space<vmem>>, vector<1x16xi32>,
    }
    %scan3A_92 = arith.constant 125 : i32
    %mul3A_93 = arith.constant 640 : i32
    %mul3A_94 = arith.muli %arg1, %mul3A_93 : i32
    %mul3A_95 = arith.constant 640 : i32
    %mul3A_96 = arith.muli %arg1, %mul3A_95 : i32
    "tpu.region"() ({
      %run_scoped3A_178 = tpu.sem_alloc : memref<!tpu.dma_semaphore, #tpu.memory_space<semaphore_mem>>
      %dma_start3A_179 = arith.constant 0 : i32
      %dma_start3A_180 = tpu.memref_slice %arg8[%mul3A_96, %dma_start3A_179] : memref<10240x64xf32, #tpu.memory_space<vmem_shared>> -> memref<640x64xf32, #tpu.memory_space<vmem_shared>>
      %dma_start3A_181 = arith.constant 0 : i32
      %dma_start3A_182 = tpu.memref_slice %arg4[%mul3A_94, %dma_start3A_181] : memref<10240x64xf32, #tpu.memory_space<hbm>> -> memref<640x64xf32, #tpu.memory_space<hbm>>
      tpu.enqueue_dma source(%dma_start3A_182 : memref<640x64xf32, #tpu.memory_space<hbm>>) target(%dma_start3A_180 : memref<640x64xf32, #tpu.memory_space<vmem_shared>>) target_semaphore(%run_scoped3A_178 : memref<!tpu.dma_semaphore, #tpu.memory_space<semaphore_mem>>)
      %dma_wait3A_183 = arith.constant 0 : i32
      %dma_wait3A_184 = tpu.memref_slice %arg8[%mul3A_96, %dma_wait3A_183] : memref<10240x64xf32, #tpu.memory_space<vmem_shared>> -> memref<640x64xf32, #tpu.memory_space<vmem_shared>>
      %dma_wait3A_185 = arith.constant 0 : i32
      %dma_wait3A_186 = tpu.memref_slice %arg4[%mul3A_94, %dma_wait3A_185] : memref<10240x64xf32, #tpu.memory_space<hbm>> -> memref<640x64xf32, #tpu.memory_space<hbm>>
      tpu.wait_dma2 semaphore(%run_scoped3A_178 : memref<!tpu.dma_semaphore, #tpu.memory_space<semaphore_mem>>) src(%dma_wait3A_186 : memref<640x64xf32, #tpu.memory_space<hbm>>) dst(%dma_wait3A_184 : memref<640x64xf32, #tpu.memory_space<vmem_shared>>)
      tpu.yield
    }) : () -> ()
    %barrier3A_97 = arith.constant 0 : index
    tpu.barrier barrier_id(%barrier3A_97)
    %dma_start3A_98 = arith.constant 0 : i32
    %dma_start3A_99 = arith.constant 0 : i32
    %dma_start3A_100 = tpu.memref_slice %arg6[%dma_start3A_98, %dma_start3A_99] : memref<125x80xi32, #tpu.memory_space<vmem>> -> memref<1x80xi32, #tpu.memory_space<vmem>>
    %dma_start3A_101 = tpu.memref_squeeze %dma_start3A_100 : memref<1x80xi32, #tpu.memory_space<vmem>> -> memref<80xi32, #tpu.memory_space<vmem>>
    %dma_start3A_102 = arith.constant 0 : i32
    %dma_start3A_103 = arith.constant 0 : i32
    %dma_start3A_104 = tpu.memref_slice %arg2[%dma_start3A_102, %dma_start3A_103] : memref<20000x64xf32, #tpu.memory_space<hbm>> -> memref<20000x64xf32, #tpu.memory_space<hbm>>
    tpu.enqueue_indirect_dma source(%dma_start3A_104 : memref<20000x64xf32, #tpu.memory_space<hbm>>) target(%arg9 : memref<80x64xf32, #tpu.memory_space<vmem>>) offsets(%dma_start3A_101 : memref<80xi32, #tpu.memory_space<vmem>>) semaphore(%arg14 : memref<!tpu.dma_semaphore, #tpu.memory_space<semaphore_mem>>)
    %dma_start3A_105 = arith.constant 1 : i32
    %dma_start3A_106 = arith.constant 0 : i32
    %dma_start3A_107 = tpu.memref_slice %arg6[%dma_start3A_105, %dma_start3A_106] : memref<125x80xi32, #tpu.memory_space<vmem>> -> memref<1x80xi32, #tpu.memory_space<vmem>>
    %dma_start3A_108 = tpu.memref_squeeze %dma_start3A_107 : memref<1x80xi32, #tpu.memory_space<vmem>> -> memref<80xi32, #tpu.memory_space<vmem>>
    %dma_start3A_109 = arith.constant 0 : i32
    %dma_start3A_110 = arith.constant 0 : i32
    %dma_start3A_111 = tpu.memref_slice %arg2[%dma_start3A_109, %dma_start3A_110] : memref<20000x64xf32, #tpu.memory_space<hbm>> -> memref<20000x64xf32, #tpu.memory_space<hbm>>
    tpu.enqueue_indirect_dma source(%dma_start3A_111 : memref<20000x64xf32, #tpu.memory_space<hbm>>) target(%arg10 : memref<80x64xf32, #tpu.memory_space<vmem>>) offsets(%dma_start3A_108 : memref<80xi32, #tpu.memory_space<vmem>>) semaphore(%arg15 : memref<!tpu.dma_semaphore, #tpu.memory_space<semaphore_mem>>)
    %dma_start3A_112 = arith.constant 2 : i32
    %dma_start3A_113 = arith.constant 0 : i32
    %dma_start3A_114 = tpu.memref_slice %arg6[%dma_start3A_112, %dma_start3A_113] : memref<125x80xi32, #tpu.memory_space<vmem>> -> memref<1x80xi32, #tpu.memory_space<vmem>>
    %dma_start3A_115 = tpu.memref_squeeze %dma_start3A_114 : memref<1x80xi32, #tpu.memory_space<vmem>> -> memref<80xi32, #tpu.memory_space<vmem>>
    %dma_start3A_116 = arith.constant 0 : i32
    %dma_start3A_117 = arith.constant 0 : i32
    %dma_start3A_118 = tpu.memref_slice %arg2[%dma_start3A_116, %dma_start3A_117] : memref<20000x64xf32, #tpu.memory_space<hbm>> -> memref<20000x64xf32, #tpu.memory_space<hbm>>
    tpu.enqueue_indirect_dma source(%dma_start3A_118 : memref<20000x64xf32, #tpu.memory_space<hbm>>) target(%arg11 : memref<80x64xf32, #tpu.memory_space<vmem>>) offsets(%dma_start3A_115 : memref<80xi32, #tpu.memory_space<vmem>>) semaphore(%arg16 : memref<!tpu.dma_semaphore, #tpu.memory_space<semaphore_mem>>)
    %dma_start3A_119 = arith.constant 3 : i32
    %dma_start3A_120 = arith.constant 0 : i32
    %dma_start3A_121 = tpu.memref_slice %arg6[%dma_start3A_119, %dma_start3A_120] : memref<125x80xi32, #tpu.memory_space<vmem>> -> memref<1x80xi32, #tpu.memory_space<vmem>>
    %dma_start3A_122 = tpu.memref_squeeze %dma_start3A_121 : memref<1x80xi32, #tpu.memory_space<vmem>> -> memref<80xi32, #tpu.memory_space<vmem>>
    %dma_start3A_123 = arith.constant 0 : i32
    %dma_start3A_124 = arith.constant 0 : i32
    %dma_start3A_125 = tpu.memref_slice %arg2[%dma_start3A_123, %dma_start3A_124] : memref<20000x64xf32, #tpu.memory_space<hbm>> -> memref<20000x64xf32, #tpu.memory_space<hbm>>
    tpu.enqueue_indirect_dma source(%dma_start3A_125 : memref<20000x64xf32, #tpu.memory_space<hbm>>) target(%arg12 : memref<80x64xf32, #tpu.memory_space<vmem>>) offsets(%dma_start3A_122 : memref<80xi32, #tpu.memory_space<vmem>>) semaphore(%arg17 : memref<!tpu.dma_semaphore, #tpu.memory_space<semaphore_mem>>)
    %dma_start3A_126 = arith.constant 4 : i32
    %dma_start3A_127 = arith.constant 0 : i32
    %dma_start3A_128 = tpu.memref_slice %arg6[%dma_start3A_126, %dma_start3A_127] : memref<125x80xi32, #tpu.memory_space<vmem>> -> memref<1x80xi32, #tpu.memory_space<vmem>>
    %dma_start3A_129 = tpu.memref_squeeze %dma_start3A_128 : memref<1x80xi32, #tpu.memory_space<vmem>> -> memref<80xi32, #tpu.memory_space<vmem>>
    %dma_start3A_130 = arith.constant 0 : i32
    %dma_start3A_131 = arith.constant 0 : i32
    %dma_start3A_132 = tpu.memref_slice %arg2[%dma_start3A_130, %dma_start3A_131] : memref<20000x64xf32, #tpu.memory_space<hbm>> -> memref<20000x64xf32, #tpu.memory_space<hbm>>
    tpu.enqueue_indirect_dma source(%dma_start3A_132 : memref<20000x64xf32, #tpu.memory_space<hbm>>) target(%arg13 : memref<80x64xf32, #tpu.memory_space<vmem>>) offsets(%dma_start3A_129 : memref<80xi32, #tpu.memory_space<vmem>>) semaphore(%arg18 : memref<!tpu.dma_semaphore, #tpu.memory_space<semaphore_mem>>)
    %scan3A_133 = arith.constant 0 : i32
    %scan3A_134 = arith.constant 25 : i32
    %scan3A_135 = arith.addi %scan3A_133, %scan3A_134 : i32
    %scan3A_136 = arith.constant 1 : i32
    scf.for %scan3A_178 = %scan3A_133 to %scan3A_135 step %scan3A_136  : i32 {
      %mul3A_179 = arith.constant 5 : i32
      %mul3A_180 = arith.muli %scan3A_178, %mul3A_179 : i32
      %add3A_181 = arith.constant 0 : i32
      %add3A_182 = arith.addi %add3A_181, %mul3A_180 : i32
      %add3A_183 = arith.constant 0 : i32
      %add3A_184 = arith.addi %add3A_182, %add3A_183 : i32
      %dma_wait3A_185 = arith.constant 0 : i32
      %dma_wait3A_186 = tpu.memref_slice %arg6[%add3A_184, %dma_wait3A_185] : memref<125x80xi32, #tpu.memory_space<vmem>> -> memref<1x80xi32, #tpu.memory_space<vmem>>
      %dma_wait3A_187 = tpu.memref_squeeze %dma_wait3A_186 : memref<1x80xi32, #tpu.memory_space<vmem>> -> memref<80xi32, #tpu.memory_space<vmem>>
      %dma_wait3A_188 = arith.constant 0 : i32
      %dma_wait3A_189 = arith.constant 0 : i32
      %dma_wait3A_190 = tpu.memref_slice %arg2[%dma_wait3A_188, %dma_wait3A_189] : memref<20000x64xf32, #tpu.memory_space<hbm>> -> memref<20000x64xf32, #tpu.memory_space<hbm>>
      tpu.wait_indirect_dma semaphore(%arg14 : memref<!tpu.dma_semaphore, #tpu.memory_space<semaphore_mem>>) src(%dma_wait3A_190 : memref<20000x64xf32, #tpu.memory_space<hbm>>) dst(%arg9 : memref<80x64xf32, #tpu.memory_space<vmem>>)
      %add3A_191 = arith.constant 0 : i32
      %add3A_192 = arith.addi %add3A_182, %add3A_191 : i32
      %dma_start3A_193 = arith.constant 0 : i32
      %dma_start3A_194 = tpu.memref_slice %arg7[%add3A_192, %dma_start3A_193] : memref<125x80xi32, #tpu.memory_space<vmem>> -> memref<1x80xi32, #tpu.memory_space<vmem>>
      %dma_start3A_195 = tpu.memref_squeeze %dma_start3A_194 : memref<1x80xi32, #tpu.memory_space<vmem>> -> memref<80xi32, #tpu.memory_space<vmem>>
      %dma_start3A_196 = arith.constant 0 : i32
      %dma_start3A_197 = arith.constant 0 : i32
      %dma_start3A_198 = tpu.memref_slice %arg8[%dma_start3A_196, %dma_start3A_197] : memref<10240x64xf32, #tpu.memory_space<vmem_shared>> -> memref<10240x64xf32, #tpu.memory_space<vmem_shared>>
      tpu.enqueue_indirect_dma source(%arg9 : memref<80x64xf32, #tpu.memory_space<vmem>>) target(%dma_start3A_198 : memref<10240x64xf32, #tpu.memory_space<vmem_shared>>) offsets(%dma_start3A_195 : memref<80xi32, #tpu.memory_space<vmem>>) semaphore(%arg19 : memref<!tpu.dma_semaphore, #tpu.memory_space<semaphore_mem>>) {add = true}
      %add3A_199 = arith.constant 1 : i32
      %add3A_200 = arith.addi %add3A_182, %add3A_199 : i32
      %dma_wait3A_201 = arith.constant 0 : i32
      %dma_wait3A_202 = tpu.memref_slice %arg6[%add3A_200, %dma_wait3A_201] : memref<125x80xi32, #tpu.memory_space<vmem>> -> memref<1x80xi32, #tpu.memory_space<vmem>>
      %dma_wait3A_203 = tpu.memref_squeeze %dma_wait3A_202 : memref<1x80xi32, #tpu.memory_space<vmem>> -> memref<80xi32, #tpu.memory_space<vmem>>
      %dma_wait3A_204 = arith.constant 0 : i32
      %dma_wait3A_205 = arith.constant 0 : i32
      %dma_wait3A_206 = tpu.memref_slice %arg2[%dma_wait3A_204, %dma_wait3A_205] : memref<20000x64xf32, #tpu.memory_space<hbm>> -> memref<20000x64xf32, #tpu.memory_space<hbm>>
      tpu.wait_indirect_dma semaphore(%arg15 : memref<!tpu.dma_semaphore, #tpu.memory_space<semaphore_mem>>) src(%dma_wait3A_206 : memref<20000x64xf32, #tpu.memory_space<hbm>>) dst(%arg10 : memref<80x64xf32, #tpu.memory_space<vmem>>)
      %add3A_207 = arith.constant 1 : i32
      %add3A_208 = arith.addi %add3A_182, %add3A_207 : i32
      %dma_start3A_209 = arith.constant 0 : i32
      %dma_start3A_210 = tpu.memref_slice %arg7[%add3A_208, %dma_start3A_209] : memref<125x80xi32, #tpu.memory_space<vmem>> -> memref<1x80xi32, #tpu.memory_space<vmem>>
      %dma_start3A_211 = tpu.memref_squeeze %dma_start3A_210 : memref<1x80xi32, #tpu.memory_space<vmem>> -> memref<80xi32, #tpu.memory_space<vmem>>
      %dma_start3A_212 = arith.constant 0 : i32
      %dma_start3A_213 = arith.constant 0 : i32
      %dma_start3A_214 = tpu.memref_slice %arg8[%dma_start3A_212, %dma_start3A_213] : memref<10240x64xf32, #tpu.memory_space<vmem_shared>> -> memref<10240x64xf32, #tpu.memory_space<vmem_shared>>
      tpu.enqueue_indirect_dma source(%arg10 : memref<80x64xf32, #tpu.memory_space<vmem>>) target(%dma_start3A_214 : memref<10240x64xf32, #tpu.memory_space<vmem_shared>>) offsets(%dma_start3A_211 : memref<80xi32, #tpu.memory_space<vmem>>) semaphore(%arg20 : memref<!tpu.dma_semaphore, #tpu.memory_space<semaphore_mem>>) {add = true}
      %add3A_215 = arith.constant 2 : i32
      %add3A_216 = arith.addi %add3A_182, %add3A_215 : i32
      %dma_wait3A_217 = arith.constant 0 : i32
      %dma_wait3A_218 = tpu.memref_slice %arg6[%add3A_216, %dma_wait3A_217] : memref<125x80xi32, #tpu.memory_space<vmem>> -> memref<1x80xi32, #tpu.memory_space<vmem>>
      %dma_wait3A_219 = tpu.memref_squeeze %dma_wait3A_218 : memref<1x80xi32, #tpu.memory_space<vmem>> -> memref<80xi32, #tpu.memory_space<vmem>>
      %dma_wait3A_220 = arith.constant 0 : i32
      %dma_wait3A_221 = arith.constant 0 : i32
      %dma_wait3A_222 = tpu.memref_slice %arg2[%dma_wait3A_220, %dma_wait3A_221] : memref<20000x64xf32, #tpu.memory_space<hbm>> -> memref<20000x64xf32, #tpu.memory_space<hbm>>
      tpu.wait_indirect_dma semaphore(%arg16 : memref<!tpu.dma_semaphore, #tpu.memory_space<semaphore_mem>>) src(%dma_wait3A_222 : memref<20000x64xf32, #tpu.memory_space<hbm>>) dst(%arg11 : memref<80x64xf32, #tpu.memory_space<vmem>>)
      %add3A_223 = arith.constant 2 : i32
      %add3A_224 = arith.addi %add3A_182, %add3A_223 : i32
      %dma_start3A_225 = arith.constant 0 : i32
      %dma_start3A_226 = tpu.memref_slice %arg7[%add3A_224, %dma_start3A_225] : memref<125x80xi32, #tpu.memory_space<vmem>> -> memref<1x80xi32, #tpu.memory_space<vmem>>
      %dma_start3A_227 = tpu.memref_squeeze %dma_start3A_226 : memref<1x80xi32, #tpu.memory_space<vmem>> -> memref<80xi32, #tpu.memory_space<vmem>>
      %dma_start3A_228 = arith.constant 0 : i32
      %dma_start3A_229 = arith.constant 0 : i32
      %dma_start3A_230 = tpu.memref_slice %arg8[%dma_start3A_228, %dma_start3A_229] : memref<10240x64xf32, #tpu.memory_space<vmem_shared>> -> memref<10240x64xf32, #tpu.memory_space<vmem_shared>>
      tpu.enqueue_indirect_dma source(%arg11 : memref<80x64xf32, #tpu.memory_space<vmem>>) target(%dma_start3A_230 : memref<10240x64xf32, #tpu.memory_space<vmem_shared>>) offsets(%dma_start3A_227 : memref<80xi32, #tpu.memory_space<vmem>>) semaphore(%arg21 : memref<!tpu.dma_semaphore, #tpu.memory_space<semaphore_mem>>) {add = true}
      %add3A_231 = arith.constant 3 : i32
      %add3A_232 = arith.addi %add3A_182, %add3A_231 : i32
      %dma_wait3A_233 = arith.constant 0 : i32
      %dma_wait3A_234 = tpu.memref_slice %arg6[%add3A_232, %dma_wait3A_233] : memref<125x80xi32, #tpu.memory_space<vmem>> -> memref<1x80xi32, #tpu.memory_space<vmem>>
      %dma_wait3A_235 = tpu.memref_squeeze %dma_wait3A_234 : memref<1x80xi32, #tpu.memory_space<vmem>> -> memref<80xi32, #tpu.memory_space<vmem>>
      %dma_wait3A_236 = arith.constant 0 : i32
      %dma_wait3A_237 = arith.constant 0 : i32
      %dma_wait3A_238 = tpu.memref_slice %arg2[%dma_wait3A_236, %dma_wait3A_237] : memref<20000x64xf32, #tpu.memory_space<hbm>> -> memref<20000x64xf32, #tpu.memory_space<hbm>>
      tpu.wait_indirect_dma semaphore(%arg17 : memref<!tpu.dma_semaphore, #tpu.memory_space<semaphore_mem>>) src(%dma_wait3A_238 : memref<20000x64xf32, #tpu.memory_space<hbm>>) dst(%arg12 : memref<80x64xf32, #tpu.memory_space<vmem>>)
      %add3A_239 = arith.constant 3 : i32
      %add3A_240 = arith.addi %add3A_182, %add3A_239 : i32
      %dma_start3A_241 = arith.constant 0 : i32
      %dma_start3A_242 = tpu.memref_slice %arg7[%add3A_240, %dma_start3A_241] : memref<125x80xi32, #tpu.memory_space<vmem>> -> memref<1x80xi32, #tpu.memory_space<vmem>>
      %dma_start3A_243 = tpu.memref_squeeze %dma_start3A_242 : memref<1x80xi32, #tpu.memory_space<vmem>> -> memref<80xi32, #tpu.memory_space<vmem>>
      %dma_start3A_244 = arith.constant 0 : i32
      %dma_start3A_245 = arith.constant 0 : i32
      %dma_start3A_246 = tpu.memref_slice %arg8[%dma_start3A_244, %dma_start3A_245] : memref<10240x64xf32, #tpu.memory_space<vmem_shared>> -> memref<10240x64xf32, #tpu.memory_space<vmem_shared>>
      tpu.enqueue_indirect_dma source(%arg12 : memref<80x64xf32, #tpu.memory_space<vmem>>) target(%dma_start3A_246 : memref<10240x64xf32, #tpu.memory_space<vmem_shared>>) offsets(%dma_start3A_243 : memref<80xi32, #tpu.memory_space<vmem>>) semaphore(%arg22 : memref<!tpu.dma_semaphore, #tpu.memory_space<semaphore_mem>>) {add = true}
      %add3A_247 = arith.constant 4 : i32
      %add3A_248 = arith.addi %add3A_182, %add3A_247 : i32
      %dma_wait3A_249 = arith.constant 0 : i32
      %dma_wait3A_250 = tpu.memref_slice %arg6[%add3A_248, %dma_wait3A_249] : memref<125x80xi32, #tpu.memory_space<vmem>> -> memref<1x80xi32, #tpu.memory_space<vmem>>
      %dma_wait3A_251 = tpu.memref_squeeze %dma_wait3A_250 : memref<1x80xi32, #tpu.memory_space<vmem>> -> memref<80xi32, #tpu.memory_space<vmem>>
      %dma_wait3A_252 = arith.constant 0 : i32
      %dma_wait3A_253 = arith.constant 0 : i32
      %dma_wait3A_254 = tpu.memref_slice %arg2[%dma_wait3A_252, %dma_wait3A_253] : memref<20000x64xf32, #tpu.memory_space<hbm>> -> memref<20000x64xf32, #tpu.memory_space<hbm>>
      tpu.wait_indirect_dma semaphore(%arg18 : memref<!tpu.dma_semaphore, #tpu.memory_space<semaphore_mem>>) src(%dma_wait3A_254 : memref<20000x64xf32, #tpu.memory_space<hbm>>) dst(%arg13 : memref<80x64xf32, #tpu.memory_space<vmem>>)
      %add3A_255 = arith.constant 4 : i32
      %add3A_256 = arith.addi %add3A_182, %add3A_255 : i32
      %dma_start3A_257 = arith.constant 0 : i32
      %dma_start3A_258 = tpu.memref_slice %arg7[%add3A_256, %dma_start3A_257] : memref<125x80xi32, #tpu.memory_space<vmem>> -> memref<1x80xi32, #tpu.memory_space<vmem>>
      %dma_start3A_259 = tpu.memref_squeeze %dma_start3A_258 : memref<1x80xi32, #tpu.memory_space<vmem>> -> memref<80xi32, #tpu.memory_space<vmem>>
      %dma_start3A_260 = arith.constant 0 : i32
      %dma_start3A_261 = arith.constant 0 : i32
      %dma_start3A_262 = tpu.memref_slice %arg8[%dma_start3A_260, %dma_start3A_261] : memref<10240x64xf32, #tpu.memory_space<vmem_shared>> -> memref<10240x64xf32, #tpu.memory_space<vmem_shared>>
      tpu.enqueue_indirect_dma source(%arg13 : memref<80x64xf32, #tpu.memory_space<vmem>>) target(%dma_start3A_262 : memref<10240x64xf32, #tpu.memory_space<vmem_shared>>) offsets(%dma_start3A_259 : memref<80xi32, #tpu.memory_space<vmem>>) semaphore(%arg23 : memref<!tpu.dma_semaphore, #tpu.memory_space<semaphore_mem>>) {add = true}
      %add3A_263 = arith.constant 0 : i32
      %add3A_264 = arith.addi %add3A_182, %add3A_263 : i32
      %add3A_265 = arith.constant 5 : i32
      %add3A_266 = arith.addi %add3A_264, %add3A_265 : i32
      %lt3A = arith.constant 125 : i32
      %lt3A_267 = arith.cmpi slt, %add3A_266, %lt3A : i32
      %convert_element_type3A = arith.extui %lt3A_267 : i1 to i32
      %cond3A = arith.constant 0 : i32
      %cond3A_268 = arith.cmpi ne, %convert_element_type3A, %cond3A : i32
      scf.if %cond3A_268 {
        %add3A_305 = arith.constant 0 : i32
        %add3A_306 = arith.addi %add3A_182, %add3A_305 : i32
        %dma_wait3A_307 = arith.constant 0 : i32
        %dma_wait3A_308 = tpu.memref_slice %arg7[%add3A_306, %dma_wait3A_307] : memref<125x80xi32, #tpu.memory_space<vmem>> -> memref<1x80xi32, #tpu.memory_space<vmem>>
        %dma_wait3A_309 = tpu.memref_squeeze %dma_wait3A_308 : memref<1x80xi32, #tpu.memory_space<vmem>> -> memref<80xi32, #tpu.memory_space<vmem>>
        %dma_wait3A_310 = arith.constant 0 : i32
        %dma_wait3A_311 = arith.constant 0 : i32
        %dma_wait3A_312 = tpu.memref_slice %arg8[%dma_wait3A_310, %dma_wait3A_311] : memref<10240x64xf32, #tpu.memory_space<vmem_shared>> -> memref<10240x64xf32, #tpu.memory_space<vmem_shared>>
        tpu.wait_indirect_dma semaphore(%arg19 : memref<!tpu.dma_semaphore, #tpu.memory_space<semaphore_mem>>) src(%arg9 : memref<80x64xf32, #tpu.memory_space<vmem>>) dst(%dma_wait3A_312 : memref<10240x64xf32, #tpu.memory_space<vmem_shared>>)
        %add3A_313 = arith.constant 0 : i32
        %add3A_314 = arith.addi %add3A_182, %add3A_313 : i32
        %add3A_315 = arith.constant 5 : i32
        %add3A_316 = arith.addi %add3A_314, %add3A_315 : i32
        %dma_start3A_317 = arith.constant 0 : i32
        %dma_start3A_318 = tpu.memref_slice %arg6[%add3A_316, %dma_start3A_317] : memref<125x80xi32, #tpu.memory_space<vmem>> -> memref<1x80xi32, #tpu.memory_space<vmem>>
        %dma_start3A_319 = tpu.memref_squeeze %dma_start3A_318 : memref<1x80xi32, #tpu.memory_space<vmem>> -> memref<80xi32, #tpu.memory_space<vmem>>
        %dma_start3A_320 = arith.constant 0 : i32
        %dma_start3A_321 = arith.constant 0 : i32
        %dma_start3A_322 = tpu.memref_slice %arg2[%dma_start3A_320, %dma_start3A_321] : memref<20000x64xf32, #tpu.memory_space<hbm>> -> memref<20000x64xf32, #tpu.memory_space<hbm>>
        tpu.enqueue_indirect_dma source(%dma_start3A_322 : memref<20000x64xf32, #tpu.memory_space<hbm>>) target(%arg9 : memref<80x64xf32, #tpu.memory_space<vmem>>) offsets(%dma_start3A_319 : memref<80xi32, #tpu.memory_space<vmem>>) semaphore(%arg14 : memref<!tpu.dma_semaphore, #tpu.memory_space<semaphore_mem>>)
      } else {
      }
      %add3A_269 = arith.constant 1 : i32
      %add3A_270 = arith.addi %add3A_182, %add3A_269 : i32
      %add3A_271 = arith.constant 5 : i32
      %add3A_272 = arith.addi %add3A_270, %add3A_271 : i32
      %lt3A_273 = arith.constant 125 : i32
      %lt3A_274 = arith.cmpi slt, %add3A_272, %lt3A_273 : i32
      %convert_element_type3A_275 = arith.extui %lt3A_274 : i1 to i32
      %cond3A_276 = arith.constant 0 : i32
      %cond3A_277 = arith.cmpi ne, %convert_element_type3A_275, %cond3A_276 : i32
      scf.if %cond3A_277 {
        %add3A_305 = arith.constant 1 : i32
        %add3A_306 = arith.addi %add3A_182, %add3A_305 : i32
        %dma_wait3A_307 = arith.constant 0 : i32
        %dma_wait3A_308 = tpu.memref_slice %arg7[%add3A_306, %dma_wait3A_307] : memref<125x80xi32, #tpu.memory_space<vmem>> -> memref<1x80xi32, #tpu.memory_space<vmem>>
        %dma_wait3A_309 = tpu.memref_squeeze %dma_wait3A_308 : memref<1x80xi32, #tpu.memory_space<vmem>> -> memref<80xi32, #tpu.memory_space<vmem>>
        %dma_wait3A_310 = arith.constant 0 : i32
        %dma_wait3A_311 = arith.constant 0 : i32
        %dma_wait3A_312 = tpu.memref_slice %arg8[%dma_wait3A_310, %dma_wait3A_311] : memref<10240x64xf32, #tpu.memory_space<vmem_shared>> -> memref<10240x64xf32, #tpu.memory_space<vmem_shared>>
        tpu.wait_indirect_dma semaphore(%arg20 : memref<!tpu.dma_semaphore, #tpu.memory_space<semaphore_mem>>) src(%arg10 : memref<80x64xf32, #tpu.memory_space<vmem>>) dst(%dma_wait3A_312 : memref<10240x64xf32, #tpu.memory_space<vmem_shared>>)
        %add3A_313 = arith.constant 1 : i32
        %add3A_314 = arith.addi %add3A_182, %add3A_313 : i32
        %add3A_315 = arith.constant 5 : i32
        %add3A_316 = arith.addi %add3A_314, %add3A_315 : i32
        %dma_start3A_317 = arith.constant 0 : i32
        %dma_start3A_318 = tpu.memref_slice %arg6[%add3A_316, %dma_start3A_317] : memref<125x80xi32, #tpu.memory_space<vmem>> -> memref<1x80xi32, #tpu.memory_space<vmem>>
        %dma_start3A_319 = tpu.memref_squeeze %dma_start3A_318 : memref<1x80xi32, #tpu.memory_space<vmem>> -> memref<80xi32, #tpu.memory_space<vmem>>
        %dma_start3A_320 = arith.constant 0 : i32
        %dma_start3A_321 = arith.constant 0 : i32
        %dma_start3A_322 = tpu.memref_slice %arg2[%dma_start3A_320, %dma_start3A_321] : memref<20000x64xf32, #tpu.memory_space<hbm>> -> memref<20000x64xf32, #tpu.memory_space<hbm>>
        tpu.enqueue_indirect_dma source(%dma_start3A_322 : memref<20000x64xf32, #tpu.memory_space<hbm>>) target(%arg10 : memref<80x64xf32, #tpu.memory_space<vmem>>) offsets(%dma_start3A_319 : memref<80xi32, #tpu.memory_space<vmem>>) semaphore(%arg15 : memref<!tpu.dma_semaphore, #tpu.memory_space<semaphore_mem>>)
      } else {
      }
      %add3A_278 = arith.constant 2 : i32
      %add3A_279 = arith.addi %add3A_182, %add3A_278 : i32
      %add3A_280 = arith.constant 5 : i32
      %add3A_281 = arith.addi %add3A_279, %add3A_280 : i32
      %lt3A_282 = arith.constant 125 : i32
      %lt3A_283 = arith.cmpi slt, %add3A_281, %lt3A_282 : i32
      %convert_element_type3A_284 = arith.extui %lt3A_283 : i1 to i32
      %cond3A_285 = arith.constant 0 : i32
      %cond3A_286 = arith.cmpi ne, %convert_element_type3A_284, %cond3A_285 : i32
      scf.if %cond3A_286 {
        %add3A_305 = arith.constant 2 : i32
        %add3A_306 = arith.addi %add3A_182, %add3A_305 : i32
        %dma_wait3A_307 = arith.constant 0 : i32
        %dma_wait3A_308 = tpu.memref_slice %arg7[%add3A_306, %dma_wait3A_307] : memref<125x80xi32, #tpu.memory_space<vmem>> -> memref<1x80xi32, #tpu.memory_space<vmem>>
        %dma_wait3A_309 = tpu.memref_squeeze %dma_wait3A_308 : memref<1x80xi32, #tpu.memory_space<vmem>> -> memref<80xi32, #tpu.memory_space<vmem>>
        %dma_wait3A_310 = arith.constant 0 : i32
        %dma_wait3A_311 = arith.constant 0 : i32
        %dma_wait3A_312 = tpu.memref_slice %arg8[%dma_wait3A_310, %dma_wait3A_311] : memref<10240x64xf32, #tpu.memory_space<vmem_shared>> -> memref<10240x64xf32, #tpu.memory_space<vmem_shared>>
        tpu.wait_indirect_dma semaphore(%arg21 : memref<!tpu.dma_semaphore, #tpu.memory_space<semaphore_mem>>) src(%arg11 : memref<80x64xf32, #tpu.memory_space<vmem>>) dst(%dma_wait3A_312 : memref<10240x64xf32, #tpu.memory_space<vmem_shared>>)
        %add3A_313 = arith.constant 2 : i32
        %add3A_314 = arith.addi %add3A_182, %add3A_313 : i32
        %add3A_315 = arith.constant 5 : i32
        %add3A_316 = arith.addi %add3A_314, %add3A_315 : i32
        %dma_start3A_317 = arith.constant 0 : i32
        %dma_start3A_318 = tpu.memref_slice %arg6[%add3A_316, %dma_start3A_317] : memref<125x80xi32, #tpu.memory_space<vmem>> -> memref<1x80xi32, #tpu.memory_space<vmem>>
        %dma_start3A_319 = tpu.memref_squeeze %dma_start3A_318 : memref<1x80xi32, #tpu.memory_space<vmem>> -> memref<80xi32, #tpu.memory_space<vmem>>
        %dma_start3A_320 = arith.constant 0 : i32
        %dma_start3A_321 = arith.constant 0 : i32
        %dma_start3A_322 = tpu.memref_slice %arg2[%dma_start3A_320, %dma_start3A_321] : memref<20000x64xf32, #tpu.memory_space<hbm>> -> memref<20000x64xf32, #tpu.memory_space<hbm>>
        tpu.enqueue_indirect_dma source(%dma_start3A_322 : memref<20000x64xf32, #tpu.memory_space<hbm>>) target(%arg11 : memref<80x64xf32, #tpu.memory_space<vmem>>) offsets(%dma_start3A_319 : memref<80xi32, #tpu.memory_space<vmem>>) semaphore(%arg16 : memref<!tpu.dma_semaphore, #tpu.memory_space<semaphore_mem>>)
      } else {
      }
      %add3A_287 = arith.constant 3 : i32
      %add3A_288 = arith.addi %add3A_182, %add3A_287 : i32
      %add3A_289 = arith.constant 5 : i32
      %add3A_290 = arith.addi %add3A_288, %add3A_289 : i32
      %lt3A_291 = arith.constant 125 : i32
      %lt3A_292 = arith.cmpi slt, %add3A_290, %lt3A_291 : i32
      %convert_element_type3A_293 = arith.extui %lt3A_292 : i1 to i32
      %cond3A_294 = arith.constant 0 : i32
      %cond3A_295 = arith.cmpi ne, %convert_element_type3A_293, %cond3A_294 : i32
      scf.if %cond3A_295 {
        %add3A_305 = arith.constant 3 : i32
        %add3A_306 = arith.addi %add3A_182, %add3A_305 : i32
        %dma_wait3A_307 = arith.constant 0 : i32
        %dma_wait3A_308 = tpu.memref_slice %arg7[%add3A_306, %dma_wait3A_307] : memref<125x80xi32, #tpu.memory_space<vmem>> -> memref<1x80xi32, #tpu.memory_space<vmem>>
        %dma_wait3A_309 = tpu.memref_squeeze %dma_wait3A_308 : memref<1x80xi32, #tpu.memory_space<vmem>> -> memref<80xi32, #tpu.memory_space<vmem>>
        %dma_wait3A_310 = arith.constant 0 : i32
        %dma_wait3A_311 = arith.constant 0 : i32
        %dma_wait3A_312 = tpu.memref_slice %arg8[%dma_wait3A_310, %dma_wait3A_311] : memref<10240x64xf32, #tpu.memory_space<vmem_shared>> -> memref<10240x64xf32, #tpu.memory_space<vmem_shared>>
        tpu.wait_indirect_dma semaphore(%arg22 : memref<!tpu.dma_semaphore, #tpu.memory_space<semaphore_mem>>) src(%arg12 : memref<80x64xf32, #tpu.memory_space<vmem>>) dst(%dma_wait3A_312 : memref<10240x64xf32, #tpu.memory_space<vmem_shared>>)
        %add3A_313 = arith.constant 3 : i32
        %add3A_314 = arith.addi %add3A_182, %add3A_313 : i32
        %add3A_315 = arith.constant 5 : i32
        %add3A_316 = arith.addi %add3A_314, %add3A_315 : i32
        %dma_start3A_317 = arith.constant 0 : i32
        %dma_start3A_318 = tpu.memref_slice %arg6[%add3A_316, %dma_start3A_317] : memref<125x80xi32, #tpu.memory_space<vmem>> -> memref<1x80xi32, #tpu.memory_space<vmem>>
        %dma_start3A_319 = tpu.memref_squeeze %dma_start3A_318 : memref<1x80xi32, #tpu.memory_space<vmem>> -> memref<80xi32, #tpu.memory_space<vmem>>
        %dma_start3A_320 = arith.constant 0 : i32
        %dma_start3A_321 = arith.constant 0 : i32
        %dma_start3A_322 = tpu.memref_slice %arg2[%dma_start3A_320, %dma_start3A_321] : memref<20000x64xf32, #tpu.memory_space<hbm>> -> memref<20000x64xf32, #tpu.memory_space<hbm>>
        tpu.enqueue_indirect_dma source(%dma_start3A_322 : memref<20000x64xf32, #tpu.memory_space<hbm>>) target(%arg12 : memref<80x64xf32, #tpu.memory_space<vmem>>) offsets(%dma_start3A_319 : memref<80xi32, #tpu.memory_space<vmem>>) semaphore(%arg17 : memref<!tpu.dma_semaphore, #tpu.memory_space<semaphore_mem>>)
      } else {
      }
      %add3A_296 = arith.constant 4 : i32
      %add3A_297 = arith.addi %add3A_182, %add3A_296 : i32
      %add3A_298 = arith.constant 5 : i32
      %add3A_299 = arith.addi %add3A_297, %add3A_298 : i32
      %lt3A_300 = arith.constant 125 : i32
      %lt3A_301 = arith.cmpi slt, %add3A_299, %lt3A_300 : i32
      %convert_element_type3A_302 = arith.extui %lt3A_301 : i1 to i32
      %cond3A_303 = arith.constant 0 : i32
      %cond3A_304 = arith.cmpi ne, %convert_element_type3A_302, %cond3A_303 : i32
      scf.if %cond3A_304 {
        %add3A_305 = arith.constant 4 : i32
        %add3A_306 = arith.addi %add3A_182, %add3A_305 : i32
        %dma_wait3A_307 = arith.constant 0 : i32
        %dma_wait3A_308 = tpu.memref_slice %arg7[%add3A_306, %dma_wait3A_307] : memref<125x80xi32, #tpu.memory_space<vmem>> -> memref<1x80xi32, #tpu.memory_space<vmem>>
        %dma_wait3A_309 = tpu.memref_squeeze %dma_wait3A_308 : memref<1x80xi32, #tpu.memory_space<vmem>> -> memref<80xi32, #tpu.memory_space<vmem>>
        %dma_wait3A_310 = arith.constant 0 : i32
        %dma_wait3A_311 = arith.constant 0 : i32
        %dma_wait3A_312 = tpu.memref_slice %arg8[%dma_wait3A_310, %dma_wait3A_311] : memref<10240x64xf32, #tpu.memory_space<vmem_shared>> -> memref<10240x64xf32, #tpu.memory_space<vmem_shared>>
        tpu.wait_indirect_dma semaphore(%arg23 : memref<!tpu.dma_semaphore, #tpu.memory_space<semaphore_mem>>) src(%arg13 : memref<80x64xf32, #tpu.memory_space<vmem>>) dst(%dma_wait3A_312 : memref<10240x64xf32, #tpu.memory_space<vmem_shared>>)
        %add3A_313 = arith.constant 4 : i32
        %add3A_314 = arith.addi %add3A_182, %add3A_313 : i32
        %add3A_315 = arith.constant 5 : i32
        %add3A_316 = arith.addi %add3A_314, %add3A_315 : i32
        %dma_start3A_317 = arith.constant 0 : i32
        %dma_start3A_318 = tpu.memref_slice %arg6[%add3A_316, %dma_start3A_317] : memref<125x80xi32, #tpu.memory_space<vmem>> -> memref<1x80xi32, #tpu.memory_space<vmem>>
        %dma_start3A_319 = tpu.memref_squeeze %dma_start3A_318 : memref<1x80xi32, #tpu.memory_space<vmem>> -> memref<80xi32, #tpu.memory_space<vmem>>
        %dma_start3A_320 = arith.constant 0 : i32
        %dma_start3A_321 = arith.constant 0 : i32
        %dma_start3A_322 = tpu.memref_slice %arg2[%dma_start3A_320, %dma_start3A_321] : memref<20000x64xf32, #tpu.memory_space<hbm>> -> memref<20000x64xf32, #tpu.memory_space<hbm>>
        tpu.enqueue_indirect_dma source(%dma_start3A_322 : memref<20000x64xf32, #tpu.memory_space<hbm>>) target(%arg13 : memref<80x64xf32, #tpu.memory_space<vmem>>) offsets(%dma_start3A_319 : memref<80xi32, #tpu.memory_space<vmem>>) semaphore(%arg18 : memref<!tpu.dma_semaphore, #tpu.memory_space<semaphore_mem>>)
      } else {
      }
    }
    %scan3A_137 = arith.constant 25 : i32
    %dma_wait3A_138 = arith.constant 120 : i32
    %dma_wait3A_139 = arith.constant 0 : i32
    %dma_wait3A_140 = tpu.memref_slice %arg7[%dma_wait3A_138, %dma_wait3A_139] : memref<125x80xi32, #tpu.memory_space<vmem>> -> memref<1x80xi32, #tpu.memory_space<vmem>>
    %dma_wait3A_141 = tpu.memref_squeeze %dma_wait3A_140 : memref<1x80xi32, #tpu.memory_space<vmem>> -> memref<80xi32, #tpu.memory_space<vmem>>
    %dma_wait3A_142 = arith.constant 0 : i32
    %dma_wait3A_143 = arith.constant 0 : i32
    %dma_wait3A_144 = tpu.memref_slice %arg8[%dma_wait3A_142, %dma_wait3A_143] : memref<10240x64xf32, #tpu.memory_space<vmem_shared>> -> memref<10240x64xf32, #tpu.memory_space<vmem_shared>>
    tpu.wait_indirect_dma semaphore(%arg19 : memref<!tpu.dma_semaphore, #tpu.memory_space<semaphore_mem>>) src(%arg9 : memref<80x64xf32, #tpu.memory_space<vmem>>) dst(%dma_wait3A_144 : memref<10240x64xf32, #tpu.memory_space<vmem_shared>>)
    %dma_wait3A_145 = arith.constant 121 : i32
    %dma_wait3A_146 = arith.constant 0 : i32
    %dma_wait3A_147 = tpu.memref_slice %arg7[%dma_wait3A_145, %dma_wait3A_146] : memref<125x80xi32, #tpu.memory_space<vmem>> -> memref<1x80xi32, #tpu.memory_space<vmem>>
    %dma_wait3A_148 = tpu.memref_squeeze %dma_wait3A_147 : memref<1x80xi32, #tpu.memory_space<vmem>> -> memref<80xi32, #tpu.memory_space<vmem>>
    %dma_wait3A_149 = arith.constant 0 : i32
    %dma_wait3A_150 = arith.constant 0 : i32
    %dma_wait3A_151 = tpu.memref_slice %arg8[%dma_wait3A_149, %dma_wait3A_150] : memref<10240x64xf32, #tpu.memory_space<vmem_shared>> -> memref<10240x64xf32, #tpu.memory_space<vmem_shared>>
    tpu.wait_indirect_dma semaphore(%arg20 : memref<!tpu.dma_semaphore, #tpu.memory_space<semaphore_mem>>) src(%arg10 : memref<80x64xf32, #tpu.memory_space<vmem>>) dst(%dma_wait3A_151 : memref<10240x64xf32, #tpu.memory_space<vmem_shared>>)
    %dma_wait3A_152 = arith.constant 122 : i32
    %dma_wait3A_153 = arith.constant 0 : i32
    %dma_wait3A_154 = tpu.memref_slice %arg7[%dma_wait3A_152, %dma_wait3A_153] : memref<125x80xi32, #tpu.memory_space<vmem>> -> memref<1x80xi32, #tpu.memory_space<vmem>>
    %dma_wait3A_155 = tpu.memref_squeeze %dma_wait3A_154 : memref<1x80xi32, #tpu.memory_space<vmem>> -> memref<80xi32, #tpu.memory_space<vmem>>
    %dma_wait3A_156 = arith.constant 0 : i32
    %dma_wait3A_157 = arith.constant 0 : i32
    %dma_wait3A_158 = tpu.memref_slice %arg8[%dma_wait3A_156, %dma_wait3A_157] : memref<10240x64xf32, #tpu.memory_space<vmem_shared>> -> memref<10240x64xf32, #tpu.memory_space<vmem_shared>>
    tpu.wait_indirect_dma semaphore(%arg21 : memref<!tpu.dma_semaphore, #tpu.memory_space<semaphore_mem>>) src(%arg11 : memref<80x64xf32, #tpu.memory_space<vmem>>) dst(%dma_wait3A_158 : memref<10240x64xf32, #tpu.memory_space<vmem_shared>>)
    %dma_wait3A_159 = arith.constant 123 : i32
    %dma_wait3A_160 = arith.constant 0 : i32
    %dma_wait3A_161 = tpu.memref_slice %arg7[%dma_wait3A_159, %dma_wait3A_160] : memref<125x80xi32, #tpu.memory_space<vmem>> -> memref<1x80xi32, #tpu.memory_space<vmem>>
    %dma_wait3A_162 = tpu.memref_squeeze %dma_wait3A_161 : memref<1x80xi32, #tpu.memory_space<vmem>> -> memref<80xi32, #tpu.memory_space<vmem>>
    %dma_wait3A_163 = arith.constant 0 : i32
    %dma_wait3A_164 = arith.constant 0 : i32
    %dma_wait3A_165 = tpu.memref_slice %arg8[%dma_wait3A_163, %dma_wait3A_164] : memref<10240x64xf32, #tpu.memory_space<vmem_shared>> -> memref<10240x64xf32, #tpu.memory_space<vmem_shared>>
    tpu.wait_indirect_dma semaphore(%arg22 : memref<!tpu.dma_semaphore, #tpu.memory_space<semaphore_mem>>) src(%arg12 : memref<80x64xf32, #tpu.memory_space<vmem>>) dst(%dma_wait3A_165 : memref<10240x64xf32, #tpu.memory_space<vmem_shared>>)
    %dma_wait3A_166 = arith.constant 124 : i32
    %dma_wait3A_167 = arith.constant 0 : i32
    %dma_wait3A_168 = tpu.memref_slice %arg7[%dma_wait3A_166, %dma_wait3A_167] : memref<125x80xi32, #tpu.memory_space<vmem>> -> memref<1x80xi32, #tpu.memory_space<vmem>>
    %dma_wait3A_169 = tpu.memref_squeeze %dma_wait3A_168 : memref<1x80xi32, #tpu.memory_space<vmem>> -> memref<80xi32, #tpu.memory_space<vmem>>
    %dma_wait3A_170 = arith.constant 0 : i32
    %dma_wait3A_171 = arith.constant 0 : i32
    %dma_wait3A_172 = tpu.memref_slice %arg8[%dma_wait3A_170, %dma_wait3A_171] : memref<10240x64xf32, #tpu.memory_space<vmem_shared>> -> memref<10240x64xf32, #tpu.memory_space<vmem_shared>>
    tpu.wait_indirect_dma semaphore(%arg23 : memref<!tpu.dma_semaphore, #tpu.memory_space<semaphore_mem>>) src(%arg13 : memref<80x64xf32, #tpu.memory_space<vmem>>) dst(%dma_wait3A_172 : memref<10240x64xf32, #tpu.memory_space<vmem_shared>>)
    %barrier3A_173 = arith.constant 0 : index
    tpu.barrier barrier_id(%barrier3A_173)
    %mul3A_174 = arith.constant 640 : i32
    %mul3A_175 = arith.muli %arg1, %mul3A_174 : i32
    %mul3A_176 = arith.constant 640 : i32
    %mul3A_177 = arith.muli %arg1, %mul3A_176 : i32
    "tpu.region"() ({
      %run_scoped3A_178 = tpu.sem_alloc : memref<!tpu.dma_semaphore, #tpu.memory_space<semaphore_mem>>
      %dma_start3A_179 = arith.constant 64 : i32
      %dma_start3A_180 = tpu.memref_slice %arg5[%arg0, %mul3A_177, %dma_start3A_179] : memref<2x10240x128xf32, #tpu.memory_space<hbm>> -> memref<1x640x64xf32, #tpu.memory_space<hbm>>
      %dma_start3A_181 = tpu.memref_squeeze %dma_start3A_180 : memref<1x640x64xf32, #tpu.memory_space<hbm>> -> memref<640x64xf32, #tpu.memory_space<hbm>>
      %dma_start3A_182 = arith.constant 0 : i32
      %dma_start3A_183 = tpu.memref_slice %arg8[%mul3A_175, %dma_start3A_182] : memref<10240x64xf32, #tpu.memory_space<vmem_shared>> -> memref<640x64xf32, #tpu.memory_space<vmem_shared>>
      tpu.enqueue_dma source(%dma_start3A_183 : memref<640x64xf32, #tpu.memory_space<vmem_shared>>) target(%dma_start3A_181 : memref<640x64xf32, #tpu.memory_space<hbm>>) target_semaphore(%run_scoped3A_178 : memref<!tpu.dma_semaphore, #tpu.memory_space<semaphore_mem>>)
      %dma_wait3A_184 = arith.constant 64 : i32
      %dma_wait3A_185 = tpu.memref_slice %arg5[%arg0, %mul3A_177, %dma_wait3A_184] : memref<2x10240x128xf32, #tpu.memory_space<hbm>> -> memref<1x640x64xf32, #tpu.memory_space<hbm>>
      %dma_wait3A_186 = tpu.memref_squeeze %dma_wait3A_185 : memref<1x640x64xf32, #tpu.memory_space<hbm>> -> memref<640x64xf32, #tpu.memory_space<hbm>>
      %dma_wait3A_187 = arith.constant 0 : i32
      %dma_wait3A_188 = tpu.memref_slice %arg8[%mul3A_175, %dma_wait3A_187] : memref<10240x64xf32, #tpu.memory_space<vmem_shared>> -> memref<640x64xf32, #tpu.memory_space<vmem_shared>>
      tpu.wait_dma2 semaphore(%run_scoped3A_178 : memref<!tpu.dma_semaphore, #tpu.memory_space<semaphore_mem>>) src(%dma_wait3A_188 : memref<640x64xf32, #tpu.memory_space<vmem_shared>>) dst(%dma_wait3A_186 : memref<640x64xf32, #tpu.memory_space<hbm>>)
      tpu.yield
    }) : () -> ()
    return
  }
}

module attributes {stable_mosaic.version = 14 : i64} {
  func.func @_tc_mm_body(%arg0: i32, %arg1: memref<2000x128xf32, #tpu.memory_space<vmem>>, %arg2: memref<128x128xf32, #tpu.memory_space<vmem>>, %arg3: memref<2000x128xf32, #tpu.memory_space<vmem>>) attributes {dimension_semantics = [#tpu.dimension_semantics<arbitrary>], iteration_bounds = array<i64: 5>, scalar_prefetch = 0 : i64, scratch_operands = 0 : i64, tpu.core_type = #tpu.core_type<tc>, window_params = [{transform_indices = @transform_0, window_bounds = array<i64: 2000, 128>}, {pipeline_mode = #tpu.pipeline_mode<synchronous>, transform_indices = @transform_1, window_bounds = array<i64: 128, 128>}, {transform_indices = @transform_2, window_bounds = array<i64: 2000, 128>}]} {
    %get3A = arith.constant 0 : index
    %get3A_0 = arith.constant 0 : index
    %get3A_1 = vector.load %arg1[%get3A, %get3A_0] : memref<2000x128xf32, #tpu.memory_space<vmem>>, vector<2000x128xf32>
    %get3A_2 = arith.constant 0 : index
    %get3A_3 = arith.constant 0 : index
    %get3A_4 = vector.load %arg2[%get3A_2, %get3A_3] : memref<128x128xf32, #tpu.memory_space<vmem>>, vector<128x128xf32>
    %dot_general3A = arith.constant dense<0.000000e+00> : vector<2000x128xf32>
    %dot_general3A_5 = tpu.matmul %get3A_1, %get3A_4, %dot_general3A {dimension_numbers = #tpu.dot_dimension_numbers<[1], [0], [0], [1], [0, 0, 1, 1], [], []>, precision = #tpu.contract_precision<fp32>, transpose_lhs_hint = false} : vector<2000x128xf32>, vector<128x128xf32>, vector<2000x128xf32> -> vector<2000x128xf32>
    %swap3A = arith.constant 0 : index
    %swap3A_6 = arith.constant 0 : index
    %swap3A_7 = vector.load %arg3[%swap3A, %swap3A_6] : memref<2000x128xf32, #tpu.memory_space<vmem>>, vector<2000x128xf32>
    tpu.vector_store %arg3[%swap3A, %swap3A_6], %dot_general3A_5 {strides = array<i32>} : memref<2000x128xf32, #tpu.memory_space<vmem>>, vector<2000x128xf32>,
    return
  }
  func.func @transform_0(%arg0: i32) -> (i32, i32) {
    %c0_i32 = arith.constant 0 : i32
    %c0_i32_0 = arith.constant 0 : i32
    return %arg0, %c0_i32 : i32, i32
  }
  func.func @transform_1(%arg0: i32) -> (i32, i32) {
    %c0_i32 = arith.constant 0 : i32
    %c0_i32_0 = arith.constant 0 : i32
    %c0_i32_1 = arith.constant 0 : i32
    return %c0_i32, %c0_i32_0 : i32, i32
  }
  func.func @transform_2(%arg0: i32) -> (i32, i32) {
    %c0_i32 = arith.constant 0 : i32
    %c0_i32_0 = arith.constant 0 : i32
    return %arg0, %c0_i32 : i32, i32
  }
}

module attributes {stable_mosaic.version = 14 : i64} {
  func.func @_tc1_body(%arg0: i32, %arg1: memref<1x2000x8xf32, #tpu.memory_space<vmem>>, %arg2: memref<1x2000x8xf32, #tpu.memory_space<vmem>>, %arg3: memref<2000x128xf32, #tpu.memory_space<vmem>>, %arg4: memref<2000x128xf32, #tpu.memory_space<vmem>>, %arg5: memref<2000x1xf32, #tpu.memory_space<vmem>>) attributes {dimension_semantics = [#tpu.dimension_semantics<arbitrary>], iteration_bounds = array<i64: 5>, scalar_prefetch = 0 : i64, scratch_operands = 0 : i64, tpu.core_type = #tpu.core_type<tc>, window_params = [{transform_indices = @transform_0, window_bounds = array<i64: 1, 2000, 8>}, {transform_indices = @transform_1, window_bounds = array<i64: 1, 2000, 8>}, {transform_indices = @transform_2, window_bounds = array<i64: 2000, 128>}, {transform_indices = @transform_3, window_bounds = array<i64: 2000, 128>}, {transform_indices = @transform_4, window_bounds = array<i64: 2000, 1>}]} {
    %get3A = arith.constant 0 : index
    %get3A_0 = arith.constant 0 : index
    %get3A_1 = arith.constant 0 : index
    %get3A_2 = vector.load %arg1[%get3A, %get3A_0, %get3A_1] : memref<1x2000x8xf32, #tpu.memory_space<vmem>>, vector<1x2000x1xf32>
    %get3A_3 = vector.shape_cast %get3A_2 : vector<1x2000x1xf32> to vector<2000x1xf32>
    %get3A_4 = arith.constant 0 : index
    %get3A_5 = arith.constant 0 : index
    %get3A_6 = arith.constant 0 : index
    %get3A_7 = vector.load %arg2[%get3A_4, %get3A_5, %get3A_6] : memref<1x2000x8xf32, #tpu.memory_space<vmem>>, vector<1x2000x1xf32>
    %get3A_8 = vector.shape_cast %get3A_7 : vector<1x2000x1xf32> to vector<2000x1xf32>
    %add3A = arith.addf %get3A_3, %get3A_8 : vector<2000x1xf32>
    %add3A_9 = arith.constant 1.000000e+00 : f32
    %add3A_10 = vector.broadcast %add3A_9 : f32 to vector<2000x1xf32>
    %add3A_11 = arith.addf %add3A, %add3A_10 : vector<2000x1xf32>
    %rsqrt3A = math.rsqrt %add3A_11 : vector<2000x1xf32>
    %get3A_12 = arith.constant 0 : index
    %get3A_13 = arith.constant 0 : index
    %get3A_14 = vector.load %arg3[%get3A_12, %get3A_13] : memref<2000x128xf32, #tpu.memory_space<vmem>>, vector<2000x128xf32>
    %mul3A = vector.broadcast %rsqrt3A : vector<2000x1xf32> to vector<2000x128xf32>
    %mul3A_15 = arith.mulf %get3A_14, %mul3A : vector<2000x128xf32>
    %swap3A = arith.constant 0 : index
    %swap3A_16 = arith.constant 0 : index
    %swap3A_17 = vector.load %arg4[%swap3A, %swap3A_16] : memref<2000x128xf32, #tpu.memory_space<vmem>>, vector<2000x128xf32>
    tpu.vector_store %arg4[%swap3A, %swap3A_16], %mul3A_15 {strides = array<i32>} : memref<2000x128xf32, #tpu.memory_space<vmem>>, vector<2000x128xf32>,
    %swap3A_18 = arith.constant 0 : index
    %swap3A_19 = arith.constant 0 : index
    %swap3A_20 = vector.load %arg5[%swap3A_18, %swap3A_19] : memref<2000x1xf32, #tpu.memory_space<vmem>>, vector<2000x1xf32>
    tpu.vector_store %arg5[%swap3A_18, %swap3A_19], %rsqrt3A {strides = array<i32>} : memref<2000x1xf32, #tpu.memory_space<vmem>>, vector<2000x1xf32>,
    return
  }
  func.func @transform_0(%arg0: i32) -> (i32, i32, i32) {
    %c0_i32 = arith.constant 0 : i32
    %c0_i32_0 = arith.constant 0 : i32
    %c0_i32_1 = arith.constant 0 : i32
    return %c0_i32, %arg0, %c0_i32_0 : i32, i32, i32
  }
  func.func @transform_1(%arg0: i32) -> (i32, i32, i32) {
    %c1_i32 = arith.constant 1 : i32
    %c0_i32 = arith.constant 0 : i32
    %c0_i32_0 = arith.constant 0 : i32
    return %c1_i32, %arg0, %c0_i32 : i32, i32, i32
  }
  func.func @transform_2(%arg0: i32) -> (i32, i32) {
    %c0_i32 = arith.constant 0 : i32
    %c0_i32_0 = arith.constant 0 : i32
    return %arg0, %c0_i32 : i32, i32
  }
  func.func @transform_3(%arg0: i32) -> (i32, i32) {
    %c0_i32 = arith.constant 0 : i32
    %c0_i32_0 = arith.constant 0 : i32
    return %arg0, %c0_i32 : i32, i32
  }
  func.func @transform_4(%arg0: i32) -> (i32, i32) {
    %c0_i32 = arith.constant 0 : i32
    %c0_i32_0 = arith.constant 0 : i32
    return %arg0, %c0_i32 : i32, i32
  }
}

module attributes {stable_mosaic.version = 14 : i64} {
  func.func @_tc_mid_body(%arg0: i32, %arg1: memref<1x2000x128xf32, #tpu.memory_space<vmem>>, %arg2: memref<1x2000x128xf32, #tpu.memory_space<vmem>>, %arg3: memref<2000x128xf32, #tpu.memory_space<vmem>>, %arg4: memref<2000x1xf32, #tpu.memory_space<vmem>>, %arg5: memref<1x128xf32, #tpu.memory_space<vmem>>, %arg6: memref<128x128xf32, #tpu.memory_space<vmem>>, %arg7: memref<2000x128xf32, #tpu.memory_space<vmem>>, %arg8: memref<2000x128xf32, #tpu.memory_space<vmem>>) attributes {dimension_semantics = [#tpu.dimension_semantics<arbitrary>], iteration_bounds = array<i64: 5>, scalar_prefetch = 0 : i64, scratch_operands = 0 : i64, tpu.core_type = #tpu.core_type<tc>, window_params = [{transform_indices = @transform_0, window_bounds = array<i64: 1, 2000, 128>}, {transform_indices = @transform_1, window_bounds = array<i64: 1, 2000, 128>}, {transform_indices = @transform_2, window_bounds = array<i64: 2000, 128>}, {transform_indices = @transform_3, window_bounds = array<i64: 2000, 1>}, {pipeline_mode = #tpu.pipeline_mode<synchronous>, transform_indices = @transform_4, window_bounds = array<i64: 1, 128>}, {pipeline_mode = #tpu.pipeline_mode<synchronous>, transform_indices = @transform_5, window_bounds = array<i64: 128, 128>}, {transform_indices = @transform_6, window_bounds = array<i64: 2000, 128>}, {transform_indices = @transform_7, window_bounds = array<i64: 2000, 128>}]} {
    %get3A = arith.constant 0 : index
    %get3A_0 = arith.constant 0 : index
    %get3A_1 = vector.load %arg4[%get3A, %get3A_0] : memref<2000x1xf32, #tpu.memory_space<vmem>>, vector<2000x1xf32>
    %get3A_2 = arith.constant 0 : index
    %get3A_3 = arith.constant 0 : index
    %get3A_4 = arith.constant 0 : index
    %get3A_5 = vector.load %arg1[%get3A_2, %get3A_3, %get3A_4] : memref<1x2000x128xf32, #tpu.memory_space<vmem>>, vector<1x2000x128xf32>
    %get3A_6 = vector.shape_cast %get3A_5 : vector<1x2000x128xf32> to vector<2000x128xf32>
    %get3A_7 = arith.constant 0 : index
    %get3A_8 = arith.constant 0 : index
    %get3A_9 = arith.constant 0 : index
    %get3A_10 = vector.load %arg2[%get3A_7, %get3A_8, %get3A_9] : memref<1x2000x128xf32, #tpu.memory_space<vmem>>, vector<1x2000x128xf32>
    %get3A_11 = vector.shape_cast %get3A_10 : vector<1x2000x128xf32> to vector<2000x128xf32>
    %add3A = arith.addf %get3A_6, %get3A_11 : vector<2000x128xf32>
    %mul3A = vector.broadcast %get3A_1 : vector<2000x1xf32> to vector<2000x128xf32>
    %mul3A_12 = arith.mulf %mul3A, %add3A : vector<2000x128xf32>
    %mul3A_13 = arith.mulf %get3A_1, %get3A_1 : vector<2000x1xf32>
    %get3A_14 = arith.constant 0 : index
    %get3A_15 = arith.constant 0 : index
    %get3A_16 = vector.load %arg3[%get3A_14, %get3A_15] : memref<2000x128xf32, #tpu.memory_space<vmem>>, vector<2000x128xf32>
    %mul3A_17 = vector.broadcast %mul3A_13 : vector<2000x1xf32> to vector<2000x128xf32>
    %mul3A_18 = arith.mulf %mul3A_17, %get3A_16 : vector<2000x128xf32>
    %add3A_19 = arith.addf %mul3A_12, %mul3A_18 : vector<2000x128xf32>
    %get3A_20 = arith.constant 0 : index
    %get3A_21 = arith.constant 0 : index
    %get3A_22 = vector.load %arg5[%get3A_20, %get3A_21] : memref<1x128xf32, #tpu.memory_space<vmem>>, vector<1x128xf32>
    %add3A_23 = vector.broadcast %get3A_22 : vector<1x128xf32> to vector<2000x128xf32>
    %add3A_24 = arith.addf %add3A_19, %add3A_23 : vector<2000x128xf32>
    %max3A = arith.constant 0.000000e+00 : f32
    %max3A_25 = vector.broadcast %max3A : f32 to vector<2000x128xf32>
    %max3A_26 = arith.maximumf %add3A_24, %max3A_25 : vector<2000x128xf32>
    %get3A_27 = arith.constant 0 : index
    %get3A_28 = arith.constant 0 : index
    %get3A_29 = vector.load %arg6[%get3A_27, %get3A_28] : memref<128x128xf32, #tpu.memory_space<vmem>>, vector<128x128xf32>
    %dot_general3A = arith.constant dense<0.000000e+00> : vector<2000x128xf32>
    %dot_general3A_30 = tpu.matmul %max3A_26, %get3A_29, %dot_general3A {dimension_numbers = #tpu.dot_dimension_numbers<[1], [0], [0], [1], [0, 0, 1, 1], [], []>, precision = #tpu.contract_precision<fp32>, transpose_lhs_hint = false} : vector<2000x128xf32>, vector<128x128xf32>, vector<2000x128xf32> -> vector<2000x128xf32>
    %swap3A = arith.constant 0 : index
    %swap3A_31 = arith.constant 0 : index
    %swap3A_32 = vector.load %arg8[%swap3A, %swap3A_31] : memref<2000x128xf32, #tpu.memory_space<vmem>>, vector<2000x128xf32>
    tpu.vector_store %arg8[%swap3A, %swap3A_31], %dot_general3A_30 {strides = array<i32>} : memref<2000x128xf32, #tpu.memory_space<vmem>>, vector<2000x128xf32>,
    %mul3A_33 = vector.broadcast %get3A_1 : vector<2000x1xf32> to vector<2000x128xf32>
    %mul3A_34 = arith.mulf %dot_general3A_30, %mul3A_33 : vector<2000x128xf32>
    %swap3A_35 = arith.constant 0 : index
    %swap3A_36 = arith.constant 0 : index
    %swap3A_37 = vector.load %arg7[%swap3A_35, %swap3A_36] : memref<2000x128xf32, #tpu.memory_space<vmem>>, vector<2000x128xf32>
    tpu.vector_store %arg7[%swap3A_35, %swap3A_36], %mul3A_34 {strides = array<i32>} : memref<2000x128xf32, #tpu.memory_space<vmem>>, vector<2000x128xf32>,
    return
  }
  func.func @transform_0(%arg0: i32) -> (i32, i32, i32) {
    %c0_i32 = arith.constant 0 : i32
    %c0_i32_0 = arith.constant 0 : i32
    %c0_i32_1 = arith.constant 0 : i32
    return %c0_i32, %arg0, %c0_i32_0 : i32, i32, i32
  }
  func.func @transform_1(%arg0: i32) -> (i32, i32, i32) {
    %c1_i32 = arith.constant 1 : i32
    %c0_i32 = arith.constant 0 : i32
    %c0_i32_0 = arith.constant 0 : i32
    return %c1_i32, %arg0, %c0_i32 : i32, i32, i32
  }
  func.func @transform_2(%arg0: i32) -> (i32, i32) {
    %c0_i32 = arith.constant 0 : i32
    %c0_i32_0 = arith.constant 0 : i32
    return %arg0, %c0_i32 : i32, i32
  }
  func.func @transform_3(%arg0: i32) -> (i32, i32) {
    %c0_i32 = arith.constant 0 : i32
    %c0_i32_0 = arith.constant 0 : i32
    return %arg0, %c0_i32 : i32, i32
  }
  func.func @transform_4(%arg0: i32) -> (i32, i32) {
    %c0_i32 = arith.constant 0 : i32
    %c0_i32_0 = arith.constant 0 : i32
    %c0_i32_1 = arith.constant 0 : i32
    return %c0_i32, %c0_i32_0 : i32, i32
  }
  func.func @transform_5(%arg0: i32) -> (i32, i32) {
    %c0_i32 = arith.constant 0 : i32
    %c0_i32_0 = arith.constant 0 : i32
    %c0_i32_1 = arith.constant 0 : i32
    return %c0_i32, %c0_i32_0 : i32, i32
  }
  func.func @transform_6(%arg0: i32) -> (i32, i32) {
    %c0_i32 = arith.constant 0 : i32
    %c0_i32_0 = arith.constant 0 : i32
    return %arg0, %c0_i32 : i32, i32
  }
  func.func @transform_7(%arg0: i32) -> (i32, i32) {
    %c0_i32 = arith.constant 0 : i32
    %c0_i32_0 = arith.constant 0 : i32
    return %arg0, %c0_i32 : i32, i32
  }
}

module attributes {stable_mosaic.version = 14 : i64} {
  func.func @_tc_out_body(%arg0: i32, %arg1: memref<1x2000x128xf32, #tpu.memory_space<vmem>>, %arg2: memref<1x2000x128xf32, #tpu.memory_space<vmem>>, %arg3: memref<2000x128xf32, #tpu.memory_space<vmem>>, %arg4: memref<2000x1xf32, #tpu.memory_space<vmem>>, %arg5: memref<1x128xf32, #tpu.memory_space<vmem>>, %arg6: memref<128x40xf32, #tpu.memory_space<vmem>>, %arg7: memref<1x40xf32, #tpu.memory_space<vmem>>, %arg8: memref<2000x40xf32, #tpu.memory_space<vmem>>) attributes {dimension_semantics = [#tpu.dimension_semantics<arbitrary>], iteration_bounds = array<i64: 5>, scalar_prefetch = 0 : i64, scratch_operands = 0 : i64, tpu.core_type = #tpu.core_type<tc>, window_params = [{transform_indices = @transform_0, window_bounds = array<i64: 1, 2000, 128>}, {transform_indices = @transform_1, window_bounds = array<i64: 1, 2000, 128>}, {transform_indices = @transform_2, window_bounds = array<i64: 2000, 128>}, {transform_indices = @transform_3, window_bounds = array<i64: 2000, 1>}, {pipeline_mode = #tpu.pipeline_mode<synchronous>, transform_indices = @transform_4, window_bounds = array<i64: 1, 128>}, {pipeline_mode = #tpu.pipeline_mode<synchronous>, transform_indices = @transform_5, window_bounds = array<i64: 128, 40>}, {pipeline_mode = #tpu.pipeline_mode<synchronous>, transform_indices = @transform_6, window_bounds = array<i64: 1, 40>}, {transform_indices = @transform_7, window_bounds = array<i64: 2000, 40>}]} {
    %get3A = arith.constant 0 : index
    %get3A_0 = arith.constant 0 : index
    %get3A_1 = vector.load %arg4[%get3A, %get3A_0] : memref<2000x1xf32, #tpu.memory_space<vmem>>, vector<2000x1xf32>
    %get3A_2 = arith.constant 0 : index
    %get3A_3 = arith.constant 0 : index
    %get3A_4 = arith.constant 0 : index
    %get3A_5 = vector.load %arg1[%get3A_2, %get3A_3, %get3A_4] : memref<1x2000x128xf32, #tpu.memory_space<vmem>>, vector<1x2000x128xf32>
    %get3A_6 = vector.shape_cast %get3A_5 : vector<1x2000x128xf32> to vector<2000x128xf32>
    %get3A_7 = arith.constant 0 : index
    %get3A_8 = arith.constant 0 : index
    %get3A_9 = arith.constant 0 : index
    %get3A_10 = vector.load %arg2[%get3A_7, %get3A_8, %get3A_9] : memref<1x2000x128xf32, #tpu.memory_space<vmem>>, vector<1x2000x128xf32>
    %get3A_11 = vector.shape_cast %get3A_10 : vector<1x2000x128xf32> to vector<2000x128xf32>
    %add3A = arith.addf %get3A_6, %get3A_11 : vector<2000x128xf32>
    %mul3A = vector.broadcast %get3A_1 : vector<2000x1xf32> to vector<2000x128xf32>
    %mul3A_12 = arith.mulf %mul3A, %add3A : vector<2000x128xf32>
    %mul3A_13 = arith.mulf %get3A_1, %get3A_1 : vector<2000x1xf32>
    %get3A_14 = arith.constant 0 : index
    %get3A_15 = arith.constant 0 : index
    %get3A_16 = vector.load %arg3[%get3A_14, %get3A_15] : memref<2000x128xf32, #tpu.memory_space<vmem>>, vector<2000x128xf32>
    %mul3A_17 = vector.broadcast %mul3A_13 : vector<2000x1xf32> to vector<2000x128xf32>
    %mul3A_18 = arith.mulf %mul3A_17, %get3A_16 : vector<2000x128xf32>
    %add3A_19 = arith.addf %mul3A_12, %mul3A_18 : vector<2000x128xf32>
    %get3A_20 = arith.constant 0 : index
    %get3A_21 = arith.constant 0 : index
    %get3A_22 = vector.load %arg5[%get3A_20, %get3A_21] : memref<1x128xf32, #tpu.memory_space<vmem>>, vector<1x128xf32>
    %add3A_23 = vector.broadcast %get3A_22 : vector<1x128xf32> to vector<2000x128xf32>
    %add3A_24 = arith.addf %add3A_19, %add3A_23 : vector<2000x128xf32>
    %max3A = arith.constant 0.000000e+00 : f32
    %max3A_25 = vector.broadcast %max3A : f32 to vector<2000x128xf32>
    %max3A_26 = arith.maximumf %add3A_24, %max3A_25 : vector<2000x128xf32>
    %get3A_27 = arith.constant 0 : index
    %get3A_28 = arith.constant 0 : index
    %get3A_29 = vector.load %arg6[%get3A_27, %get3A_28] : memref<128x40xf32, #tpu.memory_space<vmem>>, vector<128x40xf32>
    %dot_general3A = arith.constant dense<0.000000e+00> : vector<2000x40xf32>
    %dot_general3A_30 = tpu.matmul %max3A_26, %get3A_29, %dot_general3A {dimension_numbers = #tpu.dot_dimension_numbers<[1], [0], [0], [1], [0, 0, 1, 1], [], []>, precision = #tpu.contract_precision<fp32>, transpose_lhs_hint = false} : vector<2000x128xf32>, vector<128x40xf32>, vector<2000x40xf32> -> vector<2000x40xf32>
    %get3A_31 = arith.constant 0 : index
    %get3A_32 = arith.constant 0 : index
    %get3A_33 = vector.load %arg7[%get3A_31, %get3A_32] : memref<1x40xf32, #tpu.memory_space<vmem>>, vector<1x40xf32>
    %add3A_34 = vector.broadcast %get3A_33 : vector<1x40xf32> to vector<2000x40xf32>
    %add3A_35 = arith.addf %dot_general3A_30, %add3A_34 : vector<2000x40xf32>
    %swap3A = arith.constant 0 : index
    %swap3A_36 = arith.constant 0 : index
    %swap3A_37 = vector.load %arg8[%swap3A, %swap3A_36] : memref<2000x40xf32, #tpu.memory_space<vmem>>, vector<2000x40xf32>
    tpu.vector_store %arg8[%swap3A, %swap3A_36], %add3A_35 {strides = array<i32>} : memref<2000x40xf32, #tpu.memory_space<vmem>>, vector<2000x40xf32>,
    return
  }
  func.func @transform_0(%arg0: i32) -> (i32, i32, i32) {
    %c0_i32 = arith.constant 0 : i32
    %c0_i32_0 = arith.constant 0 : i32
    %c0_i32_1 = arith.constant 0 : i32
    return %c0_i32, %arg0, %c0_i32_0 : i32, i32, i32
  }
  func.func @transform_1(%arg0: i32) -> (i32, i32, i32) {
    %c1_i32 = arith.constant 1 : i32
    %c0_i32 = arith.constant 0 : i32
    %c0_i32_0 = arith.constant 0 : i32
    return %c1_i32, %arg0, %c0_i32 : i32, i32, i32
  }
  func.func @transform_2(%arg0: i32) -> (i32, i32) {
    %c0_i32 = arith.constant 0 : i32
    %c0_i32_0 = arith.constant 0 : i32
    return %arg0, %c0_i32 : i32, i32
  }
  func.func @transform_3(%arg0: i32) -> (i32, i32) {
    %c0_i32 = arith.constant 0 : i32
    %c0_i32_0 = arith.constant 0 : i32
    return %arg0, %c0_i32 : i32, i32
  }
  func.func @transform_4(%arg0: i32) -> (i32, i32) {
    %c0_i32 = arith.constant 0 : i32
    %c0_i32_0 = arith.constant 0 : i32
    %c0_i32_1 = arith.constant 0 : i32
    return %c0_i32, %c0_i32_0 : i32, i32
  }
  func.func @transform_5(%arg0: i32) -> (i32, i32) {
    %c0_i32 = arith.constant 0 : i32
    %c0_i32_0 = arith.constant 0 : i32
    %c0_i32_1 = arith.constant 0 : i32
    return %c0_i32, %c0_i32_0 : i32, i32
  }
  func.func @transform_6(%arg0: i32) -> (i32, i32) {
    %c0_i32 = arith.constant 0 : i32
    %c0_i32_0 = arith.constant 0 : i32
    %c0_i32_1 = arith.constant 0 : i32
    return %c0_i32, %c0_i32_0 : i32, i32
  }
  func.func @transform_7(%arg0: i32) -> (i32, i32) {
    %c0_i32 = arith.constant 0 : i32
    %c0_i32_0 = arith.constant 0 : i32
    return %arg0, %c0_i32 : i32, i32
  }
}

</mosaic_0001>

<sc_bundles>
// kernel: kernel.12.cloned.1.call-start
scs
__scs_entry_jumppad:
0x0: {  	(pc) =	sbr.rel $0x88, $3  }
0x1: {  	(tag) =	ssettag $0x0;
	lr =	simm.s32 $0x1  }
0x2: {  	[smem:$0x3F99] =	sst lr;
	_ =	strace $0xD0000000  }
0x3: {  	_ = 	snop  }
0x4: {  	_ = 	snop  }
0x5: {  	_ = 	snop  }
0x6: {  	_ = 	snop  }
0x7: {  	_ = 	snop  }
__scs_overlays_trampoline_lowered:
0x8: {  	[smem:$0x3FA8] =	sst s0  }
0x9: {  	[smem:$0x3FA9] =	sst s1  }
0xa: {  	[smem:$0x3FAA] =	sst s2  }
0xb: {  	[smem:$0x3FAB] =	sst s3  }
0xc: {  	[smem:$0x3FAC] =	sst s4  }
0xd: {  	[smem:$0x3FAD] =	sst s5  }
0xe: {  	[smem:$0x3FAE] =	sst s6  }
0xf: {  	[smem:$0x3FAF] =	sst s7  }
0x10: {  	[smem:$0x3FB0] =	sst s8  }
0x11: {  	[smem:$0x3FB1] =	sst s9;
	s0 =	simm.s32 @!p0 $0x0  }
0x12: {  	s1 =	sld [smem:$0x3F97];
	s0 =	simm.s32 @p0 $0x1  }
0x13: {  	[smem:$0x3FB2] =	sst s0;
	s0 =	simm.s32 @!p1 $0x0  }
0x14: {  	s2 =	sld [smem:$0x3F96];
	s0 =	simm.s32 @p1 $0x1  }
0x15: {  	[smem:$0x3FB3] =	sst s0;
	s0 =	simm.s32 @!p2 $0x0  }
0x16: {  	s3 =	sld [smem:$0x3FDB];
	s0 =	simm.s32 @p2 $0x1  }
0x17: {  	s4 =	simm.s32 $0x1BF5;
	[smem:$0x3FB5] =	sst s0  }
0x18: {  	s0 =	sld [smem:$0x3F98];
	_ =	swait.ge [sflag:s4], $0x0  }
0x19: {  	s7 =	sld [smem:$0x3F99]  }
0x1a: {  	s8 =	sadd.s32 $0xFFFFE003, lr  }
0x1b: {  	s9 =	sadd.s32 $0xFFFFFEF7, lr;
	s5 =	simm.s32 $0xFFFFFFFF;
	p2 =	slt.u32 s8, $0xFFFFF086  }
0x1c: {  	p1 =	slt.u32 s9, $0xF7A;
	s5 =	simm.s32 @!p2 $0x0  }
0x1d: {  	s5 =	simm.s32 @p1 $0x1;
	p0 =	seq.s32 s7, s2  }
0x1e: {  	s7 =	smul.u32 @!p0 $0xF7A, s2;
	p2 =	seq.s32 @!p0 s5, $0x0  }
0x1f: {  	s9 =	smul.u32 $0xF7A, s1;
	s8 =	simm.s32 @!p0 $0x1BF5;
	p2 =	por !p2, p0  }
0x20: {  	[sflag:s8] =	ssyncset.s32 @!p0 $0xFFFFF086;
	s6 =	sadd.s32 @!p0 s3, s7;
	s7 =	simm.s32 @!p0 $0x108  }
0x21: {  	s3 =	sadd.s32 s3, s9;
	s6 =	sadd.s32 @!p0 $0x88, s6;
	s7 =	simm.s32 @p2 $0x1082  }
0x22: {  	[simem:s7], [sflag:s8] =	dma.local @!p0 [hbm:s6], $0xF7A  }
0x23: {  	s9 =	sor.u32 $0xD0000000, s2;
	s6 =	simm.s32 $0x108;
	_ =	swait.ge @!p0 [sflag:s8], $0x0  }
0x24: {  	s3 =	sadd.s32 $0x88, s3;
	s6 =	simm.s32 @!p1 $0x1082;
	[sflag:s4] =	ssyncset.s32 $0xFFFFF086  }
0x25: {  	[simem:s6], [sflag:s4] =	dma.local [hbm:s3], $0xF7A  }
0x26: {  	[smem:$0x3F99] =	sst s1;
	(tag) =	ssettag s2;
	_ =	strace s9  }
0x27: {  	s1 =	sld [smem:$0x3FA9]  }
0x28: {  	s2 =	sld [smem:$0x3FAA]  }
0x29: {  	s4 =	sld [smem:$0x3FAC]  }
0x2a: {  	p0 =	seq.s32 s5, $0x0;
	s5 =	sld [smem:$0x3FAD]  }
0x2b: {  	s6 =	sld [smem:$0x3FAE]  }
0x2c: {  	s7 =	sld [smem:$0x3FAF]  }
0x2d: {  	s3 =	simm.s32 $0x108;
	s8 =	sld [smem:$0x3FB0]  }
0x2e: {  	s3 =	simm.s32 @!p0 $0x1082;
	s9 =	sld [smem:$0x3FB1]  }
0x2f: {  	lr =	sadd.s32 s0, s3;
	s0 =	sld [smem:$0x3FA8]  }
0x30: {  	s3 =	sld [smem:$0x3FAB]  }
0x31: {  	[smem:$0x3FB4] =	sst s10  }
0x32: {  	s10 =	sld [smem:$0x3FB2];
	_ =	sdelay $0x3  }
0x33: {  	p0 =	seq.s32 s10, $0x1;
	s10 =	sld [smem:$0x3FB4];
	_ =	sdelay $0x3  }
0x34: {  	[smem:$0x3FB4] =	sst s10  }
0x35: {  	s10 =	sld [smem:$0x3FB3];
	_ =	sdelay $0x3  }
0x36: {  	p1 =	seq.s32 s10, $0x1;
	s10 =	sld [smem:$0x3FB4];
	_ =	sdelay $0x3  }
0x37: {  	[smem:$0x3FB4] =	sst s10  }
0x38: {  	s10 =	sld [smem:$0x3FB5]  }
0x39: {  	_ = 	snop;
	(pc) =	sbr.ind lr, $3  }
0x3a: {  	_ = 	snop  }
0x3b: {  	_ = 	snop  }
0x3c: {  	p2 =	seq.s32 s10, $0x1;
	s10 =	sld [smem:$0x3FB4]  }
0x3d: {  	_ =	shalt  }
0x3e: {  	_ =	shalt  }
0x3f: {  	_ =	shalt  }
0x40: {  	_ =	shalt  }
0x41: {  	_ =	shalt  }
0x42: {  	_ =	shalt  }
0x43: {  	_ =	shalt  }
0x44: {  	_ =	shalt  }
0x45: {  	_ =	shalt  }
0x46: {  	_ =	shalt  }
0x47: {  	_ =	shalt  }
0x48: {  	_ =	shalt  }
0x49: {  	_ =	shalt  }
0x4a: {  	_ =	shalt  }
0x4b: {  	_ =	shalt  }
0x4c: {  	_ =	shalt  }
0x4d: {  	_ =	shalt  }
0x4e: {  	_ =	shalt  }
0x4f: {  	_ =	shalt  }
0x50: {  	_ =	shalt  }
0x51: {  	_ =	shalt  }
0x52: {  	_ =	shalt  }
0x53: {  	_ =	shalt  }
0x54: {  	_ =	shalt  }
0x55: {  	_ =	shalt  }
0x56: {  	_ =	shalt  }
0x57: {  	_ =	shalt  }
0x58: {  	_ =	shalt  }
0x59: {  	_ =	shalt  }
0x5a: {  	_ =	shalt  }
0x5b: {  	_ =	shalt  }
0x5c: {  	_ =	shalt  }
0x5d: {  	_ =	shalt  }
0x5e: {  	_ =	shalt  }
0x5f: {  	_ =	shalt  }
0x60: {  	_ =	shalt  }
0x61: {  	_ =	shalt  }
0x62: {  	_ =	shalt  }
0x63: {  	_ =	shalt  }
0x64: {  	_ =	shalt  }
0x65: {  	_ =	shalt  }
0x66: {  	_ =	shalt  }
0x67: {  	_ =	shalt  }
0x68: {  	_ =	shalt  }
0x69: {  	_ =	shalt  }
0x6a: {  	_ =	shalt  }
0x6b: {  	_ =	shalt  }
0x6c: {  	_ =	shalt  }
0x6d: {  	_ =	shalt  }
0x6e: {  	_ =	shalt  }
0x6f: {  	_ =	shalt  }
0x70: {  	_ =	shalt  }
0x71: {  	_ =	shalt  }
0x72: {  	_ =	shalt  }
0x73: {  	_ =	shalt  }
0x74: {  	_ =	shalt  }
0x75: {  	_ =	shalt  }
0x76: {  	_ =	shalt  }
0x77: {  	_ =	shalt  }
0x78: {  	_ =	shalt  }
0x79: {  	_ =	shalt  }
0x7a: {  	_ =	shalt  }
0x7b: {  	_ =	shalt  }
0x7c: {  	_ =	shalt  }
0x7d: {  	_ =	shalt  }
0x7e: {  	_ =	shalt  }
0x7f: {  	_ =	shalt  }
0x80: {  	_ =	shalt  }
0x81: {  	_ =	shalt  }
0x82: {  	_ =	shalt  }
0x83: {  	_ =	shalt  }
0x84: {  	_ =	shalt  }
0x85: {  	_ =	shalt  }
0x86: {  	_ =	shalt  }
0x87: {  	_ =	shalt  }
.Lfunc_end0:
.L_simem_size_0:
called_computation.1_lowered:
.L_overlay_start_0:
0x88: {  	s2 =	sld [smem:$0x3FD9]  }
0x89: {  	s3 =	sld [smem:$0x3FFE];
	_ =	sdelay $0x1  }
0x8a: {  	s1 =	srdreg.scid  }
0x8b: {  	s0 =	sand.u32 $0x1, s1  }
0x8c: {  	s16 =	sshll.u32 s0, $0xA;
	s2 =	sadd.s32 s3, s2  }
0x8d: {  	s2 =	sadd.s32 s2, s16  }
0x8e: {  	[smem:$0x3FC0] =	sst s2  }
0x8f: {  	_ = 	snop  }
0x90: {  	(tm) =	ssettm $0x1  }
0x91: {  	s17 =	sld [smem:$0x3FFB];
	_ =	sdelay $0x3  }
0x92: {  	_ =	strace s17  }
0x93: {  	s2 =	sld [smem:$0x3FFC];
	_ =	sdelay $0x3  }
0x94: {  	_ =	strace s2  }
0x95: {  	s2 =	sld [smem:$0x3FFD];
	_ =	sdelay $0x3  }
0x96: {  	_ =	strace s2  }
0x97: {  	_ =	strace $0x8FFFFFFF  }
0x98: {  	s18 =	sld [smem:$0x3FDB];
	_ =	sdelay $0x1  }
0x99: {  	s19 =	simm.s32 $_scs_section_size  }
0x9a: {  	s4 =	simm.s32 $_size__tile_overlayer_lowered;
	s5 =	simm.s32 $_tile_overlayer_lowered  }
0x9b: {  	s22 =	simm.s32 $0x1BFF;
	s21 =	sshll.u32 s5, $0x1;
	s2 =	sadd.s32 s19, s18  }
0x9c: {  	s6 =	simm.s32 $0x0;
	s20 =	sshll.u32 s4, $0x1;
	s4 =	sadd.s32 s21, s2  }
0x9d: {  	[timem:s6], [sflag:s22] =	dma.local [hbm:s4], s20  }
0x9e: {  	_ =	swait.ge [sflag:s22], s20  }
0x9f: {  	s3 =	ssub.s32 $0x0, s20;
	[sflag:s22] =	ssyncset.done $0x0  }
0xa0: {  	[sflag:s22] =	ssyncadd.s32 s3;
	_ =	sdelay $0x1  }
0xa1: {  	s23 =	simm.s32 $0x1B8B  }
0xa2: {  	_ =	swait.ge [sflag:s23], $0x1  }
0xa3: {  	[sflag:s23] =	ssyncset.done $0x0  }
0xa4: {  	s25 =	simm.s32 $0x1B8E;
	s24 =	sld [smem:$0x3FFE];
	[sflag:s23] =	ssyncadd.s32 $0xFFFFFFFF  }
0xa5: {  	s26 =	simm.s32 $execute0_lowered;
	[smem:$0x3FD2] =	sst s25  }
0xa6: {  	s4 =	sshll.u32 s26, $0x1;
	_ =	strace $0x80000049;
	[dreg:$0x1] =	wrdreg $0xFFFFFFFF  }
0xa7: {  	s28 =	simm.s32 $_size_execute0_lowered;
	s2 =	sadd.s32 s2, s4;
	[dreg:$0x0] =	wrdreg $0x0  }
0xa8: {  	s4 =	sshll.u32 s28, $0x1;
	[dreg:$0x2] =	wrdreg s2  }
0xa9: {  	[dreg:$0x3] =	wrdreg s4  }
0xaa: {  	[dreg:$0x4] =	wrdreg $0xC0  }
0xab: {  	_ =	task [dreg:s6], $0x5FFFF  }
0xac: {  	[dreg:$0x1] =	wrdreg $0xFFFFFFFF  }
0xad: {  	[dreg:$0x0] =	wrdreg $0x60  }
0xae: {  	[dreg:$0x2] =	wrdreg s24  }
0xaf: {  	[dreg:$0x3] =	wrdreg $0x4E200  }
0xb0: {  	[dreg:$0x4] =	wrdreg $0x9  }
0xb1: {  	_ =	task.clear_ibuf [dreg:s6], $0x5FFFF;
	_ =	strace $0x90000049  }
0xb2: {  	s29 =	simm.s32 $0x9;
	_ =	strace $0x8000004B  }
0xb3: {  	_ =	swait.ge [sflag:s29], $0x1  }
0xb4: {  	[sflag:s29] =	ssyncadd.s32 $0xFFFFFFFF  }
0xb5: {  	_ =	strace $0x9000004B  }
0xb6: {  	_ =	sfence  }
0xb7: {  	s30 =	sld [smem:$0x0];
	_ =	sdelay $0x2  }
0xb8: {  	s31 =	sshll.u32 s1, $0xD;
	s1 =	sshrl.u32 s1, $0x2  }
0xb9: {  	s3 =	sand.u32 $0x4000, s31;
	s1 =	sadd.s32 s1, s30  }
0xba: {  	s0 =	sor.u32 s3, s0;
	s1 =	sshll.u32 s1, $0x11  }
0xbb: {  	s0 =	sor.u32 s1, s0  }
0xbc: {  	s0 =	sadd.s32 $0x8F2B, s0  }
0xbd: {  	[sflag:s0] =	ssyncadd.remote.s32 $0x1  }
0xbe: {  	_ =	sfence.sel $0xFFFF  }
0xbf: {  	[dreg:$0x0] =	wrdreg $0xFFFFFFFF;
	(pc) =	sbr.abs _section_cstart, $3  }
0xc0: {  	[dreg:$0x1] =	wrdreg $0xFFFFFFFF  }
0xc1: {  	_ =	task.clear_ibuf [dreg:s6], $0x2FFFF;
	_ =	strace $0x9FFFFFFF  }
0xc2: {  	(tm) =	ssettm $0x7FFFFFFF  }
0xc3: {  	_ =	shalt  }
tec
execute0_lowered:
.L_overlay_start_1:
0x0: {  	(tag) =	ssettag $0x1  }
0x1: {  	s0 =	srdreg.scid  }
0x2: {  	s8 =	stileid.u32;
	s3 =	rddreg [dreg:$0x0]  }
0x3: {  	s2 =	rddreg [dreg:$0x1];
	s4 =	simm.s32 $0x0;
	s11 =	simm.s32 $0xB  }
0x4: {  	s15 =	simm.s32 $0x50;
	s16 =	simm.s32 $0xEE20;
	s17 =	simm.s32 $0x10220  }
0x5: {  	s19 =	simm.s32 $0x11620;
	s28 =	simm.s32 $0x4;
	s29 =	simm.s32 $0x5  }
0x6: {  	s30 =	simm.s32 $0x6;
	s31 =	simm.s32 $0x7;
	s12 =	simm.s32 $0xA  }
0x7: {  	s9 =	simm.s32 $0x4DD0;
	s10 =	simm.s32 $0x10;
	s18 =	simm.s32 $0x0  }
0x8: {  	s0 =	sand.u32 $0x1, s0;
	[smem:$0x7FF] =	sst s4;
	s6 =	smul.u32 $0x14000, s8  }
0x9: {  	s7 =	smul.u32 $0xA000, s8;
	s4 =	sadd.s32 $0x16200, s3;
	s26 =	sshll.u32 s8, $0x6  }
0xa: {  	s1 =	sshll.u32 s0, $0x4;
	s5 =	smul.u32 $0x140000, s0;
	_ =	strace $0x8000004A  }
0xb: {  	s0 =	ssub.s32 $0x2, s0;
	s13 =	sor.u32 $0x1C0B, s26;
	s26 =	simm.s32 $0x3  }
0xc: {  	s1 =	sor.u32 s8, s1;
	s21 =	sshrl.u32 s7, $0x3;
	s22 =	sshrl.u32 s0, $0x1  }
0xd: {  	s24 =	sadd.s32 s7, s2;
	s8 =	simm.s32 $0x4D80;
	s1 =	smul.u32 $0x2710, s1  }
0xe: {  	s5 =	sadd.s32 s6, s5;
	s6 =	sadd.s32 s21, s3;
	s0 =	ssub.s32 s0, s22  }
0xf: {  	s14 =	sshrl.u32 s24, $0x3;
	s21 =	simm.s32 $0x12A20;
	s1 =	sshrl.u32 s1, $0x3  }
0x10: {  	s24 =	simm.s32 $0x1;
	s0 =	smax.u32 s0, $0x1;
	s1 =	sadd.s32 s1, s3  }
0x11: {  	s5 =	sshrl.u32 s5, $0x3;
	[dreg:$0x7] =	wrdreg s0;
	s23 =	sadd.s32 $0x2800, s1  }
0x12: {  	s3 =	sadd.s32 s5, s3;
	s1 =	sadd.s32 $0xC440, s1;
	[dreg:$0x3] =	wrdreg s23  }
0x13: {  	s7 =	sadd.s32 $0x3D400, s6;
	s25 =	sadd.s32 $0x51400, s3;
	[dreg:$0x4] =	wrdreg s1  }
0x14: {  	s6 =	simm.s32 $0x4D30;
	s3 =	sadd.s32 $0x51408, s3;
	[dreg:$0x5] =	wrdreg s25  }
0x15: {  	s0 =	simm.s32 $0x9;
	s5 =	simm.s32 $0x4CE0;
	[dreg:$0x6] =	wrdreg s3  }
0x16: {  	s23 =	simm.s32 $0x13E20;
	s25 =	simm.s32 $0x2;
	s1 =	simm.s32 $0x8  }
.LBB2_1:
0x17: {  	s3 =	simm.s32 $0x0;
	s20 =	rddreg [dreg:$0x3]  }
0x18: {  	[tilespmem:s3], [sflag:$0xB] =	stream.linear.gather [hbm4b:s20+s3], $0x2710, $0x38;
	[tilespmem:$0x15220] =	vst v63  }
0x19: {  	_ =	swait.ge [sflag:s11], $0x2710  }
0x1a: {  	[sflag:s11] =	ssyncset.done $0x0  }
0x1b: {  	s22 =	simm.s32 $0x2710;
	s20 =	rddreg [dreg:$0x4];
	[sflag:s11] =	ssyncadd.s32 $0xFFFFD8F0  }
0x1c: {  	[tilespmem:s22], [sflag:$0xB] =	stream.linear.gather [hbm4b:s20+s3], $0x2710, $0x38;
	[tilespmem:$0x15220] =	vst v63  }
0x1d: {  	_ =	swait.ge [sflag:s11], $0x2710  }
0x1e: {  	[sflag:s11] =	ssyncset.done $0x0  }
0x1f: {  	s20 =	simm.s32 $0x0;
	[sflag:s11] =	ssyncadd.s32 $0xFFFFD8F0  }
0x20: {  	v3 =	vld [tilespmem:s20+$0x0]  }
0x21: {  	v2 =	vld [tilespmem:s20+$0x10]  }
0x22: {  	v1 =	vld [tilespmem:s20+$0x20]  }
0x23: {  	s22 =	simm.s32 $0x140;
	v0 =	vld [tilespmem:s20+$0x30]  }
.LBB2_2:
0x24: {  	p0 =	sne.s32 s22, $0x9B00;
	v4 =	vld [tilespmem:s20+$0x40]  }
0x25: {  	v3 =	vshll.u32 v3, $0x1  }
.Ltmp0:
0x26: {  	s3 =	sshra.s32 s22, $0x2;
	[tilespmem:s20+$0x0] =	vst v3;
	v2 =	vshll.u32 v2, $0x1;
	(pc) =	sbr.rel @p0 .LBB2_2-.Ltmp0, $4  }
0x27: {  	v3 =	vld [tilespmem:s3+$0x0];
	[tilespmem:s20+$0x10] =	vst v2;
	v1 =	vshll.u32 v1, $0x1  }
0x28: {  	v2 =	vld [tilespmem:s3+$0x10];
	[tilespmem:s20+$0x20] =	vst v1;
	v0 =	vshll.u32 v0, $0x1  }
0x29: {  	v1 =	vld [tilespmem:s3+$0x20];
	[tilespmem:s20+$0x30] =	vst v0;
	v4 =	vshll.u32 v4, $0x1  }
0x2a: {  	s22 =	sadd.s32 $0x140, s22;
	v0 =	vld [tilespmem:s3+$0x30];
	[tilespmem:s20+$0x40] =	vst v4;
	s20 =	smov.u32 s3  }
0x2b: {  	v4 =	vld [tilespmem:s20+$0x40]  }
0x2c: {  	v3 =	vshll.u32 v3, $0x1  }
0x2d: {  	[tilespmem:s20+$0x0] =	vst v3;
	v2 =	vshll.u32 v2, $0x1  }
0x2e: {  	[tilespmem:s20+$0x10] =	vst v2;
	v1 =	vshll.u32 v1, $0x1  }
0x2f: {  	[tilespmem:s20+$0x20] =	vst v1;
	v0 =	vshll.u32 v0, $0x1  }
0x30: {  	[tilespmem:s20+$0x30] =	vst v0;
	v63 =	vshll.u32 v4, $0x1  }
0x31: {  	[tilespmem:s20+$0x40] =	vst v63  }
0x32: {  	[spmem:s14], [sflag:s13] =	dma.local [hbm:s7], $0x1400  }
0x33: {  	_ =	swait.ge [sflag:s11], $0x1400  }
0x34: {  	[sflag:s11] =	ssyncset.done $0x0  }
0x35: {  	[sflag:s11] =	ssyncadd.s32 $0xFFFFEC00  }
0x36: {  	s3 =	simm.s32 $0x0;
	[bflag:$0x0] =	sbarrier.arrive $0xFFFF  }
0x37: {  	[tilespmem:s16], [sflag:$0x1] =	stream.indirect.gather [hbm4b:s4+s15], $0x40, s3, s15, $0xb8;
	[tilespmem:$0x15220] =	vst v63  }
0x38: {  	_ = 	snop  }
0x39: {  	[tilespmem:s17], [sflag:$0x2] =	stream.indirect.gather [hbm4b:s4+s15], $0x40, s15, s15, $0xb8;
	[tilespmem:$0x15220] =	vst v63  }
0x3a: {  	s20 =	simm.s32 $0xA0  }
0x3b: {  	[tilespmem:s19], [sflag:$0x3] =	stream.indirect.gather [hbm4b:s4+s15], $0x40, s20, s15, $0xb8;
	[tilespmem:$0x15220] =	vst v63  }
0x3c: {  	s22 =	simm.s32 $0xF0  }
0x3d: {  	[tilespmem:s21], [sflag:$0x4] =	stream.indirect.gather [hbm4b:s4+s15], $0x40, s22, s15, $0xb8;
	[tilespmem:$0x15220] =	vst v63  }
0x3e: {  	s20 =	simm.s32 $0x140  }
0x3f: {  	[tilespmem:s23], [sflag:$0x5] =	stream.indirect.gather [hbm4b:s4+s15], $0x40, s20, s15, $0xb8;
	[tilespmem:$0x15220] =	vst v63  }
0x40: {  	_ =	swait.ge [sflag:s24], $0x1400  }
0x41: {  	[sflag:s24] =	ssyncset.done $0x0  }
0x42: {  	s22 =	simm.s32 $0x2710;
	[sflag:s24] =	ssyncadd.s32 $0xFFFFEC00  }
0x43: {  	[spmem:s2] =	stream.indirect.scatter.add.f32 [tilespmem:s16], [sflag:$0x6], $0x40, s22, s15, $0xb8;
	[tilespmem:$0x15220] =	vst v63  }
0x44: {  	_ =	swait.ge [sflag:s25], $0x1400  }
0x45: {  	[sflag:s25] =	ssyncset.done $0x0  }
0x46: {  	s20 =	simm.s32 $0x2760;
	[sflag:s25] =	ssyncadd.s32 $0xFFFFEC00  }
0x47: {  	[spmem:s2] =	stream.indirect.scatter.add.f32 [tilespmem:s17], [sflag:$0x7], $0x40, s20, s15, $0xb8;
	[tilespmem:$0x15220] =	vst v63  }
0x48: {  	_ =	swait.ge [sflag:s26], $0x1400  }
0x49: {  	[sflag:s26] =	ssyncset.done $0x0  }
0x4a: {  	s22 =	simm.s32 $0x27B0;
	[sflag:s26] =	ssyncadd.s32 $0xFFFFEC00  }
0x4b: {  	[spmem:s2] =	stream.indirect.scatter.add.f32 [tilespmem:s19], [sflag:$0x8], $0x40, s22, s15, $0xb8;
	[tilespmem:$0x15220] =	vst v63  }
0x4c: {  	_ =	swait.ge [sflag:s28], $0x1400  }
0x4d: {  	[sflag:s28] =	ssyncset.done $0x0  }
0x4e: {  	s20 =	simm.s32 $0x2800;
	[sflag:s28] =	ssyncadd.s32 $0xFFFFEC00  }
0x4f: {  	[spmem:s2] =	stream.indirect.scatter.add.f32 [tilespmem:s21], [sflag:$0x9], $0x40, s20, s15, $0xb8;
	[tilespmem:$0x15220] =	vst v63  }
0x50: {  	_ =	swait.ge [sflag:s29], $0x1400  }
0x51: {  	[sflag:s29] =	ssyncset.done $0x0  }
0x52: {  	s22 =	simm.s32 $0x2850;
	[sflag:s29] =	ssyncadd.s32 $0xFFFFEC00  }
0x53: {  	[spmem:s2] =	stream.indirect.scatter.add.f32 [tilespmem:s23], [sflag:$0xA], $0x40, s22, s15, $0xb8;
	[tilespmem:$0x15220] =	vst v63  }
0x54: {  	_ =	swait.ge [sflag:s30], $0x1400  }
0x55: {  	[sflag:s30] =	ssyncset.done $0x0  }
0x56: {  	s20 =	simm.s32 $0x190;
	[sflag:s30] =	ssyncadd.s32 $0xFFFFEC00  }
0x57: {  	[tilespmem:s16], [sflag:$0x1] =	stream.indirect.gather [hbm4b:s4+s15], $0x40, s20, s15, $0xb8;
	[tilespmem:$0x15220] =	vst v63  }
0x58: {  	_ =	swait.ge [sflag:s31], $0x1400  }
0x59: {  	[sflag:s31] =	ssyncset.done $0x0  }
0x5a: {  	s22 =	simm.s32 $0x1E0;
	[sflag:s31] =	ssyncadd.s32 $0xFFFFEC00  }
0x5b: {  	[tilespmem:s17], [sflag:$0x2] =	stream.indirect.gather [hbm4b:s4+s15], $0x40, s22, s15, $0xb8;
	[tilespmem:$0x15220] =	vst v63  }
0x5c: {  	_ =	swait.ge [sflag:s1], $0x1400  }
0x5d: {  	[sflag:s1] =	ssyncset.done $0x0  }
0x5e: {  	s20 =	simm.s32 $0x230;
	[sflag:s1] =	ssyncadd.s32 $0xFFFFEC00  }
0x5f: {  	[tilespmem:s19], [sflag:$0x3] =	stream.indirect.gather [hbm4b:s4+s15], $0x40, s20, s15, $0xb8;
	[tilespmem:$0x15220] =	vst v63  }
0x60: {  	_ =	swait.ge [sflag:s0], $0x1400  }
0x61: {  	[sflag:s0] =	ssyncset.done $0x0  }
0x62: {  	s22 =	simm.s32 $0x280;
	[sflag:s0] =	ssyncadd.s32 $0xFFFFEC00  }
0x63: {  	[tilespmem:s21], [sflag:$0x4] =	stream.indirect.gather [hbm4b:s4+s15], $0x40, s22, s15, $0xb8;
	[tilespmem:$0x15220] =	vst v63  }
0x64: {  	_ =	swait.ge [sflag:s12], $0x1400  }
0x65: {  	[sflag:s12] =	ssyncset.done $0x0  }
0x66: {  	s20 =	simm.s32 $0x640;
	s22 =	simm.s32 $0x2D0;
	[sflag:s12] =	ssyncadd.s32 $0xFFFFEC00  }
.LBB2_4:
0x67: {  	[tilespmem:s23], [sflag:$0x5] =	stream.indirect.gather [hbm4b:s4+s15], $0x40, s22, s15, $0xb8;
	[tilespmem:$0x15220] =	vst v63  }
0x68: {  	s3 =	smov.u32 s20  }
0x69: {  	p0 =	sne.s32 s20, $0x8FC0;
	s20 =	sadd.s32 $0x640, s20;
	_ =	swait.ge [sflag:s24], $0x1400  }
0x6a: {  	s22 =	sshra.s32 s3, $0x2;
	[sflag:s24] =	ssyncset.done $0x0  }
0x6b: {  	s3 =	sadd.s32 $0x2710, s22;
	[sflag:s24] =	ssyncadd.s32 $0xFFFFEC00  }
0x6c: {  	[spmem:s2] =	stream.indirect.scatter.add.f32 [tilespmem:s16], [sflag:$0x6], $0x40, s3, s15, $0xb8;
	[tilespmem:$0x15220] =	vst v63  }
0x6d: {  	_ =	swait.ge [sflag:s25], $0x1400  }
0x6e: {  	[sflag:s25] =	ssyncset.done $0x0  }
0x6f: {  	s3 =	sadd.s32 $0x2760, s22;
	[sflag:s25] =	ssyncadd.s32 $0xFFFFEC00  }
0x70: {  	[spmem:s2] =	stream.indirect.scatter.add.f32 [tilespmem:s17], [sflag:$0x7], $0x40, s3, s15, $0xb8;
	[tilespmem:$0x15220] =	vst v63  }
0x71: {  	_ =	swait.ge [sflag:s26], $0x1400  }
0x72: {  	[sflag:s26] =	ssyncset.done $0x0  }
0x73: {  	s3 =	sadd.s32 $0x27B0, s22;
	[sflag:s26] =	ssyncadd.s32 $0xFFFFEC00  }
0x74: {  	[spmem:s2] =	stream.indirect.scatter.add.f32 [tilespmem:s19], [sflag:$0x8], $0x40, s3, s15, $0xb8;
	[tilespmem:$0x15220] =	vst v63  }
0x75: {  	_ =	swait.ge [sflag:s28], $0x1400  }
0x76: {  	[sflag:s28] =	ssyncset.done $0x0  }
0x77: {  	s3 =	sadd.s32 $0x2800, s22;
	[sflag:s28] =	ssyncadd.s32 $0xFFFFEC00  }
0x78: {  	[spmem:s2] =	stream.indirect.scatter.add.f32 [tilespmem:s21], [sflag:$0x9], $0x40, s3, s15, $0xb8;
	[tilespmem:$0x15220] =	vst v63  }
0x79: {  	_ =	swait.ge [sflag:s29], $0x1400  }
0x7a: {  	[sflag:s29] =	ssyncset.done $0x0  }
0x7b: {  	s3 =	sadd.s32 $0x2850, s22;
	[sflag:s29] =	ssyncadd.s32 $0xFFFFEC00  }
0x7c: {  	[spmem:s2] =	stream.indirect.scatter.add.f32 [tilespmem:s23], [sflag:$0xA], $0x40, s3, s15, $0xb8;
	[tilespmem:$0x15220] =	vst v63  }
0x7d: {  	_ =	swait.ge [sflag:s30], $0x1400  }
0x7e: {  	[sflag:s30] =	ssyncset.done $0x0  }
0x7f: {  	s3 =	sadd.s32 $0x190, s22;
	[sflag:s30] =	ssyncadd.s32 $0xFFFFEC00  }
0x80: {  	[tilespmem:s16], [sflag:$0x1] =	stream.indirect.gather [hbm4b:s4+s15], $0x40, s3, s15, $0xb8;
	[tilespmem:$0x15220] =	vst v63  }
0x81: {  	_ =	swait.ge [sflag:s31], $0x1400  }
0x82: {  	[sflag:s31] =	ssyncset.done $0x0  }
0x83: {  	s3 =	sadd.s32 $0x1E0, s22;
	[sflag:s31] =	ssyncadd.s32 $0xFFFFEC00  }
0x84: {  	[tilespmem:s17], [sflag:$0x2] =	stream.indirect.gather [hbm4b:s4+s15], $0x40, s3, s15, $0xb8;
	[tilespmem:$0x15220] =	vst v63  }
0x85: {  	_ =	swait.ge [sflag:s1], $0x1400  }
0x86: {  	[sflag:s1] =	ssyncset.done $0x0  }
0x87: {  	s3 =	sadd.s32 $0x230, s22;
	[sflag:s1] =	ssyncadd.s32 $0xFFFFEC00  }
0x88: {  	[tilespmem:s19], [sflag:$0x3] =	stream.indirect.gather [hbm4b:s4+s15], $0x40, s3, s15, $0xb8;
	[tilespmem:$0x15220] =	vst v63  }
0x89: {  	_ =	swait.ge [sflag:s0], $0x1400  }
0x8a: {  	[sflag:s0] =	ssyncset.done $0x0  }
.Ltmp1:
0x8b: {  	s3 =	sadd.s32 $0x280, s22;
	[sflag:s0] =	ssyncadd.s32 $0xFFFFEC00;
	(pc) =	sbr.rel @p0 .LBB2_4-.Ltmp1, $4  }
0x8c: {  	[tilespmem:s21], [sflag:$0x4] =	stream.indirect.gather [hbm4b:s4+s15], $0x40, s3, s15, $0xb8;
	[tilespmem:$0x15220] =	vst v63  }
0x8d: {  	_ =	swait.ge [sflag:s12], $0x1400  }
0x8e: {  	[sflag:s12] =	ssyncset.done $0x0  }
0x8f: {  	s22 =	sadd.s32 $0x2D0, s22;
	[sflag:s12] =	ssyncadd.s32 $0xFFFFEC00  }
0x90: {  	[tilespmem:s23], [sflag:$0x5] =	stream.indirect.gather [hbm4b:s4+s15], $0x40, s22, s15, $0xb8;
	[tilespmem:$0x15220] =	vst v63  }
0x91: {  	_ =	swait.ge [sflag:s24], $0x1400  }
0x92: {  	[sflag:s24] =	ssyncset.done $0x0  }
0x93: {  	s3 =	simm.s32 $0x4C90;
	[sflag:s24] =	ssyncadd.s32 $0xFFFFEC00  }
0x94: {  	[spmem:s2] =	stream.indirect.scatter.add.f32 [tilespmem:s16], [sflag:$0x6], $0x40, s3, s15, $0xb8;
	[tilespmem:$0x15220] =	vst v63  }
0x95: {  	_ =	swait.ge [sflag:s25], $0x1400  }
0x96: {  	[sflag:s25] =	ssyncset.done $0x0  }
0x97: {  	[sflag:s25] =	ssyncadd.s32 $0xFFFFEC00  }
0x98: {  	[spmem:s2] =	stream.indirect.scatter.add.f32 [tilespmem:s17], [sflag:$0x7], $0x40, s5, s15, $0xb8;
	[tilespmem:$0x15220] =	vst v63  }
0x99: {  	_ =	swait.ge [sflag:s26], $0x1400  }
0x9a: {  	[sflag:s26] =	ssyncset.done $0x0  }
0x9b: {  	[sflag:s26] =	ssyncadd.s32 $0xFFFFEC00  }
0x9c: {  	[spmem:s2] =	stream.indirect.scatter.add.f32 [tilespmem:s19], [sflag:$0x8], $0x40, s6, s15, $0xb8;
	[tilespmem:$0x15220] =	vst v63  }
0x9d: {  	_ =	swait.ge [sflag:s28], $0x1400  }
0x9e: {  	[sflag:s28] =	ssyncset.done $0x0  }
0x9f: {  	[sflag:s28] =	ssyncadd.s32 $0xFFFFEC00  }
0xa0: {  	[spmem:s2] =	stream.indirect.scatter.add.f32 [tilespmem:s21], [sflag:$0x9], $0x40, s8, s15, $0xb8;
	[tilespmem:$0x15220] =	vst v63  }
0xa1: {  	_ =	swait.ge [sflag:s29], $0x1400  }
0xa2: {  	[sflag:s29] =	ssyncset.done $0x0  }
0xa3: {  	[sflag:s29] =	ssyncadd.s32 $0xFFFFEC00  }
0xa4: {  	[spmem:s2] =	stream.indirect.scatter.add.f32 [tilespmem:s23], [sflag:$0xA], $0x40, s9, s15, $0xb8;
	[tilespmem:$0x15220] =	vst v63  }
0xa5: {  	_ =	swait.ge [sflag:s30], $0x1400  }
0xa6: {  	[sflag:s30] =	ssyncset.done $0x0  }
0xa7: {  	[sflag:s30] =	ssyncadd.s32 $0xFFFFEC00  }
0xa8: {  	_ =	swait.ge [sflag:s31], $0x1400  }
0xa9: {  	[sflag:s31] =	ssyncset.done $0x0  }
0xaa: {  	[sflag:s31] =	ssyncadd.s32 $0xFFFFEC00  }
0xab: {  	_ =	swait.ge [sflag:s1], $0x1400  }
0xac: {  	[sflag:s1] =	ssyncset.done $0x0  }
0xad: {  	[sflag:s1] =	ssyncadd.s32 $0xFFFFEC00  }
0xae: {  	_ =	swait.ge [sflag:s0], $0x1400  }
0xaf: {  	[sflag:s0] =	ssyncset.done $0x0  }
0xb0: {  	[sflag:s0] =	ssyncadd.s32 $0xFFFFEC00  }
0xb1: {  	_ =	swait.ge [sflag:s12], $0x1400  }
0xb2: {  	[sflag:s12] =	ssyncset.done $0x0  }
0xb3: {  	[sflag:s12] =	ssyncadd.s32 $0xFFFFEC00  }
0xb4: {  	[bflag:$0x0] =	sbarrier.arrive $0xFFFF  }
0xb5: {  	s22 =	rddreg [dreg:$0x5]  }
0xb6: {  	[hbm:s22@s10], [sflag:s13] =	dma.strided [spmem:s14@s1], $0x1400, s24, $0x8   }
0xb7: {  	_ =	swait.ge [sflag:s11], $0x1400  }
0xb8: {  	[sflag:s11] =	ssyncset.done $0x0  }
0xb9: {  	s20 =	simm.s32 $0x0;
	[sflag:s11] =	ssyncadd.s32 $0xFFFFEC00  }
0xba: {  	v3 =	vld [tilespmem:s20+$0x0]  }
0xbb: {  	v2 =	vld [tilespmem:s20+$0x10]  }
0xbc: {  	v1 =	vld [tilespmem:s20+$0x20]  }
0xbd: {  	s22 =	simm.s32 $0x140;
	v0 =	vld [tilespmem:s20+$0x30]  }
.LBB2_6:
0xbe: {  	p0 =	sne.s32 s22, $0x9B00;
	v4 =	vld [tilespmem:s20+$0x40]  }
0xbf: {  	v3 =	vadd.s32 $0x1, v3  }
.Ltmp2:
0xc0: {  	s3 =	sshra.s32 s22, $0x2;
	[tilespmem:s20+$0x0] =	vst v3;
	v2 =	vadd.s32 $0x1, v2;
	(pc) =	sbr.rel @p0 .LBB2_6-.Ltmp2, $4  }
0xc1: {  	v3 =	vld [tilespmem:s3+$0x0];
	[tilespmem:s20+$0x10] =	vst v2;
	v1 =	vadd.s32 $0x1, v1  }
0xc2: {  	v2 =	vld [tilespmem:s3+$0x10];
	[tilespmem:s20+$0x20] =	vst v1;
	v0 =	vadd.s32 $0x1, v0  }
0xc3: {  	v1 =	vld [tilespmem:s3+$0x20];
	[tilespmem:s20+$0x30] =	vst v0;
	v4 =	vadd.s32 $0x1, v4  }
0xc4: {  	s22 =	sadd.s32 $0x140, s22;
	v0 =	vld [tilespmem:s3+$0x30];
	[tilespmem:s20+$0x40] =	vst v4;
	s20 =	smov.u32 s3  }
0xc5: {  	v4 =	vld [tilespmem:s20+$0x40]  }
0xc6: {  	v3 =	vadd.s32 $0x1, v3  }
0xc7: {  	[tilespmem:s20+$0x0] =	vst v3;
	v2 =	vadd.s32 $0x1, v2  }
0xc8: {  	[tilespmem:s20+$0x10] =	vst v2;
	v1 =	vadd.s32 $0x1, v1  }
0xc9: {  	[tilespmem:s20+$0x20] =	vst v1;
	v0 =	vadd.s32 $0x1, v0  }
0xca: {  	[tilespmem:s20+$0x30] =	vst v0;
	v63 =	vadd.s32 $0x1, v4  }
0xcb: {  	[tilespmem:s20+$0x40] =	vst v63  }
0xcc: {  	[spmem:s14], [sflag:s13] =	dma.local [hbm:s7], $0x1400  }
0xcd: {  	_ =	swait.ge [sflag:s11], $0x1400  }
0xce: {  	[sflag:s11] =	ssyncset.done $0x0  }
0xcf: {  	[sflag:s11] =	ssyncadd.s32 $0xFFFFEC00  }
0xd0: {  	s3 =	simm.s32 $0x0;
	[bflag:$0x0] =	sbarrier.arrive $0xFFFF  }
0xd1: {  	[tilespmem:s16], [sflag:$0x1] =	stream.indirect.gather [hbm4b:s4+s15], $0x40, s3, s15, $0xb8;
	[tilespmem:$0x15220] =	vst v63  }
0xd2: {  	_ = 	snop  }
0xd3: {  	[tilespmem:s17], [sflag:$0x2] =	stream.indirect.gather [hbm4b:s4+s15], $0x40, s15, s15, $0xb8;
	[tilespmem:$0x15220] =	vst v63  }
0xd4: {  	s20 =	simm.s32 $0xA0  }
0xd5: {  	[tilespmem:s19], [sflag:$0x3] =	stream.indirect.gather [hbm4b:s4+s15], $0x40, s20, s15, $0xb8;
	[tilespmem:$0x15220] =	vst v63  }
0xd6: {  	s22 =	simm.s32 $0xF0  }
0xd7: {  	[tilespmem:s21], [sflag:$0x4] =	stream.indirect.gather [hbm4b:s4+s15], $0x40, s22, s15, $0xb8;
	[tilespmem:$0x15220] =	vst v63  }
0xd8: {  	s20 =	simm.s32 $0x140  }
0xd9: {  	[tilespmem:s23], [sflag:$0x5] =	stream.indirect.gather [hbm4b:s4+s15], $0x40, s20, s15, $0xb8;
	[tilespmem:$0x15220] =	vst v63  }
0xda: {  	_ =	swait.ge [sflag:s24], $0x1400  }
0xdb: {  	[sflag:s24] =	ssyncset.done $0x0  }
0xdc: {  	s22 =	simm.s32 $0x2710;
	[sflag:s24] =	ssyncadd.s32 $0xFFFFEC00  }
0xdd: {  	[spmem:s2] =	stream.indirect.scatter.add.f32 [tilespmem:s16], [sflag:$0x6], $0x40, s22, s15, $0xb8;
	[tilespmem:$0x15220] =	vst v63  }
0xde: {  	_ =	swait.ge [sflag:s25], $0x1400  }
0xdf: {  	[sflag:s25] =	ssyncset.done $0x0  }
0xe0: {  	s20 =	simm.s32 $0x2760;
	[sflag:s25] =	ssyncadd.s32 $0xFFFFEC00  }
0xe1: {  	[spmem:s2] =	stream.indirect.scatter.add.f32 [tilespmem:s17], [sflag:$0x7], $0x40, s20, s15, $0xb8;
	[tilespmem:$0x15220] =	vst v63  }
0xe2: {  	_ =	swait.ge [sflag:s26], $0x1400  }
0xe3: {  	[sflag:s26] =	ssyncset.done $0x0  }
0xe4: {  	s22 =	simm.s32 $0x27B0;
	[sflag:s26] =	ssyncadd.s32 $0xFFFFEC00  }
0xe5: {  	[spmem:s2] =	stream.indirect.scatter.add.f32 [tilespmem:s19], [sflag:$0x8], $0x40, s22, s15, $0xb8;
	[tilespmem:$0x15220] =	vst v63  }
0xe6: {  	_ =	swait.ge [sflag:s28], $0x1400  }
0xe7: {  	[sflag:s28] =	ssyncset.done $0x0  }
0xe8: {  	s20 =	simm.s32 $0x2800;
	[sflag:s28] =	ssyncadd.s32 $0xFFFFEC00  }
0xe9: {  	[spmem:s2] =	stream.indirect.scatter.add.f32 [tilespmem:s21], [sflag:$0x9], $0x40, s20, s15, $0xb8;
	[tilespmem:$0x15220] =	vst v63  }
0xea: {  	_ =	swait.ge [sflag:s29], $0x1400  }
0xeb: {  	[sflag:s29] =	ssyncset.done $0x0  }
0xec: {  	s22 =	simm.s32 $0x2850;
	[sflag:s29] =	ssyncadd.s32 $0xFFFFEC00  }
0xed: {  	[spmem:s2] =	stream.indirect.scatter.add.f32 [tilespmem:s23], [sflag:$0xA], $0x40, s22, s15, $0xb8;
	[tilespmem:$0x15220] =	vst v63  }
0xee: {  	_ =	swait.ge [sflag:s30], $0x1400  }
0xef: {  	[sflag:s30] =	ssyncset.done $0x0  }
0xf0: {  	s20 =	simm.s32 $0x190;
	[sflag:s30] =	ssyncadd.s32 $0xFFFFEC00  }
0xf1: {  	[tilespmem:s16], [sflag:$0x1] =	stream.indirect.gather [hbm4b:s4+s15], $0x40, s20, s15, $0xb8;
	[tilespmem:$0x15220] =	vst v63  }
0xf2: {  	_ =	swait.ge [sflag:s31], $0x1400  }
0xf3: {  	[sflag:s31] =	ssyncset.done $0x0  }
0xf4: {  	s22 =	simm.s32 $0x1E0;
	[sflag:s31] =	ssyncadd.s32 $0xFFFFEC00  }
0xf5: {  	[tilespmem:s17], [sflag:$0x2] =	stream.indirect.gather [hbm4b:s4+s15], $0x40, s22, s15, $0xb8;
	[tilespmem:$0x15220] =	vst v63  }
0xf6: {  	_ =	swait.ge [sflag:s1], $0x1400  }
0xf7: {  	[sflag:s1] =	ssyncset.done $0x0  }
0xf8: {  	s20 =	simm.s32 $0x230;
	[sflag:s1] =	ssyncadd.s32 $0xFFFFEC00  }
0xf9: {  	[tilespmem:s19], [sflag:$0x3] =	stream.indirect.gather [hbm4b:s4+s15], $0x40, s20, s15, $0xb8;
	[tilespmem:$0x15220] =	vst v63  }
0xfa: {  	_ =	swait.ge [sflag:s0], $0x1400  }
0xfb: {  	[sflag:s0] =	ssyncset.done $0x0  }
0xfc: {  	s22 =	simm.s32 $0x280;
	[sflag:s0] =	ssyncadd.s32 $0xFFFFEC00  }
0xfd: {  	[tilespmem:s21], [sflag:$0x4] =	stream.indirect.gather [hbm4b:s4+s15], $0x40, s22, s15, $0xb8;
	[tilespmem:$0x15220] =	vst v63  }
0xfe: {  	_ =	swait.ge [sflag:s12], $0x1400  }
0xff: {  	[sflag:s12] =	ssyncset.done $0x0  }
0x100: {  	s20 =	simm.s32 $0x640;
	s22 =	simm.s32 $0x2D0;
	[sflag:s12] =	ssyncadd.s32 $0xFFFFEC00  }
.LBB2_8:
0x101: {  	[tilespmem:s23], [sflag:$0x5] =	stream.indirect.gather [hbm4b:s4+s15], $0x40, s22, s15, $0xb8;
	[tilespmem:$0x15220] =	vst v63  }
0x102: {  	s3 =	smov.u32 s20  }
0x103: {  	p0 =	sne.s32 s20, $0x8FC0;
	s20 =	sadd.s32 $0x640, s20;
	_ =	swait.ge [sflag:s24], $0x1400  }
0x104: {  	s22 =	sshra.s32 s3, $0x2;
	[sflag:s24] =	ssyncset.done $0x0  }
0x105: {  	s3 =	sadd.s32 $0x2710, s22;
	[sflag:s24] =	ssyncadd.s32 $0xFFFFEC00  }
0x106: {  	[spmem:s2] =	stream.indirect.scatter.add.f32 [tilespmem:s16], [sflag:$0x6], $0x40, s3, s15, $0xb8;
	[tilespmem:$0x15220] =	vst v63  }
0x107: {  	_ =	swait.ge [sflag:s25], $0x1400  }
0x108: {  	[sflag:s25] =	ssyncset.done $0x0  }
0x109: {  	s3 =	sadd.s32 $0x2760, s22;
	[sflag:s25] =	ssyncadd.s32 $0xFFFFEC00  }
0x10a: {  	[spmem:s2] =	stream.indirect.scatter.add.f32 [tilespmem:s17], [sflag:$0x7], $0x40, s3, s15, $0xb8;
	[tilespmem:$0x15220] =	vst v63  }
0x10b: {  	_ =	swait.ge [sflag:s26], $0x1400  }
0x10c: {  	[sflag:s26] =	ssyncset.done $0x0  }
0x10d: {  	s3 =	sadd.s32 $0x27B0, s22;
	[sflag:s26] =	ssyncadd.s32 $0xFFFFEC00  }
0x10e: {  	[spmem:s2] =	stream.indirect.scatter.add.f32 [tilespmem:s19], [sflag:$0x8], $0x40, s3, s15, $0xb8;
	[tilespmem:$0x15220] =	vst v63  }
0x10f: {  	_ =	swait.ge [sflag:s28], $0x1400  }
0x110: {  	[sflag:s28] =	ssyncset.done $0x0  }
0x111: {  	s3 =	sadd.s32 $0x2800, s22;
	[sflag:s28] =	ssyncadd.s32 $0xFFFFEC00  }
0x112: {  	[spmem:s2] =	stream.indirect.scatter.add.f32 [tilespmem:s21], [sflag:$0x9], $0x40, s3, s15, $0xb8;
	[tilespmem:$0x15220] =	vst v63  }
0x113: {  	_ =	swait.ge [sflag:s29], $0x1400  }
0x114: {  	[sflag:s29] =	ssyncset.done $0x0  }
0x115: {  	s3 =	sadd.s32 $0x2850, s22;
	[sflag:s29] =	ssyncadd.s32 $0xFFFFEC00  }
0x116: {  	[spmem:s2] =	stream.indirect.scatter.add.f32 [tilespmem:s23], [sflag:$0xA], $0x40, s3, s15, $0xb8;
	[tilespmem:$0x15220] =	vst v63  }
0x117: {  	_ =	swait.ge [sflag:s30], $0x1400  }
0x118: {  	[sflag:s30] =	ssyncset.done $0x0  }
0x119: {  	s3 =	sadd.s32 $0x190, s22;
	[sflag:s30] =	ssyncadd.s32 $0xFFFFEC00  }
0x11a: {  	[tilespmem:s16], [sflag:$0x1] =	stream.indirect.gather [hbm4b:s4+s15], $0x40, s3, s15, $0xb8;
	[tilespmem:$0x15220] =	vst v63  }
0x11b: {  	_ =	swait.ge [sflag:s31], $0x1400  }
0x11c: {  	[sflag:s31] =	ssyncset.done $0x0  }
0x11d: {  	s3 =	sadd.s32 $0x1E0, s22;
	[sflag:s31] =	ssyncadd.s32 $0xFFFFEC00  }
0x11e: {  	[tilespmem:s17], [sflag:$0x2] =	stream.indirect.gather [hbm4b:s4+s15], $0x40, s3, s15, $0xb8;
	[tilespmem:$0x15220] =	vst v63  }
0x11f: {  	_ =	swait.ge [sflag:s1], $0x1400  }
0x120: {  	[sflag:s1] =	ssyncset.done $0x0  }
0x121: {  	s3 =	sadd.s32 $0x230, s22;
	[sflag:s1] =	ssyncadd.s32 $0xFFFFEC00  }
0x122: {  	[tilespmem:s19], [sflag:$0x3] =	stream.indirect.gather [hbm4b:s4+s15], $0x40, s3, s15, $0xb8;
	[tilespmem:$0x15220] =	vst v63  }
0x123: {  	_ =	swait.ge [sflag:s0], $0x1400  }
0x124: {  	[sflag:s0] =	ssyncset.done $0x0  }
.Ltmp3:
0x125: {  	s3 =	sadd.s32 $0x280, s22;
	[sflag:s0] =	ssyncadd.s32 $0xFFFFEC00;
	(pc) =	sbr.rel @p0 .LBB2_8-.Ltmp3, $4  }
0x126: {  	[tilespmem:s21], [sflag:$0x4] =	stream.indirect.gather [hbm4b:s4+s15], $0x40, s3, s15, $0xb8;
	[tilespmem:$0x15220] =	vst v63  }
0x127: {  	_ =	swait.ge [sflag:s12], $0x1400  }
0x128: {  	[sflag:s12] =	ssyncset.done $0x0  }
0x129: {  	s22 =	sadd.s32 $0x2D0, s22;
	[sflag:s12] =	ssyncadd.s32 $0xFFFFEC00  }
0x12a: {  	[tilespmem:s23], [sflag:$0x5] =	stream.indirect.gather [hbm4b:s4+s15], $0x40, s22, s15, $0xb8;
	[tilespmem:$0x15220] =	vst v63  }
0x12b: {  	_ =	swait.ge [sflag:s24], $0x1400  }
0x12c: {  	[sflag:s24] =	ssyncset.done $0x0  }
0x12d: {  	s3 =	simm.s32 $0x4C90;
	[sflag:s24] =	ssyncadd.s32 $0xFFFFEC00  }
0x12e: {  	[spmem:s2] =	stream.indirect.scatter.add.f32 [tilespmem:s16], [sflag:$0x6], $0x40, s3, s15, $0xb8;
	[tilespmem:$0x15220] =	vst v63  }
0x12f: {  	_ =	swait.ge [sflag:s25], $0x1400  }
0x130: {  	[sflag:s25] =	ssyncset.done $0x0  }
0x131: {  	[sflag:s25] =	ssyncadd.s32 $0xFFFFEC00  }
0x132: {  	[spmem:s2] =	stream.indirect.scatter.add.f32 [tilespmem:s17], [sflag:$0x7], $0x40, s5, s15, $0xb8;
	[tilespmem:$0x15220] =	vst v63  }
0x133: {  	_ =	swait.ge [sflag:s26], $0x1400  }
0x134: {  	[sflag:s26] =	ssyncset.done $0x0  }
0x135: {  	[sflag:s26] =	ssyncadd.s32 $0xFFFFEC00  }
0x136: {  	[spmem:s2] =	stream.indirect.scatter.add.f32 [tilespmem:s19], [sflag:$0x8], $0x40, s6, s15, $0xb8;
	[tilespmem:$0x15220] =	vst v63  }
0x137: {  	_ =	swait.ge [sflag:s28], $0x1400  }
0x138: {  	[sflag:s28] =	ssyncset.done $0x0  }
0x139: {  	[sflag:s28] =	ssyncadd.s32 $0xFFFFEC00  }
0x13a: {  	[spmem:s2] =	stream.indirect.scatter.add.f32 [tilespmem:s21], [sflag:$0x9], $0x40, s8, s15, $0xb8;
	[tilespmem:$0x15220] =	vst v63  }
0x13b: {  	_ =	swait.ge [sflag:s29], $0x1400  }
0x13c: {  	[sflag:s29] =	ssyncset.done $0x0  }
0x13d: {  	[sflag:s29] =	ssyncadd.s32 $0xFFFFEC00  }
0x13e: {  	[spmem:s2] =	stream.indirect.scatter.add.f32 [tilespmem:s23], [sflag:$0xA], $0x40, s9, s15, $0xb8;
	[tilespmem:$0x15220] =	vst v63  }
0x13f: {  	_ =	swait.ge [sflag:s30], $0x1400  }
0x140: {  	[sflag:s30] =	ssyncset.done $0x0  }
0x141: {  	[sflag:s30] =	ssyncadd.s32 $0xFFFFEC00  }
0x142: {  	_ =	swait.ge [sflag:s31], $0x1400  }
0x143: {  	[sflag:s31] =	ssyncset.done $0x0  }
0x144: {  	[sflag:s31] =	ssyncadd.s32 $0xFFFFEC00  }
0x145: {  	_ =	swait.ge [sflag:s1], $0x1400  }
0x146: {  	[sflag:s1] =	ssyncset.done $0x0  }
0x147: {  	[sflag:s1] =	ssyncadd.s32 $0xFFFFEC00  }
0x148: {  	_ =	swait.ge [sflag:s0], $0x1400  }
0x149: {  	[sflag:s0] =	ssyncset.done $0x0  }
0x14a: {  	[sflag:s0] =	ssyncadd.s32 $0xFFFFEC00  }
0x14b: {  	_ =	swait.ge [sflag:s12], $0x1400  }
0x14c: {  	[sflag:s12] =	ssyncset.done $0x0  }
0x14d: {  	[sflag:s12] =	ssyncadd.s32 $0xFFFFEC00  }
0x14e: {  	[bflag:$0x0] =	sbarrier.arrive $0xFFFF  }
0x14f: {  	s20 =	rddreg [dreg:$0x6]  }
0x150: {  	[hbm:s20@s10], [sflag:s13] =	dma.strided [spmem:s14@s1], $0x1400, s24, $0x8   }
0x151: {  	_ =	swait.ge [sflag:s11], $0x1400  }
0x152: {  	s18 =	sadd.s32 $0x1, s18;
	s22 =	rddreg [dreg:$0x7]  }
0x153: {  	p0 =	sne.s32 s18, s22  }
.Ltmp4:
0x154: {  	_ = 	snop;
	(pc) =	sbr.rel @p0 .LBB2_1-.Ltmp4, $3  }
0x155: {  	_ =	sdelay $0x1  }
0x156: {  	[sflag:s11] =	ssyncset.done $0x0  }
0x157: {  	[sflag:s11] =	ssyncadd.s32 $0xFFFFEC00  }
0x158: {  	_ =	sfence.sel $0x180000  }
0x159: {  	[bflag:$0x0] =	sbarrier.arrive $0xFFFF  }
0x15a: {  	_ =	strace $0x9000004A  }
0x15b: {  	s0 =	stileid.u32;
	[bflag:$0x2] =	sbarrier.arrive $0xFFFF  }
0x15c: {  	p0 =	sne.s32 s0, $0x0;
	s0 =	rddreg [dreg:$0x2]  }
0x15d: {  	s0 =	sadd.s32 @!p0 $0x100000, s0  }
0x15e: {  	[sflag:s0] =	ssyncadd.tile.s32 @!p0 $0x1;
	_ =	shalt  }
.Lfunc_end2:
_tile_overlayer_lowered:
.L_overlay_start_2:
0x15f: {  	(tag) =	ssettag $0x2  }
0x160: {  	s0 =	rddreg [dreg:$0x0];
	s2 =	stileid.u32  }
0x161: {  	s1 =	rddreg [dreg:$0x1];
	p0 =	sne.s32 s2, $0x0  }
0x162: {  	s3 =	rddreg [dreg:$0x2];
	[bflag:$0x3] =	sbarrier.arrive $0xFFFF;
	s2 =	simm.s32 @!p0 $0x1C0B  }
0x163: {  	[timem:s3], [sflag:s2] =	dma.local @!p0 [hbm:s0], s1  }
0x164: {  	s0 =	simm.s32 @!p0 $0xB  }
0x165: {  	_ =	swait.ge @!p0 [sflag:s0], s1  }
0x166: {  	s1 =	ssub.s32 @!p0 $0x0, s1;
	[sflag:s0] =	ssyncset.done @!p0 $0x0  }
0x167: {  	[sflag:s0] =	ssyncadd.s32 @!p0 s1  }
0x168: {  	[bflag:$0x3] =	sbarrier.arrive $0xFFFF  }
0x169: {  	_ =	shalt  }

// kernel: kernel.15.cloned.1.call-start
scs
__scs_entry_jumppad:
0x0: {  	(pc) =	sbr.rel $0x88, $3  }
0x1: {  	(tag) =	ssettag $0x0;
	lr =	simm.s32 $0x1  }
0x2: {  	[smem:$0x3F99] =	sst lr;
	_ =	strace $0xD0000000  }
0x3: {  	_ = 	snop  }
0x4: {  	_ = 	snop  }
0x5: {  	_ = 	snop  }
0x6: {  	_ = 	snop  }
0x7: {  	_ = 	snop  }
__scs_overlays_trampoline_lowered:
0x8: {  	[smem:$0x3FA8] =	sst s0  }
0x9: {  	[smem:$0x3FA9] =	sst s1  }
0xa: {  	[smem:$0x3FAA] =	sst s2  }
0xb: {  	[smem:$0x3FAB] =	sst s3  }
0xc: {  	[smem:$0x3FAC] =	sst s4  }
0xd: {  	[smem:$0x3FAD] =	sst s5  }
0xe: {  	[smem:$0x3FAE] =	sst s6  }
0xf: {  	[smem:$0x3FAF] =	sst s7  }
0x10: {  	[smem:$0x3FB0] =	sst s8  }
0x11: {  	[smem:$0x3FB1] =	sst s9;
	s0 =	simm.s32 @!p0 $0x0  }
0x12: {  	s1 =	sld [smem:$0x3F97];
	s0 =	simm.s32 @p0 $0x1  }
0x13: {  	[smem:$0x3FB2] =	sst s0;
	s0 =	simm.s32 @!p1 $0x0  }
0x14: {  	s2 =	sld [smem:$0x3F96];
	s0 =	simm.s32 @p1 $0x1  }
0x15: {  	[smem:$0x3FB3] =	sst s0;
	s0 =	simm.s32 @!p2 $0x0  }
0x16: {  	s3 =	sld [smem:$0x3FDB];
	s0 =	simm.s32 @p2 $0x1  }
0x17: {  	s4 =	simm.s32 $0x1BF5;
	[smem:$0x3FB5] =	sst s0  }
0x18: {  	s0 =	sld [smem:$0x3F98];
	_ =	swait.ge [sflag:s4], $0x0  }
0x19: {  	s7 =	sld [smem:$0x3F99]  }
0x1a: {  	s8 =	sadd.s32 $0xFFFFE003, lr  }
0x1b: {  	s9 =	sadd.s32 $0xFFFFFEF7, lr;
	s5 =	simm.s32 $0xFFFFFFFF;
	p2 =	slt.u32 s8, $0xFFFFF086  }
0x1c: {  	p1 =	slt.u32 s9, $0xF7A;
	s5 =	simm.s32 @!p2 $0x0  }
0x1d: {  	s5 =	simm.s32 @p1 $0x1;
	p0 =	seq.s32 s7, s2  }
0x1e: {  	s7 =	smul.u32 @!p0 $0xF7A, s2;
	p2 =	seq.s32 @!p0 s5, $0x0  }
0x1f: {  	s9 =	smul.u32 $0xF7A, s1;
	s8 =	simm.s32 @!p0 $0x1BF5;
	p2 =	por !p2, p0  }
0x20: {  	[sflag:s8] =	ssyncset.s32 @!p0 $0xFFFFF086;
	s6 =	sadd.s32 @!p0 s3, s7;
	s7 =	simm.s32 @!p0 $0x108  }
0x21: {  	s3 =	sadd.s32 s3, s9;
	s6 =	sadd.s32 @!p0 $0x88, s6;
	s7 =	simm.s32 @p2 $0x1082  }
0x22: {  	[simem:s7], [sflag:s8] =	dma.local @!p0 [hbm:s6], $0xF7A  }
0x23: {  	s9 =	sor.u32 $0xD0000000, s2;
	s6 =	simm.s32 $0x108;
	_ =	swait.ge @!p0 [sflag:s8], $0x0  }
0x24: {  	s3 =	sadd.s32 $0x88, s3;
	s6 =	simm.s32 @!p1 $0x1082;
	[sflag:s4] =	ssyncset.s32 $0xFFFFF086  }
0x25: {  	[simem:s6], [sflag:s4] =	dma.local [hbm:s3], $0xF7A  }
0x26: {  	[smem:$0x3F99] =	sst s1;
	(tag) =	ssettag s2;
	_ =	strace s9  }
0x27: {  	s1 =	sld [smem:$0x3FA9]  }
0x28: {  	s2 =	sld [smem:$0x3FAA]  }
0x29: {  	s4 =	sld [smem:$0x3FAC]  }
0x2a: {  	p0 =	seq.s32 s5, $0x0;
	s5 =	sld [smem:$0x3FAD]  }
0x2b: {  	s6 =	sld [smem:$0x3FAE]  }
0x2c: {  	s7 =	sld [smem:$0x3FAF]  }
0x2d: {  	s3 =	simm.s32 $0x108;
	s8 =	sld [smem:$0x3FB0]  }
0x2e: {  	s3 =	simm.s32 @!p0 $0x1082;
	s9 =	sld [smem:$0x3FB1]  }
0x2f: {  	lr =	sadd.s32 s0, s3;
	s0 =	sld [smem:$0x3FA8]  }
0x30: {  	s3 =	sld [smem:$0x3FAB]  }
0x31: {  	[smem:$0x3FB4] =	sst s10  }
0x32: {  	s10 =	sld [smem:$0x3FB2];
	_ =	sdelay $0x3  }
0x33: {  	p0 =	seq.s32 s10, $0x1;
	s10 =	sld [smem:$0x3FB4];
	_ =	sdelay $0x3  }
0x34: {  	[smem:$0x3FB4] =	sst s10  }
0x35: {  	s10 =	sld [smem:$0x3FB3];
	_ =	sdelay $0x3  }
0x36: {  	p1 =	seq.s32 s10, $0x1;
	s10 =	sld [smem:$0x3FB4];
	_ =	sdelay $0x3  }
0x37: {  	[smem:$0x3FB4] =	sst s10  }
0x38: {  	s10 =	sld [smem:$0x3FB5]  }
0x39: {  	_ = 	snop;
	(pc) =	sbr.ind lr, $3  }
0x3a: {  	_ = 	snop  }
0x3b: {  	_ = 	snop  }
0x3c: {  	p2 =	seq.s32 s10, $0x1;
	s10 =	sld [smem:$0x3FB4]  }
0x3d: {  	_ =	shalt  }
0x3e: {  	_ =	shalt  }
0x3f: {  	_ =	shalt  }
0x40: {  	_ =	shalt  }
0x41: {  	_ =	shalt  }
0x42: {  	_ =	shalt  }
0x43: {  	_ =	shalt  }
0x44: {  	_ =	shalt  }
0x45: {  	_ =	shalt  }
0x46: {  	_ =	shalt  }
0x47: {  	_ =	shalt  }
0x48: {  	_ =	shalt  }
0x49: {  	_ =	shalt  }
0x4a: {  	_ =	shalt  }
0x4b: {  	_ =	shalt  }
0x4c: {  	_ =	shalt  }
0x4d: {  	_ =	shalt  }
0x4e: {  	_ =	shalt  }
0x4f: {  	_ =	shalt  }
0x50: {  	_ =	shalt  }
0x51: {  	_ =	shalt  }
0x52: {  	_ =	shalt  }
0x53: {  	_ =	shalt  }
0x54: {  	_ =	shalt  }
0x55: {  	_ =	shalt  }
0x56: {  	_ =	shalt  }
0x57: {  	_ =	shalt  }
0x58: {  	_ =	shalt  }
0x59: {  	_ =	shalt  }
0x5a: {  	_ =	shalt  }
0x5b: {  	_ =	shalt  }
0x5c: {  	_ =	shalt  }
0x5d: {  	_ =	shalt  }
0x5e: {  	_ =	shalt  }
0x5f: {  	_ =	shalt  }
0x60: {  	_ =	shalt  }
0x61: {  	_ =	shalt  }
0x62: {  	_ =	shalt  }
0x63: {  	_ =	shalt  }
0x64: {  	_ =	shalt  }
0x65: {  	_ =	shalt  }
0x66: {  	_ =	shalt  }
0x67: {  	_ =	shalt  }
0x68: {  	_ =	shalt  }
0x69: {  	_ =	shalt  }
0x6a: {  	_ =	shalt  }
0x6b: {  	_ =	shalt  }
0x6c: {  	_ =	shalt  }
0x6d: {  	_ =	shalt  }
0x6e: {  	_ =	shalt  }
0x6f: {  	_ =	shalt  }
0x70: {  	_ =	shalt  }
0x71: {  	_ =	shalt  }
0x72: {  	_ =	shalt  }
0x73: {  	_ =	shalt  }
0x74: {  	_ =	shalt  }
0x75: {  	_ =	shalt  }
0x76: {  	_ =	shalt  }
0x77: {  	_ =	shalt  }
0x78: {  	_ =	shalt  }
0x79: {  	_ =	shalt  }
0x7a: {  	_ =	shalt  }
0x7b: {  	_ =	shalt  }
0x7c: {  	_ =	shalt  }
0x7d: {  	_ =	shalt  }
0x7e: {  	_ =	shalt  }
0x7f: {  	_ =	shalt  }
0x80: {  	_ =	shalt  }
0x81: {  	_ =	shalt  }
0x82: {  	_ =	shalt  }
0x83: {  	_ =	shalt  }
0x84: {  	_ =	shalt  }
0x85: {  	_ =	shalt  }
0x86: {  	_ =	shalt  }
0x87: {  	_ =	shalt  }
.Lfunc_end0:
.L_simem_size_0:
called_computation.2_lowered:
.L_overlay_start_0:
0x88: {  	s2 =	sld [smem:$0x3FD9]  }
0x89: {  	s3 =	sld [smem:$0x3FFE];
	_ =	sdelay $0x1  }
0x8a: {  	s1 =	srdreg.scid  }
0x8b: {  	s0 =	sand.u32 $0x1, s1  }
0x8c: {  	s16 =	sshll.u32 s0, $0xA;
	s2 =	sadd.s32 s3, s2  }
0x8d: {  	s2 =	sadd.s32 s2, s16  }
0x8e: {  	[smem:$0x3FC0] =	sst s2  }
0x8f: {  	_ = 	snop  }
0x90: {  	(tm) =	ssettm $0x1  }
0x91: {  	s17 =	sld [smem:$0x3FFB];
	_ =	sdelay $0x3  }
0x92: {  	_ =	strace s17  }
0x93: {  	s2 =	sld [smem:$0x3FFC];
	_ =	sdelay $0x3  }
0x94: {  	_ =	strace s2  }
0x95: {  	s2 =	sld [smem:$0x3FFD];
	_ =	sdelay $0x3  }
0x96: {  	_ =	strace s2  }
0x97: {  	_ =	strace $0x8FFFFFFF  }
0x98: {  	s18 =	sld [smem:$0x3FDB];
	_ =	sdelay $0x1  }
0x99: {  	s19 =	simm.s32 $_scs_section_size  }
0x9a: {  	s4 =	simm.s32 $_size__tile_overlayer_lowered;
	s5 =	simm.s32 $_tile_overlayer_lowered  }
0x9b: {  	s22 =	simm.s32 $0x1BFF;
	s21 =	sshll.u32 s5, $0x1;
	s2 =	sadd.s32 s19, s18  }
0x9c: {  	s6 =	simm.s32 $0x0;
	s20 =	sshll.u32 s4, $0x1;
	s4 =	sadd.s32 s21, s2  }
0x9d: {  	[timem:s6], [sflag:s22] =	dma.local [hbm:s4], s20  }
0x9e: {  	_ =	swait.ge [sflag:s22], s20  }
0x9f: {  	s3 =	ssub.s32 $0x0, s20;
	[sflag:s22] =	ssyncset.done $0x0  }
0xa0: {  	[sflag:s22] =	ssyncadd.s32 s3;
	_ =	sdelay $0x1  }
0xa1: {  	s23 =	simm.s32 $0x1B8B  }
0xa2: {  	_ =	swait.ge [sflag:s23], $0x1  }
0xa3: {  	[sflag:s23] =	ssyncset.done $0x0  }
0xa4: {  	s25 =	simm.s32 $0x1B8E;
	s24 =	sld [smem:$0x3FFE];
	[sflag:s23] =	ssyncadd.s32 $0xFFFFFFFF  }
0xa5: {  	s26 =	simm.s32 $execute0_lowered;
	[smem:$0x3FD2] =	sst s25  }
0xa6: {  	s4 =	sshll.u32 s26, $0x1;
	_ =	strace $0x8000004C;
	[dreg:$0x1] =	wrdreg $0xFFFFFFFF  }
0xa7: {  	s28 =	simm.s32 $_size_execute0_lowered;
	s2 =	sadd.s32 s2, s4;
	[dreg:$0x0] =	wrdreg $0x0  }
0xa8: {  	s4 =	sshll.u32 s28, $0x1;
	[dreg:$0x2] =	wrdreg s2  }
0xa9: {  	[dreg:$0x3] =	wrdreg s4  }
0xaa: {  	[dreg:$0x4] =	wrdreg $0xC0  }
0xab: {  	_ =	task [dreg:s6], $0x5FFFF  }
0xac: {  	[dreg:$0x1] =	wrdreg $0xFFFFFFFF  }
0xad: {  	[dreg:$0x0] =	wrdreg $0x60  }
0xae: {  	[dreg:$0x2] =	wrdreg s24  }
0xaf: {  	[dreg:$0x3] =	wrdreg $0x4E200  }
0xb0: {  	[dreg:$0x4] =	wrdreg $0x9  }
0xb1: {  	_ =	task.clear_ibuf [dreg:s6], $0x5FFFF;
	_ =	strace $0x9000004C  }
0xb2: {  	s29 =	simm.s32 $0x9;
	_ =	strace $0x8000004E  }
0xb3: {  	_ =	swait.ge [sflag:s29], $0x1  }
0xb4: {  	[sflag:s29] =	ssyncadd.s32 $0xFFFFFFFF  }
0xb5: {  	_ =	strace $0x9000004E  }
0xb6: {  	_ =	sfence  }
0xb7: {  	s30 =	sld [smem:$0x0];
	_ =	sdelay $0x2  }
0xb8: {  	s31 =	sshll.u32 s1, $0xD;
	s1 =	sshrl.u32 s1, $0x2  }
0xb9: {  	s3 =	sand.u32 $0x4000, s31;
	s1 =	sadd.s32 s1, s30  }
0xba: {  	s0 =	sor.u32 s3, s0;
	s1 =	sshll.u32 s1, $0x11  }
0xbb: {  	s0 =	sor.u32 s1, s0  }
0xbc: {  	s0 =	sadd.s32 $0x8F2B, s0  }
0xbd: {  	[sflag:s0] =	ssyncadd.remote.s32 $0x1  }
0xbe: {  	_ =	sfence.sel $0xFFFF  }
0xbf: {  	[dreg:$0x0] =	wrdreg $0xFFFFFFFF;
	(pc) =	sbr.abs _section_cstart, $3  }
0xc0: {  	[dreg:$0x1] =	wrdreg $0xFFFFFFFF  }
0xc1: {  	_ =	task.clear_ibuf [dreg:s6], $0x2FFFF;
	_ =	strace $0x9FFFFFFF  }
0xc2: {  	(tm) =	ssettm $0x7FFFFFFF  }
0xc3: {  	_ =	shalt  }
tec
execute0_lowered:
.L_overlay_start_1:
0x0: {  	(tag) =	ssettag $0x1  }
0x1: {  	s0 =	srdreg.scid  }
0x2: {  	s8 =	stileid.u32;
	s3 =	rddreg [dreg:$0x0]  }
0x3: {  	s2 =	rddreg [dreg:$0x1];
	s4 =	simm.s32 $0x0;
	s11 =	simm.s32 $0xB  }
0x4: {  	s15 =	simm.s32 $0x50;
	s16 =	simm.s32 $0xEE20;
	s17 =	simm.s32 $0x10220  }
0x5: {  	s19 =	simm.s32 $0x11620;
	s28 =	simm.s32 $0x4;
	s29 =	simm.s32 $0x5  }
0x6: {  	s30 =	simm.s32 $0x6;
	s31 =	simm.s32 $0x7;
	s12 =	simm.s32 $0xA  }
0x7: {  	s9 =	simm.s32 $0x4DD0;
	s10 =	simm.s32 $0x10;
	s18 =	simm.s32 $0x0  }
0x8: {  	s0 =	sand.u32 $0x1, s0;
	[smem:$0x7FF] =	sst s4;
	s6 =	smul.u32 $0x14000, s8  }
0x9: {  	s7 =	smul.u32 $0xA000, s8;
	s4 =	sadd.s32 $0x16200, s3;
	s26 =	sshll.u32 s8, $0x6  }
0xa: {  	s1 =	sshll.u32 s0, $0x4;
	s5 =	smul.u32 $0x140000, s0;
	_ =	strace $0x8000004D  }
0xb: {  	s0 =	ssub.s32 $0x2, s0;
	s13 =	sor.u32 $0x1C0B, s26;
	s26 =	simm.s32 $0x3  }
0xc: {  	s1 =	sor.u32 s8, s1;
	s21 =	sshrl.u32 s7, $0x3;
	s22 =	sshrl.u32 s0, $0x1  }
0xd: {  	s24 =	sadd.s32 s7, s2;
	s8 =	simm.s32 $0x4D80;
	s1 =	smul.u32 $0x2710, s1  }
0xe: {  	s5 =	sadd.s32 s6, s5;
	s6 =	sadd.s32 s21, s3;
	s0 =	ssub.s32 s0, s22  }
0xf: {  	s14 =	sshrl.u32 s24, $0x3;
	s21 =	simm.s32 $0x12A20;
	s1 =	sshrl.u32 s1, $0x3  }
0x10: {  	s24 =	simm.s32 $0x1;
	s0 =	smax.u32 s0, $0x1;
	s1 =	sadd.s32 s1, s3  }
0x11: {  	s5 =	sshrl.u32 s5, $0x3;
	[dreg:$0x7] =	wrdreg s0;
	s23 =	sadd.s32 $0x2800, s1  }
0x12: {  	s3 =	sadd.s32 s5, s3;
	s1 =	sadd.s32 $0xC440, s1;
	[dreg:$0x3] =	wrdreg s23  }
0x13: {  	s7 =	sadd.s32 $0x3D400, s6;
	s25 =	sadd.s32 $0x51400, s3;
	[dreg:$0x4] =	wrdreg s1  }
0x14: {  	s6 =	simm.s32 $0x4D30;
	s3 =	sadd.s32 $0x51408, s3;
	[dreg:$0x5] =	wrdreg s25  }
0x15: {  	s0 =	simm.s32 $0x9;
	s5 =	simm.s32 $0x4CE0;
	[dreg:$0x6] =	wrdreg s3  }
0x16: {  	s23 =	simm.s32 $0x13E20;
	s25 =	simm.s32 $0x2;
	s1 =	simm.s32 $0x8  }
.LBB2_1:
0x17: {  	s3 =	simm.s32 $0x0;
	s20 =	rddreg [dreg:$0x3]  }
0x18: {  	[tilespmem:s3], [sflag:$0xB] =	stream.linear.gather [hbm4b:s20+s3], $0x2710, $0x38;
	[tilespmem:$0x15220] =	vst v63  }
0x19: {  	_ =	swait.ge [sflag:s11], $0x2710  }
0x1a: {  	[sflag:s11] =	ssyncset.done $0x0  }
0x1b: {  	s22 =	simm.s32 $0x2710;
	s20 =	rddreg [dreg:$0x4];
	[sflag:s11] =	ssyncadd.s32 $0xFFFFD8F0  }
0x1c: {  	[tilespmem:s22], [sflag:$0xB] =	stream.linear.gather [hbm4b:s20+s3], $0x2710, $0x38;
	[tilespmem:$0x15220] =	vst v63  }
0x1d: {  	_ =	swait.ge [sflag:s11], $0x2710  }
0x1e: {  	[sflag:s11] =	ssyncset.done $0x0  }
0x1f: {  	s20 =	simm.s32 $0x0;
	[sflag:s11] =	ssyncadd.s32 $0xFFFFD8F0  }
0x20: {  	v3 =	vld [tilespmem:s20+$0x0]  }
0x21: {  	v2 =	vld [tilespmem:s20+$0x10]  }
0x22: {  	v1 =	vld [tilespmem:s20+$0x20]  }
0x23: {  	s22 =	simm.s32 $0x140;
	v0 =	vld [tilespmem:s20+$0x30]  }
.LBB2_2:
0x24: {  	p0 =	sne.s32 s22, $0x9B00;
	v4 =	vld [tilespmem:s20+$0x40]  }
0x25: {  	v3 =	vshll.u32 v3, $0x1  }
.Ltmp0:
0x26: {  	s3 =	sshra.s32 s22, $0x2;
	[tilespmem:s20+$0x0] =	vst v3;
	v2 =	vshll.u32 v2, $0x1;
	(pc) =	sbr.rel @p0 .LBB2_2-.Ltmp0, $4  }
0x27: {  	v3 =	vld [tilespmem:s3+$0x0];
	[tilespmem:s20+$0x10] =	vst v2;
	v1 =	vshll.u32 v1, $0x1  }
0x28: {  	v2 =	vld [tilespmem:s3+$0x10];
	[tilespmem:s20+$0x20] =	vst v1;
	v0 =	vshll.u32 v0, $0x1  }
0x29: {  	v1 =	vld [tilespmem:s3+$0x20];
	[tilespmem:s20+$0x30] =	vst v0;
	v4 =	vshll.u32 v4, $0x1  }
0x2a: {  	s22 =	sadd.s32 $0x140, s22;
	v0 =	vld [tilespmem:s3+$0x30];
	[tilespmem:s20+$0x40] =	vst v4;
	s20 =	smov.u32 s3  }
0x2b: {  	v4 =	vld [tilespmem:s20+$0x40]  }
0x2c: {  	v3 =	vshll.u32 v3, $0x1  }
0x2d: {  	[tilespmem:s20+$0x0] =	vst v3;
	v2 =	vshll.u32 v2, $0x1  }
0x2e: {  	[tilespmem:s20+$0x10] =	vst v2;
	v1 =	vshll.u32 v1, $0x1  }
0x2f: {  	[tilespmem:s20+$0x20] =	vst v1;
	v0 =	vshll.u32 v0, $0x1  }
0x30: {  	[tilespmem:s20+$0x30] =	vst v0;
	v63 =	vshll.u32 v4, $0x1  }
0x31: {  	[tilespmem:s20+$0x40] =	vst v63  }
0x32: {  	[spmem:s14], [sflag:s13] =	dma.local [hbm:s7], $0x1400  }
0x33: {  	_ =	swait.ge [sflag:s11], $0x1400  }
0x34: {  	[sflag:s11] =	ssyncset.done $0x0  }
0x35: {  	[sflag:s11] =	ssyncadd.s32 $0xFFFFEC00  }
0x36: {  	s3 =	simm.s32 $0x0;
	[bflag:$0x0] =	sbarrier.arrive $0xFFFF  }
0x37: {  	[tilespmem:s16], [sflag:$0x1] =	stream.indirect.gather [hbm4b:s4+s15], $0x40, s3, s15, $0xb8;
	[tilespmem:$0x15220] =	vst v63  }
0x38: {  	_ = 	snop  }
0x39: {  	[tilespmem:s17], [sflag:$0x2] =	stream.indirect.gather [hbm4b:s4+s15], $0x40, s15, s15, $0xb8;
	[tilespmem:$0x15220] =	vst v63  }
0x3a: {  	s20 =	simm.s32 $0xA0  }
0x3b: {  	[tilespmem:s19], [sflag:$0x3] =	stream.indirect.gather [hbm4b:s4+s15], $0x40, s20, s15, $0xb8;
	[tilespmem:$0x15220] =	vst v63  }
0x3c: {  	s22 =	simm.s32 $0xF0  }
0x3d: {  	[tilespmem:s21], [sflag:$0x4] =	stream.indirect.gather [hbm4b:s4+s15], $0x40, s22, s15, $0xb8;
	[tilespmem:$0x15220] =	vst v63  }
0x3e: {  	s20 =	simm.s32 $0x140  }
0x3f: {  	[tilespmem:s23], [sflag:$0x5] =	stream.indirect.gather [hbm4b:s4+s15], $0x40, s20, s15, $0xb8;
	[tilespmem:$0x15220] =	vst v63  }
0x40: {  	_ =	swait.ge [sflag:s24], $0x1400  }
0x41: {  	[sflag:s24] =	ssyncset.done $0x0  }
0x42: {  	s22 =	simm.s32 $0x2710;
	[sflag:s24] =	ssyncadd.s32 $0xFFFFEC00  }
0x43: {  	[spmem:s2] =	stream.indirect.scatter.add.f32 [tilespmem:s16], [sflag:$0x6], $0x40, s22, s15, $0xb8;
	[tilespmem:$0x15220] =	vst v63  }
0x44: {  	_ =	swait.ge [sflag:s25], $0x1400  }
0x45: {  	[sflag:s25] =	ssyncset.done $0x0  }
0x46: {  	s20 =	simm.s32 $0x2760;
	[sflag:s25] =	ssyncadd.s32 $0xFFFFEC00  }
0x47: {  	[spmem:s2] =	stream.indirect.scatter.add.f32 [tilespmem:s17], [sflag:$0x7], $0x40, s20, s15, $0xb8;
	[tilespmem:$0x15220] =	vst v63  }
0x48: {  	_ =	swait.ge [sflag:s26], $0x1400  }
0x49: {  	[sflag:s26] =	ssyncset.done $0x0  }
0x4a: {  	s22 =	simm.s32 $0x27B0;
	[sflag:s26] =	ssyncadd.s32 $0xFFFFEC00  }
0x4b: {  	[spmem:s2] =	stream.indirect.scatter.add.f32 [tilespmem:s19], [sflag:$0x8], $0x40, s22, s15, $0xb8;
	[tilespmem:$0x15220] =	vst v63  }
0x4c: {  	_ =	swait.ge [sflag:s28], $0x1400  }
0x4d: {  	[sflag:s28] =	ssyncset.done $0x0  }
0x4e: {  	s20 =	simm.s32 $0x2800;
	[sflag:s28] =	ssyncadd.s32 $0xFFFFEC00  }
0x4f: {  	[spmem:s2] =	stream.indirect.scatter.add.f32 [tilespmem:s21], [sflag:$0x9], $0x40, s20, s15, $0xb8;
	[tilespmem:$0x15220] =	vst v63  }
0x50: {  	_ =	swait.ge [sflag:s29], $0x1400  }
0x51: {  	[sflag:s29] =	ssyncset.done $0x0  }
0x52: {  	s22 =	simm.s32 $0x2850;
	[sflag:s29] =	ssyncadd.s32 $0xFFFFEC00  }
0x53: {  	[spmem:s2] =	stream.indirect.scatter.add.f32 [tilespmem:s23], [sflag:$0xA], $0x40, s22, s15, $0xb8;
	[tilespmem:$0x15220] =	vst v63  }
0x54: {  	_ =	swait.ge [sflag:s30], $0x1400  }
0x55: {  	[sflag:s30] =	ssyncset.done $0x0  }
0x56: {  	s20 =	simm.s32 $0x190;
	[sflag:s30] =	ssyncadd.s32 $0xFFFFEC00  }
0x57: {  	[tilespmem:s16], [sflag:$0x1] =	stream.indirect.gather [hbm4b:s4+s15], $0x40, s20, s15, $0xb8;
	[tilespmem:$0x15220] =	vst v63  }
0x58: {  	_ =	swait.ge [sflag:s31], $0x1400  }
0x59: {  	[sflag:s31] =	ssyncset.done $0x0  }
0x5a: {  	s22 =	simm.s32 $0x1E0;
	[sflag:s31] =	ssyncadd.s32 $0xFFFFEC00  }
0x5b: {  	[tilespmem:s17], [sflag:$0x2] =	stream.indirect.gather [hbm4b:s4+s15], $0x40, s22, s15, $0xb8;
	[tilespmem:$0x15220] =	vst v63  }
0x5c: {  	_ =	swait.ge [sflag:s1], $0x1400  }
0x5d: {  	[sflag:s1] =	ssyncset.done $0x0  }
0x5e: {  	s20 =	simm.s32 $0x230;
	[sflag:s1] =	ssyncadd.s32 $0xFFFFEC00  }
0x5f: {  	[tilespmem:s19], [sflag:$0x3] =	stream.indirect.gather [hbm4b:s4+s15], $0x40, s20, s15, $0xb8;
	[tilespmem:$0x15220] =	vst v63  }
0x60: {  	_ =	swait.ge [sflag:s0], $0x1400  }
0x61: {  	[sflag:s0] =	ssyncset.done $0x0  }
0x62: {  	s22 =	simm.s32 $0x280;
	[sflag:s0] =	ssyncadd.s32 $0xFFFFEC00  }
0x63: {  	[tilespmem:s21], [sflag:$0x4] =	stream.indirect.gather [hbm4b:s4+s15], $0x40, s22, s15, $0xb8;
	[tilespmem:$0x15220] =	vst v63  }
0x64: {  	_ =	swait.ge [sflag:s12], $0x1400  }
0x65: {  	[sflag:s12] =	ssyncset.done $0x0  }
0x66: {  	s20 =	simm.s32 $0x640;
	s22 =	simm.s32 $0x2D0;
	[sflag:s12] =	ssyncadd.s32 $0xFFFFEC00  }
.LBB2_4:
0x67: {  	[tilespmem:s23], [sflag:$0x5] =	stream.indirect.gather [hbm4b:s4+s15], $0x40, s22, s15, $0xb8;
	[tilespmem:$0x15220] =	vst v63  }
0x68: {  	s3 =	smov.u32 s20  }
0x69: {  	p0 =	sne.s32 s20, $0x8FC0;
	s20 =	sadd.s32 $0x640, s20;
	_ =	swait.ge [sflag:s24], $0x1400  }
0x6a: {  	s22 =	sshra.s32 s3, $0x2;
	[sflag:s24] =	ssyncset.done $0x0  }
0x6b: {  	s3 =	sadd.s32 $0x2710, s22;
	[sflag:s24] =	ssyncadd.s32 $0xFFFFEC00  }
0x6c: {  	[spmem:s2] =	stream.indirect.scatter.add.f32 [tilespmem:s16], [sflag:$0x6], $0x40, s3, s15, $0xb8;
	[tilespmem:$0x15220] =	vst v63  }
0x6d: {  	_ =	swait.ge [sflag:s25], $0x1400  }
0x6e: {  	[sflag:s25] =	ssyncset.done $0x0  }
0x6f: {  	s3 =	sadd.s32 $0x2760, s22;
	[sflag:s25] =	ssyncadd.s32 $0xFFFFEC00  }
0x70: {  	[spmem:s2] =	stream.indirect.scatter.add.f32 [tilespmem:s17], [sflag:$0x7], $0x40, s3, s15, $0xb8;
	[tilespmem:$0x15220] =	vst v63  }
0x71: {  	_ =	swait.ge [sflag:s26], $0x1400  }
0x72: {  	[sflag:s26] =	ssyncset.done $0x0  }
0x73: {  	s3 =	sadd.s32 $0x27B0, s22;
	[sflag:s26] =	ssyncadd.s32 $0xFFFFEC00  }
0x74: {  	[spmem:s2] =	stream.indirect.scatter.add.f32 [tilespmem:s19], [sflag:$0x8], $0x40, s3, s15, $0xb8;
	[tilespmem:$0x15220] =	vst v63  }
0x75: {  	_ =	swait.ge [sflag:s28], $0x1400  }
0x76: {  	[sflag:s28] =	ssyncset.done $0x0  }
0x77: {  	s3 =	sadd.s32 $0x2800, s22;
	[sflag:s28] =	ssyncadd.s32 $0xFFFFEC00  }
0x78: {  	[spmem:s2] =	stream.indirect.scatter.add.f32 [tilespmem:s21], [sflag:$0x9], $0x40, s3, s15, $0xb8;
	[tilespmem:$0x15220] =	vst v63  }
0x79: {  	_ =	swait.ge [sflag:s29], $0x1400  }
0x7a: {  	[sflag:s29] =	ssyncset.done $0x0  }
0x7b: {  	s3 =	sadd.s32 $0x2850, s22;
	[sflag:s29] =	ssyncadd.s32 $0xFFFFEC00  }
0x7c: {  	[spmem:s2] =	stream.indirect.scatter.add.f32 [tilespmem:s23], [sflag:$0xA], $0x40, s3, s15, $0xb8;
	[tilespmem:$0x15220] =	vst v63  }
0x7d: {  	_ =	swait.ge [sflag:s30], $0x1400  }
0x7e: {  	[sflag:s30] =	ssyncset.done $0x0  }
0x7f: {  	s3 =	sadd.s32 $0x190, s22;
	[sflag:s30] =	ssyncadd.s32 $0xFFFFEC00  }
0x80: {  	[tilespmem:s16], [sflag:$0x1] =	stream.indirect.gather [hbm4b:s4+s15], $0x40, s3, s15, $0xb8;
	[tilespmem:$0x15220] =	vst v63  }
0x81: {  	_ =	swait.ge [sflag:s31], $0x1400  }
0x82: {  	[sflag:s31] =	ssyncset.done $0x0  }
0x83: {  	s3 =	sadd.s32 $0x1E0, s22;
	[sflag:s31] =	ssyncadd.s32 $0xFFFFEC00  }
0x84: {  	[tilespmem:s17], [sflag:$0x2] =	stream.indirect.gather [hbm4b:s4+s15], $0x40, s3, s15, $0xb8;
	[tilespmem:$0x15220] =	vst v63  }
0x85: {  	_ =	swait.ge [sflag:s1], $0x1400  }
0x86: {  	[sflag:s1] =	ssyncset.done $0x0  }
0x87: {  	s3 =	sadd.s32 $0x230, s22;
	[sflag:s1] =	ssyncadd.s32 $0xFFFFEC00  }
0x88: {  	[tilespmem:s19], [sflag:$0x3] =	stream.indirect.gather [hbm4b:s4+s15], $0x40, s3, s15, $0xb8;
	[tilespmem:$0x15220] =	vst v63  }
0x89: {  	_ =	swait.ge [sflag:s0], $0x1400  }
0x8a: {  	[sflag:s0] =	ssyncset.done $0x0  }
.Ltmp1:
0x8b: {  	s3 =	sadd.s32 $0x280, s22;
	[sflag:s0] =	ssyncadd.s32 $0xFFFFEC00;
	(pc) =	sbr.rel @p0 .LBB2_4-.Ltmp1, $4  }
0x8c: {  	[tilespmem:s21], [sflag:$0x4] =	stream.indirect.gather [hbm4b:s4+s15], $0x40, s3, s15, $0xb8;
	[tilespmem:$0x15220] =	vst v63  }
0x8d: {  	_ =	swait.ge [sflag:s12], $0x1400  }
0x8e: {  	[sflag:s12] =	ssyncset.done $0x0  }
0x8f: {  	s22 =	sadd.s32 $0x2D0, s22;
	[sflag:s12] =	ssyncadd.s32 $0xFFFFEC00  }
0x90: {  	[tilespmem:s23], [sflag:$0x5] =	stream.indirect.gather [hbm4b:s4+s15], $0x40, s22, s15, $0xb8;
	[tilespmem:$0x15220] =	vst v63  }
0x91: {  	_ =	swait.ge [sflag:s24], $0x1400  }
0x92: {  	[sflag:s24] =	ssyncset.done $0x0  }
0x93: {  	s3 =	simm.s32 $0x4C90;
	[sflag:s24] =	ssyncadd.s32 $0xFFFFEC00  }
0x94: {  	[spmem:s2] =	stream.indirect.scatter.add.f32 [tilespmem:s16], [sflag:$0x6], $0x40, s3, s15, $0xb8;
	[tilespmem:$0x15220] =	vst v63  }
0x95: {  	_ =	swait.ge [sflag:s25], $0x1400  }
0x96: {  	[sflag:s25] =	ssyncset.done $0x0  }
0x97: {  	[sflag:s25] =	ssyncadd.s32 $0xFFFFEC00  }
0x98: {  	[spmem:s2] =	stream.indirect.scatter.add.f32 [tilespmem:s17], [sflag:$0x7], $0x40, s5, s15, $0xb8;
	[tilespmem:$0x15220] =	vst v63  }
0x99: {  	_ =	swait.ge [sflag:s26], $0x1400  }
0x9a: {  	[sflag:s26] =	ssyncset.done $0x0  }
0x9b: {  	[sflag:s26] =	ssyncadd.s32 $0xFFFFEC00  }
0x9c: {  	[spmem:s2] =	stream.indirect.scatter.add.f32 [tilespmem:s19], [sflag:$0x8], $0x40, s6, s15, $0xb8;
	[tilespmem:$0x15220] =	vst v63  }
0x9d: {  	_ =	swait.ge [sflag:s28], $0x1400  }
0x9e: {  	[sflag:s28] =	ssyncset.done $0x0  }
0x9f: {  	[sflag:s28] =	ssyncadd.s32 $0xFFFFEC00  }
0xa0: {  	[spmem:s2] =	stream.indirect.scatter.add.f32 [tilespmem:s21], [sflag:$0x9], $0x40, s8, s15, $0xb8;
	[tilespmem:$0x15220] =	vst v63  }
0xa1: {  	_ =	swait.ge [sflag:s29], $0x1400  }
0xa2: {  	[sflag:s29] =	ssyncset.done $0x0  }
0xa3: {  	[sflag:s29] =	ssyncadd.s32 $0xFFFFEC00  }
0xa4: {  	[spmem:s2] =	stream.indirect.scatter.add.f32 [tilespmem:s23], [sflag:$0xA], $0x40, s9, s15, $0xb8;
	[tilespmem:$0x15220] =	vst v63  }
0xa5: {  	_ =	swait.ge [sflag:s30], $0x1400  }
0xa6: {  	[sflag:s30] =	ssyncset.done $0x0  }
0xa7: {  	[sflag:s30] =	ssyncadd.s32 $0xFFFFEC00  }
0xa8: {  	_ =	swait.ge [sflag:s31], $0x1400  }
0xa9: {  	[sflag:s31] =	ssyncset.done $0x0  }
0xaa: {  	[sflag:s31] =	ssyncadd.s32 $0xFFFFEC00  }
0xab: {  	_ =	swait.ge [sflag:s1], $0x1400  }
0xac: {  	[sflag:s1] =	ssyncset.done $0x0  }
0xad: {  	[sflag:s1] =	ssyncadd.s32 $0xFFFFEC00  }
0xae: {  	_ =	swait.ge [sflag:s0], $0x1400  }
0xaf: {  	[sflag:s0] =	ssyncset.done $0x0  }
0xb0: {  	[sflag:s0] =	ssyncadd.s32 $0xFFFFEC00  }
0xb1: {  	_ =	swait.ge [sflag:s12], $0x1400  }
0xb2: {  	[sflag:s12] =	ssyncset.done $0x0  }
0xb3: {  	[sflag:s12] =	ssyncadd.s32 $0xFFFFEC00  }
0xb4: {  	[bflag:$0x0] =	sbarrier.arrive $0xFFFF  }
0xb5: {  	s22 =	rddreg [dreg:$0x5]  }
0xb6: {  	[hbm:s22@s10], [sflag:s13] =	dma.strided [spmem:s14@s1], $0x1400, s24, $0x8   }
0xb7: {  	_ =	swait.ge [sflag:s11], $0x1400  }
0xb8: {  	[sflag:s11] =	ssyncset.done $0x0  }
0xb9: {  	s20 =	simm.s32 $0x0;
	[sflag:s11] =	ssyncadd.s32 $0xFFFFEC00  }
0xba: {  	v3 =	vld [tilespmem:s20+$0x0]  }
0xbb: {  	v2 =	vld [tilespmem:s20+$0x10]  }
0xbc: {  	v1 =	vld [tilespmem:s20+$0x20]  }
0xbd: {  	s22 =	simm.s32 $0x140;
	v0 =	vld [tilespmem:s20+$0x30]  }
.LBB2_6:
0xbe: {  	p0 =	sne.s32 s22, $0x9B00;
	v4 =	vld [tilespmem:s20+$0x40]  }
0xbf: {  	v3 =	vadd.s32 $0x1, v3  }
.Ltmp2:
0xc0: {  	s3 =	sshra.s32 s22, $0x2;
	[tilespmem:s20+$0x0] =	vst v3;
	v2 =	vadd.s32 $0x1, v2;
	(pc) =	sbr.rel @p0 .LBB2_6-.Ltmp2, $4  }
0xc1: {  	v3 =	vld [tilespmem:s3+$0x0];
	[tilespmem:s20+$0x10] =	vst v2;
	v1 =	vadd.s32 $0x1, v1  }
0xc2: {  	v2 =	vld [tilespmem:s3+$0x10];
	[tilespmem:s20+$0x20] =	vst v1;
	v0 =	vadd.s32 $0x1, v0  }
0xc3: {  	v1 =	vld [tilespmem:s3+$0x20];
	[tilespmem:s20+$0x30] =	vst v0;
	v4 =	vadd.s32 $0x1, v4  }
0xc4: {  	s22 =	sadd.s32 $0x140, s22;
	v0 =	vld [tilespmem:s3+$0x30];
	[tilespmem:s20+$0x40] =	vst v4;
	s20 =	smov.u32 s3  }
0xc5: {  	v4 =	vld [tilespmem:s20+$0x40]  }
0xc6: {  	v3 =	vadd.s32 $0x1, v3  }
0xc7: {  	[tilespmem:s20+$0x0] =	vst v3;
	v2 =	vadd.s32 $0x1, v2  }
0xc8: {  	[tilespmem:s20+$0x10] =	vst v2;
	v1 =	vadd.s32 $0x1, v1  }
0xc9: {  	[tilespmem:s20+$0x20] =	vst v1;
	v0 =	vadd.s32 $0x1, v0  }
0xca: {  	[tilespmem:s20+$0x30] =	vst v0;
	v63 =	vadd.s32 $0x1, v4  }
0xcb: {  	[tilespmem:s20+$0x40] =	vst v63  }
0xcc: {  	[spmem:s14], [sflag:s13] =	dma.local [hbm:s7], $0x1400  }
0xcd: {  	_ =	swait.ge [sflag:s11], $0x1400  }
0xce: {  	[sflag:s11] =	ssyncset.done $0x0  }
0xcf: {  	[sflag:s11] =	ssyncadd.s32 $0xFFFFEC00  }
0xd0: {  	s3 =	simm.s32 $0x0;
	[bflag:$0x0] =	sbarrier.arrive $0xFFFF  }
0xd1: {  	[tilespmem:s16], [sflag:$0x1] =	stream.indirect.gather [hbm4b:s4+s15], $0x40, s3, s15, $0xb8;
	[tilespmem:$0x15220] =	vst v63  }
0xd2: {  	_ = 	snop  }
0xd3: {  	[tilespmem:s17], [sflag:$0x2] =	stream.indirect.gather [hbm4b:s4+s15], $0x40, s15, s15, $0xb8;
	[tilespmem:$0x15220] =	vst v63  }
0xd4: {  	s20 =	simm.s32 $0xA0  }
0xd5: {  	[tilespmem:s19], [sflag:$0x3] =	stream.indirect.gather [hbm4b:s4+s15], $0x40, s20, s15, $0xb8;
	[tilespmem:$0x15220] =	vst v63  }
0xd6: {  	s22 =	simm.s32 $0xF0  }
0xd7: {  	[tilespmem:s21], [sflag:$0x4] =	stream.indirect.gather [hbm4b:s4+s15], $0x40, s22, s15, $0xb8;
	[tilespmem:$0x15220] =	vst v63  }
0xd8: {  	s20 =	simm.s32 $0x140  }
0xd9: {  	[tilespmem:s23], [sflag:$0x5] =	stream.indirect.gather [hbm4b:s4+s15], $0x40, s20, s15, $0xb8;
	[tilespmem:$0x15220] =	vst v63  }
0xda: {  	_ =	swait.ge [sflag:s24], $0x1400  }
0xdb: {  	[sflag:s24] =	ssyncset.done $0x0  }
0xdc: {  	s22 =	simm.s32 $0x2710;
	[sflag:s24] =	ssyncadd.s32 $0xFFFFEC00  }
0xdd: {  	[spmem:s2] =	stream.indirect.scatter.add.f32 [tilespmem:s16], [sflag:$0x6], $0x40, s22, s15, $0xb8;
	[tilespmem:$0x15220] =	vst v63  }
0xde: {  	_ =	swait.ge [sflag:s25], $0x1400  }
0xdf: {  	[sflag:s25] =	ssyncset.done $0x0  }
0xe0: {  	s20 =	simm.s32 $0x2760;
	[sflag:s25] =	ssyncadd.s32 $0xFFFFEC00  }
0xe1: {  	[spmem:s2] =	stream.indirect.scatter.add.f32 [tilespmem:s17], [sflag:$0x7], $0x40, s20, s15, $0xb8;
	[tilespmem:$0x15220] =	vst v63  }
0xe2: {  	_ =	swait.ge [sflag:s26], $0x1400  }
0xe3: {  	[sflag:s26] =	ssyncset.done $0x0  }
0xe4: {  	s22 =	simm.s32 $0x27B0;
	[sflag:s26] =	ssyncadd.s32 $0xFFFFEC00  }
0xe5: {  	[spmem:s2] =	stream.indirect.scatter.add.f32 [tilespmem:s19], [sflag:$0x8], $0x40, s22, s15, $0xb8;
	[tilespmem:$0x15220] =	vst v63  }
0xe6: {  	_ =	swait.ge [sflag:s28], $0x1400  }
0xe7: {  	[sflag:s28] =	ssyncset.done $0x0  }
0xe8: {  	s20 =	simm.s32 $0x2800;
	[sflag:s28] =	ssyncadd.s32 $0xFFFFEC00  }
0xe9: {  	[spmem:s2] =	stream.indirect.scatter.add.f32 [tilespmem:s21], [sflag:$0x9], $0x40, s20, s15, $0xb8;
	[tilespmem:$0x15220] =	vst v63  }
0xea: {  	_ =	swait.ge [sflag:s29], $0x1400  }
0xeb: {  	[sflag:s29] =	ssyncset.done $0x0  }
0xec: {  	s22 =	simm.s32 $0x2850;
	[sflag:s29] =	ssyncadd.s32 $0xFFFFEC00  }
0xed: {  	[spmem:s2] =	stream.indirect.scatter.add.f32 [tilespmem:s23], [sflag:$0xA], $0x40, s22, s15, $0xb8;
	[tilespmem:$0x15220] =	vst v63  }
0xee: {  	_ =	swait.ge [sflag:s30], $0x1400  }
0xef: {  	[sflag:s30] =	ssyncset.done $0x0  }
0xf0: {  	s20 =	simm.s32 $0x190;
	[sflag:s30] =	ssyncadd.s32 $0xFFFFEC00  }
0xf1: {  	[tilespmem:s16], [sflag:$0x1] =	stream.indirect.gather [hbm4b:s4+s15], $0x40, s20, s15, $0xb8;
	[tilespmem:$0x15220] =	vst v63  }
0xf2: {  	_ =	swait.ge [sflag:s31], $0x1400  }
0xf3: {  	[sflag:s31] =	ssyncset.done $0x0  }
0xf4: {  	s22 =	simm.s32 $0x1E0;
	[sflag:s31] =	ssyncadd.s32 $0xFFFFEC00  }
0xf5: {  	[tilespmem:s17], [sflag:$0x2] =	stream.indirect.gather [hbm4b:s4+s15], $0x40, s22, s15, $0xb8;
	[tilespmem:$0x15220] =	vst v63  }
0xf6: {  	_ =	swait.ge [sflag:s1], $0x1400  }
0xf7: {  	[sflag:s1] =	ssyncset.done $0x0  }
0xf8: {  	s20 =	simm.s32 $0x230;
	[sflag:s1] =	ssyncadd.s32 $0xFFFFEC00  }
0xf9: {  	[tilespmem:s19], [sflag:$0x3] =	stream.indirect.gather [hbm4b:s4+s15], $0x40, s20, s15, $0xb8;
	[tilespmem:$0x15220] =	vst v63  }
0xfa: {  	_ =	swait.ge [sflag:s0], $0x1400  }
0xfb: {  	[sflag:s0] =	ssyncset.done $0x0  }
0xfc: {  	s22 =	simm.s32 $0x280;
	[sflag:s0] =	ssyncadd.s32 $0xFFFFEC00  }
0xfd: {  	[tilespmem:s21], [sflag:$0x4] =	stream.indirect.gather [hbm4b:s4+s15], $0x40, s22, s15, $0xb8;
	[tilespmem:$0x15220] =	vst v63  }
0xfe: {  	_ =	swait.ge [sflag:s12], $0x1400  }
0xff: {  	[sflag:s12] =	ssyncset.done $0x0  }
0x100: {  	s20 =	simm.s32 $0x640;
	s22 =	simm.s32 $0x2D0;
	[sflag:s12] =	ssyncadd.s32 $0xFFFFEC00  }
.LBB2_8:
0x101: {  	[tilespmem:s23], [sflag:$0x5] =	stream.indirect.gather [hbm4b:s4+s15], $0x40, s22, s15, $0xb8;
	[tilespmem:$0x15220] =	vst v63  }
0x102: {  	s3 =	smov.u32 s20  }
0x103: {  	p0 =	sne.s32 s20, $0x8FC0;
	s20 =	sadd.s32 $0x640, s20;
	_ =	swait.ge [sflag:s24], $0x1400  }
0x104: {  	s22 =	sshra.s32 s3, $0x2;
	[sflag:s24] =	ssyncset.done $0x0  }
0x105: {  	s3 =	sadd.s32 $0x2710, s22;
	[sflag:s24] =	ssyncadd.s32 $0xFFFFEC00  }
0x106: {  	[spmem:s2] =	stream.indirect.scatter.add.f32 [tilespmem:s16], [sflag:$0x6], $0x40, s3, s15, $0xb8;
	[tilespmem:$0x15220] =	vst v63  }
0x107: {  	_ =	swait.ge [sflag:s25], $0x1400  }
0x108: {  	[sflag:s25] =	ssyncset.done $0x0  }
0x109: {  	s3 =	sadd.s32 $0x2760, s22;
	[sflag:s25] =	ssyncadd.s32 $0xFFFFEC00  }
0x10a: {  	[spmem:s2] =	stream.indirect.scatter.add.f32 [tilespmem:s17], [sflag:$0x7], $0x40, s3, s15, $0xb8;
	[tilespmem:$0x15220] =	vst v63  }
0x10b: {  	_ =	swait.ge [sflag:s26], $0x1400  }
0x10c: {  	[sflag:s26] =	ssyncset.done $0x0  }
0x10d: {  	s3 =	sadd.s32 $0x27B0, s22;
	[sflag:s26] =	ssyncadd.s32 $0xFFFFEC00  }
0x10e: {  	[spmem:s2] =	stream.indirect.scatter.add.f32 [tilespmem:s19], [sflag:$0x8], $0x40, s3, s15, $0xb8;
	[tilespmem:$0x15220] =	vst v63  }
0x10f: {  	_ =	swait.ge [sflag:s28], $0x1400  }
0x110: {  	[sflag:s28] =	ssyncset.done $0x0  }
0x111: {  	s3 =	sadd.s32 $0x2800, s22;
	[sflag:s28] =	ssyncadd.s32 $0xFFFFEC00  }
0x112: {  	[spmem:s2] =	stream.indirect.scatter.add.f32 [tilespmem:s21], [sflag:$0x9], $0x40, s3, s15, $0xb8;
	[tilespmem:$0x15220] =	vst v63  }
0x113: {  	_ =	swait.ge [sflag:s29], $0x1400  }
0x114: {  	[sflag:s29] =	ssyncset.done $0x0  }
0x115: {  	s3 =	sadd.s32 $0x2850, s22;
	[sflag:s29] =	ssyncadd.s32 $0xFFFFEC00  }
0x116: {  	[spmem:s2] =	stream.indirect.scatter.add.f32 [tilespmem:s23], [sflag:$0xA], $0x40, s3, s15, $0xb8;
	[tilespmem:$0x15220] =	vst v63  }
0x117: {  	_ =	swait.ge [sflag:s30], $0x1400  }
0x118: {  	[sflag:s30] =	ssyncset.done $0x0  }
0x119: {  	s3 =	sadd.s32 $0x190, s22;
	[sflag:s30] =	ssyncadd.s32 $0xFFFFEC00  }
0x11a: {  	[tilespmem:s16], [sflag:$0x1] =	stream.indirect.gather [hbm4b:s4+s15], $0x40, s3, s15, $0xb8;
	[tilespmem:$0x15220] =	vst v63  }
0x11b: {  	_ =	swait.ge [sflag:s31], $0x1400  }
0x11c: {  	[sflag:s31] =	ssyncset.done $0x0  }
0x11d: {  	s3 =	sadd.s32 $0x1E0, s22;
	[sflag:s31] =	ssyncadd.s32 $0xFFFFEC00  }
0x11e: {  	[tilespmem:s17], [sflag:$0x2] =	stream.indirect.gather [hbm4b:s4+s15], $0x40, s3, s15, $0xb8;
	[tilespmem:$0x15220] =	vst v63  }
0x11f: {  	_ =	swait.ge [sflag:s1], $0x1400  }
0x120: {  	[sflag:s1] =	ssyncset.done $0x0  }
0x121: {  	s3 =	sadd.s32 $0x230, s22;
	[sflag:s1] =	ssyncadd.s32 $0xFFFFEC00  }
0x122: {  	[tilespmem:s19], [sflag:$0x3] =	stream.indirect.gather [hbm4b:s4+s15], $0x40, s3, s15, $0xb8;
	[tilespmem:$0x15220] =	vst v63  }
0x123: {  	_ =	swait.ge [sflag:s0], $0x1400  }
0x124: {  	[sflag:s0] =	ssyncset.done $0x0  }
.Ltmp3:
0x125: {  	s3 =	sadd.s32 $0x280, s22;
	[sflag:s0] =	ssyncadd.s32 $0xFFFFEC00;
	(pc) =	sbr.rel @p0 .LBB2_8-.Ltmp3, $4  }
0x126: {  	[tilespmem:s21], [sflag:$0x4] =	stream.indirect.gather [hbm4b:s4+s15], $0x40, s3, s15, $0xb8;
	[tilespmem:$0x15220] =	vst v63  }
0x127: {  	_ =	swait.ge [sflag:s12], $0x1400  }
0x128: {  	[sflag:s12] =	ssyncset.done $0x0  }
0x129: {  	s22 =	sadd.s32 $0x2D0, s22;
	[sflag:s12] =	ssyncadd.s32 $0xFFFFEC00  }
0x12a: {  	[tilespmem:s23], [sflag:$0x5] =	stream.indirect.gather [hbm4b:s4+s15], $0x40, s22, s15, $0xb8;
	[tilespmem:$0x15220] =	vst v63  }
0x12b: {  	_ =	swait.ge [sflag:s24], $0x1400  }
0x12c: {  	[sflag:s24] =	ssyncset.done $0x0  }
0x12d: {  	s3 =	simm.s32 $0x4C90;
	[sflag:s24] =	ssyncadd.s32 $0xFFFFEC00  }
0x12e: {  	[spmem:s2] =	stream.indirect.scatter.add.f32 [tilespmem:s16], [sflag:$0x6], $0x40, s3, s15, $0xb8;
	[tilespmem:$0x15220] =	vst v63  }
0x12f: {  	_ =	swait.ge [sflag:s25], $0x1400  }
0x130: {  	[sflag:s25] =	ssyncset.done $0x0  }
0x131: {  	[sflag:s25] =	ssyncadd.s32 $0xFFFFEC00  }
0x132: {  	[spmem:s2] =	stream.indirect.scatter.add.f32 [tilespmem:s17], [sflag:$0x7], $0x40, s5, s15, $0xb8;
	[tilespmem:$0x15220] =	vst v63  }
0x133: {  	_ =	swait.ge [sflag:s26], $0x1400  }
0x134: {  	[sflag:s26] =	ssyncset.done $0x0  }
0x135: {  	[sflag:s26] =	ssyncadd.s32 $0xFFFFEC00  }
0x136: {  	[spmem:s2] =	stream.indirect.scatter.add.f32 [tilespmem:s19], [sflag:$0x8], $0x40, s6, s15, $0xb8;
	[tilespmem:$0x15220] =	vst v63  }
0x137: {  	_ =	swait.ge [sflag:s28], $0x1400  }
0x138: {  	[sflag:s28] =	ssyncset.done $0x0  }
0x139: {  	[sflag:s28] =	ssyncadd.s32 $0xFFFFEC00  }
0x13a: {  	[spmem:s2] =	stream.indirect.scatter.add.f32 [tilespmem:s21], [sflag:$0x9], $0x40, s8, s15, $0xb8;
	[tilespmem:$0x15220] =	vst v63  }
0x13b: {  	_ =	swait.ge [sflag:s29], $0x1400  }
0x13c: {  	[sflag:s29] =	ssyncset.done $0x0  }
0x13d: {  	[sflag:s29] =	ssyncadd.s32 $0xFFFFEC00  }
0x13e: {  	[spmem:s2] =	stream.indirect.scatter.add.f32 [tilespmem:s23], [sflag:$0xA], $0x40, s9, s15, $0xb8;
	[tilespmem:$0x15220] =	vst v63  }
0x13f: {  	_ =	swait.ge [sflag:s30], $0x1400  }
0x140: {  	[sflag:s30] =	ssyncset.done $0x0  }
0x141: {  	[sflag:s30] =	ssyncadd.s32 $0xFFFFEC00  }
0x142: {  	_ =	swait.ge [sflag:s31], $0x1400  }
0x143: {  	[sflag:s31] =	ssyncset.done $0x0  }
0x144: {  	[sflag:s31] =	ssyncadd.s32 $0xFFFFEC00  }
0x145: {  	_ =	swait.ge [sflag:s1], $0x1400  }
0x146: {  	[sflag:s1] =	ssyncset.done $0x0  }
0x147: {  	[sflag:s1] =	ssyncadd.s32 $0xFFFFEC00  }
0x148: {  	_ =	swait.ge [sflag:s0], $0x1400  }
0x149: {  	[sflag:s0] =	ssyncset.done $0x0  }
0x14a: {  	[sflag:s0] =	ssyncadd.s32 $0xFFFFEC00  }
0x14b: {  	_ =	swait.ge [sflag:s12], $0x1400  }
0x14c: {  	[sflag:s12] =	ssyncset.done $0x0  }
0x14d: {  	[sflag:s12] =	ssyncadd.s32 $0xFFFFEC00  }
0x14e: {  	[bflag:$0x0] =	sbarrier.arrive $0xFFFF  }
0x14f: {  	s20 =	rddreg [dreg:$0x6]  }
0x150: {  	[hbm:s20@s10], [sflag:s13] =	dma.strided [spmem:s14@s1], $0x1400, s24, $0x8   }
0x151: {  	_ =	swait.ge [sflag:s11], $0x1400  }
0x152: {  	s18 =	sadd.s32 $0x1, s18;
	s22 =	rddreg [dreg:$0x7]  }
0x153: {  	p0 =	sne.s32 s18, s22  }
.Ltmp4:
0x154: {  	_ = 	snop;
	(pc) =	sbr.rel @p0 .LBB2_1-.Ltmp4, $3  }
0x155: {  	_ =	sdelay $0x1  }
0x156: {  	[sflag:s11] =	ssyncset.done $0x0  }
0x157: {  	[sflag:s11] =	ssyncadd.s32 $0xFFFFEC00  }
0x158: {  	_ =	sfence.sel $0x180000  }
0x159: {  	[bflag:$0x0] =	sbarrier.arrive $0xFFFF  }
0x15a: {  	_ =	strace $0x9000004D  }
0x15b: {  	s0 =	stileid.u32;
	[bflag:$0x2] =	sbarrier.arrive $0xFFFF  }
0x15c: {  	p0 =	sne.s32 s0, $0x0;
	s0 =	rddreg [dreg:$0x2]  }
0x15d: {  	s0 =	sadd.s32 @!p0 $0x100000, s0  }
0x15e: {  	[sflag:s0] =	ssyncadd.tile.s32 @!p0 $0x1;
	_ =	shalt  }
.Lfunc_end2:
_tile_overlayer_lowered:
.L_overlay_start_2:
0x15f: {  	(tag) =	ssettag $0x2  }
0x160: {  	s0 =	rddreg [dreg:$0x0];
	s2 =	stileid.u32  }
0x161: {  	s1 =	rddreg [dreg:$0x1];
	p0 =	sne.s32 s2, $0x0  }
0x162: {  	s3 =	rddreg [dreg:$0x2];
	[bflag:$0x3] =	sbarrier.arrive $0xFFFF;
	s2 =	simm.s32 @!p0 $0x1C0B  }
0x163: {  	[timem:s3], [sflag:s2] =	dma.local @!p0 [hbm:s0], s1  }
0x164: {  	s0 =	simm.s32 @!p0 $0xB  }
0x165: {  	_ =	swait.ge @!p0 [sflag:s0], s1  }
0x166: {  	s1 =	ssub.s32 @!p0 $0x0, s1;
	[sflag:s0] =	ssyncset.done @!p0 $0x0  }
0x167: {  	[sflag:s0] =	ssyncadd.s32 @!p0 s1  }
0x168: {  	[bflag:$0x3] =	sbarrier.arrive $0xFFFF  }
0x169: {  	_ =	shalt  }

// kernel: kernel.9.cloned.1.call-start
scs
__scs_entry_jumppad:
0x0: {  	(pc) =	sbr.rel $0x88, $3  }
0x1: {  	(tag) =	ssettag $0x0;
	lr =	simm.s32 $0x1  }
0x2: {  	[smem:$0x3F99] =	sst lr;
	_ =	strace $0xD0000000  }
0x3: {  	_ = 	snop  }
0x4: {  	_ = 	snop  }
0x5: {  	_ = 	snop  }
0x6: {  	_ = 	snop  }
0x7: {  	_ = 	snop  }
__scs_overlays_trampoline_lowered:
0x8: {  	[smem:$0x3FA8] =	sst s0  }
0x9: {  	[smem:$0x3FA9] =	sst s1  }
0xa: {  	[smem:$0x3FAA] =	sst s2  }
0xb: {  	[smem:$0x3FAB] =	sst s3  }
0xc: {  	[smem:$0x3FAC] =	sst s4  }
0xd: {  	[smem:$0x3FAD] =	sst s5  }
0xe: {  	[smem:$0x3FAE] =	sst s6  }
0xf: {  	[smem:$0x3FAF] =	sst s7  }
0x10: {  	[smem:$0x3FB0] =	sst s8  }
0x11: {  	[smem:$0x3FB1] =	sst s9;
	s0 =	simm.s32 @!p0 $0x0  }
0x12: {  	s1 =	sld [smem:$0x3F97];
	s0 =	simm.s32 @p0 $0x1  }
0x13: {  	[smem:$0x3FB2] =	sst s0;
	s0 =	simm.s32 @!p1 $0x0  }
0x14: {  	s2 =	sld [smem:$0x3F96];
	s0 =	simm.s32 @p1 $0x1  }
0x15: {  	[smem:$0x3FB3] =	sst s0;
	s0 =	simm.s32 @!p2 $0x0  }
0x16: {  	s3 =	sld [smem:$0x3FDB];
	s0 =	simm.s32 @p2 $0x1  }
0x17: {  	s4 =	simm.s32 $0x1BF5;
	[smem:$0x3FB5] =	sst s0  }
0x18: {  	s0 =	sld [smem:$0x3F98];
	_ =	swait.ge [sflag:s4], $0x0  }
0x19: {  	s7 =	sld [smem:$0x3F99]  }
0x1a: {  	s8 =	sadd.s32 $0xFFFFE003, lr  }
0x1b: {  	s9 =	sadd.s32 $0xFFFFFEF7, lr;
	s5 =	simm.s32 $0xFFFFFFFF;
	p2 =	slt.u32 s8, $0xFFFFF086  }
0x1c: {  	p1 =	slt.u32 s9, $0xF7A;
	s5 =	simm.s32 @!p2 $0x0  }
0x1d: {  	s5 =	simm.s32 @p1 $0x1;
	p0 =	seq.s32 s7, s2  }
0x1e: {  	s7 =	smul.u32 @!p0 $0xF7A, s2;
	p2 =	seq.s32 @!p0 s5, $0x0  }
0x1f: {  	s9 =	smul.u32 $0xF7A, s1;
	s8 =	simm.s32 @!p0 $0x1BF5;
	p2 =	por !p2, p0  }
0x20: {  	[sflag:s8] =	ssyncset.s32 @!p0 $0xFFFFF086;
	s6 =	sadd.s32 @!p0 s3, s7;
	s7 =	simm.s32 @!p0 $0x108  }
0x21: {  	s3 =	sadd.s32 s3, s9;
	s6 =	sadd.s32 @!p0 $0x88, s6;
	s7 =	simm.s32 @p2 $0x1082  }
0x22: {  	[simem:s7], [sflag:s8] =	dma.local @!p0 [hbm:s6], $0xF7A  }
0x23: {  	s9 =	sor.u32 $0xD0000000, s2;
	s6 =	simm.s32 $0x108;
	_ =	swait.ge @!p0 [sflag:s8], $0x0  }
0x24: {  	s3 =	sadd.s32 $0x88, s3;
	s6 =	simm.s32 @!p1 $0x1082;
	[sflag:s4] =	ssyncset.s32 $0xFFFFF086  }
0x25: {  	[simem:s6], [sflag:s4] =	dma.local [hbm:s3], $0xF7A  }
0x26: {  	[smem:$0x3F99] =	sst s1;
	(tag) =	ssettag s2;
	_ =	strace s9  }
0x27: {  	s1 =	sld [smem:$0x3FA9]  }
0x28: {  	s2 =	sld [smem:$0x3FAA]  }
0x29: {  	s4 =	sld [smem:$0x3FAC]  }
0x2a: {  	p0 =	seq.s32 s5, $0x0;
	s5 =	sld [smem:$0x3FAD]  }
0x2b: {  	s6 =	sld [smem:$0x3FAE]  }
0x2c: {  	s7 =	sld [smem:$0x3FAF]  }
0x2d: {  	s3 =	simm.s32 $0x108;
	s8 =	sld [smem:$0x3FB0]  }
0x2e: {  	s3 =	simm.s32 @!p0 $0x1082;
	s9 =	sld [smem:$0x3FB1]  }
0x2f: {  	lr =	sadd.s32 s0, s3;
	s0 =	sld [smem:$0x3FA8]  }
0x30: {  	s3 =	sld [smem:$0x3FAB]  }
0x31: {  	[smem:$0x3FB4] =	sst s10  }
0x32: {  	s10 =	sld [smem:$0x3FB2];
	_ =	sdelay $0x3  }
0x33: {  	p0 =	seq.s32 s10, $0x1;
	s10 =	sld [smem:$0x3FB4];
	_ =	sdelay $0x3  }
0x34: {  	[smem:$0x3FB4] =	sst s10  }
0x35: {  	s10 =	sld [smem:$0x3FB3];
	_ =	sdelay $0x3  }
0x36: {  	p1 =	seq.s32 s10, $0x1;
	s10 =	sld [smem:$0x3FB4];
	_ =	sdelay $0x3  }
0x37: {  	[smem:$0x3FB4] =	sst s10  }
0x38: {  	s10 =	sld [smem:$0x3FB5]  }
0x39: {  	_ = 	snop;
	(pc) =	sbr.ind lr, $3  }
0x3a: {  	_ = 	snop  }
0x3b: {  	_ = 	snop  }
0x3c: {  	p2 =	seq.s32 s10, $0x1;
	s10 =	sld [smem:$0x3FB4]  }
0x3d: {  	_ =	shalt  }
0x3e: {  	_ =	shalt  }
0x3f: {  	_ =	shalt  }
0x40: {  	_ =	shalt  }
0x41: {  	_ =	shalt  }
0x42: {  	_ =	shalt  }
0x43: {  	_ =	shalt  }
0x44: {  	_ =	shalt  }
0x45: {  	_ =	shalt  }
0x46: {  	_ =	shalt  }
0x47: {  	_ =	shalt  }
0x48: {  	_ =	shalt  }
0x49: {  	_ =	shalt  }
0x4a: {  	_ =	shalt  }
0x4b: {  	_ =	shalt  }
0x4c: {  	_ =	shalt  }
0x4d: {  	_ =	shalt  }
0x4e: {  	_ =	shalt  }
0x4f: {  	_ =	shalt  }
0x50: {  	_ =	shalt  }
0x51: {  	_ =	shalt  }
0x52: {  	_ =	shalt  }
0x53: {  	_ =	shalt  }
0x54: {  	_ =	shalt  }
0x55: {  	_ =	shalt  }
0x56: {  	_ =	shalt  }
0x57: {  	_ =	shalt  }
0x58: {  	_ =	shalt  }
0x59: {  	_ =	shalt  }
0x5a: {  	_ =	shalt  }
0x5b: {  	_ =	shalt  }
0x5c: {  	_ =	shalt  }
0x5d: {  	_ =	shalt  }
0x5e: {  	_ =	shalt  }
0x5f: {  	_ =	shalt  }
0x60: {  	_ =	shalt  }
0x61: {  	_ =	shalt  }
0x62: {  	_ =	shalt  }
0x63: {  	_ =	shalt  }
0x64: {  	_ =	shalt  }
0x65: {  	_ =	shalt  }
0x66: {  	_ =	shalt  }
0x67: {  	_ =	shalt  }
0x68: {  	_ =	shalt  }
0x69: {  	_ =	shalt  }
0x6a: {  	_ =	shalt  }
0x6b: {  	_ =	shalt  }
0x6c: {  	_ =	shalt  }
0x6d: {  	_ =	shalt  }
0x6e: {  	_ =	shalt  }
0x6f: {  	_ =	shalt  }
0x70: {  	_ =	shalt  }
0x71: {  	_ =	shalt  }
0x72: {  	_ =	shalt  }
0x73: {  	_ =	shalt  }
0x74: {  	_ =	shalt  }
0x75: {  	_ =	shalt  }
0x76: {  	_ =	shalt  }
0x77: {  	_ =	shalt  }
0x78: {  	_ =	shalt  }
0x79: {  	_ =	shalt  }
0x7a: {  	_ =	shalt  }
0x7b: {  	_ =	shalt  }
0x7c: {  	_ =	shalt  }
0x7d: {  	_ =	shalt  }
0x7e: {  	_ =	shalt  }
0x7f: {  	_ =	shalt  }
0x80: {  	_ =	shalt  }
0x81: {  	_ =	shalt  }
0x82: {  	_ =	shalt  }
0x83: {  	_ =	shalt  }
0x84: {  	_ =	shalt  }
0x85: {  	_ =	shalt  }
0x86: {  	_ =	shalt  }
0x87: {  	_ =	shalt  }
.Lfunc_end0:
.L_simem_size_0:
called_computation_lowered:
.L_overlay_start_0:
0x88: {  	s2 =	sld [smem:$0x3FD9]  }
0x89: {  	s3 =	sld [smem:$0x3FFE];
	_ =	sdelay $0x1  }
0x8a: {  	s1 =	srdreg.scid  }
0x8b: {  	s0 =	sand.u32 $0x1, s1  }
0x8c: {  	s17 =	sshll.u32 s0, $0xA;
	s2 =	sadd.s32 s3, s2  }
0x8d: {  	s2 =	sadd.s32 s2, s17  }
0x8e: {  	[smem:$0x3FC0] =	sst s2  }
0x8f: {  	_ = 	snop  }
0x90: {  	s2 =	sld [smem:$0x3FD0];
	(tm) =	ssettm $0x1  }
0x91: {  	s18 =	sld [smem:$0x3FFB];
	_ =	sdelay $0x3  }
0x92: {  	_ =	strace s18  }
0x93: {  	s3 =	sld [smem:$0x3FFC];
	_ =	sdelay $0x3  }
0x94: {  	_ =	strace s3  }
0x95: {  	s3 =	sld [smem:$0x3FFD];
	_ =	sdelay $0x3  }
0x96: {  	_ =	strace s3  }
0x97: {  	_ =	strace $0x8FFFFFFF  }
0x98: {  	s19 =	sld [smem:$0x3FDB];
	_ =	sdelay $0x1  }
0x99: {  	s4 =	simm.s32 $_scs_section_size  }
0x9a: {  	s5 =	simm.s32 $_size__tile_overlayer_lowered;
	s6 =	simm.s32 $_tile_overlayer_lowered  }
0x9b: {  	s22 =	simm.s32 $0x1BFF;
	s21 =	sshll.u32 s6, $0x1;
	s3 =	sadd.s32 s4, s19  }
0x9c: {  	s7 =	simm.s32 $0x0;
	s20 =	sshll.u32 s5, $0x1;
	s5 =	sadd.s32 s21, s3  }
0x9d: {  	[timem:s7], [sflag:s22] =	dma.local [hbm:s5], s20  }
0x9e: {  	_ =	swait.ge [sflag:s22], s20  }
0x9f: {  	s4 =	ssub.s32 $0x0, s20;
	[sflag:s22] =	ssyncset.done $0x0  }
0xa0: {  	[sflag:s22] =	ssyncadd.s32 s4;
	_ =	sdelay $0x1  }
0xa1: {  	s23 =	simm.s32 $0x1B8B  }
0xa2: {  	_ =	swait.ge [sflag:s23], $0x1  }
0xa3: {  	[sflag:s23] =	ssyncset.done $0x0  }
0xa4: {  	s25 =	simm.s32 $0x1B8E;
	s24 =	sld [smem:$0x3FFE];
	[sflag:s23] =	ssyncadd.s32 $0xFFFFFFFF  }
0xa5: {  	s26 =	simm.s32 $execute0_lowered;
	[smem:$0x3FD2] =	sst s25  }
0xa6: {  	s5 =	sshll.u32 s26, $0x1;
	_ =	strace $0x80000046;
	[dreg:$0x1] =	wrdreg $0xFFFFFFFF  }
0xa7: {  	s28 =	simm.s32 $_size_execute0_lowered;
	s3 =	sadd.s32 s3, s5;
	[dreg:$0x0] =	wrdreg $0x0  }
0xa8: {  	s5 =	sshll.u32 s28, $0x1;
	[dreg:$0x2] =	wrdreg s3  }
0xa9: {  	[dreg:$0x3] =	wrdreg s5  }
0xaa: {  	[dreg:$0x4] =	wrdreg $0xC0  }
0xab: {  	_ =	task [dreg:s7], $0x5FFFF  }
0xac: {  	[dreg:$0x1] =	wrdreg $0xFFFFFFFF  }
0xad: {  	[dreg:$0x0] =	wrdreg $0x60  }
0xae: {  	[dreg:$0x2] =	wrdreg s24  }
0xaf: {  	[dreg:$0x3] =	wrdreg s2  }
0xb0: {  	[dreg:$0x4] =	wrdreg $0x29900  }
0xb1: {  	[dreg:$0x5] =	wrdreg $0x9  }
0xb2: {  	_ =	task.clear_ibuf [dreg:s7], $0x6FFFF;
	_ =	strace $0x90000046  }
0xb3: {  	s29 =	simm.s32 $0x9;
	_ =	strace $0x80000048  }
0xb4: {  	_ =	swait.ge [sflag:s29], $0x1  }
0xb5: {  	[sflag:s29] =	ssyncadd.s32 $0xFFFFFFFF  }
0xb6: {  	_ =	strace $0x90000048  }
0xb7: {  	_ =	sfence  }
0xb8: {  	s30 =	sld [smem:$0x0];
	_ =	sdelay $0x2  }
0xb9: {  	s31 =	sshll.u32 s1, $0xD;
	s1 =	sshrl.u32 s1, $0x2  }
0xba: {  	s3 =	sand.u32 $0x4000, s31;
	s1 =	sadd.s32 s1, s30  }
0xbb: {  	s0 =	sor.u32 s3, s0;
	s1 =	sshll.u32 s1, $0x11  }
0xbc: {  	s0 =	sor.u32 s1, s0  }
0xbd: {  	s0 =	sadd.s32 $0x8F2B, s0  }
0xbe: {  	[sflag:s0] =	ssyncadd.remote.s32 $0x1  }
0xbf: {  	_ =	sfence.sel $0xFFFF  }
0xc0: {  	[dreg:$0x0] =	wrdreg $0xFFFFFFFF;
	(pc) =	sbr.abs _section_cstart, $3  }
0xc1: {  	[dreg:$0x1] =	wrdreg $0xFFFFFFFF  }
0xc2: {  	_ =	task.clear_ibuf [dreg:s7], $0x2FFFF;
	_ =	strace $0x9FFFFFFF  }
0xc3: {  	(tm) =	ssettm $0x7FFFFFFF  }
tec
execute0_lowered:
.L_overlay_start_1:
0x0: {  	(tag) =	ssettag $0x1  }
0x1: {  	s6 =	rddreg [dreg:$0x0]  }
0x2: {  	s8 =	rddreg [dreg:$0x1]  }
0x3: {  	s1 =	rddreg [dreg:$0x2];
	s2 =	srdreg.scid  }
0x4: {  	s0 =	rddreg [dreg:$0x3];
	s3 =	simm.s32 $0x0;
	s14 =	simm.s32 $0x0  }
0x5: {  	s5 =	sand.u32 $0x1, s2;
	[smem:$0x7FF] =	sst s3;
	s2 =	stileid.u32  }
0x6: {  	s4 =	sshll.u32 s5, $0x4;
	_ =	strace $0x80000047;
	s7 =	smul.u32 $0x1400, s2  }
0x7: {  	s10 =	ssub.s32 $0x2, s5;
	s13 =	smul.u32 $0x14000, s5;
	s31 =	sshll.u32 s2, $0x6  }
0x8: {  	s9 =	sor.u32 s2, s4;
	s4 =	sadd.s32 $0x18A00, s6;
	s12 =	sshrl.u32 s10, $0x1  }
0x9: {  	s9 =	smul.u32 $0x2710, s9;
	s11 =	sshrl.u32 s7, $0x3;
	s10 =	ssub.s32 s10, s12  }
0xa: {  	s30 =	sadd.s32 s7, s1;
	s7 =	sadd.s32 s7, s13;
	s12 =	simm.s32 $0x2710  }
0xb: {  	s29 =	sadd.s32 s11, s6;
	s13 =	sshrl.u32 s7, $0x3;
	s11 =	simm.s32 $0x1  }
0xc: {  	s5 =	sadd.s32 $0x16200, s29;
	s9 =	sshrl.u32 s9, $0x3;
	s8 =	sadd.s32 s8, s13  }
0xd: {  	s13 =	simm.s32 $0x50;
	s9 =	sadd.s32 s6, s9;
	s6 =	sor.u32 $0x1C01, s31  }
0xe: {  	s7 =	sadd.s32 $0xC440, s9;
	s9 =	smax.u32 s10, $0x1;
	s10 =	sshrl.u32 s30, $0x3  }
.LBB2_1:
0xf: {  	[spmem:s10], [sflag:s6] =	dma.local [hbm:s5], $0x280  }
0x10: {  	_ =	swait.ge [sflag:s11], $0x280  }
0x11: {  	[sflag:s11] =	ssyncset.done $0x0  }
0x12: {  	[sflag:s11] =	ssyncadd.s32 $0xFFFFFD80  }
0x13: {  	[tilespmem:s3], [sflag:$0x1] =	stream.linear.gather [hbm4b:s7+s3], $0x2710, $0x38;
	[tilespmem:$0x3D90] =	vst v63  }
0x14: {  	_ =	swait.ge [sflag:s11], $0x2710  }
0x15: {  	[sflag:s11] =	ssyncset.done $0x0  }
0x16: {  	[sflag:s11] =	ssyncadd.s32 $0xFFFFD8F0  }
0x17: {  	[tilespmem:s12], [sflag:$0x1] =	stream.linear.gather [hbm4b:s4+s3], $0x280, $0x38;
	[tilespmem:$0x3D90] =	vst v63  }
0x18: {  	_ =	swait.ge [sflag:s11], $0x280  }
0x19: {  	[sflag:s11] =	ssyncset.done $0x0  }
0x1a: {  	[sflag:s11] =	ssyncadd.s32 $0xFFFFFD80  }
0x1b: {  	s15 =	simm.s32 $0x0;
	[bflag:$0x0] =	sbarrier.arrive $0xFFFF  }
0x1c: {  	[spmem:s1] =	stream.indirect.scatter.add.f32 [tilespmem:s12], [sflag:$0x1], $0x8, s15, s13, $0xb8;
	[tilespmem:$0x3D90] =	vst v63  }
0x1d: {  	_ =	swait.ge [sflag:s11], $0x280  }
0x1e: {  	s15 =	simm.s32 $0x140;
	[sflag:s11] =	ssyncset.done $0x0  }
.LBB2_2:
0x1f: {  	s16 =	sshra.s32 s15, $0x2;
	[sflag:s11] =	ssyncadd.s32 $0xFFFFFD80;
	p0 =	sne.s32 s15, $0x9B00  }
0x20: {  	[spmem:s1] =	stream.indirect.scatter.add.f32 [tilespmem:s12], [sflag:$0x1], $0x8, s16, s13, $0xb8;
	[tilespmem:$0x3D90] =	vst v63  }
.Ltmp0:
0x21: {  	_ = 	snop;
	(pc) =	sbr.rel @p0 .LBB2_2-.Ltmp0, $4  }
0x22: {  	_ = 	snop  }
0x23: {  	s15 =	sadd.s32 $0x140, s15  }
0x24: {  	_ =	swait.ge [sflag:s11], $0x280  }
0x25: {  	[sflag:s11] =	ssyncset.done $0x0  }
0x26: {  	s14 =	sadd.s32 $0x1, s14  }
0x27: {  	[sflag:s11] =	ssyncadd.s32 $0xFFFFFD80;
	p0 =	sne.s32 s14, s9  }
.Ltmp1:
0x28: {  	[bflag:$0x0] =	sbarrier.arrive $0xFFFF;
	(pc) =	sbr.rel @p0 .LBB2_1-.Ltmp1, $4  }
0x29: {  	[hbm:s8], [sflag:s6] =	dma.local [spmem:s10], $0x280  }
0x2a: {  	_ =	swait.ge [sflag:s11], $0x280  }
0x2b: {  	[sflag:s11] =	ssyncset.done $0x0  }
0x2c: {  	[sflag:s11] =	ssyncadd.s32 $0xFFFFFD80  }
0x2d: {  	_ =	sfence.sel $0x180000  }
0x2e: {  	[bflag:$0x0] =	sbarrier.arrive $0xFFFF  }
0x2f: {  	p0 =	sne.s32 s2, $0x0;
	_ =	strace $0x90000047  }
0x30: {  	s0 =	sadd.s32 @!p0 $0x100000, s0;
	[bflag:$0x2] =	sbarrier.arrive $0xFFFF  }
0x31: {  	[sflag:s0] =	ssyncadd.tile.s32 @!p0 $0x1;
	_ =	shalt  }
.Lfunc_end2:
_tile_overlayer_lowered:
.L_overlay_start_2:
0x32: {  	(tag) =	ssettag $0x2  }
0x33: {  	s0 =	rddreg [dreg:$0x0];
	s2 =	stileid.u32  }
0x34: {  	s1 =	rddreg [dreg:$0x1];
	p0 =	sne.s32 s2, $0x0  }
0x35: {  	s3 =	rddreg [dreg:$0x2];
	[bflag:$0x3] =	sbarrier.arrive $0xFFFF;
	s2 =	simm.s32 @!p0 $0x1C01  }
0x36: {  	[timem:s3], [sflag:s2] =	dma.local @!p0 [hbm:s0], s1  }
0x37: {  	s0 =	simm.s32 @!p0 $0x1  }
0x38: {  	_ =	swait.ge @!p0 [sflag:s0], s1  }
0x39: {  	s1 =	ssub.s32 @!p0 $0x0, s1;
	[sflag:s0] =	ssyncset.done @!p0 $0x0  }
0x3a: {  	[sflag:s0] =	ssyncadd.s32 @!p0 s1  }
0x3b: {  	[bflag:$0x3] =	sbarrier.arrive $0xFFFF  }
0x3c: {  	_ =	shalt  }

</sc_bundles>
